<compile_context>
chip_gen: v7x
topology: tpu7x:2x2x1
jax: 0.10.2.dev20260603
libtpu: 0.0.44.dev20260713+nightly
codegen_flags: <defaults>
</compile_context>

<pallas_src>
import functools

import jax
import jax.numpy as jnp
from jax import lax
from jax.experimental import pallas as pl
from jax.experimental.pallas import tpu as pltpu
from jax.experimental.pallas import tpu_sc as plsc

_NUM_TREES = 1000
_NUM_NODES = 1024
_MAX_DEPTH = 10
_N_FEATURES = 256
_BATCH = 4096

_NC = 2
_NS = 16
_L = 16
_NW = _NC * _NS
_SPW = _BATCH // _NW
_NSV = _SPW // _L
_TPC = 8
_CH = _TPC * _NUM_NODES
_NUM_CHUNKS = _NUM_TREES // _TPC


@functools.lru_cache(maxsize=1)
def _build():
  mesh = plsc.VectorSubcoreMesh(core_axis_name="c", subcore_axis_name="s")

  @functools.partial(
      pl.kernel,
      mesh=mesh,
      compiler_params=pltpu.CompilerParams(needs_layout_passes=False),
      out_type=jax.ShapeDtypeStruct((_NUM_TREES, _BATCH), jnp.float32),
      scratch_types=[
          pltpu.VMEM((_N_FEATURES, _SPW), jnp.float32),
          pltpu.VMEM((3 * _CH,), jnp.int32),
          pltpu.VMEM((3 * _CH,), jnp.float32),
          pltpu.VMEM((3 * _CH,), jnp.float32),
          pltpu.VMEM((2 * _TPC, _SPW), jnp.float32),
          pltpu.SemaphoreType.DMA,
          pltpu.SemaphoreType.DMA,
      ],
  )
  def tree_kernel(xt_hbm, pk_hbm, th_hbm, vl_hbm, out_hbm,
                  x_v, pk_v, th_v, vl_v, out_v, in_sem, out_sem):
    wid = lax.axis_index("s") * _NC + lax.axis_index("c")
    pltpu.sync_copy(xt_hbm.at[:, pl.ds(wid * _SPW, _SPW)], x_v)
    lane = lax.iota(jnp.int32, 16)

    def issue(cidx, voff):
      hbase = cidx * _CH
      pltpu.async_copy(pk_hbm.at[pl.ds(hbase, _CH)],
                       pk_v.at[pl.ds(voff, _CH)], in_sem)
      pltpu.async_copy(th_hbm.at[pl.ds(hbase, _CH)],
                       th_v.at[pl.ds(voff, _CH)], in_sem)
      pltpu.async_copy(vl_hbm.at[pl.ds(hbase, _CH)],
                       vl_v.at[pl.ds(voff, _CH)], in_sem)

    issue(0, 0)
    issue(1, _CH)

    def chunk_body(c, carry):
      off = (c % 3) * _CH

      @pl.when(c + 2 < _NUM_CHUNKS)
      def _prefetch():
        issue(c + 2, ((c + 2) % 3) * _CH)

      for ref_h, ref_v in ((pk_hbm, pk_v), (th_hbm, th_v), (vl_hbm, vl_v)):
        pltpu.make_async_copy(ref_h.at[pl.ds(0, _CH)],
                              ref_v.at[pl.ds(0, _CH)], in_sem).wait()

      oslot = (c % 2) * _TPC

      @pl.when(c >= 2)
      def _drain_out():
        pltpu.make_async_copy(
            out_v.at[pl.ds(0, _TPC), :],
            out_hbm.at[pl.ds(0, _TPC), pl.ds(0, _SPW)], out_sem).wait()

      def t_body(tt, tcarry):
        samples = [lane + (sv * _L) for sv in range(_NSV)]
        node0s, orows, idxs = [], [], []
        for u in range(2):
          tloc = tt * 2 + u
          node0 = jnp.full((16,), off + tloc * _NUM_NODES, jnp.int32)
          orow = jnp.full((16,), oslot + tloc, jnp.int32)
          p0 = plsc.load_gather(pk_v, [node0])
          th0 = plsc.load_gather(th_v, [node0])
          f0 = p0 >> 20
          fv0 = [plsc.load_gather(x_v, [f0, samples[sv]])
                 for sv in range(_NSV)]
          l0 = ((p0 >> 10) & 1023) + node0
          r0 = (p0 & 1023) + node0
          pl_ = plsc.load_gather(pk_v, [l0])
          pr_ = plsc.load_gather(pk_v, [r0])
          tl_ = plsc.load_gather(th_v, [l0])
          tr_ = plsc.load_gather(th_v, [r0])
          conds = [fv0[sv] <= th0 for sv in range(_NSV)]
          p1s = [jnp.where(conds[sv], pl_, pr_) for sv in range(_NSV)]
          t1s = [jnp.where(conds[sv], tl_, tr_) for sv in range(_NSV)]
          fv1 = [plsc.load_gather(x_v, [p1s[sv] >> 20, samples[sv]])
                 for sv in range(_NSV)]
          node0s.append(node0)
          orows.append(orow)
          idxs.append([jnp.where(fv1[sv] <= t1s[sv],
                                 (p1s[sv] >> 10) & 1023,
                                 p1s[sv] & 1023) + node0
                       for sv in range(_NSV)])
        for _d in range(_MAX_DEPTH - 2):
          ps = [[plsc.load_gather(pk_v, [idxs[u][sv]])
                 for sv in range(_NSV)] for u in range(2)]
          ths = [[plsc.load_gather(th_v, [idxs[u][sv]])
                  for sv in range(_NSV)] for u in range(2)]
          fvs = [[plsc.load_gather(x_v, [ps[u][sv] >> 20, samples[sv]])
                  for sv in range(_NSV)] for u in range(2)]
          idxs = [[jnp.where(fvs[u][sv] <= ths[u][sv],
                             (ps[u][sv] >> 10) & 1023,
                             ps[u][sv] & 1023) + node0s[u]
                   for sv in range(_NSV)] for u in range(2)]
        for u in range(2):
          vals = [plsc.load_gather(vl_v, [idxs[u][sv]])
                  for sv in range(_NSV)]
          for sv in range(_NSV):
            plsc.store_scatter(out_v, [orows[u], samples[sv]], vals[sv])
        return tcarry

      lax.fori_loop(0, _TPC // 2, t_body, 0)
      pltpu.async_copy(
          out_v.at[pl.ds(oslot, _TPC), :],
          out_hbm.at[pl.ds(c * _TPC, _TPC), pl.ds(wid * _SPW, _SPW)],
          out_sem)
      return carry

    lax.fori_loop(0, _NUM_CHUNKS, chunk_body, 0)

    for _ in range(2):
      pltpu.make_async_copy(
          out_v.at[pl.ds(0, _TPC), :],
          out_hbm.at[pl.ds(0, _TPC), pl.ds(0, _SPW)], out_sem).wait()

  return tree_kernel


@jax.jit
def kernel(x, lefts, rights, features, thresholds, values, nodes_offset):
  del nodes_offset
  packed = ((features.astype(jnp.int32) << 20)
            | (lefts.astype(jnp.int32) << 10)
            | rights.astype(jnp.int32))
  k = _build()
  out_t = k(x.T, packed, thresholds, values.reshape(-1))
  return out_t.T.reshape(_BATCH, _NUM_TREES, 1)

# --- scband reference (transcript-rebuilt; emitter-appended) ---
"""Pipeline reference for scband-tree-traversal-tree-impl-50302656970963 (READ-ONLY COPY).

The authoritative reference and input builder live on the scoring server;
editing this copy changes nothing except your own understanding.
"""

import jax, jax.numpy as jnp
import numpy as np

NUM_TREES = 1000
NUM_NODES = 1024
MAX_DEPTH = 10
N_FEATURES = 256
N_CLASSES = 1
BATCH = 4096


def setup_inputs(seed: int = 0) -> dict:
    key = jax.random.key(seed)
    k1, k2, k3, k4, k5, k6 = jax.random.split(key, 6)
    x = jax.random.normal(k1, (BATCH, N_FEATURES), dtype=jnp.float32)
    total = NUM_TREES * NUM_NODES
    lefts = jax.random.randint(k2, (total,), 0, NUM_NODES)
    rights = jax.random.randint(k3, (total,), 0, NUM_NODES)
    features = jax.random.randint(k4, (total,), 0, N_FEATURES)
    thresholds = jax.random.normal(k5, (total,), dtype=jnp.float32)
    values = jax.random.normal(k6, (total, N_CLASSES), dtype=jnp.float32) * 0.1
    nodes_offset = (jnp.arange(NUM_TREES, dtype=jnp.int32) * NUM_NODES).reshape(1, NUM_TREES)
    return {
        "x": x,
        "lefts": lefts,
        "rights": rights,
        "features": features,
        "thresholds": thresholds,
        "values": values,
        "nodes_offset": nodes_offset,
    }


def reference(x, lefts, rights, features, thresholds, values, nodes_offset):
    batch = x.shape[0]
    # _expand_indexes: start every (sample, tree) at that tree's root node offset
    indexes = jnp.broadcast_to(nodes_offset, (batch, NUM_TREES)).reshape(-1)
    for _ in range(MAX_DEPTH):
        tree_nodes = indexes
        feature_nodes = jnp.take(features, tree_nodes, axis=0).reshape(-1, NUM_TREES)
        feature_values = jnp.take_along_axis(x, feature_nodes, axis=1)
        thr = jnp.take(thresholds, indexes, axis=0).reshape(-1, NUM_TREES)
        l = jnp.take(lefts, indexes, axis=0).reshape(-1, NUM_TREES)
        r = jnp.take(rights, indexes, axis=0).reshape(-1, NUM_TREES)
        # decision_cond is '<=' (torch.le)
        nxt = jnp.where(feature_values <= thr, l, r)
        indexes = (nxt + nodes_offset).reshape(-1)
    output = jnp.take(values, indexes, axis=0).reshape(-1, NUM_TREES, N_CLASSES)
    # aggregation is identity; regression path returns output directly
    return output

if __name__ == "__main__":
    import jax
    _d = setup_inputs()
    print(jax.jit(kernel)(*tuple(_d.values())))

</pallas_src>

<mosaic_0001>
#map = affine_map<(d0, d1) -> (0, 0)>
#map1 = affine_map<(d0, d1) -> (0)>
module attributes {stable_mosaic.version = 14 : i64} {
  func.func @tree_kernel(%arg0: i32, %arg1: i32, %arg2: memref<256x4096xf32, #tpu.memory_space<hbm>>, %arg3: memref<1024000xi32, #tpu.memory_space<hbm>>, %arg4: memref<1024000xf32, #tpu.memory_space<hbm>>, %arg5: memref<1024000xf32, #tpu.memory_space<hbm>>, %arg6: memref<1000x4096xf32, #tpu.memory_space<hbm>>, %arg7: memref<256x128xf32, #tpu.memory_space<vmem>>, %arg8: memref<24576xi32, #tpu.memory_space<vmem>>, %arg9: memref<24576xf32, #tpu.memory_space<vmem>>, %arg10: memref<24576xf32, #tpu.memory_space<vmem>>, %arg11: memref<16x128xf32, #tpu.memory_space<vmem>>, %arg12: memref<!tpu.dma_semaphore, #tpu.memory_space<semaphore_mem>>, %arg13: memref<!tpu.dma_semaphore, #tpu.memory_space<semaphore_mem>>) attributes {dimension_semantics = [#tpu.dimension_semantics<core_parallel>, #tpu.dimension_semantics<subcore_parallel>], iteration_bounds = array<i64: 2, 16>, scalar_prefetch = 0 : i64, scratch_operands = 7 : i64, tpu.core_type = #tpu.core_type<sc_vector_subcore>, window_params = [{transform_indices = #map}, {transform_indices = #map1}, {transform_indices = #map1}, {transform_indices = #map1}, {transform_indices = #map}]} {
    %mul3A = arith.constant 2 : i32
    %mul3A_0 = arith.muli %arg1, %mul3A : i32
    %add3A = arith.addi %mul3A_0, %arg0 : i32
    %mul3A_1 = arith.constant 128 : i32
    %mul3A_2 = arith.muli %add3A, %mul3A_1 : i32
    "tpu.region"() ({
      %run_scoped3A = tpu.sem_alloc : memref<!tpu.dma_semaphore, #tpu.memory_space<semaphore_mem>>
      %dma_start3A_78 = arith.constant 0 : i32
      %dma_start3A_79 = tpu.memref_slice %arg2[%dma_start3A_78, %mul3A_2] : memref<256x4096xf32, #tpu.memory_space<hbm>> -> memref<256x128xf32, #tpu.memory_space<hbm>>
      %dma_start3A_80 = arith.constant 0 : i32
      %dma_start3A_81 = tpu.memref_slice %arg2[%dma_start3A_80, %mul3A_2] : memref<256x4096xf32, #tpu.memory_space<hbm>> -> memref<256x128xf32, #tpu.memory_space<hbm>>
      tpu.enqueue_dma source(%dma_start3A_81 : memref<256x128xf32, #tpu.memory_space<hbm>>) target(%arg7 : memref<256x128xf32, #tpu.memory_space<vmem>>) target_semaphore(%run_scoped3A : memref<!tpu.dma_semaphore, #tpu.memory_space<semaphore_mem>>)
      %dma_wait3A_82 = arith.constant 0 : i32
      %dma_wait3A_83 = tpu.memref_slice %arg2[%dma_wait3A_82, %mul3A_2] : memref<256x4096xf32, #tpu.memory_space<hbm>> -> memref<256x128xf32, #tpu.memory_space<hbm>>
      %dma_wait3A_84 = arith.constant 0 : i32
      %dma_wait3A_85 = tpu.memref_slice %arg2[%dma_wait3A_84, %mul3A_2] : memref<256x4096xf32, #tpu.memory_space<hbm>> -> memref<256x128xf32, #tpu.memory_space<hbm>>
      tpu.wait_dma2 semaphore(%run_scoped3A : memref<!tpu.dma_semaphore, #tpu.memory_space<semaphore_mem>>) src(%dma_wait3A_85 : memref<256x128xf32, #tpu.memory_space<hbm>>) dst(%arg7 : memref<256x128xf32, #tpu.memory_space<vmem>>)
      tpu.yield
    }) : () -> ()
    %iota3A = tpu.iota {dimensions = array<i32: 0>} : vector<16xi32>
    %dma_start3A = arith.constant 0 : i32
    %dma_start3A_3 = tpu.memref_slice %arg8[%dma_start3A] : memref<24576xi32, #tpu.memory_space<vmem>> -> memref<8192xi32, #tpu.memory_space<vmem>>
    %dma_start3A_4 = arith.constant 0 : i32
    %dma_start3A_5 = tpu.memref_slice %arg3[%dma_start3A_4] : memref<1024000xi32, #tpu.memory_space<hbm>> -> memref<8192xi32, #tpu.memory_space<hbm>>
    %dma_start3A_6 = arith.constant 0 : i32
    %dma_start3A_7 = tpu.memref_slice %arg8[%dma_start3A_6] : memref<24576xi32, #tpu.memory_space<vmem>> -> memref<8192xi32, #tpu.memory_space<vmem>>
    %dma_start3A_8 = arith.constant 0 : i32
    %dma_start3A_9 = tpu.memref_slice %arg3[%dma_start3A_8] : memref<1024000xi32, #tpu.memory_space<hbm>> -> memref<8192xi32, #tpu.memory_space<hbm>>
    tpu.enqueue_dma source(%dma_start3A_9 : memref<8192xi32, #tpu.memory_space<hbm>>) target(%dma_start3A_7 : memref<8192xi32, #tpu.memory_space<vmem>>) target_semaphore(%arg12 : memref<!tpu.dma_semaphore, #tpu.memory_space<semaphore_mem>>)
    %dma_start3A_10 = arith.constant 0 : i32
    %dma_start3A_11 = tpu.memref_slice %arg9[%dma_start3A_10] : memref<24576xf32, #tpu.memory_space<vmem>> -> memref<8192xf32, #tpu.memory_space<vmem>>
    %dma_start3A_12 = arith.constant 0 : i32
    %dma_start3A_13 = tpu.memref_slice %arg4[%dma_start3A_12] : memref<1024000xf32, #tpu.memory_space<hbm>> -> memref<8192xf32, #tpu.memory_space<hbm>>
    %dma_start3A_14 = arith.constant 0 : i32
    %dma_start3A_15 = tpu.memref_slice %arg9[%dma_start3A_14] : memref<24576xf32, #tpu.memory_space<vmem>> -> memref<8192xf32, #tpu.memory_space<vmem>>
    %dma_start3A_16 = arith.constant 0 : i32
    %dma_start3A_17 = tpu.memref_slice %arg4[%dma_start3A_16] : memref<1024000xf32, #tpu.memory_space<hbm>> -> memref<8192xf32, #tpu.memory_space<hbm>>
    tpu.enqueue_dma source(%dma_start3A_17 : memref<8192xf32, #tpu.memory_space<hbm>>) target(%dma_start3A_15 : memref<8192xf32, #tpu.memory_space<vmem>>) target_semaphore(%arg12 : memref<!tpu.dma_semaphore, #tpu.memory_space<semaphore_mem>>)
    %dma_start3A_18 = arith.constant 0 : i32
    %dma_start3A_19 = tpu.memref_slice %arg10[%dma_start3A_18] : memref<24576xf32, #tpu.memory_space<vmem>> -> memref<8192xf32, #tpu.memory_space<vmem>>
    %dma_start3A_20 = arith.constant 0 : i32
    %dma_start3A_21 = tpu.memref_slice %arg5[%dma_start3A_20] : memref<1024000xf32, #tpu.memory_space<hbm>> -> memref<8192xf32, #tpu.memory_space<hbm>>
    %dma_start3A_22 = arith.constant 0 : i32
    %dma_start3A_23 = tpu.memref_slice %arg10[%dma_start3A_22] : memref<24576xf32, #tpu.memory_space<vmem>> -> memref<8192xf32, #tpu.memory_space<vmem>>
    %dma_start3A_24 = arith.constant 0 : i32
    %dma_start3A_25 = tpu.memref_slice %arg5[%dma_start3A_24] : memref<1024000xf32, #tpu.memory_space<hbm>> -> memref<8192xf32, #tpu.memory_space<hbm>>
    tpu.enqueue_dma source(%dma_start3A_25 : memref<8192xf32, #tpu.memory_space<hbm>>) target(%dma_start3A_23 : memref<8192xf32, #tpu.memory_space<vmem>>) target_semaphore(%arg12 : memref<!tpu.dma_semaphore, #tpu.memory_space<semaphore_mem>>)
    %dma_start3A_26 = arith.constant 8192 : i32
    %dma_start3A_27 = tpu.memref_slice %arg8[%dma_start3A_26] : memref<24576xi32, #tpu.memory_space<vmem>> -> memref<8192xi32, #tpu.memory_space<vmem>>
    %dma_start3A_28 = arith.constant 8192 : i32
    %dma_start3A_29 = tpu.memref_slice %arg3[%dma_start3A_28] : memref<1024000xi32, #tpu.memory_space<hbm>> -> memref<8192xi32, #tpu.memory_space<hbm>>
    %dma_start3A_30 = arith.constant 8192 : i32
    %dma_start3A_31 = tpu.memref_slice %arg8[%dma_start3A_30] : memref<24576xi32, #tpu.memory_space<vmem>> -> memref<8192xi32, #tpu.memory_space<vmem>>
    %dma_start3A_32 = arith.constant 8192 : i32
    %dma_start3A_33 = tpu.memref_slice %arg3[%dma_start3A_32] : memref<1024000xi32, #tpu.memory_space<hbm>> -> memref<8192xi32, #tpu.memory_space<hbm>>
    tpu.enqueue_dma source(%dma_start3A_33 : memref<8192xi32, #tpu.memory_space<hbm>>) target(%dma_start3A_31 : memref<8192xi32, #tpu.memory_space<vmem>>) target_semaphore(%arg12 : memref<!tpu.dma_semaphore, #tpu.memory_space<semaphore_mem>>)
    %dma_start3A_34 = arith.constant 8192 : i32
    %dma_start3A_35 = tpu.memref_slice %arg9[%dma_start3A_34] : memref<24576xf32, #tpu.memory_space<vmem>> -> memref<8192xf32, #tpu.memory_space<vmem>>
    %dma_start3A_36 = arith.constant 8192 : i32
    %dma_start3A_37 = tpu.memref_slice %arg4[%dma_start3A_36] : memref<1024000xf32, #tpu.memory_space<hbm>> -> memref<8192xf32, #tpu.memory_space<hbm>>
    %dma_start3A_38 = arith.constant 8192 : i32
    %dma_start3A_39 = tpu.memref_slice %arg9[%dma_start3A_38] : memref<24576xf32, #tpu.memory_space<vmem>> -> memref<8192xf32, #tpu.memory_space<vmem>>
    %dma_start3A_40 = arith.constant 8192 : i32
    %dma_start3A_41 = tpu.memref_slice %arg4[%dma_start3A_40] : memref<1024000xf32, #tpu.memory_space<hbm>> -> memref<8192xf32, #tpu.memory_space<hbm>>
    tpu.enqueue_dma source(%dma_start3A_41 : memref<8192xf32, #tpu.memory_space<hbm>>) target(%dma_start3A_39 : memref<8192xf32, #tpu.memory_space<vmem>>) target_semaphore(%arg12 : memref<!tpu.dma_semaphore, #tpu.memory_space<semaphore_mem>>)
    %dma_start3A_42 = arith.constant 8192 : i32
    %dma_start3A_43 = tpu.memref_slice %arg10[%dma_start3A_42] : memref<24576xf32, #tpu.memory_space<vmem>> -> memref<8192xf32, #tpu.memory_space<vmem>>
    %dma_start3A_44 = arith.constant 8192 : i32
    %dma_start3A_45 = tpu.memref_slice %arg5[%dma_start3A_44] : memref<1024000xf32, #tpu.memory_space<hbm>> -> memref<8192xf32, #tpu.memory_space<hbm>>
    %dma_start3A_46 = arith.constant 8192 : i32
    %dma_start3A_47 = tpu.memref_slice %arg10[%dma_start3A_46] : memref<24576xf32, #tpu.memory_space<vmem>> -> memref<8192xf32, #tpu.memory_space<vmem>>
    %dma_start3A_48 = arith.constant 8192 : i32
    %dma_start3A_49 = tpu.memref_slice %arg5[%dma_start3A_48] : memref<1024000xf32, #tpu.memory_space<hbm>> -> memref<8192xf32, #tpu.memory_space<hbm>>
    tpu.enqueue_dma source(%dma_start3A_49 : memref<8192xf32, #tpu.memory_space<hbm>>) target(%dma_start3A_47 : memref<8192xf32, #tpu.memory_space<vmem>>) target_semaphore(%arg12 : memref<!tpu.dma_semaphore, #tpu.memory_space<semaphore_mem>>)
    %scan3A = arith.constant 0 : i32
    %scan3A_50 = arith.constant 0 : i32
    %scan3A_51 = arith.constant 125 : i32
    %scan3A_52 = arith.addi %scan3A_50, %scan3A_51 : i32
    %scan3A_53 = arith.constant 1 : i32
    scf.for %scan3A_78 = %scan3A_50 to %scan3A_52 step %scan3A_53  : i32 {
      %jit3A = arith.constant 3 : i32
      %eq3A = arith.constant 0 : i32
      %eq3A_79 = arith.cmpi eq, %jit3A, %eq3A : i32
      %jit3A_80 = arith.constant 1 : i32
      %select_n3A = arith.select %eq3A_79, %jit3A_80, %jit3A : i32
      %rem3A = arith.remsi %scan3A_78, %select_n3A : i32
      %ne3A = arith.constant 0 : i32
      %ne3A_81 = arith.cmpi ne, %rem3A, %ne3A : i32
      %lt3A = arith.constant 0 : i32
      %lt3A_82 = arith.cmpi slt, %rem3A, %lt3A : i32
      %lt3A_83 = arith.constant 0 : i32
      %lt3A_84 = arith.cmpi slt, %select_n3A, %lt3A_83 : i32
      %ne3A_85 = arith.xori %lt3A_82, %lt3A_84 : i1
      %and3A = arith.andi %ne3A_85, %ne3A_81 : i1
      %add3A_86 = arith.addi %rem3A, %select_n3A : i32
      %select_n3A_87 = arith.select %and3A, %add3A_86, %rem3A : i32
      %mul3A_88 = arith.constant 8192 : i32
      %mul3A_89 = arith.muli %select_n3A_87, %mul3A_88 : i32
      %add3A_90 = arith.constant 2 : i32
      %add3A_91 = arith.addi %scan3A_78, %add3A_90 : i32
      %lt3A_92 = arith.constant 125 : i32
      %lt3A_93 = arith.cmpi slt, %add3A_91, %lt3A_92 : i32
      %convert_element_type3A = arith.extui %lt3A_93 : i1 to i32
      %cond3A = arith.constant 0 : i32
      %cond3A_94 = arith.cmpi ne, %convert_element_type3A, %cond3A : i32
      scf.if %cond3A_94 {
        %add3A_157 = arith.constant 2 : i32
        %add3A_158 = arith.addi %scan3A_78, %add3A_157 : i32
        %add3A_159 = arith.constant 2 : i32
        %add3A_160 = arith.addi %scan3A_78, %add3A_159 : i32
        %jit3A_161 = arith.constant 3 : i32
        %eq3A_162 = arith.constant 0 : i32
        %eq3A_163 = arith.cmpi eq, %jit3A_161, %eq3A_162 : i32
        %jit3A_164 = arith.constant 1 : i32
        %select_n3A_165 = arith.select %eq3A_163, %jit3A_164, %jit3A_161 : i32
        %rem3A_166 = arith.remsi %add3A_160, %select_n3A_165 : i32
        %ne3A_167 = arith.constant 0 : i32
        %ne3A_168 = arith.cmpi ne, %rem3A_166, %ne3A_167 : i32
        %lt3A_169 = arith.constant 0 : i32
        %lt3A_170 = arith.cmpi slt, %rem3A_166, %lt3A_169 : i32
        %lt3A_171 = arith.constant 0 : i32
        %lt3A_172 = arith.cmpi slt, %select_n3A_165, %lt3A_171 : i32
        %ne3A_173 = arith.xori %lt3A_170, %lt3A_172 : i1
        %and3A_174 = arith.andi %ne3A_173, %ne3A_168 : i1
        %add3A_175 = arith.addi %rem3A_166, %select_n3A_165 : i32
        %select_n3A_176 = arith.select %and3A_174, %add3A_175, %rem3A_166 : i32
        %mul3A_177 = arith.constant 8192 : i32
        %mul3A_178 = arith.muli %select_n3A_176, %mul3A_177 : i32
        %mul3A_179 = arith.constant 8192 : i32
        %mul3A_180 = arith.muli %add3A_158, %mul3A_179 : i32
        %dma_start3A_181 = tpu.memref_slice %arg8[%mul3A_178] : memref<24576xi32, #tpu.memory_space<vmem>> -> memref<8192xi32, #tpu.memory_space<vmem>>
        %dma_start3A_182 = tpu.memref_slice %arg3[%mul3A_180] : memref<1024000xi32, #tpu.memory_space<hbm>> -> memref<8192xi32, #tpu.memory_space<hbm>>
        %dma_start3A_183 = tpu.memref_slice %arg8[%mul3A_178] : memref<24576xi32, #tpu.memory_space<vmem>> -> memref<8192xi32, #tpu.memory_space<vmem>>
        %dma_start3A_184 = tpu.memref_slice %arg3[%mul3A_180] : memref<1024000xi32, #tpu.memory_space<hbm>> -> memref<8192xi32, #tpu.memory_space<hbm>>
        tpu.enqueue_dma source(%dma_start3A_184 : memref<8192xi32, #tpu.memory_space<hbm>>) target(%dma_start3A_183 : memref<8192xi32, #tpu.memory_space<vmem>>) target_semaphore(%arg12 : memref<!tpu.dma_semaphore, #tpu.memory_space<semaphore_mem>>)
        %dma_start3A_185 = tpu.memref_slice %arg9[%mul3A_178] : memref<24576xf32, #tpu.memory_space<vmem>> -> memref<8192xf32, #tpu.memory_space<vmem>>
        %dma_start3A_186 = tpu.memref_slice %arg4[%mul3A_180] : memref<1024000xf32, #tpu.memory_space<hbm>> -> memref<8192xf32, #tpu.memory_space<hbm>>
        %dma_start3A_187 = tpu.memref_slice %arg9[%mul3A_178] : memref<24576xf32, #tpu.memory_space<vmem>> -> memref<8192xf32, #tpu.memory_space<vmem>>
        %dma_start3A_188 = tpu.memref_slice %arg4[%mul3A_180] : memref<1024000xf32, #tpu.memory_space<hbm>> -> memref<8192xf32, #tpu.memory_space<hbm>>
        tpu.enqueue_dma source(%dma_start3A_188 : memref<8192xf32, #tpu.memory_space<hbm>>) target(%dma_start3A_187 : memref<8192xf32, #tpu.memory_space<vmem>>) target_semaphore(%arg12 : memref<!tpu.dma_semaphore, #tpu.memory_space<semaphore_mem>>)
        %dma_start3A_189 = tpu.memref_slice %arg10[%mul3A_178] : memref<24576xf32, #tpu.memory_space<vmem>> -> memref<8192xf32, #tpu.memory_space<vmem>>
        %dma_start3A_190 = tpu.memref_slice %arg5[%mul3A_180] : memref<1024000xf32, #tpu.memory_space<hbm>> -> memref<8192xf32, #tpu.memory_space<hbm>>
        %dma_start3A_191 = tpu.memref_slice %arg10[%mul3A_178] : memref<24576xf32, #tpu.memory_space<vmem>> -> memref<8192xf32, #tpu.memory_space<vmem>>
        %dma_start3A_192 = tpu.memref_slice %arg5[%mul3A_180] : memref<1024000xf32, #tpu.memory_space<hbm>> -> memref<8192xf32, #tpu.memory_space<hbm>>
        tpu.enqueue_dma source(%dma_start3A_192 : memref<8192xf32, #tpu.memory_space<hbm>>) target(%dma_start3A_191 : memref<8192xf32, #tpu.memory_space<vmem>>) target_semaphore(%arg12 : memref<!tpu.dma_semaphore, #tpu.memory_space<semaphore_mem>>)
      } else {
      }
      %dma_wait3A_95 = arith.constant 0 : i32
      %dma_wait3A_96 = tpu.memref_slice %arg8[%dma_wait3A_95] : memref<24576xi32, #tpu.memory_space<vmem>> -> memref<8192xi32, #tpu.memory_space<vmem>>
      %dma_wait3A_97 = arith.constant 0 : i32
      %dma_wait3A_98 = tpu.memref_slice %arg3[%dma_wait3A_97] : memref<1024000xi32, #tpu.memory_space<hbm>> -> memref<8192xi32, #tpu.memory_space<hbm>>
      %dma_wait3A_99 = arith.constant 0 : i32
      %dma_wait3A_100 = tpu.memref_slice %arg8[%dma_wait3A_99] : memref<24576xi32, #tpu.memory_space<vmem>> -> memref<8192xi32, #tpu.memory_space<vmem>>
      %dma_wait3A_101 = arith.constant 0 : i32
      %dma_wait3A_102 = tpu.memref_slice %arg3[%dma_wait3A_101] : memref<1024000xi32, #tpu.memory_space<hbm>> -> memref<8192xi32, #tpu.memory_space<hbm>>
      tpu.wait_dma2 semaphore(%arg12 : memref<!tpu.dma_semaphore, #tpu.memory_space<semaphore_mem>>) src(%dma_wait3A_102 : memref<8192xi32, #tpu.memory_space<hbm>>) dst(%dma_wait3A_100 : memref<8192xi32, #tpu.memory_space<vmem>>)
      %dma_wait3A_103 = arith.constant 0 : i32
      %dma_wait3A_104 = tpu.memref_slice %arg9[%dma_wait3A_103] : memref<24576xf32, #tpu.memory_space<vmem>> -> memref<8192xf32, #tpu.memory_space<vmem>>
      %dma_wait3A_105 = arith.constant 0 : i32
      %dma_wait3A_106 = tpu.memref_slice %arg4[%dma_wait3A_105] : memref<1024000xf32, #tpu.memory_space<hbm>> -> memref<8192xf32, #tpu.memory_space<hbm>>
      %dma_wait3A_107 = arith.constant 0 : i32
      %dma_wait3A_108 = tpu.memref_slice %arg9[%dma_wait3A_107] : memref<24576xf32, #tpu.memory_space<vmem>> -> memref<8192xf32, #tpu.memory_space<vmem>>
      %dma_wait3A_109 = arith.constant 0 : i32
      %dma_wait3A_110 = tpu.memref_slice %arg4[%dma_wait3A_109] : memref<1024000xf32, #tpu.memory_space<hbm>> -> memref<8192xf32, #tpu.memory_space<hbm>>
      tpu.wait_dma2 semaphore(%arg12 : memref<!tpu.dma_semaphore, #tpu.memory_space<semaphore_mem>>) src(%dma_wait3A_110 : memref<8192xf32, #tpu.memory_space<hbm>>) dst(%dma_wait3A_108 : memref<8192xf32, #tpu.memory_space<vmem>>)
      %dma_wait3A_111 = arith.constant 0 : i32
      %dma_wait3A_112 = tpu.memref_slice %arg10[%dma_wait3A_111] : memref<24576xf32, #tpu.memory_space<vmem>> -> memref<8192xf32, #tpu.memory_space<vmem>>
      %dma_wait3A_113 = arith.constant 0 : i32
      %dma_wait3A_114 = tpu.memref_slice %arg5[%dma_wait3A_113] : memref<1024000xf32, #tpu.memory_space<hbm>> -> memref<8192xf32, #tpu.memory_space<hbm>>
      %dma_wait3A_115 = arith.constant 0 : i32
      %dma_wait3A_116 = tpu.memref_slice %arg10[%dma_wait3A_115] : memref<24576xf32, #tpu.memory_space<vmem>> -> memref<8192xf32, #tpu.memory_space<vmem>>
      %dma_wait3A_117 = arith.constant 0 : i32
      %dma_wait3A_118 = tpu.memref_slice %arg5[%dma_wait3A_117] : memref<1024000xf32, #tpu.memory_space<hbm>> -> memref<8192xf32, #tpu.memory_space<hbm>>
      tpu.wait_dma2 semaphore(%arg12 : memref<!tpu.dma_semaphore, #tpu.memory_space<semaphore_mem>>) src(%dma_wait3A_118 : memref<8192xf32, #tpu.memory_space<hbm>>) dst(%dma_wait3A_116 : memref<8192xf32, #tpu.memory_space<vmem>>)
      %jit3A_119 = arith.constant 2 : i32
      %eq3A_120 = arith.constant 0 : i32
      %eq3A_121 = arith.cmpi eq, %jit3A_119, %eq3A_120 : i32
      %jit3A_122 = arith.constant 1 : i32
      %select_n3A_123 = arith.select %eq3A_121, %jit3A_122, %jit3A_119 : i32
      %rem3A_124 = arith.remsi %scan3A_78, %select_n3A_123 : i32
      %ne3A_125 = arith.constant 0 : i32
      %ne3A_126 = arith.cmpi ne, %rem3A_124, %ne3A_125 : i32
      %lt3A_127 = arith.constant 0 : i32
      %lt3A_128 = arith.cmpi slt, %rem3A_124, %lt3A_127 : i32
      %lt3A_129 = arith.constant 0 : i32
      %lt3A_130 = arith.cmpi slt, %select_n3A_123, %lt3A_129 : i32
      %ne3A_131 = arith.xori %lt3A_128, %lt3A_130 : i1
      %and3A_132 = arith.andi %ne3A_131, %ne3A_126 : i1
      %add3A_133 = arith.addi %rem3A_124, %select_n3A_123 : i32
      %select_n3A_134 = arith.select %and3A_132, %add3A_133, %rem3A_124 : i32
      %mul3A_135 = arith.constant 8 : i32
      %mul3A_136 = arith.muli %select_n3A_134, %mul3A_135 : i32
      %ge3A = arith.constant 2 : i32
      %ge3A_137 = arith.cmpi sge, %scan3A_78, %ge3A : i32
      %convert_element_type3A_138 = arith.extui %ge3A_137 : i1 to i32
      %cond3A_139 = arith.constant 0 : i32
      %cond3A_140 = arith.cmpi ne, %convert_element_type3A_138, %cond3A_139 : i32
      scf.if %cond3A_140 {
        %dma_wait3A_157 = arith.constant 0 : i32
        %dma_wait3A_158 = arith.constant 0 : i32
        %dma_wait3A_159 = tpu.memref_slice %arg11[%dma_wait3A_157, %dma_wait3A_158] : memref<16x128xf32, #tpu.memory_space<vmem>> -> memref<8x128xf32, #tpu.memory_space<vmem>>
        %dma_wait3A_160 = arith.constant 0 : i32
        %dma_wait3A_161 = arith.constant 0 : i32
        %dma_wait3A_162 = tpu.memref_slice %arg6[%dma_wait3A_160, %dma_wait3A_161] : memref<1000x4096xf32, #tpu.memory_space<hbm>> -> memref<8x128xf32, #tpu.memory_space<hbm>>
        %dma_wait3A_163 = arith.constant 0 : i32
        %dma_wait3A_164 = arith.constant 0 : i32
        %dma_wait3A_165 = tpu.memref_slice %arg6[%dma_wait3A_163, %dma_wait3A_164] : memref<1000x4096xf32, #tpu.memory_space<hbm>> -> memref<8x128xf32, #tpu.memory_space<hbm>>
        %dma_wait3A_166 = arith.constant 0 : i32
        %dma_wait3A_167 = arith.constant 0 : i32
        %dma_wait3A_168 = tpu.memref_slice %arg11[%dma_wait3A_166, %dma_wait3A_167] : memref<16x128xf32, #tpu.memory_space<vmem>> -> memref<8x128xf32, #tpu.memory_space<vmem>>
        tpu.wait_dma2 semaphore(%arg13 : memref<!tpu.dma_semaphore, #tpu.memory_space<semaphore_mem>>) src(%dma_wait3A_168 : memref<8x128xf32, #tpu.memory_space<vmem>>) dst(%dma_wait3A_165 : memref<8x128xf32, #tpu.memory_space<hbm>>)
      } else {
      }
      %scan3A_141 = arith.constant 0 : i32
      %scan3A_142 = arith.constant 0 : i32
      %scan3A_143 = arith.constant 4 : i32
      %scan3A_144 = arith.addi %scan3A_142, %scan3A_143 : i32
      %scan3A_145 = arith.constant 1 : i32
      scf.for %scan3A_157 = %scan3A_142 to %scan3A_144 step %scan3A_145  : i32 {
        %add3A_158 = arith.constant 0 : i32
        %add3A_159 = vector.broadcast %add3A_158 : i32 to vector<16xi32>
        %add3A_160 = arith.addi %iota3A, %add3A_159 : vector<16xi32>
        %add3A_161 = arith.constant 16 : i32
        %add3A_162 = vector.broadcast %add3A_161 : i32 to vector<16xi32>
        %add3A_163 = arith.addi %iota3A, %add3A_162 : vector<16xi32>
        %add3A_164 = arith.constant 32 : i32
        %add3A_165 = vector.broadcast %add3A_164 : i32 to vector<16xi32>
        %add3A_166 = arith.addi %iota3A, %add3A_165 : vector<16xi32>
        %add3A_167 = arith.constant 48 : i32
        %add3A_168 = vector.broadcast %add3A_167 : i32 to vector<16xi32>
        %add3A_169 = arith.addi %iota3A, %add3A_168 : vector<16xi32>
        %add3A_170 = arith.constant 64 : i32
        %add3A_171 = vector.broadcast %add3A_170 : i32 to vector<16xi32>
        %add3A_172 = arith.addi %iota3A, %add3A_171 : vector<16xi32>
        %add3A_173 = arith.constant 80 : i32
        %add3A_174 = vector.broadcast %add3A_173 : i32 to vector<16xi32>
        %add3A_175 = arith.addi %iota3A, %add3A_174 : vector<16xi32>
        %add3A_176 = arith.constant 96 : i32
        %add3A_177 = vector.broadcast %add3A_176 : i32 to vector<16xi32>
        %add3A_178 = arith.addi %iota3A, %add3A_177 : vector<16xi32>
        %add3A_179 = arith.constant 112 : i32
        %add3A_180 = vector.broadcast %add3A_179 : i32 to vector<16xi32>
        %add3A_181 = arith.addi %iota3A, %add3A_180 : vector<16xi32>
        %mul3A_182 = arith.constant 2 : i32
        %mul3A_183 = arith.muli %scan3A_157, %mul3A_182 : i32
        %add3A_184 = arith.constant 0 : i32
        %add3A_185 = arith.addi %mul3A_183, %add3A_184 : i32
        %mul3A_186 = arith.constant 1024 : i32
        %mul3A_187 = arith.muli %add3A_185, %mul3A_186 : i32
        %add3A_188 = arith.addi %mul3A_89, %mul3A_187 : i32
        %broadcast_in_dim3A = vector.broadcast %add3A_188 : i32 to vector<16xi32>
        %add3A_189 = arith.addi %mul3A_136, %add3A_185 : i32
        %broadcast_in_dim3A_190 = vector.broadcast %add3A_189 : i32 to vector<16xi32>
        %gather3A = tpu.vector_load_idx %arg8[%broadcast_in_dim3A] : memref<24576xi32, #tpu.memory_space<vmem>>[vector<16xi32>], vector<16xi32>,
        %gather3A_191 = tpu.vector_load_idx %arg9[%broadcast_in_dim3A] : memref<24576xf32, #tpu.memory_space<vmem>>[vector<16xi32>], vector<16xf32>,
        %shift_right_arithmetic3A = arith.constant 20 : i32
        %shift_right_arithmetic3A_192 = vector.broadcast %shift_right_arithmetic3A : i32 to vector<16xi32>
        %shift_right_arithmetic3A_193 = arith.shrsi %gather3A, %shift_right_arithmetic3A_192 : vector<16xi32>
        %gather3A_194 = tpu.vector_load_idx %arg7[%shift_right_arithmetic3A_193, %add3A_160] : memref<256x128xf32, #tpu.memory_space<vmem>>[vector<16xi32>, vector<16xi32>], vector<16xf32>,
        %gather3A_195 = tpu.vector_load_idx %arg7[%shift_right_arithmetic3A_193, %add3A_163] : memref<256x128xf32, #tpu.memory_space<vmem>>[vector<16xi32>, vector<16xi32>], vector<16xf32>,
        %gather3A_196 = tpu.vector_load_idx %arg7[%shift_right_arithmetic3A_193, %add3A_166] : memref<256x128xf32, #tpu.memory_space<vmem>>[vector<16xi32>, vector<16xi32>], vector<16xf32>,
        %gather3A_197 = tpu.vector_load_idx %arg7[%shift_right_arithmetic3A_193, %add3A_169] : memref<256x128xf32, #tpu.memory_space<vmem>>[vector<16xi32>, vector<16xi32>], vector<16xf32>,
        %gather3A_198 = tpu.vector_load_idx %arg7[%shift_right_arithmetic3A_193, %add3A_172] : memref<256x128xf32, #tpu.memory_space<vmem>>[vector<16xi32>, vector<16xi32>], vector<16xf32>,
        %gather3A_199 = tpu.vector_load_idx %arg7[%shift_right_arithmetic3A_193, %add3A_175] : memref<256x128xf32, #tpu.memory_space<vmem>>[vector<16xi32>, vector<16xi32>], vector<16xf32>,
        %gather3A_200 = tpu.vector_load_idx %arg7[%shift_right_arithmetic3A_193, %add3A_178] : memref<256x128xf32, #tpu.memory_space<vmem>>[vector<16xi32>, vector<16xi32>], vector<16xf32>,
        %gather3A_201 = tpu.vector_load_idx %arg7[%shift_right_arithmetic3A_193, %add3A_181] : memref<256x128xf32, #tpu.memory_space<vmem>>[vector<16xi32>, vector<16xi32>], vector<16xf32>,
        %shift_right_arithmetic3A_202 = arith.constant 10 : i32
        %shift_right_arithmetic3A_203 = vector.broadcast %shift_right_arithmetic3A_202 : i32 to vector<16xi32>
        %shift_right_arithmetic3A_204 = arith.shrsi %gather3A, %shift_right_arithmetic3A_203 : vector<16xi32>
        %and3A_205 = arith.constant 1023 : i32
        %and3A_206 = vector.broadcast %and3A_205 : i32 to vector<16xi32>
        %and3A_207 = arith.andi %shift_right_arithmetic3A_204, %and3A_206 : vector<16xi32>
        %add3A_208 = arith.addi %and3A_207, %broadcast_in_dim3A : vector<16xi32>
        %and3A_209 = arith.constant 1023 : i32
        %and3A_210 = vector.broadcast %and3A_209 : i32 to vector<16xi32>
        %and3A_211 = arith.andi %gather3A, %and3A_210 : vector<16xi32>
        %add3A_212 = arith.addi %and3A_211, %broadcast_in_dim3A : vector<16xi32>
        %gather3A_213 = tpu.vector_load_idx %arg8[%add3A_208] : memref<24576xi32, #tpu.memory_space<vmem>>[vector<16xi32>], vector<16xi32>,
        %gather3A_214 = tpu.vector_load_idx %arg8[%add3A_212] : memref<24576xi32, #tpu.memory_space<vmem>>[vector<16xi32>], vector<16xi32>,
        %gather3A_215 = tpu.vector_load_idx %arg9[%add3A_208] : memref<24576xf32, #tpu.memory_space<vmem>>[vector<16xi32>], vector<16xf32>,
        %gather3A_216 = tpu.vector_load_idx %arg9[%add3A_212] : memref<24576xf32, #tpu.memory_space<vmem>>[vector<16xi32>], vector<16xf32>,
        %le3A = arith.cmpf ole, %gather3A_194, %gather3A_191 : vector<16xf32>
        %le3A_217 = arith.cmpf ole, %gather3A_195, %gather3A_191 : vector<16xf32>
        %le3A_218 = arith.cmpf ole, %gather3A_196, %gather3A_191 : vector<16xf32>
        %le3A_219 = arith.cmpf ole, %gather3A_197, %gather3A_191 : vector<16xf32>
        %le3A_220 = arith.cmpf ole, %gather3A_198, %gather3A_191 : vector<16xf32>
        %le3A_221 = arith.cmpf ole, %gather3A_199, %gather3A_191 : vector<16xf32>
        %le3A_222 = arith.cmpf ole, %gather3A_200, %gather3A_191 : vector<16xf32>
        %le3A_223 = arith.cmpf ole, %gather3A_201, %gather3A_191 : vector<16xf32>
        %select_n3A_224 = arith.select %le3A, %gather3A_213, %gather3A_214 : vector<16xi1>, vector<16xi32>
        %select_n3A_225 = arith.select %le3A_217, %gather3A_213, %gather3A_214 : vector<16xi1>, vector<16xi32>
        %select_n3A_226 = arith.select %le3A_218, %gather3A_213, %gather3A_214 : vector<16xi1>, vector<16xi32>
        %select_n3A_227 = arith.select %le3A_219, %gather3A_213, %gather3A_214 : vector<16xi1>, vector<16xi32>
        %select_n3A_228 = arith.select %le3A_220, %gather3A_213, %gather3A_214 : vector<16xi1>, vector<16xi32>
        %select_n3A_229 = arith.select %le3A_221, %gather3A_213, %gather3A_214 : vector<16xi1>, vector<16xi32>
        %select_n3A_230 = arith.select %le3A_222, %gather3A_213, %gather3A_214 : vector<16xi1>, vector<16xi32>
        %select_n3A_231 = arith.select %le3A_223, %gather3A_213, %gather3A_214 : vector<16xi1>, vector<16xi32>
        %select_n3A_232 = arith.select %le3A, %gather3A_215, %gather3A_216 : vector<16xi1>, vector<16xf32>
        %select_n3A_233 = arith.select %le3A_217, %gather3A_215, %gather3A_216 : vector<16xi1>, vector<16xf32>
        %select_n3A_234 = arith.select %le3A_218, %gather3A_215, %gather3A_216 : vector<16xi1>, vector<16xf32>
        %select_n3A_235 = arith.select %le3A_219, %gather3A_215, %gather3A_216 : vector<16xi1>, vector<16xf32>
        %select_n3A_236 = arith.select %le3A_220, %gather3A_215, %gather3A_216 : vector<16xi1>, vector<16xf32>
        %select_n3A_237 = arith.select %le3A_221, %gather3A_215, %gather3A_216 : vector<16xi1>, vector<16xf32>
        %select_n3A_238 = arith.select %le3A_222, %gather3A_215, %gather3A_216 : vector<16xi1>, vector<16xf32>
        %select_n3A_239 = arith.select %le3A_223, %gather3A_215, %gather3A_216 : vector<16xi1>, vector<16xf32>
        %shift_right_arithmetic3A_240 = arith.constant 20 : i32
        %shift_right_arithmetic3A_241 = vector.broadcast %shift_right_arithmetic3A_240 : i32 to vector<16xi32>
        %shift_right_arithmetic3A_242 = arith.shrsi %select_n3A_224, %shift_right_arithmetic3A_241 : vector<16xi32>
        %gather3A_243 = tpu.vector_load_idx %arg7[%shift_right_arithmetic3A_242, %add3A_160] : memref<256x128xf32, #tpu.memory_space<vmem>>[vector<16xi32>, vector<16xi32>], vector<16xf32>,
        %shift_right_arithmetic3A_244 = arith.constant 20 : i32
        %shift_right_arithmetic3A_245 = vector.broadcast %shift_right_arithmetic3A_244 : i32 to vector<16xi32>
        %shift_right_arithmetic3A_246 = arith.shrsi %select_n3A_225, %shift_right_arithmetic3A_245 : vector<16xi32>
        %gather3A_247 = tpu.vector_load_idx %arg7[%shift_right_arithmetic3A_246, %add3A_163] : memref<256x128xf32, #tpu.memory_space<vmem>>[vector<16xi32>, vector<16xi32>], vector<16xf32>,
        %shift_right_arithmetic3A_248 = arith.constant 20 : i32
        %shift_right_arithmetic3A_249 = vector.broadcast %shift_right_arithmetic3A_248 : i32 to vector<16xi32>
        %shift_right_arithmetic3A_250 = arith.shrsi %select_n3A_226, %shift_right_arithmetic3A_249 : vector<16xi32>
        %gather3A_251 = tpu.vector_load_idx %arg7[%shift_right_arithmetic3A_250, %add3A_166] : memref<256x128xf32, #tpu.memory_space<vmem>>[vector<16xi32>, vector<16xi32>], vector<16xf32>,
        %shift_right_arithmetic3A_252 = arith.constant 20 : i32
        %shift_right_arithmetic3A_253 = vector.broadcast %shift_right_arithmetic3A_252 : i32 to vector<16xi32>
        %shift_right_arithmetic3A_254 = arith.shrsi %select_n3A_227, %shift_right_arithmetic3A_253 : vector<16xi32>
        %gather3A_255 = tpu.vector_load_idx %arg7[%shift_right_arithmetic3A_254, %add3A_169] : memref<256x128xf32, #tpu.memory_space<vmem>>[vector<16xi32>, vector<16xi32>], vector<16xf32>,
        %shift_right_arithmetic3A_256 = arith.constant 20 : i32
        %shift_right_arithmetic3A_257 = vector.broadcast %shift_right_arithmetic3A_256 : i32 to vector<16xi32>
        %shift_right_arithmetic3A_258 = arith.shrsi %select_n3A_228, %shift_right_arithmetic3A_257 : vector<16xi32>
        %gather3A_259 = tpu.vector_load_idx %arg7[%shift_right_arithmetic3A_258, %add3A_172] : memref<256x128xf32, #tpu.memory_space<vmem>>[vector<16xi32>, vector<16xi32>], vector<16xf32>,
        %shift_right_arithmetic3A_260 = arith.constant 20 : i32
        %shift_right_arithmetic3A_261 = vector.broadcast %shift_right_arithmetic3A_260 : i32 to vector<16xi32>
        %shift_right_arithmetic3A_262 = arith.shrsi %select_n3A_229, %shift_right_arithmetic3A_261 : vector<16xi32>
        %gather3A_263 = tpu.vector_load_idx %arg7[%shift_right_arithmetic3A_262, %add3A_175] : memref<256x128xf32, #tpu.memory_space<vmem>>[vector<16xi32>, vector<16xi32>], vector<16xf32>,
        %shift_right_arithmetic3A_264 = arith.constant 20 : i32
        %shift_right_arithmetic3A_265 = vector.broadcast %shift_right_arithmetic3A_264 : i32 to vector<16xi32>
        %shift_right_arithmetic3A_266 = arith.shrsi %select_n3A_230, %shift_right_arithmetic3A_265 : vector<16xi32>
        %gather3A_267 = tpu.vector_load_idx %arg7[%shift_right_arithmetic3A_266, %add3A_178] : memref<256x128xf32, #tpu.memory_space<vmem>>[vector<16xi32>, vector<16xi32>], vector<16xf32>,
        %shift_right_arithmetic3A_268 = arith.constant 20 : i32
        %shift_right_arithmetic3A_269 = vector.broadcast %shift_right_arithmetic3A_268 : i32 to vector<16xi32>
        %shift_right_arithmetic3A_270 = arith.shrsi %select_n3A_231, %shift_right_arithmetic3A_269 : vector<16xi32>
        %gather3A_271 = tpu.vector_load_idx %arg7[%shift_right_arithmetic3A_270, %add3A_181] : memref<256x128xf32, #tpu.memory_space<vmem>>[vector<16xi32>, vector<16xi32>], vector<16xf32>,
        %le3A_272 = arith.cmpf ole, %gather3A_243, %select_n3A_232 : vector<16xf32>
        %shift_right_arithmetic3A_273 = arith.constant 10 : i32
        %shift_right_arithmetic3A_274 = vector.broadcast %shift_right_arithmetic3A_273 : i32 to vector<16xi32>
        %shift_right_arithmetic3A_275 = arith.shrsi %select_n3A_224, %shift_right_arithmetic3A_274 : vector<16xi32>
        %and3A_276 = arith.constant 1023 : i32
        %and3A_277 = vector.broadcast %and3A_276 : i32 to vector<16xi32>
        %and3A_278 = arith.andi %shift_right_arithmetic3A_275, %and3A_277 : vector<16xi32>
        %and3A_279 = arith.constant 1023 : i32
        %and3A_280 = vector.broadcast %and3A_279 : i32 to vector<16xi32>
        %and3A_281 = arith.andi %select_n3A_224, %and3A_280 : vector<16xi32>
        %select_n3A_282 = arith.select %le3A_272, %and3A_278, %and3A_281 : vector<16xi1>, vector<16xi32>
        %add3A_283 = arith.addi %select_n3A_282, %broadcast_in_dim3A : vector<16xi32>
        %le3A_284 = arith.cmpf ole, %gather3A_247, %select_n3A_233 : vector<16xf32>
        %shift_right_arithmetic3A_285 = arith.constant 10 : i32
        %shift_right_arithmetic3A_286 = vector.broadcast %shift_right_arithmetic3A_285 : i32 to vector<16xi32>
        %shift_right_arithmetic3A_287 = arith.shrsi %select_n3A_225, %shift_right_arithmetic3A_286 : vector<16xi32>
        %and3A_288 = arith.constant 1023 : i32
        %and3A_289 = vector.broadcast %and3A_288 : i32 to vector<16xi32>
        %and3A_290 = arith.andi %shift_right_arithmetic3A_287, %and3A_289 : vector<16xi32>
        %and3A_291 = arith.constant 1023 : i32
        %and3A_292 = vector.broadcast %and3A_291 : i32 to vector<16xi32>
        %and3A_293 = arith.andi %select_n3A_225, %and3A_292 : vector<16xi32>
        %select_n3A_294 = arith.select %le3A_284, %and3A_290, %and3A_293 : vector<16xi1>, vector<16xi32>
        %add3A_295 = arith.addi %select_n3A_294, %broadcast_in_dim3A : vector<16xi32>
        %le3A_296 = arith.cmpf ole, %gather3A_251, %select_n3A_234 : vector<16xf32>
        %shift_right_arithmetic3A_297 = arith.constant 10 : i32
        %shift_right_arithmetic3A_298 = vector.broadcast %shift_right_arithmetic3A_297 : i32 to vector<16xi32>
        %shift_right_arithmetic3A_299 = arith.shrsi %select_n3A_226, %shift_right_arithmetic3A_298 : vector<16xi32>
        %and3A_300 = arith.constant 1023 : i32
        %and3A_301 = vector.broadcast %and3A_300 : i32 to vector<16xi32>
        %and3A_302 = arith.andi %shift_right_arithmetic3A_299, %and3A_301 : vector<16xi32>
        %and3A_303 = arith.constant 1023 : i32
        %and3A_304 = vector.broadcast %and3A_303 : i32 to vector<16xi32>
        %and3A_305 = arith.andi %select_n3A_226, %and3A_304 : vector<16xi32>
        %select_n3A_306 = arith.select %le3A_296, %and3A_302, %and3A_305 : vector<16xi1>, vector<16xi32>
        %add3A_307 = arith.addi %select_n3A_306, %broadcast_in_dim3A : vector<16xi32>
        %le3A_308 = arith.cmpf ole, %gather3A_255, %select_n3A_235 : vector<16xf32>
        %shift_right_arithmetic3A_309 = arith.constant 10 : i32
        %shift_right_arithmetic3A_310 = vector.broadcast %shift_right_arithmetic3A_309 : i32 to vector<16xi32>
        %shift_right_arithmetic3A_311 = arith.shrsi %select_n3A_227, %shift_right_arithmetic3A_310 : vector<16xi32>
        %and3A_312 = arith.constant 1023 : i32
        %and3A_313 = vector.broadcast %and3A_312 : i32 to vector<16xi32>
        %and3A_314 = arith.andi %shift_right_arithmetic3A_311, %and3A_313 : vector<16xi32>
        %and3A_315 = arith.constant 1023 : i32
        %and3A_316 = vector.broadcast %and3A_315 : i32 to vector<16xi32>
        %and3A_317 = arith.andi %select_n3A_227, %and3A_316 : vector<16xi32>
        %select_n3A_318 = arith.select %le3A_308, %and3A_314, %and3A_317 : vector<16xi1>, vector<16xi32>
        %add3A_319 = arith.addi %select_n3A_318, %broadcast_in_dim3A : vector<16xi32>
        %le3A_320 = arith.cmpf ole, %gather3A_259, %select_n3A_236 : vector<16xf32>
        %shift_right_arithmetic3A_321 = arith.constant 10 : i32
        %shift_right_arithmetic3A_322 = vector.broadcast %shift_right_arithmetic3A_321 : i32 to vector<16xi32>
        %shift_right_arithmetic3A_323 = arith.shrsi %select_n3A_228, %shift_right_arithmetic3A_322 : vector<16xi32>
        %and3A_324 = arith.constant 1023 : i32
        %and3A_325 = vector.broadcast %and3A_324 : i32 to vector<16xi32>
        %and3A_326 = arith.andi %shift_right_arithmetic3A_323, %and3A_325 : vector<16xi32>
        %and3A_327 = arith.constant 1023 : i32
        %and3A_328 = vector.broadcast %and3A_327 : i32 to vector<16xi32>
        %and3A_329 = arith.andi %select_n3A_228, %and3A_328 : vector<16xi32>
        %select_n3A_330 = arith.select %le3A_320, %and3A_326, %and3A_329 : vector<16xi1>, vector<16xi32>
        %add3A_331 = arith.addi %select_n3A_330, %broadcast_in_dim3A : vector<16xi32>
        %le3A_332 = arith.cmpf ole, %gather3A_263, %select_n3A_237 : vector<16xf32>
        %shift_right_arithmetic3A_333 = arith.constant 10 : i32
        %shift_right_arithmetic3A_334 = vector.broadcast %shift_right_arithmetic3A_333 : i32 to vector<16xi32>
        %shift_right_arithmetic3A_335 = arith.shrsi %select_n3A_229, %shift_right_arithmetic3A_334 : vector<16xi32>
        %and3A_336 = arith.constant 1023 : i32
        %and3A_337 = vector.broadcast %and3A_336 : i32 to vector<16xi32>
        %and3A_338 = arith.andi %shift_right_arithmetic3A_335, %and3A_337 : vector<16xi32>
        %and3A_339 = arith.constant 1023 : i32
        %and3A_340 = vector.broadcast %and3A_339 : i32 to vector<16xi32>
        %and3A_341 = arith.andi %select_n3A_229, %and3A_340 : vector<16xi32>
        %select_n3A_342 = arith.select %le3A_332, %and3A_338, %and3A_341 : vector<16xi1>, vector<16xi32>
        %add3A_343 = arith.addi %select_n3A_342, %broadcast_in_dim3A : vector<16xi32>
        %le3A_344 = arith.cmpf ole, %gather3A_267, %select_n3A_238 : vector<16xf32>
        %shift_right_arithmetic3A_345 = arith.constant 10 : i32
        %shift_right_arithmetic3A_346 = vector.broadcast %shift_right_arithmetic3A_345 : i32 to vector<16xi32>
        %shift_right_arithmetic3A_347 = arith.shrsi %select_n3A_230, %shift_right_arithmetic3A_346 : vector<16xi32>
        %and3A_348 = arith.constant 1023 : i32
        %and3A_349 = vector.broadcast %and3A_348 : i32 to vector<16xi32>
        %and3A_350 = arith.andi %shift_right_arithmetic3A_347, %and3A_349 : vector<16xi32>
        %and3A_351 = arith.constant 1023 : i32
        %and3A_352 = vector.broadcast %and3A_351 : i32 to vector<16xi32>
        %and3A_353 = arith.andi %select_n3A_230, %and3A_352 : vector<16xi32>
        %select_n3A_354 = arith.select %le3A_344, %and3A_350, %and3A_353 : vector<16xi1>, vector<16xi32>
        %add3A_355 = arith.addi %select_n3A_354, %broadcast_in_dim3A : vector<16xi32>
        %le3A_356 = arith.cmpf ole, %gather3A_271, %select_n3A_239 : vector<16xf32>
        %shift_right_arithmetic3A_357 = arith.constant 10 : i32
        %shift_right_arithmetic3A_358 = vector.broadcast %shift_right_arithmetic3A_357 : i32 to vector<16xi32>
        %shift_right_arithmetic3A_359 = arith.shrsi %select_n3A_231, %shift_right_arithmetic3A_358 : vector<16xi32>
        %and3A_360 = arith.constant 1023 : i32
        %and3A_361 = vector.broadcast %and3A_360 : i32 to vector<16xi32>
        %and3A_362 = arith.andi %shift_right_arithmetic3A_359, %and3A_361 : vector<16xi32>
        %and3A_363 = arith.constant 1023 : i32
        %and3A_364 = vector.broadcast %and3A_363 : i32 to vector<16xi32>
        %and3A_365 = arith.andi %select_n3A_231, %and3A_364 : vector<16xi32>
        %select_n3A_366 = arith.select %le3A_356, %and3A_362, %and3A_365 : vector<16xi1>, vector<16xi32>
        %add3A_367 = arith.addi %select_n3A_366, %broadcast_in_dim3A : vector<16xi32>
        %mul3A_368 = arith.constant 2 : i32
        %mul3A_369 = arith.muli %scan3A_157, %mul3A_368 : i32
        %add3A_370 = arith.constant 1 : i32
        %add3A_371 = arith.addi %mul3A_369, %add3A_370 : i32
        %mul3A_372 = arith.constant 1024 : i32
        %mul3A_373 = arith.muli %add3A_371, %mul3A_372 : i32
        %add3A_374 = arith.addi %mul3A_89, %mul3A_373 : i32
        %broadcast_in_dim3A_375 = vector.broadcast %add3A_374 : i32 to vector<16xi32>
        %add3A_376 = arith.addi %mul3A_136, %add3A_371 : i32
        %broadcast_in_dim3A_377 = vector.broadcast %add3A_376 : i32 to vector<16xi32>
        %gather3A_378 = tpu.vector_load_idx %arg8[%broadcast_in_dim3A_375] : memref<24576xi32, #tpu.memory_space<vmem>>[vector<16xi32>], vector<16xi32>,
        %gather3A_379 = tpu.vector_load_idx %arg9[%broadcast_in_dim3A_375] : memref<24576xf32, #tpu.memory_space<vmem>>[vector<16xi32>], vector<16xf32>,
        %shift_right_arithmetic3A_380 = arith.constant 20 : i32
        %shift_right_arithmetic3A_381 = vector.broadcast %shift_right_arithmetic3A_380 : i32 to vector<16xi32>
        %shift_right_arithmetic3A_382 = arith.shrsi %gather3A_378, %shift_right_arithmetic3A_381 : vector<16xi32>
        %gather3A_383 = tpu.vector_load_idx %arg7[%shift_right_arithmetic3A_382, %add3A_160] : memref<256x128xf32, #tpu.memory_space<vmem>>[vector<16xi32>, vector<16xi32>], vector<16xf32>,
        %gather3A_384 = tpu.vector_load_idx %arg7[%shift_right_arithmetic3A_382, %add3A_163] : memref<256x128xf32, #tpu.memory_space<vmem>>[vector<16xi32>, vector<16xi32>], vector<16xf32>,
        %gather3A_385 = tpu.vector_load_idx %arg7[%shift_right_arithmetic3A_382, %add3A_166] : memref<256x128xf32, #tpu.memory_space<vmem>>[vector<16xi32>, vector<16xi32>], vector<16xf32>,
        %gather3A_386 = tpu.vector_load_idx %arg7[%shift_right_arithmetic3A_382, %add3A_169] : memref<256x128xf32, #tpu.memory_space<vmem>>[vector<16xi32>, vector<16xi32>], vector<16xf32>,
        %gather3A_387 = tpu.vector_load_idx %arg7[%shift_right_arithmetic3A_382, %add3A_172] : memref<256x128xf32, #tpu.memory_space<vmem>>[vector<16xi32>, vector<16xi32>], vector<16xf32>,
        %gather3A_388 = tpu.vector_load_idx %arg7[%shift_right_arithmetic3A_382, %add3A_175] : memref<256x128xf32, #tpu.memory_space<vmem>>[vector<16xi32>, vector<16xi32>], vector<16xf32>,
        %gather3A_389 = tpu.vector_load_idx %arg7[%shift_right_arithmetic3A_382, %add3A_178] : memref<256x128xf32, #tpu.memory_space<vmem>>[vector<16xi32>, vector<16xi32>], vector<16xf32>,
        %gather3A_390 = tpu.vector_load_idx %arg7[%shift_right_arithmetic3A_382, %add3A_181] : memref<256x128xf32, #tpu.memory_space<vmem>>[vector<16xi32>, vector<16xi32>], vector<16xf32>,
        %shift_right_arithmetic3A_391 = arith.constant 10 : i32
        %shift_right_arithmetic3A_392 = vector.broadcast %shift_right_arithmetic3A_391 : i32 to vector<16xi32>
        %shift_right_arithmetic3A_393 = arith.shrsi %gather3A_378, %shift_right_arithmetic3A_392 : vector<16xi32>
        %and3A_394 = arith.constant 1023 : i32
        %and3A_395 = vector.broadcast %and3A_394 : i32 to vector<16xi32>
        %and3A_396 = arith.andi %shift_right_arithmetic3A_393, %and3A_395 : vector<16xi32>
        %add3A_397 = arith.addi %and3A_396, %broadcast_in_dim3A_375 : vector<16xi32>
        %and3A_398 = arith.constant 1023 : i32
        %and3A_399 = vector.broadcast %and3A_398 : i32 to vector<16xi32>
        %and3A_400 = arith.andi %gather3A_378, %and3A_399 : vector<16xi32>
        %add3A_401 = arith.addi %and3A_400, %broadcast_in_dim3A_375 : vector<16xi32>
        %gather3A_402 = tpu.vector_load_idx %arg8[%add3A_397] : memref<24576xi32, #tpu.memory_space<vmem>>[vector<16xi32>], vector<16xi32>,
        %gather3A_403 = tpu.vector_load_idx %arg8[%add3A_401] : memref<24576xi32, #tpu.memory_space<vmem>>[vector<16xi32>], vector<16xi32>,
        %gather3A_404 = tpu.vector_load_idx %arg9[%add3A_397] : memref<24576xf32, #tpu.memory_space<vmem>>[vector<16xi32>], vector<16xf32>,
        %gather3A_405 = tpu.vector_load_idx %arg9[%add3A_401] : memref<24576xf32, #tpu.memory_space<vmem>>[vector<16xi32>], vector<16xf32>,
        %le3A_406 = arith.cmpf ole, %gather3A_383, %gather3A_379 : vector<16xf32>
        %le3A_407 = arith.cmpf ole, %gather3A_384, %gather3A_379 : vector<16xf32>
        %le3A_408 = arith.cmpf ole, %gather3A_385, %gather3A_379 : vector<16xf32>
        %le3A_409 = arith.cmpf ole, %gather3A_386, %gather3A_379 : vector<16xf32>
        %le3A_410 = arith.cmpf ole, %gather3A_387, %gather3A_379 : vector<16xf32>
        %le3A_411 = arith.cmpf ole, %gather3A_388, %gather3A_379 : vector<16xf32>
        %le3A_412 = arith.cmpf ole, %gather3A_389, %gather3A_379 : vector<16xf32>
        %le3A_413 = arith.cmpf ole, %gather3A_390, %gather3A_379 : vector<16xf32>
        %select_n3A_414 = arith.select %le3A_406, %gather3A_402, %gather3A_403 : vector<16xi1>, vector<16xi32>
        %select_n3A_415 = arith.select %le3A_407, %gather3A_402, %gather3A_403 : vector<16xi1>, vector<16xi32>
        %select_n3A_416 = arith.select %le3A_408, %gather3A_402, %gather3A_403 : vector<16xi1>, vector<16xi32>
        %select_n3A_417 = arith.select %le3A_409, %gather3A_402, %gather3A_403 : vector<16xi1>, vector<16xi32>
        %select_n3A_418 = arith.select %le3A_410, %gather3A_402, %gather3A_403 : vector<16xi1>, vector<16xi32>
        %select_n3A_419 = arith.select %le3A_411, %gather3A_402, %gather3A_403 : vector<16xi1>, vector<16xi32>
        %select_n3A_420 = arith.select %le3A_412, %gather3A_402, %gather3A_403 : vector<16xi1>, vector<16xi32>
        %select_n3A_421 = arith.select %le3A_413, %gather3A_402, %gather3A_403 : vector<16xi1>, vector<16xi32>
        %select_n3A_422 = arith.select %le3A_406, %gather3A_404, %gather3A_405 : vector<16xi1>, vector<16xf32>
        %select_n3A_423 = arith.select %le3A_407, %gather3A_404, %gather3A_405 : vector<16xi1>, vector<16xf32>
        %select_n3A_424 = arith.select %le3A_408, %gather3A_404, %gather3A_405 : vector<16xi1>, vector<16xf32>
        %select_n3A_425 = arith.select %le3A_409, %gather3A_404, %gather3A_405 : vector<16xi1>, vector<16xf32>
        %select_n3A_426 = arith.select %le3A_410, %gather3A_404, %gather3A_405 : vector<16xi1>, vector<16xf32>
        %select_n3A_427 = arith.select %le3A_411, %gather3A_404, %gather3A_405 : vector<16xi1>, vector<16xf32>
        %select_n3A_428 = arith.select %le3A_412, %gather3A_404, %gather3A_405 : vector<16xi1>, vector<16xf32>
        %select_n3A_429 = arith.select %le3A_413, %gather3A_404, %gather3A_405 : vector<16xi1>, vector<16xf32>
        %shift_right_arithmetic3A_430 = arith.constant 20 : i32
        %shift_right_arithmetic3A_431 = vector.broadcast %shift_right_arithmetic3A_430 : i32 to vector<16xi32>
        %shift_right_arithmetic3A_432 = arith.shrsi %select_n3A_414, %shift_right_arithmetic3A_431 : vector<16xi32>
        %gather3A_433 = tpu.vector_load_idx %arg7[%shift_right_arithmetic3A_432, %add3A_160] : memref<256x128xf32, #tpu.memory_space<vmem>>[vector<16xi32>, vector<16xi32>], vector<16xf32>,
        %shift_right_arithmetic3A_434 = arith.constant 20 : i32
        %shift_right_arithmetic3A_435 = vector.broadcast %shift_right_arithmetic3A_434 : i32 to vector<16xi32>
        %shift_right_arithmetic3A_436 = arith.shrsi %select_n3A_415, %shift_right_arithmetic3A_435 : vector<16xi32>
        %gather3A_437 = tpu.vector_load_idx %arg7[%shift_right_arithmetic3A_436, %add3A_163] : memref<256x128xf32, #tpu.memory_space<vmem>>[vector<16xi32>, vector<16xi32>], vector<16xf32>,
        %shift_right_arithmetic3A_438 = arith.constant 20 : i32
        %shift_right_arithmetic3A_439 = vector.broadcast %shift_right_arithmetic3A_438 : i32 to vector<16xi32>
        %shift_right_arithmetic3A_440 = arith.shrsi %select_n3A_416, %shift_right_arithmetic3A_439 : vector<16xi32>
        %gather3A_441 = tpu.vector_load_idx %arg7[%shift_right_arithmetic3A_440, %add3A_166] : memref<256x128xf32, #tpu.memory_space<vmem>>[vector<16xi32>, vector<16xi32>], vector<16xf32>,
        %shift_right_arithmetic3A_442 = arith.constant 20 : i32
        %shift_right_arithmetic3A_443 = vector.broadcast %shift_right_arithmetic3A_442 : i32 to vector<16xi32>
        %shift_right_arithmetic3A_444 = arith.shrsi %select_n3A_417, %shift_right_arithmetic3A_443 : vector<16xi32>
        %gather3A_445 = tpu.vector_load_idx %arg7[%shift_right_arithmetic3A_444, %add3A_169] : memref<256x128xf32, #tpu.memory_space<vmem>>[vector<16xi32>, vector<16xi32>], vector<16xf32>,
        %shift_right_arithmetic3A_446 = arith.constant 20 : i32
        %shift_right_arithmetic3A_447 = vector.broadcast %shift_right_arithmetic3A_446 : i32 to vector<16xi32>
        %shift_right_arithmetic3A_448 = arith.shrsi %select_n3A_418, %shift_right_arithmetic3A_447 : vector<16xi32>
        %gather3A_449 = tpu.vector_load_idx %arg7[%shift_right_arithmetic3A_448, %add3A_172] : memref<256x128xf32, #tpu.memory_space<vmem>>[vector<16xi32>, vector<16xi32>], vector<16xf32>,
        %shift_right_arithmetic3A_450 = arith.constant 20 : i32
        %shift_right_arithmetic3A_451 = vector.broadcast %shift_right_arithmetic3A_450 : i32 to vector<16xi32>
        %shift_right_arithmetic3A_452 = arith.shrsi %select_n3A_419, %shift_right_arithmetic3A_451 : vector<16xi32>
        %gather3A_453 = tpu.vector_load_idx %arg7[%shift_right_arithmetic3A_452, %add3A_175] : memref<256x128xf32, #tpu.memory_space<vmem>>[vector<16xi32>, vector<16xi32>], vector<16xf32>,
        %shift_right_arithmetic3A_454 = arith.constant 20 : i32
        %shift_right_arithmetic3A_455 = vector.broadcast %shift_right_arithmetic3A_454 : i32 to vector<16xi32>
        %shift_right_arithmetic3A_456 = arith.shrsi %select_n3A_420, %shift_right_arithmetic3A_455 : vector<16xi32>
        %gather3A_457 = tpu.vector_load_idx %arg7[%shift_right_arithmetic3A_456, %add3A_178] : memref<256x128xf32, #tpu.memory_space<vmem>>[vector<16xi32>, vector<16xi32>], vector<16xf32>,
        %shift_right_arithmetic3A_458 = arith.constant 20 : i32
        %shift_right_arithmetic3A_459 = vector.broadcast %shift_right_arithmetic3A_458 : i32 to vector<16xi32>
        %shift_right_arithmetic3A_460 = arith.shrsi %select_n3A_421, %shift_right_arithmetic3A_459 : vector<16xi32>
        %gather3A_461 = tpu.vector_load_idx %arg7[%shift_right_arithmetic3A_460, %add3A_181] : memref<256x128xf32, #tpu.memory_space<vmem>>[vector<16xi32>, vector<16xi32>], vector<16xf32>,
        %le3A_462 = arith.cmpf ole, %gather3A_433, %select_n3A_422 : vector<16xf32>
        %shift_right_arithmetic3A_463 = arith.constant 10 : i32
        %shift_right_arithmetic3A_464 = vector.broadcast %shift_right_arithmetic3A_463 : i32 to vector<16xi32>
        %shift_right_arithmetic3A_465 = arith.shrsi %select_n3A_414, %shift_right_arithmetic3A_464 : vector<16xi32>
        %and3A_466 = arith.constant 1023 : i32
        %and3A_467 = vector.broadcast %and3A_466 : i32 to vector<16xi32>
        %and3A_468 = arith.andi %shift_right_arithmetic3A_465, %and3A_467 : vector<16xi32>
        %and3A_469 = arith.constant 1023 : i32
        %and3A_470 = vector.broadcast %and3A_469 : i32 to vector<16xi32>
        %and3A_471 = arith.andi %select_n3A_414, %and3A_470 : vector<16xi32>
        %select_n3A_472 = arith.select %le3A_462, %and3A_468, %and3A_471 : vector<16xi1>, vector<16xi32>
        %add3A_473 = arith.addi %select_n3A_472, %broadcast_in_dim3A_375 : vector<16xi32>
        %le3A_474 = arith.cmpf ole, %gather3A_437, %select_n3A_423 : vector<16xf32>
        %shift_right_arithmetic3A_475 = arith.constant 10 : i32
        %shift_right_arithmetic3A_476 = vector.broadcast %shift_right_arithmetic3A_475 : i32 to vector<16xi32>
        %shift_right_arithmetic3A_477 = arith.shrsi %select_n3A_415, %shift_right_arithmetic3A_476 : vector<16xi32>
        %and3A_478 = arith.constant 1023 : i32
        %and3A_479 = vector.broadcast %and3A_478 : i32 to vector<16xi32>
        %and3A_480 = arith.andi %shift_right_arithmetic3A_477, %and3A_479 : vector<16xi32>
        %and3A_481 = arith.constant 1023 : i32
        %and3A_482 = vector.broadcast %and3A_481 : i32 to vector<16xi32>
        %and3A_483 = arith.andi %select_n3A_415, %and3A_482 : vector<16xi32>
        %select_n3A_484 = arith.select %le3A_474, %and3A_480, %and3A_483 : vector<16xi1>, vector<16xi32>
        %add3A_485 = arith.addi %select_n3A_484, %broadcast_in_dim3A_375 : vector<16xi32>
        %le3A_486 = arith.cmpf ole, %gather3A_441, %select_n3A_424 : vector<16xf32>
        %shift_right_arithmetic3A_487 = arith.constant 10 : i32
        %shift_right_arithmetic3A_488 = vector.broadcast %shift_right_arithmetic3A_487 : i32 to vector<16xi32>
        %shift_right_arithmetic3A_489 = arith.shrsi %select_n3A_416, %shift_right_arithmetic3A_488 : vector<16xi32>
        %and3A_490 = arith.constant 1023 : i32
        %and3A_491 = vector.broadcast %and3A_490 : i32 to vector<16xi32>
        %and3A_492 = arith.andi %shift_right_arithmetic3A_489, %and3A_491 : vector<16xi32>
        %and3A_493 = arith.constant 1023 : i32
        %and3A_494 = vector.broadcast %and3A_493 : i32 to vector<16xi32>
        %and3A_495 = arith.andi %select_n3A_416, %and3A_494 : vector<16xi32>
        %select_n3A_496 = arith.select %le3A_486, %and3A_492, %and3A_495 : vector<16xi1>, vector<16xi32>
        %add3A_497 = arith.addi %select_n3A_496, %broadcast_in_dim3A_375 : vector<16xi32>
        %le3A_498 = arith.cmpf ole, %gather3A_445, %select_n3A_425 : vector<16xf32>
        %shift_right_arithmetic3A_499 = arith.constant 10 : i32
        %shift_right_arithmetic3A_500 = vector.broadcast %shift_right_arithmetic3A_499 : i32 to vector<16xi32>
        %shift_right_arithmetic3A_501 = arith.shrsi %select_n3A_417, %shift_right_arithmetic3A_500 : vector<16xi32>
        %and3A_502 = arith.constant 1023 : i32
        %and3A_503 = vector.broadcast %and3A_502 : i32 to vector<16xi32>
        %and3A_504 = arith.andi %shift_right_arithmetic3A_501, %and3A_503 : vector<16xi32>
        %and3A_505 = arith.constant 1023 : i32
        %and3A_506 = vector.broadcast %and3A_505 : i32 to vector<16xi32>
        %and3A_507 = arith.andi %select_n3A_417, %and3A_506 : vector<16xi32>
        %select_n3A_508 = arith.select %le3A_498, %and3A_504, %and3A_507 : vector<16xi1>, vector<16xi32>
        %add3A_509 = arith.addi %select_n3A_508, %broadcast_in_dim3A_375 : vector<16xi32>
        %le3A_510 = arith.cmpf ole, %gather3A_449, %select_n3A_426 : vector<16xf32>
        %shift_right_arithmetic3A_511 = arith.constant 10 : i32
        %shift_right_arithmetic3A_512 = vector.broadcast %shift_right_arithmetic3A_511 : i32 to vector<16xi32>
        %shift_right_arithmetic3A_513 = arith.shrsi %select_n3A_418, %shift_right_arithmetic3A_512 : vector<16xi32>
        %and3A_514 = arith.constant 1023 : i32
        %and3A_515 = vector.broadcast %and3A_514 : i32 to vector<16xi32>
        %and3A_516 = arith.andi %shift_right_arithmetic3A_513, %and3A_515 : vector<16xi32>
        %and3A_517 = arith.constant 1023 : i32
        %and3A_518 = vector.broadcast %and3A_517 : i32 to vector<16xi32>
        %and3A_519 = arith.andi %select_n3A_418, %and3A_518 : vector<16xi32>
        %select_n3A_520 = arith.select %le3A_510, %and3A_516, %and3A_519 : vector<16xi1>, vector<16xi32>
        %add3A_521 = arith.addi %select_n3A_520, %broadcast_in_dim3A_375 : vector<16xi32>
        %le3A_522 = arith.cmpf ole, %gather3A_453, %select_n3A_427 : vector<16xf32>
        %shift_right_arithmetic3A_523 = arith.constant 10 : i32
        %shift_right_arithmetic3A_524 = vector.broadcast %shift_right_arithmetic3A_523 : i32 to vector<16xi32>
        %shift_right_arithmetic3A_525 = arith.shrsi %select_n3A_419, %shift_right_arithmetic3A_524 : vector<16xi32>
        %and3A_526 = arith.constant 1023 : i32
        %and3A_527 = vector.broadcast %and3A_526 : i32 to vector<16xi32>
        %and3A_528 = arith.andi %shift_right_arithmetic3A_525, %and3A_527 : vector<16xi32>
        %and3A_529 = arith.constant 1023 : i32
        %and3A_530 = vector.broadcast %and3A_529 : i32 to vector<16xi32>
        %and3A_531 = arith.andi %select_n3A_419, %and3A_530 : vector<16xi32>
        %select_n3A_532 = arith.select %le3A_522, %and3A_528, %and3A_531 : vector<16xi1>, vector<16xi32>
        %add3A_533 = arith.addi %select_n3A_532, %broadcast_in_dim3A_375 : vector<16xi32>
        %le3A_534 = arith.cmpf ole, %gather3A_457, %select_n3A_428 : vector<16xf32>
        %shift_right_arithmetic3A_535 = arith.constant 10 : i32
        %shift_right_arithmetic3A_536 = vector.broadcast %shift_right_arithmetic3A_535 : i32 to vector<16xi32>
        %shift_right_arithmetic3A_537 = arith.shrsi %select_n3A_420, %shift_right_arithmetic3A_536 : vector<16xi32>
        %and3A_538 = arith.constant 1023 : i32
        %and3A_539 = vector.broadcast %and3A_538 : i32 to vector<16xi32>
        %and3A_540 = arith.andi %shift_right_arithmetic3A_537, %and3A_539 : vector<16xi32>
        %and3A_541 = arith.constant 1023 : i32
        %and3A_542 = vector.broadcast %and3A_541 : i32 to vector<16xi32>
        %and3A_543 = arith.andi %select_n3A_420, %and3A_542 : vector<16xi32>
        %select_n3A_544 = arith.select %le3A_534, %and3A_540, %and3A_543 : vector<16xi1>, vector<16xi32>
        %add3A_545 = arith.addi %select_n3A_544, %broadcast_in_dim3A_375 : vector<16xi32>
        %le3A_546 = arith.cmpf ole, %gather3A_461, %select_n3A_429 : vector<16xf32>
        %shift_right_arithmetic3A_547 = arith.constant 10 : i32
        %shift_right_arithmetic3A_548 = vector.broadcast %shift_right_arithmetic3A_547 : i32 to vector<16xi32>
        %shift_right_arithmetic3A_549 = arith.shrsi %select_n3A_421, %shift_right_arithmetic3A_548 : vector<16xi32>
        %and3A_550 = arith.constant 1023 : i32
        %and3A_551 = vector.broadcast %and3A_550 : i32 to vector<16xi32>
        %and3A_552 = arith.andi %shift_right_arithmetic3A_549, %and3A_551 : vector<16xi32>
        %and3A_553 = arith.constant 1023 : i32
        %and3A_554 = vector.broadcast %and3A_553 : i32 to vector<16xi32>
        %and3A_555 = arith.andi %select_n3A_421, %and3A_554 : vector<16xi32>
        %select_n3A_556 = arith.select %le3A_546, %and3A_552, %and3A_555 : vector<16xi1>, vector<16xi32>
        %add3A_557 = arith.addi %select_n3A_556, %broadcast_in_dim3A_375 : vector<16xi32>
        %gather3A_558 = tpu.vector_load_idx %arg8[%add3A_283] : memref<24576xi32, #tpu.memory_space<vmem>>[vector<16xi32>], vector<16xi32>,
        %gather3A_559 = tpu.vector_load_idx %arg8[%add3A_295] : memref<24576xi32, #tpu.memory_space<vmem>>[vector<16xi32>], vector<16xi32>,
        %gather3A_560 = tpu.vector_load_idx %arg8[%add3A_307] : memref<24576xi32, #tpu.memory_space<vmem>>[vector<16xi32>], vector<16xi32>,
        %gather3A_561 = tpu.vector_load_idx %arg8[%add3A_319] : memref<24576xi32, #tpu.memory_space<vmem>>[vector<16xi32>], vector<16xi32>,
        %gather3A_562 = tpu.vector_load_idx %arg8[%add3A_331] : memref<24576xi32, #tpu.memory_space<vmem>>[vector<16xi32>], vector<16xi32>,
        %gather3A_563 = tpu.vector_load_idx %arg8[%add3A_343] : memref<24576xi32, #tpu.memory_space<vmem>>[vector<16xi32>], vector<16xi32>,
        %gather3A_564 = tpu.vector_load_idx %arg8[%add3A_355] : memref<24576xi32, #tpu.memory_space<vmem>>[vector<16xi32>], vector<16xi32>,
        %gather3A_565 = tpu.vector_load_idx %arg8[%add3A_367] : memref<24576xi32, #tpu.memory_space<vmem>>[vector<16xi32>], vector<16xi32>,
        %gather3A_566 = tpu.vector_load_idx %arg8[%add3A_473] : memref<24576xi32, #tpu.memory_space<vmem>>[vector<16xi32>], vector<16xi32>,
        %gather3A_567 = tpu.vector_load_idx %arg8[%add3A_485] : memref<24576xi32, #tpu.memory_space<vmem>>[vector<16xi32>], vector<16xi32>,
        %gather3A_568 = tpu.vector_load_idx %arg8[%add3A_497] : memref<24576xi32, #tpu.memory_space<vmem>>[vector<16xi32>], vector<16xi32>,
        %gather3A_569 = tpu.vector_load_idx %arg8[%add3A_509] : memref<24576xi32, #tpu.memory_space<vmem>>[vector<16xi32>], vector<16xi32>,
        %gather3A_570 = tpu.vector_load_idx %arg8[%add3A_521] : memref<24576xi32, #tpu.memory_space<vmem>>[vector<16xi32>], vector<16xi32>,
        %gather3A_571 = tpu.vector_load_idx %arg8[%add3A_533] : memref<24576xi32, #tpu.memory_space<vmem>>[vector<16xi32>], vector<16xi32>,
        %gather3A_572 = tpu.vector_load_idx %arg8[%add3A_545] : memref<24576xi32, #tpu.memory_space<vmem>>[vector<16xi32>], vector<16xi32>,
        %gather3A_573 = tpu.vector_load_idx %arg8[%add3A_557] : memref<24576xi32, #tpu.memory_space<vmem>>[vector<16xi32>], vector<16xi32>,
        %gather3A_574 = tpu.vector_load_idx %arg9[%add3A_283] : memref<24576xf32, #tpu.memory_space<vmem>>[vector<16xi32>], vector<16xf32>,
        %gather3A_575 = tpu.vector_load_idx %arg9[%add3A_295] : memref<24576xf32, #tpu.memory_space<vmem>>[vector<16xi32>], vector<16xf32>,
        %gather3A_576 = tpu.vector_load_idx %arg9[%add3A_307] : memref<24576xf32, #tpu.memory_space<vmem>>[vector<16xi32>], vector<16xf32>,
        %gather3A_577 = tpu.vector_load_idx %arg9[%add3A_319] : memref<24576xf32, #tpu.memory_space<vmem>>[vector<16xi32>], vector<16xf32>,
        %gather3A_578 = tpu.vector_load_idx %arg9[%add3A_331] : memref<24576xf32, #tpu.memory_space<vmem>>[vector<16xi32>], vector<16xf32>,
        %gather3A_579 = tpu.vector_load_idx %arg9[%add3A_343] : memref<24576xf32, #tpu.memory_space<vmem>>[vector<16xi32>], vector<16xf32>,
        %gather3A_580 = tpu.vector_load_idx %arg9[%add3A_355] : memref<24576xf32, #tpu.memory_space<vmem>>[vector<16xi32>], vector<16xf32>,
        %gather3A_581 = tpu.vector_load_idx %arg9[%add3A_367] : memref<24576xf32, #tpu.memory_space<vmem>>[vector<16xi32>], vector<16xf32>,
        %gather3A_582 = tpu.vector_load_idx %arg9[%add3A_473] : memref<24576xf32, #tpu.memory_space<vmem>>[vector<16xi32>], vector<16xf32>,
        %gather3A_583 = tpu.vector_load_idx %arg9[%add3A_485] : memref<24576xf32, #tpu.memory_space<vmem>>[vector<16xi32>], vector<16xf32>,
        %gather3A_584 = tpu.vector_load_idx %arg9[%add3A_497] : memref<24576xf32, #tpu.memory_space<vmem>>[vector<16xi32>], vector<16xf32>,
        %gather3A_585 = tpu.vector_load_idx %arg9[%add3A_509] : memref<24576xf32, #tpu.memory_space<vmem>>[vector<16xi32>], vector<16xf32>,
        %gather3A_586 = tpu.vector_load_idx %arg9[%add3A_521] : memref<24576xf32, #tpu.memory_space<vmem>>[vector<16xi32>], vector<16xf32>,
        %gather3A_587 = tpu.vector_load_idx %arg9[%add3A_533] : memref<24576xf32, #tpu.memory_space<vmem>>[vector<16xi32>], vector<16xf32>,
        %gather3A_588 = tpu.vector_load_idx %arg9[%add3A_545] : memref<24576xf32, #tpu.memory_space<vmem>>[vector<16xi32>], vector<16xf32>,
        %gather3A_589 = tpu.vector_load_idx %arg9[%add3A_557] : memref<24576xf32, #tpu.memory_space<vmem>>[vector<16xi32>], vector<16xf32>,
        %shift_right_arithmetic3A_590 = arith.constant 20 : i32
        %shift_right_arithmetic3A_591 = vector.broadcast %shift_right_arithmetic3A_590 : i32 to vector<16xi32>
        %shift_right_arithmetic3A_592 = arith.shrsi %gather3A_558, %shift_right_arithmetic3A_591 : vector<16xi32>
        %gather3A_593 = tpu.vector_load_idx %arg7[%shift_right_arithmetic3A_592, %add3A_160] : memref<256x128xf32, #tpu.memory_space<vmem>>[vector<16xi32>, vector<16xi32>], vector<16xf32>,
        %shift_right_arithmetic3A_594 = arith.constant 20 : i32
        %shift_right_arithmetic3A_595 = vector.broadcast %shift_right_arithmetic3A_594 : i32 to vector<16xi32>
        %shift_right_arithmetic3A_596 = arith.shrsi %gather3A_559, %shift_right_arithmetic3A_595 : vector<16xi32>
        %gather3A_597 = tpu.vector_load_idx %arg7[%shift_right_arithmetic3A_596, %add3A_163] : memref<256x128xf32, #tpu.memory_space<vmem>>[vector<16xi32>, vector<16xi32>], vector<16xf32>,
        %shift_right_arithmetic3A_598 = arith.constant 20 : i32
        %shift_right_arithmetic3A_599 = vector.broadcast %shift_right_arithmetic3A_598 : i32 to vector<16xi32>
        %shift_right_arithmetic3A_600 = arith.shrsi %gather3A_560, %shift_right_arithmetic3A_599 : vector<16xi32>
        %gather3A_601 = tpu.vector_load_idx %arg7[%shift_right_arithmetic3A_600, %add3A_166] : memref<256x128xf32, #tpu.memory_space<vmem>>[vector<16xi32>, vector<16xi32>], vector<16xf32>,
        %shift_right_arithmetic3A_602 = arith.constant 20 : i32
        %shift_right_arithmetic3A_603 = vector.broadcast %shift_right_arithmetic3A_602 : i32 to vector<16xi32>
        %shift_right_arithmetic3A_604 = arith.shrsi %gather3A_561, %shift_right_arithmetic3A_603 : vector<16xi32>
        %gather3A_605 = tpu.vector_load_idx %arg7[%shift_right_arithmetic3A_604, %add3A_169] : memref<256x128xf32, #tpu.memory_space<vmem>>[vector<16xi32>, vector<16xi32>], vector<16xf32>,
        %shift_right_arithmetic3A_606 = arith.constant 20 : i32
        %shift_right_arithmetic3A_607 = vector.broadcast %shift_right_arithmetic3A_606 : i32 to vector<16xi32>
        %shift_right_arithmetic3A_608 = arith.shrsi %gather3A_562, %shift_right_arithmetic3A_607 : vector<16xi32>
        %gather3A_609 = tpu.vector_load_idx %arg7[%shift_right_arithmetic3A_608, %add3A_172] : memref<256x128xf32, #tpu.memory_space<vmem>>[vector<16xi32>, vector<16xi32>], vector<16xf32>,
        %shift_right_arithmetic3A_610 = arith.constant 20 : i32
        %shift_right_arithmetic3A_611 = vector.broadcast %shift_right_arithmetic3A_610 : i32 to vector<16xi32>
        %shift_right_arithmetic3A_612 = arith.shrsi %gather3A_563, %shift_right_arithmetic3A_611 : vector<16xi32>
        %gather3A_613 = tpu.vector_load_idx %arg7[%shift_right_arithmetic3A_612, %add3A_175] : memref<256x128xf32, #tpu.memory_space<vmem>>[vector<16xi32>, vector<16xi32>], vector<16xf32>,
        %shift_right_arithmetic3A_614 = arith.constant 20 : i32
        %shift_right_arithmetic3A_615 = vector.broadcast %shift_right_arithmetic3A_614 : i32 to vector<16xi32>
        %shift_right_arithmetic3A_616 = arith.shrsi %gather3A_564, %shift_right_arithmetic3A_615 : vector<16xi32>
        %gather3A_617 = tpu.vector_load_idx %arg7[%shift_right_arithmetic3A_616, %add3A_178] : memref<256x128xf32, #tpu.memory_space<vmem>>[vector<16xi32>, vector<16xi32>], vector<16xf32>,
        %shift_right_arithmetic3A_618 = arith.constant 20 : i32
        %shift_right_arithmetic3A_619 = vector.broadcast %shift_right_arithmetic3A_618 : i32 to vector<16xi32>
        %shift_right_arithmetic3A_620 = arith.shrsi %gather3A_565, %shift_right_arithmetic3A_619 : vector<16xi32>
        %gather3A_621 = tpu.vector_load_idx %arg7[%shift_right_arithmetic3A_620, %add3A_181] : memref<256x128xf32, #tpu.memory_space<vmem>>[vector<16xi32>, vector<16xi32>], vector<16xf32>,
        %shift_right_arithmetic3A_622 = arith.constant 20 : i32
        %shift_right_arithmetic3A_623 = vector.broadcast %shift_right_arithmetic3A_622 : i32 to vector<16xi32>
        %shift_right_arithmetic3A_624 = arith.shrsi %gather3A_566, %shift_right_arithmetic3A_623 : vector<16xi32>
        %gather3A_625 = tpu.vector_load_idx %arg7[%shift_right_arithmetic3A_624, %add3A_160] : memref<256x128xf32, #tpu.memory_space<vmem>>[vector<16xi32>, vector<16xi32>], vector<16xf32>,
        %shift_right_arithmetic3A_626 = arith.constant 20 : i32
        %shift_right_arithmetic3A_627 = vector.broadcast %shift_right_arithmetic3A_626 : i32 to vector<16xi32>
        %shift_right_arithmetic3A_628 = arith.shrsi %gather3A_567, %shift_right_arithmetic3A_627 : vector<16xi32>
        %gather3A_629 = tpu.vector_load_idx %arg7[%shift_right_arithmetic3A_628, %add3A_163] : memref<256x128xf32, #tpu.memory_space<vmem>>[vector<16xi32>, vector<16xi32>], vector<16xf32>,
        %shift_right_arithmetic3A_630 = arith.constant 20 : i32
        %shift_right_arithmetic3A_631 = vector.broadcast %shift_right_arithmetic3A_630 : i32 to vector<16xi32>
        %shift_right_arithmetic3A_632 = arith.shrsi %gather3A_568, %shift_right_arithmetic3A_631 : vector<16xi32>
        %gather3A_633 = tpu.vector_load_idx %arg7[%shift_right_arithmetic3A_632, %add3A_166] : memref<256x128xf32, #tpu.memory_space<vmem>>[vector<16xi32>, vector<16xi32>], vector<16xf32>,
        %shift_right_arithmetic3A_634 = arith.constant 20 : i32
        %shift_right_arithmetic3A_635 = vector.broadcast %shift_right_arithmetic3A_634 : i32 to vector<16xi32>
        %shift_right_arithmetic3A_636 = arith.shrsi %gather3A_569, %shift_right_arithmetic3A_635 : vector<16xi32>
        %gather3A_637 = tpu.vector_load_idx %arg7[%shift_right_arithmetic3A_636, %add3A_169] : memref<256x128xf32, #tpu.memory_space<vmem>>[vector<16xi32>, vector<16xi32>], vector<16xf32>,
        %shift_right_arithmetic3A_638 = arith.constant 20 : i32
        %shift_right_arithmetic3A_639 = vector.broadcast %shift_right_arithmetic3A_638 : i32 to vector<16xi32>
        %shift_right_arithmetic3A_640 = arith.shrsi %gather3A_570, %shift_right_arithmetic3A_639 : vector<16xi32>
        %gather3A_641 = tpu.vector_load_idx %arg7[%shift_right_arithmetic3A_640, %add3A_172] : memref<256x128xf32, #tpu.memory_space<vmem>>[vector<16xi32>, vector<16xi32>], vector<16xf32>,
        %shift_right_arithmetic3A_642 = arith.constant 20 : i32
        %shift_right_arithmetic3A_643 = vector.broadcast %shift_right_arithmetic3A_642 : i32 to vector<16xi32>
        %shift_right_arithmetic3A_644 = arith.shrsi %gather3A_571, %shift_right_arithmetic3A_643 : vector<16xi32>
        %gather3A_645 = tpu.vector_load_idx %arg7[%shift_right_arithmetic3A_644, %add3A_175] : memref<256x128xf32, #tpu.memory_space<vmem>>[vector<16xi32>, vector<16xi32>], vector<16xf32>,
        %shift_right_arithmetic3A_646 = arith.constant 20 : i32
        %shift_right_arithmetic3A_647 = vector.broadcast %shift_right_arithmetic3A_646 : i32 to vector<16xi32>
        %shift_right_arithmetic3A_648 = arith.shrsi %gather3A_572, %shift_right_arithmetic3A_647 : vector<16xi32>
        %gather3A_649 = tpu.vector_load_idx %arg7[%shift_right_arithmetic3A_648, %add3A_178] : memref<256x128xf32, #tpu.memory_space<vmem>>[vector<16xi32>, vector<16xi32>], vector<16xf32>,
        %shift_right_arithmetic3A_650 = arith.constant 20 : i32
        %shift_right_arithmetic3A_651 = vector.broadcast %shift_right_arithmetic3A_650 : i32 to vector<16xi32>
        %shift_right_arithmetic3A_652 = arith.shrsi %gather3A_573, %shift_right_arithmetic3A_651 : vector<16xi32>
        %gather3A_653 = tpu.vector_load_idx %arg7[%shift_right_arithmetic3A_652, %add3A_181] : memref<256x128xf32, #tpu.memory_space<vmem>>[vector<16xi32>, vector<16xi32>], vector<16xf32>,
        %le3A_654 = arith.cmpf ole, %gather3A_593, %gather3A_574 : vector<16xf32>
        %shift_right_arithmetic3A_655 = arith.constant 10 : i32
        %shift_right_arithmetic3A_656 = vector.broadcast %shift_right_arithmetic3A_655 : i32 to vector<16xi32>
        %shift_right_arithmetic3A_657 = arith.shrsi %gather3A_558, %shift_right_arithmetic3A_656 : vector<16xi32>
        %and3A_658 = arith.constant 1023 : i32
        %and3A_659 = vector.broadcast %and3A_658 : i32 to vector<16xi32>
        %and3A_660 = arith.andi %shift_right_arithmetic3A_657, %and3A_659 : vector<16xi32>
        %and3A_661 = arith.constant 1023 : i32
        %and3A_662 = vector.broadcast %and3A_661 : i32 to vector<16xi32>
        %and3A_663 = arith.andi %gather3A_558, %and3A_662 : vector<16xi32>
        %select_n3A_664 = arith.select %le3A_654, %and3A_660, %and3A_663 : vector<16xi1>, vector<16xi32>
        %add3A_665 = arith.addi %select_n3A_664, %broadcast_in_dim3A : vector<16xi32>
        %le3A_666 = arith.cmpf ole, %gather3A_597, %gather3A_575 : vector<16xf32>
        %shift_right_arithmetic3A_667 = arith.constant 10 : i32
        %shift_right_arithmetic3A_668 = vector.broadcast %shift_right_arithmetic3A_667 : i32 to vector<16xi32>
        %shift_right_arithmetic3A_669 = arith.shrsi %gather3A_559, %shift_right_arithmetic3A_668 : vector<16xi32>
        %and3A_670 = arith.constant 1023 : i32
        %and3A_671 = vector.broadcast %and3A_670 : i32 to vector<16xi32>
        %and3A_672 = arith.andi %shift_right_arithmetic3A_669, %and3A_671 : vector<16xi32>
        %and3A_673 = arith.constant 1023 : i32
        %and3A_674 = vector.broadcast %and3A_673 : i32 to vector<16xi32>
        %and3A_675 = arith.andi %gather3A_559, %and3A_674 : vector<16xi32>
        %select_n3A_676 = arith.select %le3A_666, %and3A_672, %and3A_675 : vector<16xi1>, vector<16xi32>
        %add3A_677 = arith.addi %select_n3A_676, %broadcast_in_dim3A : vector<16xi32>
        %le3A_678 = arith.cmpf ole, %gather3A_601, %gather3A_576 : vector<16xf32>
        %shift_right_arithmetic3A_679 = arith.constant 10 : i32
        %shift_right_arithmetic3A_680 = vector.broadcast %shift_right_arithmetic3A_679 : i32 to vector<16xi32>
        %shift_right_arithmetic3A_681 = arith.shrsi %gather3A_560, %shift_right_arithmetic3A_680 : vector<16xi32>
        %and3A_682 = arith.constant 1023 : i32
        %and3A_683 = vector.broadcast %and3A_682 : i32 to vector<16xi32>
        %and3A_684 = arith.andi %shift_right_arithmetic3A_681, %and3A_683 : vector<16xi32>
        %and3A_685 = arith.constant 1023 : i32
        %and3A_686 = vector.broadcast %and3A_685 : i32 to vector<16xi32>
        %and3A_687 = arith.andi %gather3A_560, %and3A_686 : vector<16xi32>
        %select_n3A_688 = arith.select %le3A_678, %and3A_684, %and3A_687 : vector<16xi1>, vector<16xi32>
        %add3A_689 = arith.addi %select_n3A_688, %broadcast_in_dim3A : vector<16xi32>
        %le3A_690 = arith.cmpf ole, %gather3A_605, %gather3A_577 : vector<16xf32>
        %shift_right_arithmetic3A_691 = arith.constant 10 : i32
        %shift_right_arithmetic3A_692 = vector.broadcast %shift_right_arithmetic3A_691 : i32 to vector<16xi32>
        %shift_right_arithmetic3A_693 = arith.shrsi %gather3A_561, %shift_right_arithmetic3A_692 : vector<16xi32>
        %and3A_694 = arith.constant 1023 : i32
        %and3A_695 = vector.broadcast %and3A_694 : i32 to vector<16xi32>
        %and3A_696 = arith.andi %shift_right_arithmetic3A_693, %and3A_695 : vector<16xi32>
        %and3A_697 = arith.constant 1023 : i32
        %and3A_698 = vector.broadcast %and3A_697 : i32 to vector<16xi32>
        %and3A_699 = arith.andi %gather3A_561, %and3A_698 : vector<16xi32>
        %select_n3A_700 = arith.select %le3A_690, %and3A_696, %and3A_699 : vector<16xi1>, vector<16xi32>
        %add3A_701 = arith.addi %select_n3A_700, %broadcast_in_dim3A : vector<16xi32>
        %le3A_702 = arith.cmpf ole, %gather3A_609, %gather3A_578 : vector<16xf32>
        %shift_right_arithmetic3A_703 = arith.constant 10 : i32
        %shift_right_arithmetic3A_704 = vector.broadcast %shift_right_arithmetic3A_703 : i32 to vector<16xi32>
        %shift_right_arithmetic3A_705 = arith.shrsi %gather3A_562, %shift_right_arithmetic3A_704 : vector<16xi32>
        %and3A_706 = arith.constant 1023 : i32
        %and3A_707 = vector.broadcast %and3A_706 : i32 to vector<16xi32>
        %and3A_708 = arith.andi %shift_right_arithmetic3A_705, %and3A_707 : vector<16xi32>
        %and3A_709 = arith.constant 1023 : i32
        %and3A_710 = vector.broadcast %and3A_709 : i32 to vector<16xi32>
        %and3A_711 = arith.andi %gather3A_562, %and3A_710 : vector<16xi32>
        %select_n3A_712 = arith.select %le3A_702, %and3A_708, %and3A_711 : vector<16xi1>, vector<16xi32>
        %add3A_713 = arith.addi %select_n3A_712, %broadcast_in_dim3A : vector<16xi32>
        %le3A_714 = arith.cmpf ole, %gather3A_613, %gather3A_579 : vector<16xf32>
        %shift_right_arithmetic3A_715 = arith.constant 10 : i32
        %shift_right_arithmetic3A_716 = vector.broadcast %shift_right_arithmetic3A_715 : i32 to vector<16xi32>
        %shift_right_arithmetic3A_717 = arith.shrsi %gather3A_563, %shift_right_arithmetic3A_716 : vector<16xi32>
        %and3A_718 = arith.constant 1023 : i32
        %and3A_719 = vector.broadcast %and3A_718 : i32 to vector<16xi32>
        %and3A_720 = arith.andi %shift_right_arithmetic3A_717, %and3A_719 : vector<16xi32>
        %and3A_721 = arith.constant 1023 : i32
        %and3A_722 = vector.broadcast %and3A_721 : i32 to vector<16xi32>
        %and3A_723 = arith.andi %gather3A_563, %and3A_722 : vector<16xi32>
        %select_n3A_724 = arith.select %le3A_714, %and3A_720, %and3A_723 : vector<16xi1>, vector<16xi32>
        %add3A_725 = arith.addi %select_n3A_724, %broadcast_in_dim3A : vector<16xi32>
        %le3A_726 = arith.cmpf ole, %gather3A_617, %gather3A_580 : vector<16xf32>
        %shift_right_arithmetic3A_727 = arith.constant 10 : i32
        %shift_right_arithmetic3A_728 = vector.broadcast %shift_right_arithmetic3A_727 : i32 to vector<16xi32>
        %shift_right_arithmetic3A_729 = arith.shrsi %gather3A_564, %shift_right_arithmetic3A_728 : vector<16xi32>
        %and3A_730 = arith.constant 1023 : i32
        %and3A_731 = vector.broadcast %and3A_730 : i32 to vector<16xi32>
        %and3A_732 = arith.andi %shift_right_arithmetic3A_729, %and3A_731 : vector<16xi32>
        %and3A_733 = arith.constant 1023 : i32
        %and3A_734 = vector.broadcast %and3A_733 : i32 to vector<16xi32>
        %and3A_735 = arith.andi %gather3A_564, %and3A_734 : vector<16xi32>
        %select_n3A_736 = arith.select %le3A_726, %and3A_732, %and3A_735 : vector<16xi1>, vector<16xi32>
        %add3A_737 = arith.addi %select_n3A_736, %broadcast_in_dim3A : vector<16xi32>
        %le3A_738 = arith.cmpf ole, %gather3A_621, %gather3A_581 : vector<16xf32>
        %shift_right_arithmetic3A_739 = arith.constant 10 : i32
        %shift_right_arithmetic3A_740 = vector.broadcast %shift_right_arithmetic3A_739 : i32 to vector<16xi32>
        %shift_right_arithmetic3A_741 = arith.shrsi %gather3A_565, %shift_right_arithmetic3A_740 : vector<16xi32>
        %and3A_742 = arith.constant 1023 : i32
        %and3A_743 = vector.broadcast %and3A_742 : i32 to vector<16xi32>
        %and3A_744 = arith.andi %shift_right_arithmetic3A_741, %and3A_743 : vector<16xi32>
        %and3A_745 = arith.constant 1023 : i32
        %and3A_746 = vector.broadcast %and3A_745 : i32 to vector<16xi32>
        %and3A_747 = arith.andi %gather3A_565, %and3A_746 : vector<16xi32>
        %select_n3A_748 = arith.select %le3A_738, %and3A_744, %and3A_747 : vector<16xi1>, vector<16xi32>
        %add3A_749 = arith.addi %select_n3A_748, %broadcast_in_dim3A : vector<16xi32>
        %le3A_750 = arith.cmpf ole, %gather3A_625, %gather3A_582 : vector<16xf32>
        %shift_right_arithmetic3A_751 = arith.constant 10 : i32
        %shift_right_arithmetic3A_752 = vector.broadcast %shift_right_arithmetic3A_751 : i32 to vector<16xi32>
        %shift_right_arithmetic3A_753 = arith.shrsi %gather3A_566, %shift_right_arithmetic3A_752 : vector<16xi32>
        %and3A_754 = arith.constant 1023 : i32
        %and3A_755 = vector.broadcast %and3A_754 : i32 to vector<16xi32>
        %and3A_756 = arith.andi %shift_right_arithmetic3A_753, %and3A_755 : vector<16xi32>
        %and3A_757 = arith.constant 1023 : i32
        %and3A_758 = vector.broadcast %and3A_757 : i32 to vector<16xi32>
        %and3A_759 = arith.andi %gather3A_566, %and3A_758 : vector<16xi32>
        %select_n3A_760 = arith.select %le3A_750, %and3A_756, %and3A_759 : vector<16xi1>, vector<16xi32>
        %add3A_761 = arith.addi %select_n3A_760, %broadcast_in_dim3A_375 : vector<16xi32>
        %le3A_762 = arith.cmpf ole, %gather3A_629, %gather3A_583 : vector<16xf32>
        %shift_right_arithmetic3A_763 = arith.constant 10 : i32
        %shift_right_arithmetic3A_764 = vector.broadcast %shift_right_arithmetic3A_763 : i32 to vector<16xi32>
        %shift_right_arithmetic3A_765 = arith.shrsi %gather3A_567, %shift_right_arithmetic3A_764 : vector<16xi32>
        %and3A_766 = arith.constant 1023 : i32
        %and3A_767 = vector.broadcast %and3A_766 : i32 to vector<16xi32>
        %and3A_768 = arith.andi %shift_right_arithmetic3A_765, %and3A_767 : vector<16xi32>
        %and3A_769 = arith.constant 1023 : i32
        %and3A_770 = vector.broadcast %and3A_769 : i32 to vector<16xi32>
        %and3A_771 = arith.andi %gather3A_567, %and3A_770 : vector<16xi32>
        %select_n3A_772 = arith.select %le3A_762, %and3A_768, %and3A_771 : vector<16xi1>, vector<16xi32>
        %add3A_773 = arith.addi %select_n3A_772, %broadcast_in_dim3A_375 : vector<16xi32>
        %le3A_774 = arith.cmpf ole, %gather3A_633, %gather3A_584 : vector<16xf32>
        %shift_right_arithmetic3A_775 = arith.constant 10 : i32
        %shift_right_arithmetic3A_776 = vector.broadcast %shift_right_arithmetic3A_775 : i32 to vector<16xi32>
        %shift_right_arithmetic3A_777 = arith.shrsi %gather3A_568, %shift_right_arithmetic3A_776 : vector<16xi32>
        %and3A_778 = arith.constant 1023 : i32
        %and3A_779 = vector.broadcast %and3A_778 : i32 to vector<16xi32>
        %and3A_780 = arith.andi %shift_right_arithmetic3A_777, %and3A_779 : vector<16xi32>
        %and3A_781 = arith.constant 1023 : i32
        %and3A_782 = vector.broadcast %and3A_781 : i32 to vector<16xi32>
        %and3A_783 = arith.andi %gather3A_568, %and3A_782 : vector<16xi32>
        %select_n3A_784 = arith.select %le3A_774, %and3A_780, %and3A_783 : vector<16xi1>, vector<16xi32>
        %add3A_785 = arith.addi %select_n3A_784, %broadcast_in_dim3A_375 : vector<16xi32>
        %le3A_786 = arith.cmpf ole, %gather3A_637, %gather3A_585 : vector<16xf32>
        %shift_right_arithmetic3A_787 = arith.constant 10 : i32
        %shift_right_arithmetic3A_788 = vector.broadcast %shift_right_arithmetic3A_787 : i32 to vector<16xi32>
        %shift_right_arithmetic3A_789 = arith.shrsi %gather3A_569, %shift_right_arithmetic3A_788 : vector<16xi32>
        %and3A_790 = arith.constant 1023 : i32
        %and3A_791 = vector.broadcast %and3A_790 : i32 to vector<16xi32>
        %and3A_792 = arith.andi %shift_right_arithmetic3A_789, %and3A_791 : vector<16xi32>
        %and3A_793 = arith.constant 1023 : i32
        %and3A_794 = vector.broadcast %and3A_793 : i32 to vector<16xi32>
        %and3A_795 = arith.andi %gather3A_569, %and3A_794 : vector<16xi32>
        %select_n3A_796 = arith.select %le3A_786, %and3A_792, %and3A_795 : vector<16xi1>, vector<16xi32>
        %add3A_797 = arith.addi %select_n3A_796, %broadcast_in_dim3A_375 : vector<16xi32>
        %le3A_798 = arith.cmpf ole, %gather3A_641, %gather3A_586 : vector<16xf32>
        %shift_right_arithmetic3A_799 = arith.constant 10 : i32
        %shift_right_arithmetic3A_800 = vector.broadcast %shift_right_arithmetic3A_799 : i32 to vector<16xi32>
        %shift_right_arithmetic3A_801 = arith.shrsi %gather3A_570, %shift_right_arithmetic3A_800 : vector<16xi32>
        %and3A_802 = arith.constant 1023 : i32
        %and3A_803 = vector.broadcast %and3A_802 : i32 to vector<16xi32>
        %and3A_804 = arith.andi %shift_right_arithmetic3A_801, %and3A_803 : vector<16xi32>
        %and3A_805 = arith.constant 1023 : i32
        %and3A_806 = vector.broadcast %and3A_805 : i32 to vector<16xi32>
        %and3A_807 = arith.andi %gather3A_570, %and3A_806 : vector<16xi32>
        %select_n3A_808 = arith.select %le3A_798, %and3A_804, %and3A_807 : vector<16xi1>, vector<16xi32>
        %add3A_809 = arith.addi %select_n3A_808, %broadcast_in_dim3A_375 : vector<16xi32>
        %le3A_810 = arith.cmpf ole, %gather3A_645, %gather3A_587 : vector<16xf32>
        %shift_right_arithmetic3A_811 = arith.constant 10 : i32
        %shift_right_arithmetic3A_812 = vector.broadcast %shift_right_arithmetic3A_811 : i32 to vector<16xi32>
        %shift_right_arithmetic3A_813 = arith.shrsi %gather3A_571, %shift_right_arithmetic3A_812 : vector<16xi32>
        %and3A_814 = arith.constant 1023 : i32
        %and3A_815 = vector.broadcast %and3A_814 : i32 to vector<16xi32>
        %and3A_816 = arith.andi %shift_right_arithmetic3A_813, %and3A_815 : vector<16xi32>
        %and3A_817 = arith.constant 1023 : i32
        %and3A_818 = vector.broadcast %and3A_817 : i32 to vector<16xi32>
        %and3A_819 = arith.andi %gather3A_571, %and3A_818 : vector<16xi32>
        %select_n3A_820 = arith.select %le3A_810, %and3A_816, %and3A_819 : vector<16xi1>, vector<16xi32>
        %add3A_821 = arith.addi %select_n3A_820, %broadcast_in_dim3A_375 : vector<16xi32>
        %le3A_822 = arith.cmpf ole, %gather3A_649, %gather3A_588 : vector<16xf32>
        %shift_right_arithmetic3A_823 = arith.constant 10 : i32
        %shift_right_arithmetic3A_824 = vector.broadcast %shift_right_arithmetic3A_823 : i32 to vector<16xi32>
        %shift_right_arithmetic3A_825 = arith.shrsi %gather3A_572, %shift_right_arithmetic3A_824 : vector<16xi32>
        %and3A_826 = arith.constant 1023 : i32
        %and3A_827 = vector.broadcast %and3A_826 : i32 to vector<16xi32>
        %and3A_828 = arith.andi %shift_right_arithmetic3A_825, %and3A_827 : vector<16xi32>
        %and3A_829 = arith.constant 1023 : i32
        %and3A_830 = vector.broadcast %and3A_829 : i32 to vector<16xi32>
        %and3A_831 = arith.andi %gather3A_572, %and3A_830 : vector<16xi32>
        %select_n3A_832 = arith.select %le3A_822, %and3A_828, %and3A_831 : vector<16xi1>, vector<16xi32>
        %add3A_833 = arith.addi %select_n3A_832, %broadcast_in_dim3A_375 : vector<16xi32>
        %le3A_834 = arith.cmpf ole, %gather3A_653, %gather3A_589 : vector<16xf32>
        %shift_right_arithmetic3A_835 = arith.constant 10 : i32
        %shift_right_arithmetic3A_836 = vector.broadcast %shift_right_arithmetic3A_835 : i32 to vector<16xi32>
        %shift_right_arithmetic3A_837 = arith.shrsi %gather3A_573, %shift_right_arithmetic3A_836 : vector<16xi32>
        %and3A_838 = arith.constant 1023 : i32
        %and3A_839 = vector.broadcast %and3A_838 : i32 to vector<16xi32>
        %and3A_840 = arith.andi %shift_right_arithmetic3A_837, %and3A_839 : vector<16xi32>
        %and3A_841 = arith.constant 1023 : i32
        %and3A_842 = vector.broadcast %and3A_841 : i32 to vector<16xi32>
        %and3A_843 = arith.andi %gather3A_573, %and3A_842 : vector<16xi32>
        %select_n3A_844 = arith.select %le3A_834, %and3A_840, %and3A_843 : vector<16xi1>, vector<16xi32>
        %add3A_845 = arith.addi %select_n3A_844, %broadcast_in_dim3A_375 : vector<16xi32>
        %gather3A_846 = tpu.vector_load_idx %arg8[%add3A_665] : memref<24576xi32, #tpu.memory_space<vmem>>[vector<16xi32>], vector<16xi32>,
        %gather3A_847 = tpu.vector_load_idx %arg8[%add3A_677] : memref<24576xi32, #tpu.memory_space<vmem>>[vector<16xi32>], vector<16xi32>,
        %gather3A_848 = tpu.vector_load_idx %arg8[%add3A_689] : memref<24576xi32, #tpu.memory_space<vmem>>[vector<16xi32>], vector<16xi32>,
        %gather3A_849 = tpu.vector_load_idx %arg8[%add3A_701] : memref<24576xi32, #tpu.memory_space<vmem>>[vector<16xi32>], vector<16xi32>,
        %gather3A_850 = tpu.vector_load_idx %arg8[%add3A_713] : memref<24576xi32, #tpu.memory_space<vmem>>[vector<16xi32>], vector<16xi32>,
        %gather3A_851 = tpu.vector_load_idx %arg8[%add3A_725] : memref<24576xi32, #tpu.memory_space<vmem>>[vector<16xi32>], vector<16xi32>,
        %gather3A_852 = tpu.vector_load_idx %arg8[%add3A_737] : memref<24576xi32, #tpu.memory_space<vmem>>[vector<16xi32>], vector<16xi32>,
        %gather3A_853 = tpu.vector_load_idx %arg8[%add3A_749] : memref<24576xi32, #tpu.memory_space<vmem>>[vector<16xi32>], vector<16xi32>,
        %gather3A_854 = tpu.vector_load_idx %arg8[%add3A_761] : memref<24576xi32, #tpu.memory_space<vmem>>[vector<16xi32>], vector<16xi32>,
        %gather3A_855 = tpu.vector_load_idx %arg8[%add3A_773] : memref<24576xi32, #tpu.memory_space<vmem>>[vector<16xi32>], vector<16xi32>,
        %gather3A_856 = tpu.vector_load_idx %arg8[%add3A_785] : memref<24576xi32, #tpu.memory_space<vmem>>[vector<16xi32>], vector<16xi32>,
        %gather3A_857 = tpu.vector_load_idx %arg8[%add3A_797] : memref<24576xi32, #tpu.memory_space<vmem>>[vector<16xi32>], vector<16xi32>,
        %gather3A_858 = tpu.vector_load_idx %arg8[%add3A_809] : memref<24576xi32, #tpu.memory_space<vmem>>[vector<16xi32>], vector<16xi32>,
        %gather3A_859 = tpu.vector_load_idx %arg8[%add3A_821] : memref<24576xi32, #tpu.memory_space<vmem>>[vector<16xi32>], vector<16xi32>,
        %gather3A_860 = tpu.vector_load_idx %arg8[%add3A_833] : memref<24576xi32, #tpu.memory_space<vmem>>[vector<16xi32>], vector<16xi32>,
        %gather3A_861 = tpu.vector_load_idx %arg8[%add3A_845] : memref<24576xi32, #tpu.memory_space<vmem>>[vector<16xi32>], vector<16xi32>,
        %gather3A_862 = tpu.vector_load_idx %arg9[%add3A_665] : memref<24576xf32, #tpu.memory_space<vmem>>[vector<16xi32>], vector<16xf32>,
        %gather3A_863 = tpu.vector_load_idx %arg9[%add3A_677] : memref<24576xf32, #tpu.memory_space<vmem>>[vector<16xi32>], vector<16xf32>,
        %gather3A_864 = tpu.vector_load_idx %arg9[%add3A_689] : memref<24576xf32, #tpu.memory_space<vmem>>[vector<16xi32>], vector<16xf32>,
        %gather3A_865 = tpu.vector_load_idx %arg9[%add3A_701] : memref<24576xf32, #tpu.memory_space<vmem>>[vector<16xi32>], vector<16xf32>,
        %gather3A_866 = tpu.vector_load_idx %arg9[%add3A_713] : memref<24576xf32, #tpu.memory_space<vmem>>[vector<16xi32>], vector<16xf32>,
        %gather3A_867 = tpu.vector_load_idx %arg9[%add3A_725] : memref<24576xf32, #tpu.memory_space<vmem>>[vector<16xi32>], vector<16xf32>,
        %gather3A_868 = tpu.vector_load_idx %arg9[%add3A_737] : memref<24576xf32, #tpu.memory_space<vmem>>[vector<16xi32>], vector<16xf32>,
        %gather3A_869 = tpu.vector_load_idx %arg9[%add3A_749] : memref<24576xf32, #tpu.memory_space<vmem>>[vector<16xi32>], vector<16xf32>,
        %gather3A_870 = tpu.vector_load_idx %arg9[%add3A_761] : memref<24576xf32, #tpu.memory_space<vmem>>[vector<16xi32>], vector<16xf32>,
        %gather3A_871 = tpu.vector_load_idx %arg9[%add3A_773] : memref<24576xf32, #tpu.memory_space<vmem>>[vector<16xi32>], vector<16xf32>,
        %gather3A_872 = tpu.vector_load_idx %arg9[%add3A_785] : memref<24576xf32, #tpu.memory_space<vmem>>[vector<16xi32>], vector<16xf32>,
        %gather3A_873 = tpu.vector_load_idx %arg9[%add3A_797] : memref<24576xf32, #tpu.memory_space<vmem>>[vector<16xi32>], vector<16xf32>,
        %gather3A_874 = tpu.vector_load_idx %arg9[%add3A_809] : memref<24576xf32, #tpu.memory_space<vmem>>[vector<16xi32>], vector<16xf32>,
        %gather3A_875 = tpu.vector_load_idx %arg9[%add3A_821] : memref<24576xf32, #tpu.memory_space<vmem>>[vector<16xi32>], vector<16xf32>,
        %gather3A_876 = tpu.vector_load_idx %arg9[%add3A_833] : memref<24576xf32, #tpu.memory_space<vmem>>[vector<16xi32>], vector<16xf32>,
        %gather3A_877 = tpu.vector_load_idx %arg9[%add3A_845] : memref<24576xf32, #tpu.memory_space<vmem>>[vector<16xi32>], vector<16xf32>,
        %shift_right_arithmetic3A_878 = arith.constant 20 : i32
        %shift_right_arithmetic3A_879 = vector.broadcast %shift_right_arithmetic3A_878 : i32 to vector<16xi32>
        %shift_right_arithmetic3A_880 = arith.shrsi %gather3A_846, %shift_right_arithmetic3A_879 : vector<16xi32>
        %gather3A_881 = tpu.vector_load_idx %arg7[%shift_right_arithmetic3A_880, %add3A_160] : memref<256x128xf32, #tpu.memory_space<vmem>>[vector<16xi32>, vector<16xi32>], vector<16xf32>,
        %shift_right_arithmetic3A_882 = arith.constant 20 : i32
        %shift_right_arithmetic3A_883 = vector.broadcast %shift_right_arithmetic3A_882 : i32 to vector<16xi32>
        %shift_right_arithmetic3A_884 = arith.shrsi %gather3A_847, %shift_right_arithmetic3A_883 : vector<16xi32>
        %gather3A_885 = tpu.vector_load_idx %arg7[%shift_right_arithmetic3A_884, %add3A_163] : memref<256x128xf32, #tpu.memory_space<vmem>>[vector<16xi32>, vector<16xi32>], vector<16xf32>,
        %shift_right_arithmetic3A_886 = arith.constant 20 : i32
        %shift_right_arithmetic3A_887 = vector.broadcast %shift_right_arithmetic3A_886 : i32 to vector<16xi32>
        %shift_right_arithmetic3A_888 = arith.shrsi %gather3A_848, %shift_right_arithmetic3A_887 : vector<16xi32>
        %gather3A_889 = tpu.vector_load_idx %arg7[%shift_right_arithmetic3A_888, %add3A_166] : memref<256x128xf32, #tpu.memory_space<vmem>>[vector<16xi32>, vector<16xi32>], vector<16xf32>,
        %shift_right_arithmetic3A_890 = arith.constant 20 : i32
        %shift_right_arithmetic3A_891 = vector.broadcast %shift_right_arithmetic3A_890 : i32 to vector<16xi32>
        %shift_right_arithmetic3A_892 = arith.shrsi %gather3A_849, %shift_right_arithmetic3A_891 : vector<16xi32>
        %gather3A_893 = tpu.vector_load_idx %arg7[%shift_right_arithmetic3A_892, %add3A_169] : memref<256x128xf32, #tpu.memory_space<vmem>>[vector<16xi32>, vector<16xi32>], vector<16xf32>,
        %shift_right_arithmetic3A_894 = arith.constant 20 : i32
        %shift_right_arithmetic3A_895 = vector.broadcast %shift_right_arithmetic3A_894 : i32 to vector<16xi32>
        %shift_right_arithmetic3A_896 = arith.shrsi %gather3A_850, %shift_right_arithmetic3A_895 : vector<16xi32>
        %gather3A_897 = tpu.vector_load_idx %arg7[%shift_right_arithmetic3A_896, %add3A_172] : memref<256x128xf32, #tpu.memory_space<vmem>>[vector<16xi32>, vector<16xi32>], vector<16xf32>,
        %shift_right_arithmetic3A_898 = arith.constant 20 : i32
        %shift_right_arithmetic3A_899 = vector.broadcast %shift_right_arithmetic3A_898 : i32 to vector<16xi32>
        %shift_right_arithmetic3A_900 = arith.shrsi %gather3A_851, %shift_right_arithmetic3A_899 : vector<16xi32>
        %gather3A_901 = tpu.vector_load_idx %arg7[%shift_right_arithmetic3A_900, %add3A_175] : memref<256x128xf32, #tpu.memory_space<vmem>>[vector<16xi32>, vector<16xi32>], vector<16xf32>,
        %shift_right_arithmetic3A_902 = arith.constant 20 : i32
        %shift_right_arithmetic3A_903 = vector.broadcast %shift_right_arithmetic3A_902 : i32 to vector<16xi32>
        %shift_right_arithmetic3A_904 = arith.shrsi %gather3A_852, %shift_right_arithmetic3A_903 : vector<16xi32>
        %gather3A_905 = tpu.vector_load_idx %arg7[%shift_right_arithmetic3A_904, %add3A_178] : memref<256x128xf32, #tpu.memory_space<vmem>>[vector<16xi32>, vector<16xi32>], vector<16xf32>,
        %shift_right_arithmetic3A_906 = arith.constant 20 : i32
        %shift_right_arithmetic3A_907 = vector.broadcast %shift_right_arithmetic3A_906 : i32 to vector<16xi32>
        %shift_right_arithmetic3A_908 = arith.shrsi %gather3A_853, %shift_right_arithmetic3A_907 : vector<16xi32>
        %gather3A_909 = tpu.vector_load_idx %arg7[%shift_right_arithmetic3A_908, %add3A_181] : memref<256x128xf32, #tpu.memory_space<vmem>>[vector<16xi32>, vector<16xi32>], vector<16xf32>,
        %shift_right_arithmetic3A_910 = arith.constant 20 : i32
        %shift_right_arithmetic3A_911 = vector.broadcast %shift_right_arithmetic3A_910 : i32 to vector<16xi32>
        %shift_right_arithmetic3A_912 = arith.shrsi %gather3A_854, %shift_right_arithmetic3A_911 : vector<16xi32>
        %gather3A_913 = tpu.vector_load_idx %arg7[%shift_right_arithmetic3A_912, %add3A_160] : memref<256x128xf32, #tpu.memory_space<vmem>>[vector<16xi32>, vector<16xi32>], vector<16xf32>,
        %shift_right_arithmetic3A_914 = arith.constant 20 : i32
        %shift_right_arithmetic3A_915 = vector.broadcast %shift_right_arithmetic3A_914 : i32 to vector<16xi32>
        %shift_right_arithmetic3A_916 = arith.shrsi %gather3A_855, %shift_right_arithmetic3A_915 : vector<16xi32>
        %gather3A_917 = tpu.vector_load_idx %arg7[%shift_right_arithmetic3A_916, %add3A_163] : memref<256x128xf32, #tpu.memory_space<vmem>>[vector<16xi32>, vector<16xi32>], vector<16xf32>,
        %shift_right_arithmetic3A_918 = arith.constant 20 : i32
        %shift_right_arithmetic3A_919 = vector.broadcast %shift_right_arithmetic3A_918 : i32 to vector<16xi32>
        %shift_right_arithmetic3A_920 = arith.shrsi %gather3A_856, %shift_right_arithmetic3A_919 : vector<16xi32>
        %gather3A_921 = tpu.vector_load_idx %arg7[%shift_right_arithmetic3A_920, %add3A_166] : memref<256x128xf32, #tpu.memory_space<vmem>>[vector<16xi32>, vector<16xi32>], vector<16xf32>,
        %shift_right_arithmetic3A_922 = arith.constant 20 : i32
        %shift_right_arithmetic3A_923 = vector.broadcast %shift_right_arithmetic3A_922 : i32 to vector<16xi32>
        %shift_right_arithmetic3A_924 = arith.shrsi %gather3A_857, %shift_right_arithmetic3A_923 : vector<16xi32>
        %gather3A_925 = tpu.vector_load_idx %arg7[%shift_right_arithmetic3A_924, %add3A_169] : memref<256x128xf32, #tpu.memory_space<vmem>>[vector<16xi32>, vector<16xi32>], vector<16xf32>,
        %shift_right_arithmetic3A_926 = arith.constant 20 : i32
        %shift_right_arithmetic3A_927 = vector.broadcast %shift_right_arithmetic3A_926 : i32 to vector<16xi32>
        %shift_right_arithmetic3A_928 = arith.shrsi %gather3A_858, %shift_right_arithmetic3A_927 : vector<16xi32>
        %gather3A_929 = tpu.vector_load_idx %arg7[%shift_right_arithmetic3A_928, %add3A_172] : memref<256x128xf32, #tpu.memory_space<vmem>>[vector<16xi32>, vector<16xi32>], vector<16xf32>,
        %shift_right_arithmetic3A_930 = arith.constant 20 : i32
        %shift_right_arithmetic3A_931 = vector.broadcast %shift_right_arithmetic3A_930 : i32 to vector<16xi32>
        %shift_right_arithmetic3A_932 = arith.shrsi %gather3A_859, %shift_right_arithmetic3A_931 : vector<16xi32>
        %gather3A_933 = tpu.vector_load_idx %arg7[%shift_right_arithmetic3A_932, %add3A_175] : memref<256x128xf32, #tpu.memory_space<vmem>>[vector<16xi32>, vector<16xi32>], vector<16xf32>,
        %shift_right_arithmetic3A_934 = arith.constant 20 : i32
        %shift_right_arithmetic3A_935 = vector.broadcast %shift_right_arithmetic3A_934 : i32 to vector<16xi32>
        %shift_right_arithmetic3A_936 = arith.shrsi %gather3A_860, %shift_right_arithmetic3A_935 : vector<16xi32>
        %gather3A_937 = tpu.vector_load_idx %arg7[%shift_right_arithmetic3A_936, %add3A_178] : memref<256x128xf32, #tpu.memory_space<vmem>>[vector<16xi32>, vector<16xi32>], vector<16xf32>,
        %shift_right_arithmetic3A_938 = arith.constant 20 : i32
        %shift_right_arithmetic3A_939 = vector.broadcast %shift_right_arithmetic3A_938 : i32 to vector<16xi32>
        %shift_right_arithmetic3A_940 = arith.shrsi %gather3A_861, %shift_right_arithmetic3A_939 : vector<16xi32>
        %gather3A_941 = tpu.vector_load_idx %arg7[%shift_right_arithmetic3A_940, %add3A_181] : memref<256x128xf32, #tpu.memory_space<vmem>>[vector<16xi32>, vector<16xi32>], vector<16xf32>,
        %le3A_942 = arith.cmpf ole, %gather3A_881, %gather3A_862 : vector<16xf32>
        %shift_right_arithmetic3A_943 = arith.constant 10 : i32
        %shift_right_arithmetic3A_944 = vector.broadcast %shift_right_arithmetic3A_943 : i32 to vector<16xi32>
        %shift_right_arithmetic3A_945 = arith.shrsi %gather3A_846, %shift_right_arithmetic3A_944 : vector<16xi32>
        %and3A_946 = arith.constant 1023 : i32
        %and3A_947 = vector.broadcast %and3A_946 : i32 to vector<16xi32>
        %and3A_948 = arith.andi %shift_right_arithmetic3A_945, %and3A_947 : vector<16xi32>
        %and3A_949 = arith.constant 1023 : i32
        %and3A_950 = vector.broadcast %and3A_949 : i32 to vector<16xi32>
        %and3A_951 = arith.andi %gather3A_846, %and3A_950 : vector<16xi32>
        %select_n3A_952 = arith.select %le3A_942, %and3A_948, %and3A_951 : vector<16xi1>, vector<16xi32>
        %add3A_953 = arith.addi %select_n3A_952, %broadcast_in_dim3A : vector<16xi32>
        %le3A_954 = arith.cmpf ole, %gather3A_885, %gather3A_863 : vector<16xf32>
        %shift_right_arithmetic3A_955 = arith.constant 10 : i32
        %shift_right_arithmetic3A_956 = vector.broadcast %shift_right_arithmetic3A_955 : i32 to vector<16xi32>
        %shift_right_arithmetic3A_957 = arith.shrsi %gather3A_847, %shift_right_arithmetic3A_956 : vector<16xi32>
        %and3A_958 = arith.constant 1023 : i32
        %and3A_959 = vector.broadcast %and3A_958 : i32 to vector<16xi32>
        %and3A_960 = arith.andi %shift_right_arithmetic3A_957, %and3A_959 : vector<16xi32>
        %and3A_961 = arith.constant 1023 : i32
        %and3A_962 = vector.broadcast %and3A_961 : i32 to vector<16xi32>
        %and3A_963 = arith.andi %gather3A_847, %and3A_962 : vector<16xi32>
        %select_n3A_964 = arith.select %le3A_954, %and3A_960, %and3A_963 : vector<16xi1>, vector<16xi32>
        %add3A_965 = arith.addi %select_n3A_964, %broadcast_in_dim3A : vector<16xi32>
        %le3A_966 = arith.cmpf ole, %gather3A_889, %gather3A_864 : vector<16xf32>
        %shift_right_arithmetic3A_967 = arith.constant 10 : i32
        %shift_right_arithmetic3A_968 = vector.broadcast %shift_right_arithmetic3A_967 : i32 to vector<16xi32>
        %shift_right_arithmetic3A_969 = arith.shrsi %gather3A_848, %shift_right_arithmetic3A_968 : vector<16xi32>
        %and3A_970 = arith.constant 1023 : i32
        %and3A_971 = vector.broadcast %and3A_970 : i32 to vector<16xi32>
        %and3A_972 = arith.andi %shift_right_arithmetic3A_969, %and3A_971 : vector<16xi32>
        %and3A_973 = arith.constant 1023 : i32
        %and3A_974 = vector.broadcast %and3A_973 : i32 to vector<16xi32>
        %and3A_975 = arith.andi %gather3A_848, %and3A_974 : vector<16xi32>
        %select_n3A_976 = arith.select %le3A_966, %and3A_972, %and3A_975 : vector<16xi1>, vector<16xi32>
        %add3A_977 = arith.addi %select_n3A_976, %broadcast_in_dim3A : vector<16xi32>
        %le3A_978 = arith.cmpf ole, %gather3A_893, %gather3A_865 : vector<16xf32>
        %shift_right_arithmetic3A_979 = arith.constant 10 : i32
        %shift_right_arithmetic3A_980 = vector.broadcast %shift_right_arithmetic3A_979 : i32 to vector<16xi32>
        %shift_right_arithmetic3A_981 = arith.shrsi %gather3A_849, %shift_right_arithmetic3A_980 : vector<16xi32>
        %and3A_982 = arith.constant 1023 : i32
        %and3A_983 = vector.broadcast %and3A_982 : i32 to vector<16xi32>
        %and3A_984 = arith.andi %shift_right_arithmetic3A_981, %and3A_983 : vector<16xi32>
        %and3A_985 = arith.constant 1023 : i32
        %and3A_986 = vector.broadcast %and3A_985 : i32 to vector<16xi32>
        %and3A_987 = arith.andi %gather3A_849, %and3A_986 : vector<16xi32>
        %select_n3A_988 = arith.select %le3A_978, %and3A_984, %and3A_987 : vector<16xi1>, vector<16xi32>
        %add3A_989 = arith.addi %select_n3A_988, %broadcast_in_dim3A : vector<16xi32>
        %le3A_990 = arith.cmpf ole, %gather3A_897, %gather3A_866 : vector<16xf32>
        %shift_right_arithmetic3A_991 = arith.constant 10 : i32
        %shift_right_arithmetic3A_992 = vector.broadcast %shift_right_arithmetic3A_991 : i32 to vector<16xi32>
        %shift_right_arithmetic3A_993 = arith.shrsi %gather3A_850, %shift_right_arithmetic3A_992 : vector<16xi32>
        %and3A_994 = arith.constant 1023 : i32
        %and3A_995 = vector.broadcast %and3A_994 : i32 to vector<16xi32>
        %and3A_996 = arith.andi %shift_right_arithmetic3A_993, %and3A_995 : vector<16xi32>
        %and3A_997 = arith.constant 1023 : i32
        %and3A_998 = vector.broadcast %and3A_997 : i32 to vector<16xi32>
        %and3A_999 = arith.andi %gather3A_850, %and3A_998 : vector<16xi32>
        %select_n3A_1000 = arith.select %le3A_990, %and3A_996, %and3A_999 : vector<16xi1>, vector<16xi32>
        %add3A_1001 = arith.addi %select_n3A_1000, %broadcast_in_dim3A : vector<16xi32>
        %le3A_1002 = arith.cmpf ole, %gather3A_901, %gather3A_867 : vector<16xf32>
        %shift_right_arithmetic3A_1003 = arith.constant 10 : i32
        %shift_right_arithmetic3A_1004 = vector.broadcast %shift_right_arithmetic3A_1003 : i32 to vector<16xi32>
        %shift_right_arithmetic3A_1005 = arith.shrsi %gather3A_851, %shift_right_arithmetic3A_1004 : vector<16xi32>
        %and3A_1006 = arith.constant 1023 : i32
        %and3A_1007 = vector.broadcast %and3A_1006 : i32 to vector<16xi32>
        %and3A_1008 = arith.andi %shift_right_arithmetic3A_1005, %and3A_1007 : vector<16xi32>
        %and3A_1009 = arith.constant 1023 : i32
        %and3A_1010 = vector.broadcast %and3A_1009 : i32 to vector<16xi32>
        %and3A_1011 = arith.andi %gather3A_851, %and3A_1010 : vector<16xi32>
        %select_n3A_1012 = arith.select %le3A_1002, %and3A_1008, %and3A_1011 : vector<16xi1>, vector<16xi32>
        %add3A_1013 = arith.addi %select_n3A_1012, %broadcast_in_dim3A : vector<16xi32>
        %le3A_1014 = arith.cmpf ole, %gather3A_905, %gather3A_868 : vector<16xf32>
        %shift_right_arithmetic3A_1015 = arith.constant 10 : i32
        %shift_right_arithmetic3A_1016 = vector.broadcast %shift_right_arithmetic3A_1015 : i32 to vector<16xi32>
        %shift_right_arithmetic3A_1017 = arith.shrsi %gather3A_852, %shift_right_arithmetic3A_1016 : vector<16xi32>
        %and3A_1018 = arith.constant 1023 : i32
        %and3A_1019 = vector.broadcast %and3A_1018 : i32 to vector<16xi32>
        %and3A_1020 = arith.andi %shift_right_arithmetic3A_1017, %and3A_1019 : vector<16xi32>
        %and3A_1021 = arith.constant 1023 : i32
        %and3A_1022 = vector.broadcast %and3A_1021 : i32 to vector<16xi32>
        %and3A_1023 = arith.andi %gather3A_852, %and3A_1022 : vector<16xi32>
        %select_n3A_1024 = arith.select %le3A_1014, %and3A_1020, %and3A_1023 : vector<16xi1>, vector<16xi32>
        %add3A_1025 = arith.addi %select_n3A_1024, %broadcast_in_dim3A : vector<16xi32>
        %le3A_1026 = arith.cmpf ole, %gather3A_909, %gather3A_869 : vector<16xf32>
        %shift_right_arithmetic3A_1027 = arith.constant 10 : i32
        %shift_right_arithmetic3A_1028 = vector.broadcast %shift_right_arithmetic3A_1027 : i32 to vector<16xi32>
        %shift_right_arithmetic3A_1029 = arith.shrsi %gather3A_853, %shift_right_arithmetic3A_1028 : vector<16xi32>
        %and3A_1030 = arith.constant 1023 : i32
        %and3A_1031 = vector.broadcast %and3A_1030 : i32 to vector<16xi32>
        %and3A_1032 = arith.andi %shift_right_arithmetic3A_1029, %and3A_1031 : vector<16xi32>
        %and3A_1033 = arith.constant 1023 : i32
        %and3A_1034 = vector.broadcast %and3A_1033 : i32 to vector<16xi32>
        %and3A_1035 = arith.andi %gather3A_853, %and3A_1034 : vector<16xi32>
        %select_n3A_1036 = arith.select %le3A_1026, %and3A_1032, %and3A_1035 : vector<16xi1>, vector<16xi32>
        %add3A_1037 = arith.addi %select_n3A_1036, %broadcast_in_dim3A : vector<16xi32>
        %le3A_1038 = arith.cmpf ole, %gather3A_913, %gather3A_870 : vector<16xf32>
        %shift_right_arithmetic3A_1039 = arith.constant 10 : i32
        %shift_right_arithmetic3A_1040 = vector.broadcast %shift_right_arithmetic3A_1039 : i32 to vector<16xi32>
        %shift_right_arithmetic3A_1041 = arith.shrsi %gather3A_854, %shift_right_arithmetic3A_1040 : vector<16xi32>
        %and3A_1042 = arith.constant 1023 : i32
        %and3A_1043 = vector.broadcast %and3A_1042 : i32 to vector<16xi32>
        %and3A_1044 = arith.andi %shift_right_arithmetic3A_1041, %and3A_1043 : vector<16xi32>
        %and3A_1045 = arith.constant 1023 : i32
        %and3A_1046 = vector.broadcast %and3A_1045 : i32 to vector<16xi32>
        %and3A_1047 = arith.andi %gather3A_854, %and3A_1046 : vector<16xi32>
        %select_n3A_1048 = arith.select %le3A_1038, %and3A_1044, %and3A_1047 : vector<16xi1>, vector<16xi32>
        %add3A_1049 = arith.addi %select_n3A_1048, %broadcast_in_dim3A_375 : vector<16xi32>
        %le3A_1050 = arith.cmpf ole, %gather3A_917, %gather3A_871 : vector<16xf32>
        %shift_right_arithmetic3A_1051 = arith.constant 10 : i32
        %shift_right_arithmetic3A_1052 = vector.broadcast %shift_right_arithmetic3A_1051 : i32 to vector<16xi32>
        %shift_right_arithmetic3A_1053 = arith.shrsi %gather3A_855, %shift_right_arithmetic3A_1052 : vector<16xi32>
        %and3A_1054 = arith.constant 1023 : i32
        %and3A_1055 = vector.broadcast %and3A_1054 : i32 to vector<16xi32>
        %and3A_1056 = arith.andi %shift_right_arithmetic3A_1053, %and3A_1055 : vector<16xi32>
        %and3A_1057 = arith.constant 1023 : i32
        %and3A_1058 = vector.broadcast %and3A_1057 : i32 to vector<16xi32>
        %and3A_1059 = arith.andi %gather3A_855, %and3A_1058 : vector<16xi32>
        %select_n3A_1060 = arith.select %le3A_1050, %and3A_1056, %and3A_1059 : vector<16xi1>, vector<16xi32>
        %add3A_1061 = arith.addi %select_n3A_1060, %broadcast_in_dim3A_375 : vector<16xi32>
        %le3A_1062 = arith.cmpf ole, %gather3A_921, %gather3A_872 : vector<16xf32>
        %shift_right_arithmetic3A_1063 = arith.constant 10 : i32
        %shift_right_arithmetic3A_1064 = vector.broadcast %shift_right_arithmetic3A_1063 : i32 to vector<16xi32>
        %shift_right_arithmetic3A_1065 = arith.shrsi %gather3A_856, %shift_right_arithmetic3A_1064 : vector<16xi32>
        %and3A_1066 = arith.constant 1023 : i32
        %and3A_1067 = vector.broadcast %and3A_1066 : i32 to vector<16xi32>
        %and3A_1068 = arith.andi %shift_right_arithmetic3A_1065, %and3A_1067 : vector<16xi32>
        %and3A_1069 = arith.constant 1023 : i32
        %and3A_1070 = vector.broadcast %and3A_1069 : i32 to vector<16xi32>
        %and3A_1071 = arith.andi %gather3A_856, %and3A_1070 : vector<16xi32>
        %select_n3A_1072 = arith.select %le3A_1062, %and3A_1068, %and3A_1071 : vector<16xi1>, vector<16xi32>
        %add3A_1073 = arith.addi %select_n3A_1072, %broadcast_in_dim3A_375 : vector<16xi32>
        %le3A_1074 = arith.cmpf ole, %gather3A_925, %gather3A_873 : vector<16xf32>
        %shift_right_arithmetic3A_1075 = arith.constant 10 : i32
        %shift_right_arithmetic3A_1076 = vector.broadcast %shift_right_arithmetic3A_1075 : i32 to vector<16xi32>
        %shift_right_arithmetic3A_1077 = arith.shrsi %gather3A_857, %shift_right_arithmetic3A_1076 : vector<16xi32>
        %and3A_1078 = arith.constant 1023 : i32
        %and3A_1079 = vector.broadcast %and3A_1078 : i32 to vector<16xi32>
        %and3A_1080 = arith.andi %shift_right_arithmetic3A_1077, %and3A_1079 : vector<16xi32>
        %and3A_1081 = arith.constant 1023 : i32
        %and3A_1082 = vector.broadcast %and3A_1081 : i32 to vector<16xi32>
        %and3A_1083 = arith.andi %gather3A_857, %and3A_1082 : vector<16xi32>
        %select_n3A_1084 = arith.select %le3A_1074, %and3A_1080, %and3A_1083 : vector<16xi1>, vector<16xi32>
        %add3A_1085 = arith.addi %select_n3A_1084, %broadcast_in_dim3A_375 : vector<16xi32>
        %le3A_1086 = arith.cmpf ole, %gather3A_929, %gather3A_874 : vector<16xf32>
        %shift_right_arithmetic3A_1087 = arith.constant 10 : i32
        %shift_right_arithmetic3A_1088 = vector.broadcast %shift_right_arithmetic3A_1087 : i32 to vector<16xi32>
        %shift_right_arithmetic3A_1089 = arith.shrsi %gather3A_858, %shift_right_arithmetic3A_1088 : vector<16xi32>
        %and3A_1090 = arith.constant 1023 : i32
        %and3A_1091 = vector.broadcast %and3A_1090 : i32 to vector<16xi32>
        %and3A_1092 = arith.andi %shift_right_arithmetic3A_1089, %and3A_1091 : vector<16xi32>
        %and3A_1093 = arith.constant 1023 : i32
        %and3A_1094 = vector.broadcast %and3A_1093 : i32 to vector<16xi32>
        %and3A_1095 = arith.andi %gather3A_858, %and3A_1094 : vector<16xi32>
        %select_n3A_1096 = arith.select %le3A_1086, %and3A_1092, %and3A_1095 : vector<16xi1>, vector<16xi32>
        %add3A_1097 = arith.addi %select_n3A_1096, %broadcast_in_dim3A_375 : vector<16xi32>
        %le3A_1098 = arith.cmpf ole, %gather3A_933, %gather3A_875 : vector<16xf32>
        %shift_right_arithmetic3A_1099 = arith.constant 10 : i32
        %shift_right_arithmetic3A_1100 = vector.broadcast %shift_right_arithmetic3A_1099 : i32 to vector<16xi32>
        %shift_right_arithmetic3A_1101 = arith.shrsi %gather3A_859, %shift_right_arithmetic3A_1100 : vector<16xi32>
        %and3A_1102 = arith.constant 1023 : i32
        %and3A_1103 = vector.broadcast %and3A_1102 : i32 to vector<16xi32>
        %and3A_1104 = arith.andi %shift_right_arithmetic3A_1101, %and3A_1103 : vector<16xi32>
        %and3A_1105 = arith.constant 1023 : i32
        %and3A_1106 = vector.broadcast %and3A_1105 : i32 to vector<16xi32>
        %and3A_1107 = arith.andi %gather3A_859, %and3A_1106 : vector<16xi32>
        %select_n3A_1108 = arith.select %le3A_1098, %and3A_1104, %and3A_1107 : vector<16xi1>, vector<16xi32>
        %add3A_1109 = arith.addi %select_n3A_1108, %broadcast_in_dim3A_375 : vector<16xi32>
        %le3A_1110 = arith.cmpf ole, %gather3A_937, %gather3A_876 : vector<16xf32>
        %shift_right_arithmetic3A_1111 = arith.constant 10 : i32
        %shift_right_arithmetic3A_1112 = vector.broadcast %shift_right_arithmetic3A_1111 : i32 to vector<16xi32>
        %shift_right_arithmetic3A_1113 = arith.shrsi %gather3A_860, %shift_right_arithmetic3A_1112 : vector<16xi32>
        %and3A_1114 = arith.constant 1023 : i32
        %and3A_1115 = vector.broadcast %and3A_1114 : i32 to vector<16xi32>
        %and3A_1116 = arith.andi %shift_right_arithmetic3A_1113, %and3A_1115 : vector<16xi32>
        %and3A_1117 = arith.constant 1023 : i32
        %and3A_1118 = vector.broadcast %and3A_1117 : i32 to vector<16xi32>
        %and3A_1119 = arith.andi %gather3A_860, %and3A_1118 : vector<16xi32>
        %select_n3A_1120 = arith.select %le3A_1110, %and3A_1116, %and3A_1119 : vector<16xi1>, vector<16xi32>
        %add3A_1121 = arith.addi %select_n3A_1120, %broadcast_in_dim3A_375 : vector<16xi32>
        %le3A_1122 = arith.cmpf ole, %gather3A_941, %gather3A_877 : vector<16xf32>
        %shift_right_arithmetic3A_1123 = arith.constant 10 : i32
        %shift_right_arithmetic3A_1124 = vector.broadcast %shift_right_arithmetic3A_1123 : i32 to vector<16xi32>
        %shift_right_arithmetic3A_1125 = arith.shrsi %gather3A_861, %shift_right_arithmetic3A_1124 : vector<16xi32>
        %and3A_1126 = arith.constant 1023 : i32
        %and3A_1127 = vector.broadcast %and3A_1126 : i32 to vector<16xi32>
        %and3A_1128 = arith.andi %shift_right_arithmetic3A_1125, %and3A_1127 : vector<16xi32>
        %and3A_1129 = arith.constant 1023 : i32
        %and3A_1130 = vector.broadcast %and3A_1129 : i32 to vector<16xi32>
        %and3A_1131 = arith.andi %gather3A_861, %and3A_1130 : vector<16xi32>
        %select_n3A_1132 = arith.select %le3A_1122, %and3A_1128, %and3A_1131 : vector<16xi1>, vector<16xi32>
        %add3A_1133 = arith.addi %select_n3A_1132, %broadcast_in_dim3A_375 : vector<16xi32>
        %gather3A_1134 = tpu.vector_load_idx %arg8[%add3A_953] : memref<24576xi32, #tpu.memory_space<vmem>>[vector<16xi32>], vector<16xi32>,
        %gather3A_1135 = tpu.vector_load_idx %arg8[%add3A_965] : memref<24576xi32, #tpu.memory_space<vmem>>[vector<16xi32>], vector<16xi32>,
        %gather3A_1136 = tpu.vector_load_idx %arg8[%add3A_977] : memref<24576xi32, #tpu.memory_space<vmem>>[vector<16xi32>], vector<16xi32>,
        %gather3A_1137 = tpu.vector_load_idx %arg8[%add3A_989] : memref<24576xi32, #tpu.memory_space<vmem>>[vector<16xi32>], vector<16xi32>,
        %gather3A_1138 = tpu.vector_load_idx %arg8[%add3A_1001] : memref<24576xi32, #tpu.memory_space<vmem>>[vector<16xi32>], vector<16xi32>,
        %gather3A_1139 = tpu.vector_load_idx %arg8[%add3A_1013] : memref<24576xi32, #tpu.memory_space<vmem>>[vector<16xi32>], vector<16xi32>,
        %gather3A_1140 = tpu.vector_load_idx %arg8[%add3A_1025] : memref<24576xi32, #tpu.memory_space<vmem>>[vector<16xi32>], vector<16xi32>,
        %gather3A_1141 = tpu.vector_load_idx %arg8[%add3A_1037] : memref<24576xi32, #tpu.memory_space<vmem>>[vector<16xi32>], vector<16xi32>,
        %gather3A_1142 = tpu.vector_load_idx %arg8[%add3A_1049] : memref<24576xi32, #tpu.memory_space<vmem>>[vector<16xi32>], vector<16xi32>,
        %gather3A_1143 = tpu.vector_load_idx %arg8[%add3A_1061] : memref<24576xi32, #tpu.memory_space<vmem>>[vector<16xi32>], vector<16xi32>,
        %gather3A_1144 = tpu.vector_load_idx %arg8[%add3A_1073] : memref<24576xi32, #tpu.memory_space<vmem>>[vector<16xi32>], vector<16xi32>,
        %gather3A_1145 = tpu.vector_load_idx %arg8[%add3A_1085] : memref<24576xi32, #tpu.memory_space<vmem>>[vector<16xi32>], vector<16xi32>,
        %gather3A_1146 = tpu.vector_load_idx %arg8[%add3A_1097] : memref<24576xi32, #tpu.memory_space<vmem>>[vector<16xi32>], vector<16xi32>,
        %gather3A_1147 = tpu.vector_load_idx %arg8[%add3A_1109] : memref<24576xi32, #tpu.memory_space<vmem>>[vector<16xi32>], vector<16xi32>,
        %gather3A_1148 = tpu.vector_load_idx %arg8[%add3A_1121] : memref<24576xi32, #tpu.memory_space<vmem>>[vector<16xi32>], vector<16xi32>,
        %gather3A_1149 = tpu.vector_load_idx %arg8[%add3A_1133] : memref<24576xi32, #tpu.memory_space<vmem>>[vector<16xi32>], vector<16xi32>,
        %gather3A_1150 = tpu.vector_load_idx %arg9[%add3A_953] : memref<24576xf32, #tpu.memory_space<vmem>>[vector<16xi32>], vector<16xf32>,
        %gather3A_1151 = tpu.vector_load_idx %arg9[%add3A_965] : memref<24576xf32, #tpu.memory_space<vmem>>[vector<16xi32>], vector<16xf32>,
        %gather3A_1152 = tpu.vector_load_idx %arg9[%add3A_977] : memref<24576xf32, #tpu.memory_space<vmem>>[vector<16xi32>], vector<16xf32>,
        %gather3A_1153 = tpu.vector_load_idx %arg9[%add3A_989] : memref<24576xf32, #tpu.memory_space<vmem>>[vector<16xi32>], vector<16xf32>,
        %gather3A_1154 = tpu.vector_load_idx %arg9[%add3A_1001] : memref<24576xf32, #tpu.memory_space<vmem>>[vector<16xi32>], vector<16xf32>,
        %gather3A_1155 = tpu.vector_load_idx %arg9[%add3A_1013] : memref<24576xf32, #tpu.memory_space<vmem>>[vector<16xi32>], vector<16xf32>,
        %gather3A_1156 = tpu.vector_load_idx %arg9[%add3A_1025] : memref<24576xf32, #tpu.memory_space<vmem>>[vector<16xi32>], vector<16xf32>,
        %gather3A_1157 = tpu.vector_load_idx %arg9[%add3A_1037] : memref<24576xf32, #tpu.memory_space<vmem>>[vector<16xi32>], vector<16xf32>,
        %gather3A_1158 = tpu.vector_load_idx %arg9[%add3A_1049] : memref<24576xf32, #tpu.memory_space<vmem>>[vector<16xi32>], vector<16xf32>,
        %gather3A_1159 = tpu.vector_load_idx %arg9[%add3A_1061] : memref<24576xf32, #tpu.memory_space<vmem>>[vector<16xi32>], vector<16xf32>,
        %gather3A_1160 = tpu.vector_load_idx %arg9[%add3A_1073] : memref<24576xf32, #tpu.memory_space<vmem>>[vector<16xi32>], vector<16xf32>,
        %gather3A_1161 = tpu.vector_load_idx %arg9[%add3A_1085] : memref<24576xf32, #tpu.memory_space<vmem>>[vector<16xi32>], vector<16xf32>,
        %gather3A_1162 = tpu.vector_load_idx %arg9[%add3A_1097] : memref<24576xf32, #tpu.memory_space<vmem>>[vector<16xi32>], vector<16xf32>,
        %gather3A_1163 = tpu.vector_load_idx %arg9[%add3A_1109] : memref<24576xf32, #tpu.memory_space<vmem>>[vector<16xi32>], vector<16xf32>,
        %gather3A_1164 = tpu.vector_load_idx %arg9[%add3A_1121] : memref<24576xf32, #tpu.memory_space<vmem>>[vector<16xi32>], vector<16xf32>,
        %gather3A_1165 = tpu.vector_load_idx %arg9[%add3A_1133] : memref<24576xf32, #tpu.memory_space<vmem>>[vector<16xi32>], vector<16xf32>,
        %shift_right_arithmetic3A_1166 = arith.constant 20 : i32
        %shift_right_arithmetic3A_1167 = vector.broadcast %shift_right_arithmetic3A_1166 : i32 to vector<16xi32>
        %shift_right_arithmetic3A_1168 = arith.shrsi %gather3A_1134, %shift_right_arithmetic3A_1167 : vector<16xi32>
        %gather3A_1169 = tpu.vector_load_idx %arg7[%shift_right_arithmetic3A_1168, %add3A_160] : memref<256x128xf32, #tpu.memory_space<vmem>>[vector<16xi32>, vector<16xi32>], vector<16xf32>,
        %shift_right_arithmetic3A_1170 = arith.constant 20 : i32
        %shift_right_arithmetic3A_1171 = vector.broadcast %shift_right_arithmetic3A_1170 : i32 to vector<16xi32>
        %shift_right_arithmetic3A_1172 = arith.shrsi %gather3A_1135, %shift_right_arithmetic3A_1171 : vector<16xi32>
        %gather3A_1173 = tpu.vector_load_idx %arg7[%shift_right_arithmetic3A_1172, %add3A_163] : memref<256x128xf32, #tpu.memory_space<vmem>>[vector<16xi32>, vector<16xi32>], vector<16xf32>,
        %shift_right_arithmetic3A_1174 = arith.constant 20 : i32
        %shift_right_arithmetic3A_1175 = vector.broadcast %shift_right_arithmetic3A_1174 : i32 to vector<16xi32>
        %shift_right_arithmetic3A_1176 = arith.shrsi %gather3A_1136, %shift_right_arithmetic3A_1175 : vector<16xi32>
        %gather3A_1177 = tpu.vector_load_idx %arg7[%shift_right_arithmetic3A_1176, %add3A_166] : memref<256x128xf32, #tpu.memory_space<vmem>>[vector<16xi32>, vector<16xi32>], vector<16xf32>,
        %shift_right_arithmetic3A_1178 = arith.constant 20 : i32
        %shift_right_arithmetic3A_1179 = vector.broadcast %shift_right_arithmetic3A_1178 : i32 to vector<16xi32>
        %shift_right_arithmetic3A_1180 = arith.shrsi %gather3A_1137, %shift_right_arithmetic3A_1179 : vector<16xi32>
        %gather3A_1181 = tpu.vector_load_idx %arg7[%shift_right_arithmetic3A_1180, %add3A_169] : memref<256x128xf32, #tpu.memory_space<vmem>>[vector<16xi32>, vector<16xi32>], vector<16xf32>,
        %shift_right_arithmetic3A_1182 = arith.constant 20 : i32
        %shift_right_arithmetic3A_1183 = vector.broadcast %shift_right_arithmetic3A_1182 : i32 to vector<16xi32>
        %shift_right_arithmetic3A_1184 = arith.shrsi %gather3A_1138, %shift_right_arithmetic3A_1183 : vector<16xi32>
        %gather3A_1185 = tpu.vector_load_idx %arg7[%shift_right_arithmetic3A_1184, %add3A_172] : memref<256x128xf32, #tpu.memory_space<vmem>>[vector<16xi32>, vector<16xi32>], vector<16xf32>,
        %shift_right_arithmetic3A_1186 = arith.constant 20 : i32
        %shift_right_arithmetic3A_1187 = vector.broadcast %shift_right_arithmetic3A_1186 : i32 to vector<16xi32>
        %shift_right_arithmetic3A_1188 = arith.shrsi %gather3A_1139, %shift_right_arithmetic3A_1187 : vector<16xi32>
        %gather3A_1189 = tpu.vector_load_idx %arg7[%shift_right_arithmetic3A_1188, %add3A_175] : memref<256x128xf32, #tpu.memory_space<vmem>>[vector<16xi32>, vector<16xi32>], vector<16xf32>,
        %shift_right_arithmetic3A_1190 = arith.constant 20 : i32
        %shift_right_arithmetic3A_1191 = vector.broadcast %shift_right_arithmetic3A_1190 : i32 to vector<16xi32>
        %shift_right_arithmetic3A_1192 = arith.shrsi %gather3A_1140, %shift_right_arithmetic3A_1191 : vector<16xi32>
        %gather3A_1193 = tpu.vector_load_idx %arg7[%shift_right_arithmetic3A_1192, %add3A_178] : memref<256x128xf32, #tpu.memory_space<vmem>>[vector<16xi32>, vector<16xi32>], vector<16xf32>,
        %shift_right_arithmetic3A_1194 = arith.constant 20 : i32
        %shift_right_arithmetic3A_1195 = vector.broadcast %shift_right_arithmetic3A_1194 : i32 to vector<16xi32>
        %shift_right_arithmetic3A_1196 = arith.shrsi %gather3A_1141, %shift_right_arithmetic3A_1195 : vector<16xi32>
        %gather3A_1197 = tpu.vector_load_idx %arg7[%shift_right_arithmetic3A_1196, %add3A_181] : memref<256x128xf32, #tpu.memory_space<vmem>>[vector<16xi32>, vector<16xi32>], vector<16xf32>,
        %shift_right_arithmetic3A_1198 = arith.constant 20 : i32
        %shift_right_arithmetic3A_1199 = vector.broadcast %shift_right_arithmetic3A_1198 : i32 to vector<16xi32>
        %shift_right_arithmetic3A_1200 = arith.shrsi %gather3A_1142, %shift_right_arithmetic3A_1199 : vector<16xi32>
        %gather3A_1201 = tpu.vector_load_idx %arg7[%shift_right_arithmetic3A_1200, %add3A_160] : memref<256x128xf32, #tpu.memory_space<vmem>>[vector<16xi32>, vector<16xi32>], vector<16xf32>,
        %shift_right_arithmetic3A_1202 = arith.constant 20 : i32
        %shift_right_arithmetic3A_1203 = vector.broadcast %shift_right_arithmetic3A_1202 : i32 to vector<16xi32>
        %shift_right_arithmetic3A_1204 = arith.shrsi %gather3A_1143, %shift_right_arithmetic3A_1203 : vector<16xi32>
        %gather3A_1205 = tpu.vector_load_idx %arg7[%shift_right_arithmetic3A_1204, %add3A_163] : memref<256x128xf32, #tpu.memory_space<vmem>>[vector<16xi32>, vector<16xi32>], vector<16xf32>,
        %shift_right_arithmetic3A_1206 = arith.constant 20 : i32
        %shift_right_arithmetic3A_1207 = vector.broadcast %shift_right_arithmetic3A_1206 : i32 to vector<16xi32>
        %shift_right_arithmetic3A_1208 = arith.shrsi %gather3A_1144, %shift_right_arithmetic3A_1207 : vector<16xi32>
        %gather3A_1209 = tpu.vector_load_idx %arg7[%shift_right_arithmetic3A_1208, %add3A_166] : memref<256x128xf32, #tpu.memory_space<vmem>>[vector<16xi32>, vector<16xi32>], vector<16xf32>,
        %shift_right_arithmetic3A_1210 = arith.constant 20 : i32
        %shift_right_arithmetic3A_1211 = vector.broadcast %shift_right_arithmetic3A_1210 : i32 to vector<16xi32>
        %shift_right_arithmetic3A_1212 = arith.shrsi %gather3A_1145, %shift_right_arithmetic3A_1211 : vector<16xi32>
        %gather3A_1213 = tpu.vector_load_idx %arg7[%shift_right_arithmetic3A_1212, %add3A_169] : memref<256x128xf32, #tpu.memory_space<vmem>>[vector<16xi32>, vector<16xi32>], vector<16xf32>,
        %shift_right_arithmetic3A_1214 = arith.constant 20 : i32
        %shift_right_arithmetic3A_1215 = vector.broadcast %shift_right_arithmetic3A_1214 : i32 to vector<16xi32>
        %shift_right_arithmetic3A_1216 = arith.shrsi %gather3A_1146, %shift_right_arithmetic3A_1215 : vector<16xi32>
        %gather3A_1217 = tpu.vector_load_idx %arg7[%shift_right_arithmetic3A_1216, %add3A_172] : memref<256x128xf32, #tpu.memory_space<vmem>>[vector<16xi32>, vector<16xi32>], vector<16xf32>,
        %shift_right_arithmetic3A_1218 = arith.constant 20 : i32
        %shift_right_arithmetic3A_1219 = vector.broadcast %shift_right_arithmetic3A_1218 : i32 to vector<16xi32>
        %shift_right_arithmetic3A_1220 = arith.shrsi %gather3A_1147, %shift_right_arithmetic3A_1219 : vector<16xi32>
        %gather3A_1221 = tpu.vector_load_idx %arg7[%shift_right_arithmetic3A_1220, %add3A_175] : memref<256x128xf32, #tpu.memory_space<vmem>>[vector<16xi32>, vector<16xi32>], vector<16xf32>,
        %shift_right_arithmetic3A_1222 = arith.constant 20 : i32
        %shift_right_arithmetic3A_1223 = vector.broadcast %shift_right_arithmetic3A_1222 : i32 to vector<16xi32>
        %shift_right_arithmetic3A_1224 = arith.shrsi %gather3A_1148, %shift_right_arithmetic3A_1223 : vector<16xi32>
        %gather3A_1225 = tpu.vector_load_idx %arg7[%shift_right_arithmetic3A_1224, %add3A_178] : memref<256x128xf32, #tpu.memory_space<vmem>>[vector<16xi32>, vector<16xi32>], vector<16xf32>,
        %shift_right_arithmetic3A_1226 = arith.constant 20 : i32
        %shift_right_arithmetic3A_1227 = vector.broadcast %shift_right_arithmetic3A_1226 : i32 to vector<16xi32>
        %shift_right_arithmetic3A_1228 = arith.shrsi %gather3A_1149, %shift_right_arithmetic3A_1227 : vector<16xi32>
        %gather3A_1229 = tpu.vector_load_idx %arg7[%shift_right_arithmetic3A_1228, %add3A_181] : memref<256x128xf32, #tpu.memory_space<vmem>>[vector<16xi32>, vector<16xi32>], vector<16xf32>,
        %le3A_1230 = arith.cmpf ole, %gather3A_1169, %gather3A_1150 : vector<16xf32>
        %shift_right_arithmetic3A_1231 = arith.constant 10 : i32
        %shift_right_arithmetic3A_1232 = vector.broadcast %shift_right_arithmetic3A_1231 : i32 to vector<16xi32>
        %shift_right_arithmetic3A_1233 = arith.shrsi %gather3A_1134, %shift_right_arithmetic3A_1232 : vector<16xi32>
        %and3A_1234 = arith.constant 1023 : i32
        %and3A_1235 = vector.broadcast %and3A_1234 : i32 to vector<16xi32>
        %and3A_1236 = arith.andi %shift_right_arithmetic3A_1233, %and3A_1235 : vector<16xi32>
        %and3A_1237 = arith.constant 1023 : i32
        %and3A_1238 = vector.broadcast %and3A_1237 : i32 to vector<16xi32>
        %and3A_1239 = arith.andi %gather3A_1134, %and3A_1238 : vector<16xi32>
        %select_n3A_1240 = arith.select %le3A_1230, %and3A_1236, %and3A_1239 : vector<16xi1>, vector<16xi32>
        %add3A_1241 = arith.addi %select_n3A_1240, %broadcast_in_dim3A : vector<16xi32>
        %le3A_1242 = arith.cmpf ole, %gather3A_1173, %gather3A_1151 : vector<16xf32>
        %shift_right_arithmetic3A_1243 = arith.constant 10 : i32
        %shift_right_arithmetic3A_1244 = vector.broadcast %shift_right_arithmetic3A_1243 : i32 to vector<16xi32>
        %shift_right_arithmetic3A_1245 = arith.shrsi %gather3A_1135, %shift_right_arithmetic3A_1244 : vector<16xi32>
        %and3A_1246 = arith.constant 1023 : i32
        %and3A_1247 = vector.broadcast %and3A_1246 : i32 to vector<16xi32>
        %and3A_1248 = arith.andi %shift_right_arithmetic3A_1245, %and3A_1247 : vector<16xi32>
        %and3A_1249 = arith.constant 1023 : i32
        %and3A_1250 = vector.broadcast %and3A_1249 : i32 to vector<16xi32>
        %and3A_1251 = arith.andi %gather3A_1135, %and3A_1250 : vector<16xi32>
        %select_n3A_1252 = arith.select %le3A_1242, %and3A_1248, %and3A_1251 : vector<16xi1>, vector<16xi32>
        %add3A_1253 = arith.addi %select_n3A_1252, %broadcast_in_dim3A : vector<16xi32>
        %le3A_1254 = arith.cmpf ole, %gather3A_1177, %gather3A_1152 : vector<16xf32>
        %shift_right_arithmetic3A_1255 = arith.constant 10 : i32
        %shift_right_arithmetic3A_1256 = vector.broadcast %shift_right_arithmetic3A_1255 : i32 to vector<16xi32>
        %shift_right_arithmetic3A_1257 = arith.shrsi %gather3A_1136, %shift_right_arithmetic3A_1256 : vector<16xi32>
        %and3A_1258 = arith.constant 1023 : i32
        %and3A_1259 = vector.broadcast %and3A_1258 : i32 to vector<16xi32>
        %and3A_1260 = arith.andi %shift_right_arithmetic3A_1257, %and3A_1259 : vector<16xi32>
        %and3A_1261 = arith.constant 1023 : i32
        %and3A_1262 = vector.broadcast %and3A_1261 : i32 to vector<16xi32>
        %and3A_1263 = arith.andi %gather3A_1136, %and3A_1262 : vector<16xi32>
        %select_n3A_1264 = arith.select %le3A_1254, %and3A_1260, %and3A_1263 : vector<16xi1>, vector<16xi32>
        %add3A_1265 = arith.addi %select_n3A_1264, %broadcast_in_dim3A : vector<16xi32>
        %le3A_1266 = arith.cmpf ole, %gather3A_1181, %gather3A_1153 : vector<16xf32>
        %shift_right_arithmetic3A_1267 = arith.constant 10 : i32
        %shift_right_arithmetic3A_1268 = vector.broadcast %shift_right_arithmetic3A_1267 : i32 to vector<16xi32>
        %shift_right_arithmetic3A_1269 = arith.shrsi %gather3A_1137, %shift_right_arithmetic3A_1268 : vector<16xi32>
        %and3A_1270 = arith.constant 1023 : i32
        %and3A_1271 = vector.broadcast %and3A_1270 : i32 to vector<16xi32>
        %and3A_1272 = arith.andi %shift_right_arithmetic3A_1269, %and3A_1271 : vector<16xi32>
        %and3A_1273 = arith.constant 1023 : i32
        %and3A_1274 = vector.broadcast %and3A_1273 : i32 to vector<16xi32>
        %and3A_1275 = arith.andi %gather3A_1137, %and3A_1274 : vector<16xi32>
        %select_n3A_1276 = arith.select %le3A_1266, %and3A_1272, %and3A_1275 : vector<16xi1>, vector<16xi32>
        %add3A_1277 = arith.addi %select_n3A_1276, %broadcast_in_dim3A : vector<16xi32>
        %le3A_1278 = arith.cmpf ole, %gather3A_1185, %gather3A_1154 : vector<16xf32>
        %shift_right_arithmetic3A_1279 = arith.constant 10 : i32
        %shift_right_arithmetic3A_1280 = vector.broadcast %shift_right_arithmetic3A_1279 : i32 to vector<16xi32>
        %shift_right_arithmetic3A_1281 = arith.shrsi %gather3A_1138, %shift_right_arithmetic3A_1280 : vector<16xi32>
        %and3A_1282 = arith.constant 1023 : i32
        %and3A_1283 = vector.broadcast %and3A_1282 : i32 to vector<16xi32>
        %and3A_1284 = arith.andi %shift_right_arithmetic3A_1281, %and3A_1283 : vector<16xi32>
        %and3A_1285 = arith.constant 1023 : i32
        %and3A_1286 = vector.broadcast %and3A_1285 : i32 to vector<16xi32>
        %and3A_1287 = arith.andi %gather3A_1138, %and3A_1286 : vector<16xi32>
        %select_n3A_1288 = arith.select %le3A_1278, %and3A_1284, %and3A_1287 : vector<16xi1>, vector<16xi32>
        %add3A_1289 = arith.addi %select_n3A_1288, %broadcast_in_dim3A : vector<16xi32>
        %le3A_1290 = arith.cmpf ole, %gather3A_1189, %gather3A_1155 : vector<16xf32>
        %shift_right_arithmetic3A_1291 = arith.constant 10 : i32
        %shift_right_arithmetic3A_1292 = vector.broadcast %shift_right_arithmetic3A_1291 : i32 to vector<16xi32>
        %shift_right_arithmetic3A_1293 = arith.shrsi %gather3A_1139, %shift_right_arithmetic3A_1292 : vector<16xi32>
        %and3A_1294 = arith.constant 1023 : i32
        %and3A_1295 = vector.broadcast %and3A_1294 : i32 to vector<16xi32>
        %and3A_1296 = arith.andi %shift_right_arithmetic3A_1293, %and3A_1295 : vector<16xi32>
        %and3A_1297 = arith.constant 1023 : i32
        %and3A_1298 = vector.broadcast %and3A_1297 : i32 to vector<16xi32>
        %and3A_1299 = arith.andi %gather3A_1139, %and3A_1298 : vector<16xi32>
        %select_n3A_1300 = arith.select %le3A_1290, %and3A_1296, %and3A_1299 : vector<16xi1>, vector<16xi32>
        %add3A_1301 = arith.addi %select_n3A_1300, %broadcast_in_dim3A : vector<16xi32>
        %le3A_1302 = arith.cmpf ole, %gather3A_1193, %gather3A_1156 : vector<16xf32>
        %shift_right_arithmetic3A_1303 = arith.constant 10 : i32
        %shift_right_arithmetic3A_1304 = vector.broadcast %shift_right_arithmetic3A_1303 : i32 to vector<16xi32>
        %shift_right_arithmetic3A_1305 = arith.shrsi %gather3A_1140, %shift_right_arithmetic3A_1304 : vector<16xi32>
        %and3A_1306 = arith.constant 1023 : i32
        %and3A_1307 = vector.broadcast %and3A_1306 : i32 to vector<16xi32>
        %and3A_1308 = arith.andi %shift_right_arithmetic3A_1305, %and3A_1307 : vector<16xi32>
        %and3A_1309 = arith.constant 1023 : i32
        %and3A_1310 = vector.broadcast %and3A_1309 : i32 to vector<16xi32>
        %and3A_1311 = arith.andi %gather3A_1140, %and3A_1310 : vector<16xi32>
        %select_n3A_1312 = arith.select %le3A_1302, %and3A_1308, %and3A_1311 : vector<16xi1>, vector<16xi32>
        %add3A_1313 = arith.addi %select_n3A_1312, %broadcast_in_dim3A : vector<16xi32>
        %le3A_1314 = arith.cmpf ole, %gather3A_1197, %gather3A_1157 : vector<16xf32>
        %shift_right_arithmetic3A_1315 = arith.constant 10 : i32
        %shift_right_arithmetic3A_1316 = vector.broadcast %shift_right_arithmetic3A_1315 : i32 to vector<16xi32>
        %shift_right_arithmetic3A_1317 = arith.shrsi %gather3A_1141, %shift_right_arithmetic3A_1316 : vector<16xi32>
        %and3A_1318 = arith.constant 1023 : i32
        %and3A_1319 = vector.broadcast %and3A_1318 : i32 to vector<16xi32>
        %and3A_1320 = arith.andi %shift_right_arithmetic3A_1317, %and3A_1319 : vector<16xi32>
        %and3A_1321 = arith.constant 1023 : i32
        %and3A_1322 = vector.broadcast %and3A_1321 : i32 to vector<16xi32>
        %and3A_1323 = arith.andi %gather3A_1141, %and3A_1322 : vector<16xi32>
        %select_n3A_1324 = arith.select %le3A_1314, %and3A_1320, %and3A_1323 : vector<16xi1>, vector<16xi32>
        %add3A_1325 = arith.addi %select_n3A_1324, %broadcast_in_dim3A : vector<16xi32>
        %le3A_1326 = arith.cmpf ole, %gather3A_1201, %gather3A_1158 : vector<16xf32>
        %shift_right_arithmetic3A_1327 = arith.constant 10 : i32
        %shift_right_arithmetic3A_1328 = vector.broadcast %shift_right_arithmetic3A_1327 : i32 to vector<16xi32>
        %shift_right_arithmetic3A_1329 = arith.shrsi %gather3A_1142, %shift_right_arithmetic3A_1328 : vector<16xi32>
        %and3A_1330 = arith.constant 1023 : i32
        %and3A_1331 = vector.broadcast %and3A_1330 : i32 to vector<16xi32>
        %and3A_1332 = arith.andi %shift_right_arithmetic3A_1329, %and3A_1331 : vector<16xi32>
        %and3A_1333 = arith.constant 1023 : i32
        %and3A_1334 = vector.broadcast %and3A_1333 : i32 to vector<16xi32>
        %and3A_1335 = arith.andi %gather3A_1142, %and3A_1334 : vector<16xi32>
        %select_n3A_1336 = arith.select %le3A_1326, %and3A_1332, %and3A_1335 : vector<16xi1>, vector<16xi32>
        %add3A_1337 = arith.addi %select_n3A_1336, %broadcast_in_dim3A_375 : vector<16xi32>
        %le3A_1338 = arith.cmpf ole, %gather3A_1205, %gather3A_1159 : vector<16xf32>
        %shift_right_arithmetic3A_1339 = arith.constant 10 : i32
        %shift_right_arithmetic3A_1340 = vector.broadcast %shift_right_arithmetic3A_1339 : i32 to vector<16xi32>
        %shift_right_arithmetic3A_1341 = arith.shrsi %gather3A_1143, %shift_right_arithmetic3A_1340 : vector<16xi32>
        %and3A_1342 = arith.constant 1023 : i32
        %and3A_1343 = vector.broadcast %and3A_1342 : i32 to vector<16xi32>
        %and3A_1344 = arith.andi %shift_right_arithmetic3A_1341, %and3A_1343 : vector<16xi32>
        %and3A_1345 = arith.constant 1023 : i32
        %and3A_1346 = vector.broadcast %and3A_1345 : i32 to vector<16xi32>
        %and3A_1347 = arith.andi %gather3A_1143, %and3A_1346 : vector<16xi32>
        %select_n3A_1348 = arith.select %le3A_1338, %and3A_1344, %and3A_1347 : vector<16xi1>, vector<16xi32>
        %add3A_1349 = arith.addi %select_n3A_1348, %broadcast_in_dim3A_375 : vector<16xi32>
        %le3A_1350 = arith.cmpf ole, %gather3A_1209, %gather3A_1160 : vector<16xf32>
        %shift_right_arithmetic3A_1351 = arith.constant 10 : i32
        %shift_right_arithmetic3A_1352 = vector.broadcast %shift_right_arithmetic3A_1351 : i32 to vector<16xi32>
        %shift_right_arithmetic3A_1353 = arith.shrsi %gather3A_1144, %shift_right_arithmetic3A_1352 : vector<16xi32>
        %and3A_1354 = arith.constant 1023 : i32
        %and3A_1355 = vector.broadcast %and3A_1354 : i32 to vector<16xi32>
        %and3A_1356 = arith.andi %shift_right_arithmetic3A_1353, %and3A_1355 : vector<16xi32>
        %and3A_1357 = arith.constant 1023 : i32
        %and3A_1358 = vector.broadcast %and3A_1357 : i32 to vector<16xi32>
        %and3A_1359 = arith.andi %gather3A_1144, %and3A_1358 : vector<16xi32>
        %select_n3A_1360 = arith.select %le3A_1350, %and3A_1356, %and3A_1359 : vector<16xi1>, vector<16xi32>
        %add3A_1361 = arith.addi %select_n3A_1360, %broadcast_in_dim3A_375 : vector<16xi32>
        %le3A_1362 = arith.cmpf ole, %gather3A_1213, %gather3A_1161 : vector<16xf32>
        %shift_right_arithmetic3A_1363 = arith.constant 10 : i32
        %shift_right_arithmetic3A_1364 = vector.broadcast %shift_right_arithmetic3A_1363 : i32 to vector<16xi32>
        %shift_right_arithmetic3A_1365 = arith.shrsi %gather3A_1145, %shift_right_arithmetic3A_1364 : vector<16xi32>
        %and3A_1366 = arith.constant 1023 : i32
        %and3A_1367 = vector.broadcast %and3A_1366 : i32 to vector<16xi32>
        %and3A_1368 = arith.andi %shift_right_arithmetic3A_1365, %and3A_1367 : vector<16xi32>
        %and3A_1369 = arith.constant 1023 : i32
        %and3A_1370 = vector.broadcast %and3A_1369 : i32 to vector<16xi32>
        %and3A_1371 = arith.andi %gather3A_1145, %and3A_1370 : vector<16xi32>
        %select_n3A_1372 = arith.select %le3A_1362, %and3A_1368, %and3A_1371 : vector<16xi1>, vector<16xi32>
        %add3A_1373 = arith.addi %select_n3A_1372, %broadcast_in_dim3A_375 : vector<16xi32>
        %le3A_1374 = arith.cmpf ole, %gather3A_1217, %gather3A_1162 : vector<16xf32>
        %shift_right_arithmetic3A_1375 = arith.constant 10 : i32
        %shift_right_arithmetic3A_1376 = vector.broadcast %shift_right_arithmetic3A_1375 : i32 to vector<16xi32>
        %shift_right_arithmetic3A_1377 = arith.shrsi %gather3A_1146, %shift_right_arithmetic3A_1376 : vector<16xi32>
        %and3A_1378 = arith.constant 1023 : i32
        %and3A_1379 = vector.broadcast %and3A_1378 : i32 to vector<16xi32>
        %and3A_1380 = arith.andi %shift_right_arithmetic3A_1377, %and3A_1379 : vector<16xi32>
        %and3A_1381 = arith.constant 1023 : i32
        %and3A_1382 = vector.broadcast %and3A_1381 : i32 to vector<16xi32>
        %and3A_1383 = arith.andi %gather3A_1146, %and3A_1382 : vector<16xi32>
        %select_n3A_1384 = arith.select %le3A_1374, %and3A_1380, %and3A_1383 : vector<16xi1>, vector<16xi32>
        %add3A_1385 = arith.addi %select_n3A_1384, %broadcast_in_dim3A_375 : vector<16xi32>
        %le3A_1386 = arith.cmpf ole, %gather3A_1221, %gather3A_1163 : vector<16xf32>
        %shift_right_arithmetic3A_1387 = arith.constant 10 : i32
        %shift_right_arithmetic3A_1388 = vector.broadcast %shift_right_arithmetic3A_1387 : i32 to vector<16xi32>
        %shift_right_arithmetic3A_1389 = arith.shrsi %gather3A_1147, %shift_right_arithmetic3A_1388 : vector<16xi32>
        %and3A_1390 = arith.constant 1023 : i32
        %and3A_1391 = vector.broadcast %and3A_1390 : i32 to vector<16xi32>
        %and3A_1392 = arith.andi %shift_right_arithmetic3A_1389, %and3A_1391 : vector<16xi32>
        %and3A_1393 = arith.constant 1023 : i32
        %and3A_1394 = vector.broadcast %and3A_1393 : i32 to vector<16xi32>
        %and3A_1395 = arith.andi %gather3A_1147, %and3A_1394 : vector<16xi32>
        %select_n3A_1396 = arith.select %le3A_1386, %and3A_1392, %and3A_1395 : vector<16xi1>, vector<16xi32>
        %add3A_1397 = arith.addi %select_n3A_1396, %broadcast_in_dim3A_375 : vector<16xi32>
        %le3A_1398 = arith.cmpf ole, %gather3A_1225, %gather3A_1164 : vector<16xf32>
        %shift_right_arithmetic3A_1399 = arith.constant 10 : i32
        %shift_right_arithmetic3A_1400 = vector.broadcast %shift_right_arithmetic3A_1399 : i32 to vector<16xi32>
        %shift_right_arithmetic3A_1401 = arith.shrsi %gather3A_1148, %shift_right_arithmetic3A_1400 : vector<16xi32>
        %and3A_1402 = arith.constant 1023 : i32
        %and3A_1403 = vector.broadcast %and3A_1402 : i32 to vector<16xi32>
        %and3A_1404 = arith.andi %shift_right_arithmetic3A_1401, %and3A_1403 : vector<16xi32>
        %and3A_1405 = arith.constant 1023 : i32
        %and3A_1406 = vector.broadcast %and3A_1405 : i32 to vector<16xi32>
        %and3A_1407 = arith.andi %gather3A_1148, %and3A_1406 : vector<16xi32>
        %select_n3A_1408 = arith.select %le3A_1398, %and3A_1404, %and3A_1407 : vector<16xi1>, vector<16xi32>
        %add3A_1409 = arith.addi %select_n3A_1408, %broadcast_in_dim3A_375 : vector<16xi32>
        %le3A_1410 = arith.cmpf ole, %gather3A_1229, %gather3A_1165 : vector<16xf32>
        %shift_right_arithmetic3A_1411 = arith.constant 10 : i32
        %shift_right_arithmetic3A_1412 = vector.broadcast %shift_right_arithmetic3A_1411 : i32 to vector<16xi32>
        %shift_right_arithmetic3A_1413 = arith.shrsi %gather3A_1149, %shift_right_arithmetic3A_1412 : vector<16xi32>
        %and3A_1414 = arith.constant 1023 : i32
        %and3A_1415 = vector.broadcast %and3A_1414 : i32 to vector<16xi32>
        %and3A_1416 = arith.andi %shift_right_arithmetic3A_1413, %and3A_1415 : vector<16xi32>
        %and3A_1417 = arith.constant 1023 : i32
        %and3A_1418 = vector.broadcast %and3A_1417 : i32 to vector<16xi32>
        %and3A_1419 = arith.andi %gather3A_1149, %and3A_1418 : vector<16xi32>
        %select_n3A_1420 = arith.select %le3A_1410, %and3A_1416, %and3A_1419 : vector<16xi1>, vector<16xi32>
        %add3A_1421 = arith.addi %select_n3A_1420, %broadcast_in_dim3A_375 : vector<16xi32>
        %gather3A_1422 = tpu.vector_load_idx %arg8[%add3A_1241] : memref<24576xi32, #tpu.memory_space<vmem>>[vector<16xi32>], vector<16xi32>,
        %gather3A_1423 = tpu.vector_load_idx %arg8[%add3A_1253] : memref<24576xi32, #tpu.memory_space<vmem>>[vector<16xi32>], vector<16xi32>,
        %gather3A_1424 = tpu.vector_load_idx %arg8[%add3A_1265] : memref<24576xi32, #tpu.memory_space<vmem>>[vector<16xi32>], vector<16xi32>,
        %gather3A_1425 = tpu.vector_load_idx %arg8[%add3A_1277] : memref<24576xi32, #tpu.memory_space<vmem>>[vector<16xi32>], vector<16xi32>,
        %gather3A_1426 = tpu.vector_load_idx %arg8[%add3A_1289] : memref<24576xi32, #tpu.memory_space<vmem>>[vector<16xi32>], vector<16xi32>,
        %gather3A_1427 = tpu.vector_load_idx %arg8[%add3A_1301] : memref<24576xi32, #tpu.memory_space<vmem>>[vector<16xi32>], vector<16xi32>,
        %gather3A_1428 = tpu.vector_load_idx %arg8[%add3A_1313] : memref<24576xi32, #tpu.memory_space<vmem>>[vector<16xi32>], vector<16xi32>,
        %gather3A_1429 = tpu.vector_load_idx %arg8[%add3A_1325] : memref<24576xi32, #tpu.memory_space<vmem>>[vector<16xi32>], vector<16xi32>,
        %gather3A_1430 = tpu.vector_load_idx %arg8[%add3A_1337] : memref<24576xi32, #tpu.memory_space<vmem>>[vector<16xi32>], vector<16xi32>,
        %gather3A_1431 = tpu.vector_load_idx %arg8[%add3A_1349] : memref<24576xi32, #tpu.memory_space<vmem>>[vector<16xi32>], vector<16xi32>,
        %gather3A_1432 = tpu.vector_load_idx %arg8[%add3A_1361] : memref<24576xi32, #tpu.memory_space<vmem>>[vector<16xi32>], vector<16xi32>,
        %gather3A_1433 = tpu.vector_load_idx %arg8[%add3A_1373] : memref<24576xi32, #tpu.memory_space<vmem>>[vector<16xi32>], vector<16xi32>,
        %gather3A_1434 = tpu.vector_load_idx %arg8[%add3A_1385] : memref<24576xi32, #tpu.memory_space<vmem>>[vector<16xi32>], vector<16xi32>,
        %gather3A_1435 = tpu.vector_load_idx %arg8[%add3A_1397] : memref<24576xi32, #tpu.memory_space<vmem>>[vector<16xi32>], vector<16xi32>,
        %gather3A_1436 = tpu.vector_load_idx %arg8[%add3A_1409] : memref<24576xi32, #tpu.memory_space<vmem>>[vector<16xi32>], vector<16xi32>,
        %gather3A_1437 = tpu.vector_load_idx %arg8[%add3A_1421] : memref<24576xi32, #tpu.memory_space<vmem>>[vector<16xi32>], vector<16xi32>,
        %gather3A_1438 = tpu.vector_load_idx %arg9[%add3A_1241] : memref<24576xf32, #tpu.memory_space<vmem>>[vector<16xi32>], vector<16xf32>,
        %gather3A_1439 = tpu.vector_load_idx %arg9[%add3A_1253] : memref<24576xf32, #tpu.memory_space<vmem>>[vector<16xi32>], vector<16xf32>,
        %gather3A_1440 = tpu.vector_load_idx %arg9[%add3A_1265] : memref<24576xf32, #tpu.memory_space<vmem>>[vector<16xi32>], vector<16xf32>,
        %gather3A_1441 = tpu.vector_load_idx %arg9[%add3A_1277] : memref<24576xf32, #tpu.memory_space<vmem>>[vector<16xi32>], vector<16xf32>,
        %gather3A_1442 = tpu.vector_load_idx %arg9[%add3A_1289] : memref<24576xf32, #tpu.memory_space<vmem>>[vector<16xi32>], vector<16xf32>,
        %gather3A_1443 = tpu.vector_load_idx %arg9[%add3A_1301] : memref<24576xf32, #tpu.memory_space<vmem>>[vector<16xi32>], vector<16xf32>,
        %gather3A_1444 = tpu.vector_load_idx %arg9[%add3A_1313] : memref<24576xf32, #tpu.memory_space<vmem>>[vector<16xi32>], vector<16xf32>,
        %gather3A_1445 = tpu.vector_load_idx %arg9[%add3A_1325] : memref<24576xf32, #tpu.memory_space<vmem>>[vector<16xi32>], vector<16xf32>,
        %gather3A_1446 = tpu.vector_load_idx %arg9[%add3A_1337] : memref<24576xf32, #tpu.memory_space<vmem>>[vector<16xi32>], vector<16xf32>,
        %gather3A_1447 = tpu.vector_load_idx %arg9[%add3A_1349] : memref<24576xf32, #tpu.memory_space<vmem>>[vector<16xi32>], vector<16xf32>,
        %gather3A_1448 = tpu.vector_load_idx %arg9[%add3A_1361] : memref<24576xf32, #tpu.memory_space<vmem>>[vector<16xi32>], vector<16xf32>,
        %gather3A_1449 = tpu.vector_load_idx %arg9[%add3A_1373] : memref<24576xf32, #tpu.memory_space<vmem>>[vector<16xi32>], vector<16xf32>,
        %gather3A_1450 = tpu.vector_load_idx %arg9[%add3A_1385] : memref<24576xf32, #tpu.memory_space<vmem>>[vector<16xi32>], vector<16xf32>,
        %gather3A_1451 = tpu.vector_load_idx %arg9[%add3A_1397] : memref<24576xf32, #tpu.memory_space<vmem>>[vector<16xi32>], vector<16xf32>,
        %gather3A_1452 = tpu.vector_load_idx %arg9[%add3A_1409] : memref<24576xf32, #tpu.memory_space<vmem>>[vector<16xi32>], vector<16xf32>,
        %gather3A_1453 = tpu.vector_load_idx %arg9[%add3A_1421] : memref<24576xf32, #tpu.memory_space<vmem>>[vector<16xi32>], vector<16xf32>,
        %shift_right_arithmetic3A_1454 = arith.constant 20 : i32
        %shift_right_arithmetic3A_1455 = vector.broadcast %shift_right_arithmetic3A_1454 : i32 to vector<16xi32>
        %shift_right_arithmetic3A_1456 = arith.shrsi %gather3A_1422, %shift_right_arithmetic3A_1455 : vector<16xi32>
        %gather3A_1457 = tpu.vector_load_idx %arg7[%shift_right_arithmetic3A_1456, %add3A_160] : memref<256x128xf32, #tpu.memory_space<vmem>>[vector<16xi32>, vector<16xi32>], vector<16xf32>,
        %shift_right_arithmetic3A_1458 = arith.constant 20 : i32
        %shift_right_arithmetic3A_1459 = vector.broadcast %shift_right_arithmetic3A_1458 : i32 to vector<16xi32>
        %shift_right_arithmetic3A_1460 = arith.shrsi %gather3A_1423, %shift_right_arithmetic3A_1459 : vector<16xi32>
        %gather3A_1461 = tpu.vector_load_idx %arg7[%shift_right_arithmetic3A_1460, %add3A_163] : memref<256x128xf32, #tpu.memory_space<vmem>>[vector<16xi32>, vector<16xi32>], vector<16xf32>,
        %shift_right_arithmetic3A_1462 = arith.constant 20 : i32
        %shift_right_arithmetic3A_1463 = vector.broadcast %shift_right_arithmetic3A_1462 : i32 to vector<16xi32>
        %shift_right_arithmetic3A_1464 = arith.shrsi %gather3A_1424, %shift_right_arithmetic3A_1463 : vector<16xi32>
        %gather3A_1465 = tpu.vector_load_idx %arg7[%shift_right_arithmetic3A_1464, %add3A_166] : memref<256x128xf32, #tpu.memory_space<vmem>>[vector<16xi32>, vector<16xi32>], vector<16xf32>,
        %shift_right_arithmetic3A_1466 = arith.constant 20 : i32
        %shift_right_arithmetic3A_1467 = vector.broadcast %shift_right_arithmetic3A_1466 : i32 to vector<16xi32>
        %shift_right_arithmetic3A_1468 = arith.shrsi %gather3A_1425, %shift_right_arithmetic3A_1467 : vector<16xi32>
        %gather3A_1469 = tpu.vector_load_idx %arg7[%shift_right_arithmetic3A_1468, %add3A_169] : memref<256x128xf32, #tpu.memory_space<vmem>>[vector<16xi32>, vector<16xi32>], vector<16xf32>,
        %shift_right_arithmetic3A_1470 = arith.constant 20 : i32
        %shift_right_arithmetic3A_1471 = vector.broadcast %shift_right_arithmetic3A_1470 : i32 to vector<16xi32>
        %shift_right_arithmetic3A_1472 = arith.shrsi %gather3A_1426, %shift_right_arithmetic3A_1471 : vector<16xi32>
        %gather3A_1473 = tpu.vector_load_idx %arg7[%shift_right_arithmetic3A_1472, %add3A_172] : memref<256x128xf32, #tpu.memory_space<vmem>>[vector<16xi32>, vector<16xi32>], vector<16xf32>,
        %shift_right_arithmetic3A_1474 = arith.constant 20 : i32
        %shift_right_arithmetic3A_1475 = vector.broadcast %shift_right_arithmetic3A_1474 : i32 to vector<16xi32>
        %shift_right_arithmetic3A_1476 = arith.shrsi %gather3A_1427, %shift_right_arithmetic3A_1475 : vector<16xi32>
        %gather3A_1477 = tpu.vector_load_idx %arg7[%shift_right_arithmetic3A_1476, %add3A_175] : memref<256x128xf32, #tpu.memory_space<vmem>>[vector<16xi32>, vector<16xi32>], vector<16xf32>,
        %shift_right_arithmetic3A_1478 = arith.constant 20 : i32
        %shift_right_arithmetic3A_1479 = vector.broadcast %shift_right_arithmetic3A_1478 : i32 to vector<16xi32>
        %shift_right_arithmetic3A_1480 = arith.shrsi %gather3A_1428, %shift_right_arithmetic3A_1479 : vector<16xi32>
        %gather3A_1481 = tpu.vector_load_idx %arg7[%shift_right_arithmetic3A_1480, %add3A_178] : memref<256x128xf32, #tpu.memory_space<vmem>>[vector<16xi32>, vector<16xi32>], vector<16xf32>,
        %shift_right_arithmetic3A_1482 = arith.constant 20 : i32
        %shift_right_arithmetic3A_1483 = vector.broadcast %shift_right_arithmetic3A_1482 : i32 to vector<16xi32>
        %shift_right_arithmetic3A_1484 = arith.shrsi %gather3A_1429, %shift_right_arithmetic3A_1483 : vector<16xi32>
        %gather3A_1485 = tpu.vector_load_idx %arg7[%shift_right_arithmetic3A_1484, %add3A_181] : memref<256x128xf32, #tpu.memory_space<vmem>>[vector<16xi32>, vector<16xi32>], vector<16xf32>,
        %shift_right_arithmetic3A_1486 = arith.constant 20 : i32
        %shift_right_arithmetic3A_1487 = vector.broadcast %shift_right_arithmetic3A_1486 : i32 to vector<16xi32>
        %shift_right_arithmetic3A_1488 = arith.shrsi %gather3A_1430, %shift_right_arithmetic3A_1487 : vector<16xi32>
        %gather3A_1489 = tpu.vector_load_idx %arg7[%shift_right_arithmetic3A_1488, %add3A_160] : memref<256x128xf32, #tpu.memory_space<vmem>>[vector<16xi32>, vector<16xi32>], vector<16xf32>,
        %shift_right_arithmetic3A_1490 = arith.constant 20 : i32
        %shift_right_arithmetic3A_1491 = vector.broadcast %shift_right_arithmetic3A_1490 : i32 to vector<16xi32>
        %shift_right_arithmetic3A_1492 = arith.shrsi %gather3A_1431, %shift_right_arithmetic3A_1491 : vector<16xi32>
        %gather3A_1493 = tpu.vector_load_idx %arg7[%shift_right_arithmetic3A_1492, %add3A_163] : memref<256x128xf32, #tpu.memory_space<vmem>>[vector<16xi32>, vector<16xi32>], vector<16xf32>,
        %shift_right_arithmetic3A_1494 = arith.constant 20 : i32
        %shift_right_arithmetic3A_1495 = vector.broadcast %shift_right_arithmetic3A_1494 : i32 to vector<16xi32>
        %shift_right_arithmetic3A_1496 = arith.shrsi %gather3A_1432, %shift_right_arithmetic3A_1495 : vector<16xi32>
        %gather3A_1497 = tpu.vector_load_idx %arg7[%shift_right_arithmetic3A_1496, %add3A_166] : memref<256x128xf32, #tpu.memory_space<vmem>>[vector<16xi32>, vector<16xi32>], vector<16xf32>,
        %shift_right_arithmetic3A_1498 = arith.constant 20 : i32
        %shift_right_arithmetic3A_1499 = vector.broadcast %shift_right_arithmetic3A_1498 : i32 to vector<16xi32>
        %shift_right_arithmetic3A_1500 = arith.shrsi %gather3A_1433, %shift_right_arithmetic3A_1499 : vector<16xi32>
        %gather3A_1501 = tpu.vector_load_idx %arg7[%shift_right_arithmetic3A_1500, %add3A_169] : memref<256x128xf32, #tpu.memory_space<vmem>>[vector<16xi32>, vector<16xi32>], vector<16xf32>,
        %shift_right_arithmetic3A_1502 = arith.constant 20 : i32
        %shift_right_arithmetic3A_1503 = vector.broadcast %shift_right_arithmetic3A_1502 : i32 to vector<16xi32>
        %shift_right_arithmetic3A_1504 = arith.shrsi %gather3A_1434, %shift_right_arithmetic3A_1503 : vector<16xi32>
        %gather3A_1505 = tpu.vector_load_idx %arg7[%shift_right_arithmetic3A_1504, %add3A_172] : memref<256x128xf32, #tpu.memory_space<vmem>>[vector<16xi32>, vector<16xi32>], vector<16xf32>,
        %shift_right_arithmetic3A_1506 = arith.constant 20 : i32
        %shift_right_arithmetic3A_1507 = vector.broadcast %shift_right_arithmetic3A_1506 : i32 to vector<16xi32>
        %shift_right_arithmetic3A_1508 = arith.shrsi %gather3A_1435, %shift_right_arithmetic3A_1507 : vector<16xi32>
        %gather3A_1509 = tpu.vector_load_idx %arg7[%shift_right_arithmetic3A_1508, %add3A_175] : memref<256x128xf32, #tpu.memory_space<vmem>>[vector<16xi32>, vector<16xi32>], vector<16xf32>,
        %shift_right_arithmetic3A_1510 = arith.constant 20 : i32
        %shift_right_arithmetic3A_1511 = vector.broadcast %shift_right_arithmetic3A_1510 : i32 to vector<16xi32>
        %shift_right_arithmetic3A_1512 = arith.shrsi %gather3A_1436, %shift_right_arithmetic3A_1511 : vector<16xi32>
        %gather3A_1513 = tpu.vector_load_idx %arg7[%shift_right_arithmetic3A_1512, %add3A_178] : memref<256x128xf32, #tpu.memory_space<vmem>>[vector<16xi32>, vector<16xi32>], vector<16xf32>,
        %shift_right_arithmetic3A_1514 = arith.constant 20 : i32
        %shift_right_arithmetic3A_1515 = vector.broadcast %shift_right_arithmetic3A_1514 : i32 to vector<16xi32>
        %shift_right_arithmetic3A_1516 = arith.shrsi %gather3A_1437, %shift_right_arithmetic3A_1515 : vector<16xi32>
        %gather3A_1517 = tpu.vector_load_idx %arg7[%shift_right_arithmetic3A_1516, %add3A_181] : memref<256x128xf32, #tpu.memory_space<vmem>>[vector<16xi32>, vector<16xi32>], vector<16xf32>,
        %le3A_1518 = arith.cmpf ole, %gather3A_1457, %gather3A_1438 : vector<16xf32>
        %shift_right_arithmetic3A_1519 = arith.constant 10 : i32
        %shift_right_arithmetic3A_1520 = vector.broadcast %shift_right_arithmetic3A_1519 : i32 to vector<16xi32>
        %shift_right_arithmetic3A_1521 = arith.shrsi %gather3A_1422, %shift_right_arithmetic3A_1520 : vector<16xi32>
        %and3A_1522 = arith.constant 1023 : i32
        %and3A_1523 = vector.broadcast %and3A_1522 : i32 to vector<16xi32>
        %and3A_1524 = arith.andi %shift_right_arithmetic3A_1521, %and3A_1523 : vector<16xi32>
        %and3A_1525 = arith.constant 1023 : i32
        %and3A_1526 = vector.broadcast %and3A_1525 : i32 to vector<16xi32>
        %and3A_1527 = arith.andi %gather3A_1422, %and3A_1526 : vector<16xi32>
        %select_n3A_1528 = arith.select %le3A_1518, %and3A_1524, %and3A_1527 : vector<16xi1>, vector<16xi32>
        %add3A_1529 = arith.addi %select_n3A_1528, %broadcast_in_dim3A : vector<16xi32>
        %le3A_1530 = arith.cmpf ole, %gather3A_1461, %gather3A_1439 : vector<16xf32>
        %shift_right_arithmetic3A_1531 = arith.constant 10 : i32
        %shift_right_arithmetic3A_1532 = vector.broadcast %shift_right_arithmetic3A_1531 : i32 to vector<16xi32>
        %shift_right_arithmetic3A_1533 = arith.shrsi %gather3A_1423, %shift_right_arithmetic3A_1532 : vector<16xi32>
        %and3A_1534 = arith.constant 1023 : i32
        %and3A_1535 = vector.broadcast %and3A_1534 : i32 to vector<16xi32>
        %and3A_1536 = arith.andi %shift_right_arithmetic3A_1533, %and3A_1535 : vector<16xi32>
        %and3A_1537 = arith.constant 1023 : i32
        %and3A_1538 = vector.broadcast %and3A_1537 : i32 to vector<16xi32>
        %and3A_1539 = arith.andi %gather3A_1423, %and3A_1538 : vector<16xi32>
        %select_n3A_1540 = arith.select %le3A_1530, %and3A_1536, %and3A_1539 : vector<16xi1>, vector<16xi32>
        %add3A_1541 = arith.addi %select_n3A_1540, %broadcast_in_dim3A : vector<16xi32>
        %le3A_1542 = arith.cmpf ole, %gather3A_1465, %gather3A_1440 : vector<16xf32>
        %shift_right_arithmetic3A_1543 = arith.constant 10 : i32
        %shift_right_arithmetic3A_1544 = vector.broadcast %shift_right_arithmetic3A_1543 : i32 to vector<16xi32>
        %shift_right_arithmetic3A_1545 = arith.shrsi %gather3A_1424, %shift_right_arithmetic3A_1544 : vector<16xi32>
        %and3A_1546 = arith.constant 1023 : i32
        %and3A_1547 = vector.broadcast %and3A_1546 : i32 to vector<16xi32>
        %and3A_1548 = arith.andi %shift_right_arithmetic3A_1545, %and3A_1547 : vector<16xi32>
        %and3A_1549 = arith.constant 1023 : i32
        %and3A_1550 = vector.broadcast %and3A_1549 : i32 to vector<16xi32>
        %and3A_1551 = arith.andi %gather3A_1424, %and3A_1550 : vector<16xi32>
        %select_n3A_1552 = arith.select %le3A_1542, %and3A_1548, %and3A_1551 : vector<16xi1>, vector<16xi32>
        %add3A_1553 = arith.addi %select_n3A_1552, %broadcast_in_dim3A : vector<16xi32>
        %le3A_1554 = arith.cmpf ole, %gather3A_1469, %gather3A_1441 : vector<16xf32>
        %shift_right_arithmetic3A_1555 = arith.constant 10 : i32
        %shift_right_arithmetic3A_1556 = vector.broadcast %shift_right_arithmetic3A_1555 : i32 to vector<16xi32>
        %shift_right_arithmetic3A_1557 = arith.shrsi %gather3A_1425, %shift_right_arithmetic3A_1556 : vector<16xi32>
        %and3A_1558 = arith.constant 1023 : i32
        %and3A_1559 = vector.broadcast %and3A_1558 : i32 to vector<16xi32>
        %and3A_1560 = arith.andi %shift_right_arithmetic3A_1557, %and3A_1559 : vector<16xi32>
        %and3A_1561 = arith.constant 1023 : i32
        %and3A_1562 = vector.broadcast %and3A_1561 : i32 to vector<16xi32>
        %and3A_1563 = arith.andi %gather3A_1425, %and3A_1562 : vector<16xi32>
        %select_n3A_1564 = arith.select %le3A_1554, %and3A_1560, %and3A_1563 : vector<16xi1>, vector<16xi32>
        %add3A_1565 = arith.addi %select_n3A_1564, %broadcast_in_dim3A : vector<16xi32>
        %le3A_1566 = arith.cmpf ole, %gather3A_1473, %gather3A_1442 : vector<16xf32>
        %shift_right_arithmetic3A_1567 = arith.constant 10 : i32
        %shift_right_arithmetic3A_1568 = vector.broadcast %shift_right_arithmetic3A_1567 : i32 to vector<16xi32>
        %shift_right_arithmetic3A_1569 = arith.shrsi %gather3A_1426, %shift_right_arithmetic3A_1568 : vector<16xi32>
        %and3A_1570 = arith.constant 1023 : i32
        %and3A_1571 = vector.broadcast %and3A_1570 : i32 to vector<16xi32>
        %and3A_1572 = arith.andi %shift_right_arithmetic3A_1569, %and3A_1571 : vector<16xi32>
        %and3A_1573 = arith.constant 1023 : i32
        %and3A_1574 = vector.broadcast %and3A_1573 : i32 to vector<16xi32>
        %and3A_1575 = arith.andi %gather3A_1426, %and3A_1574 : vector<16xi32>
        %select_n3A_1576 = arith.select %le3A_1566, %and3A_1572, %and3A_1575 : vector<16xi1>, vector<16xi32>
        %add3A_1577 = arith.addi %select_n3A_1576, %broadcast_in_dim3A : vector<16xi32>
        %le3A_1578 = arith.cmpf ole, %gather3A_1477, %gather3A_1443 : vector<16xf32>
        %shift_right_arithmetic3A_1579 = arith.constant 10 : i32
        %shift_right_arithmetic3A_1580 = vector.broadcast %shift_right_arithmetic3A_1579 : i32 to vector<16xi32>
        %shift_right_arithmetic3A_1581 = arith.shrsi %gather3A_1427, %shift_right_arithmetic3A_1580 : vector<16xi32>
        %and3A_1582 = arith.constant 1023 : i32
        %and3A_1583 = vector.broadcast %and3A_1582 : i32 to vector<16xi32>
        %and3A_1584 = arith.andi %shift_right_arithmetic3A_1581, %and3A_1583 : vector<16xi32>
        %and3A_1585 = arith.constant 1023 : i32
        %and3A_1586 = vector.broadcast %and3A_1585 : i32 to vector<16xi32>
        %and3A_1587 = arith.andi %gather3A_1427, %and3A_1586 : vector<16xi32>
        %select_n3A_1588 = arith.select %le3A_1578, %and3A_1584, %and3A_1587 : vector<16xi1>, vector<16xi32>
        %add3A_1589 = arith.addi %select_n3A_1588, %broadcast_in_dim3A : vector<16xi32>
        %le3A_1590 = arith.cmpf ole, %gather3A_1481, %gather3A_1444 : vector<16xf32>
        %shift_right_arithmetic3A_1591 = arith.constant 10 : i32
        %shift_right_arithmetic3A_1592 = vector.broadcast %shift_right_arithmetic3A_1591 : i32 to vector<16xi32>
        %shift_right_arithmetic3A_1593 = arith.shrsi %gather3A_1428, %shift_right_arithmetic3A_1592 : vector<16xi32>
        %and3A_1594 = arith.constant 1023 : i32
        %and3A_1595 = vector.broadcast %and3A_1594 : i32 to vector<16xi32>
        %and3A_1596 = arith.andi %shift_right_arithmetic3A_1593, %and3A_1595 : vector<16xi32>
        %and3A_1597 = arith.constant 1023 : i32
        %and3A_1598 = vector.broadcast %and3A_1597 : i32 to vector<16xi32>
        %and3A_1599 = arith.andi %gather3A_1428, %and3A_1598 : vector<16xi32>
        %select_n3A_1600 = arith.select %le3A_1590, %and3A_1596, %and3A_1599 : vector<16xi1>, vector<16xi32>
        %add3A_1601 = arith.addi %select_n3A_1600, %broadcast_in_dim3A : vector<16xi32>
        %le3A_1602 = arith.cmpf ole, %gather3A_1485, %gather3A_1445 : vector<16xf32>
        %shift_right_arithmetic3A_1603 = arith.constant 10 : i32
        %shift_right_arithmetic3A_1604 = vector.broadcast %shift_right_arithmetic3A_1603 : i32 to vector<16xi32>
        %shift_right_arithmetic3A_1605 = arith.shrsi %gather3A_1429, %shift_right_arithmetic3A_1604 : vector<16xi32>
        %and3A_1606 = arith.constant 1023 : i32
        %and3A_1607 = vector.broadcast %and3A_1606 : i32 to vector<16xi32>
        %and3A_1608 = arith.andi %shift_right_arithmetic3A_1605, %and3A_1607 : vector<16xi32>
        %and3A_1609 = arith.constant 1023 : i32
        %and3A_1610 = vector.broadcast %and3A_1609 : i32 to vector<16xi32>
        %and3A_1611 = arith.andi %gather3A_1429, %and3A_1610 : vector<16xi32>
        %select_n3A_1612 = arith.select %le3A_1602, %and3A_1608, %and3A_1611 : vector<16xi1>, vector<16xi32>
        %add3A_1613 = arith.addi %select_n3A_1612, %broadcast_in_dim3A : vector<16xi32>
        %le3A_1614 = arith.cmpf ole, %gather3A_1489, %gather3A_1446 : vector<16xf32>
        %shift_right_arithmetic3A_1615 = arith.constant 10 : i32
        %shift_right_arithmetic3A_1616 = vector.broadcast %shift_right_arithmetic3A_1615 : i32 to vector<16xi32>
        %shift_right_arithmetic3A_1617 = arith.shrsi %gather3A_1430, %shift_right_arithmetic3A_1616 : vector<16xi32>
        %and3A_1618 = arith.constant 1023 : i32
        %and3A_1619 = vector.broadcast %and3A_1618 : i32 to vector<16xi32>
        %and3A_1620 = arith.andi %shift_right_arithmetic3A_1617, %and3A_1619 : vector<16xi32>
        %and3A_1621 = arith.constant 1023 : i32
        %and3A_1622 = vector.broadcast %and3A_1621 : i32 to vector<16xi32>
        %and3A_1623 = arith.andi %gather3A_1430, %and3A_1622 : vector<16xi32>
        %select_n3A_1624 = arith.select %le3A_1614, %and3A_1620, %and3A_1623 : vector<16xi1>, vector<16xi32>
        %add3A_1625 = arith.addi %select_n3A_1624, %broadcast_in_dim3A_375 : vector<16xi32>
        %le3A_1626 = arith.cmpf ole, %gather3A_1493, %gather3A_1447 : vector<16xf32>
        %shift_right_arithmetic3A_1627 = arith.constant 10 : i32
        %shift_right_arithmetic3A_1628 = vector.broadcast %shift_right_arithmetic3A_1627 : i32 to vector<16xi32>
        %shift_right_arithmetic3A_1629 = arith.shrsi %gather3A_1431, %shift_right_arithmetic3A_1628 : vector<16xi32>
        %and3A_1630 = arith.constant 1023 : i32
        %and3A_1631 = vector.broadcast %and3A_1630 : i32 to vector<16xi32>
        %and3A_1632 = arith.andi %shift_right_arithmetic3A_1629, %and3A_1631 : vector<16xi32>
        %and3A_1633 = arith.constant 1023 : i32
        %and3A_1634 = vector.broadcast %and3A_1633 : i32 to vector<16xi32>
        %and3A_1635 = arith.andi %gather3A_1431, %and3A_1634 : vector<16xi32>
        %select_n3A_1636 = arith.select %le3A_1626, %and3A_1632, %and3A_1635 : vector<16xi1>, vector<16xi32>
        %add3A_1637 = arith.addi %select_n3A_1636, %broadcast_in_dim3A_375 : vector<16xi32>
        %le3A_1638 = arith.cmpf ole, %gather3A_1497, %gather3A_1448 : vector<16xf32>
        %shift_right_arithmetic3A_1639 = arith.constant 10 : i32
        %shift_right_arithmetic3A_1640 = vector.broadcast %shift_right_arithmetic3A_1639 : i32 to vector<16xi32>
        %shift_right_arithmetic3A_1641 = arith.shrsi %gather3A_1432, %shift_right_arithmetic3A_1640 : vector<16xi32>
        %and3A_1642 = arith.constant 1023 : i32
        %and3A_1643 = vector.broadcast %and3A_1642 : i32 to vector<16xi32>
        %and3A_1644 = arith.andi %shift_right_arithmetic3A_1641, %and3A_1643 : vector<16xi32>
        %and3A_1645 = arith.constant 1023 : i32
        %and3A_1646 = vector.broadcast %and3A_1645 : i32 to vector<16xi32>
        %and3A_1647 = arith.andi %gather3A_1432, %and3A_1646 : vector<16xi32>
        %select_n3A_1648 = arith.select %le3A_1638, %and3A_1644, %and3A_1647 : vector<16xi1>, vector<16xi32>
        %add3A_1649 = arith.addi %select_n3A_1648, %broadcast_in_dim3A_375 : vector<16xi32>
        %le3A_1650 = arith.cmpf ole, %gather3A_1501, %gather3A_1449 : vector<16xf32>
        %shift_right_arithmetic3A_1651 = arith.constant 10 : i32
        %shift_right_arithmetic3A_1652 = vector.broadcast %shift_right_arithmetic3A_1651 : i32 to vector<16xi32>
        %shift_right_arithmetic3A_1653 = arith.shrsi %gather3A_1433, %shift_right_arithmetic3A_1652 : vector<16xi32>
        %and3A_1654 = arith.constant 1023 : i32
        %and3A_1655 = vector.broadcast %and3A_1654 : i32 to vector<16xi32>
        %and3A_1656 = arith.andi %shift_right_arithmetic3A_1653, %and3A_1655 : vector<16xi32>
        %and3A_1657 = arith.constant 1023 : i32
        %and3A_1658 = vector.broadcast %and3A_1657 : i32 to vector<16xi32>
        %and3A_1659 = arith.andi %gather3A_1433, %and3A_1658 : vector<16xi32>
        %select_n3A_1660 = arith.select %le3A_1650, %and3A_1656, %and3A_1659 : vector<16xi1>, vector<16xi32>
        %add3A_1661 = arith.addi %select_n3A_1660, %broadcast_in_dim3A_375 : vector<16xi32>
        %le3A_1662 = arith.cmpf ole, %gather3A_1505, %gather3A_1450 : vector<16xf32>
        %shift_right_arithmetic3A_1663 = arith.constant 10 : i32
        %shift_right_arithmetic3A_1664 = vector.broadcast %shift_right_arithmetic3A_1663 : i32 to vector<16xi32>
        %shift_right_arithmetic3A_1665 = arith.shrsi %gather3A_1434, %shift_right_arithmetic3A_1664 : vector<16xi32>
        %and3A_1666 = arith.constant 1023 : i32
        %and3A_1667 = vector.broadcast %and3A_1666 : i32 to vector<16xi32>
        %and3A_1668 = arith.andi %shift_right_arithmetic3A_1665, %and3A_1667 : vector<16xi32>
        %and3A_1669 = arith.constant 1023 : i32
        %and3A_1670 = vector.broadcast %and3A_1669 : i32 to vector<16xi32>
        %and3A_1671 = arith.andi %gather3A_1434, %and3A_1670 : vector<16xi32>
        %select_n3A_1672 = arith.select %le3A_1662, %and3A_1668, %and3A_1671 : vector<16xi1>, vector<16xi32>
        %add3A_1673 = arith.addi %select_n3A_1672, %broadcast_in_dim3A_375 : vector<16xi32>
        %le3A_1674 = arith.cmpf ole, %gather3A_1509, %gather3A_1451 : vector<16xf32>
        %shift_right_arithmetic3A_1675 = arith.constant 10 : i32
        %shift_right_arithmetic3A_1676 = vector.broadcast %shift_right_arithmetic3A_1675 : i32 to vector<16xi32>
        %shift_right_arithmetic3A_1677 = arith.shrsi %gather3A_1435, %shift_right_arithmetic3A_1676 : vector<16xi32>
        %and3A_1678 = arith.constant 1023 : i32
        %and3A_1679 = vector.broadcast %and3A_1678 : i32 to vector<16xi32>
        %and3A_1680 = arith.andi %shift_right_arithmetic3A_1677, %and3A_1679 : vector<16xi32>
        %and3A_1681 = arith.constant 1023 : i32
        %and3A_1682 = vector.broadcast %and3A_1681 : i32 to vector<16xi32>
        %and3A_1683 = arith.andi %gather3A_1435, %and3A_1682 : vector<16xi32>
        %select_n3A_1684 = arith.select %le3A_1674, %and3A_1680, %and3A_1683 : vector<16xi1>, vector<16xi32>
        %add3A_1685 = arith.addi %select_n3A_1684, %broadcast_in_dim3A_375 : vector<16xi32>
        %le3A_1686 = arith.cmpf ole, %gather3A_1513, %gather3A_1452 : vector<16xf32>
        %shift_right_arithmetic3A_1687 = arith.constant 10 : i32
        %shift_right_arithmetic3A_1688 = vector.broadcast %shift_right_arithmetic3A_1687 : i32 to vector<16xi32>
        %shift_right_arithmetic3A_1689 = arith.shrsi %gather3A_1436, %shift_right_arithmetic3A_1688 : vector<16xi32>
        %and3A_1690 = arith.constant 1023 : i32
        %and3A_1691 = vector.broadcast %and3A_1690 : i32 to vector<16xi32>
        %and3A_1692 = arith.andi %shift_right_arithmetic3A_1689, %and3A_1691 : vector<16xi32>
        %and3A_1693 = arith.constant 1023 : i32
        %and3A_1694 = vector.broadcast %and3A_1693 : i32 to vector<16xi32>
        %and3A_1695 = arith.andi %gather3A_1436, %and3A_1694 : vector<16xi32>
        %select_n3A_1696 = arith.select %le3A_1686, %and3A_1692, %and3A_1695 : vector<16xi1>, vector<16xi32>
        %add3A_1697 = arith.addi %select_n3A_1696, %broadcast_in_dim3A_375 : vector<16xi32>
        %le3A_1698 = arith.cmpf ole, %gather3A_1517, %gather3A_1453 : vector<16xf32>
        %shift_right_arithmetic3A_1699 = arith.constant 10 : i32
        %shift_right_arithmetic3A_1700 = vector.broadcast %shift_right_arithmetic3A_1699 : i32 to vector<16xi32>
        %shift_right_arithmetic3A_1701 = arith.shrsi %gather3A_1437, %shift_right_arithmetic3A_1700 : vector<16xi32>
        %and3A_1702 = arith.constant 1023 : i32
        %and3A_1703 = vector.broadcast %and3A_1702 : i32 to vector<16xi32>
        %and3A_1704 = arith.andi %shift_right_arithmetic3A_1701, %and3A_1703 : vector<16xi32>
        %and3A_1705 = arith.constant 1023 : i32
        %and3A_1706 = vector.broadcast %and3A_1705 : i32 to vector<16xi32>
        %and3A_1707 = arith.andi %gather3A_1437, %and3A_1706 : vector<16xi32>
        %select_n3A_1708 = arith.select %le3A_1698, %and3A_1704, %and3A_1707 : vector<16xi1>, vector<16xi32>
        %add3A_1709 = arith.addi %select_n3A_1708, %broadcast_in_dim3A_375 : vector<16xi32>
        %gather3A_1710 = tpu.vector_load_idx %arg8[%add3A_1529] : memref<24576xi32, #tpu.memory_space<vmem>>[vector<16xi32>], vector<16xi32>,
        %gather3A_1711 = tpu.vector_load_idx %arg8[%add3A_1541] : memref<24576xi32, #tpu.memory_space<vmem>>[vector<16xi32>], vector<16xi32>,
        %gather3A_1712 = tpu.vector_load_idx %arg8[%add3A_1553] : memref<24576xi32, #tpu.memory_space<vmem>>[vector<16xi32>], vector<16xi32>,
        %gather3A_1713 = tpu.vector_load_idx %arg8[%add3A_1565] : memref<24576xi32, #tpu.memory_space<vmem>>[vector<16xi32>], vector<16xi32>,
        %gather3A_1714 = tpu.vector_load_idx %arg8[%add3A_1577] : memref<24576xi32, #tpu.memory_space<vmem>>[vector<16xi32>], vector<16xi32>,
        %gather3A_1715 = tpu.vector_load_idx %arg8[%add3A_1589] : memref<24576xi32, #tpu.memory_space<vmem>>[vector<16xi32>], vector<16xi32>,
        %gather3A_1716 = tpu.vector_load_idx %arg8[%add3A_1601] : memref<24576xi32, #tpu.memory_space<vmem>>[vector<16xi32>], vector<16xi32>,
        %gather3A_1717 = tpu.vector_load_idx %arg8[%add3A_1613] : memref<24576xi32, #tpu.memory_space<vmem>>[vector<16xi32>], vector<16xi32>,
        %gather3A_1718 = tpu.vector_load_idx %arg8[%add3A_1625] : memref<24576xi32, #tpu.memory_space<vmem>>[vector<16xi32>], vector<16xi32>,
        %gather3A_1719 = tpu.vector_load_idx %arg8[%add3A_1637] : memref<24576xi32, #tpu.memory_space<vmem>>[vector<16xi32>], vector<16xi32>,
        %gather3A_1720 = tpu.vector_load_idx %arg8[%add3A_1649] : memref<24576xi32, #tpu.memory_space<vmem>>[vector<16xi32>], vector<16xi32>,
        %gather3A_1721 = tpu.vector_load_idx %arg8[%add3A_1661] : memref<24576xi32, #tpu.memory_space<vmem>>[vector<16xi32>], vector<16xi32>,
        %gather3A_1722 = tpu.vector_load_idx %arg8[%add3A_1673] : memref<24576xi32, #tpu.memory_space<vmem>>[vector<16xi32>], vector<16xi32>,
        %gather3A_1723 = tpu.vector_load_idx %arg8[%add3A_1685] : memref<24576xi32, #tpu.memory_space<vmem>>[vector<16xi32>], vector<16xi32>,
        %gather3A_1724 = tpu.vector_load_idx %arg8[%add3A_1697] : memref<24576xi32, #tpu.memory_space<vmem>>[vector<16xi32>], vector<16xi32>,
        %gather3A_1725 = tpu.vector_load_idx %arg8[%add3A_1709] : memref<24576xi32, #tpu.memory_space<vmem>>[vector<16xi32>], vector<16xi32>,
        %gather3A_1726 = tpu.vector_load_idx %arg9[%add3A_1529] : memref<24576xf32, #tpu.memory_space<vmem>>[vector<16xi32>], vector<16xf32>,
        %gather3A_1727 = tpu.vector_load_idx %arg9[%add3A_1541] : memref<24576xf32, #tpu.memory_space<vmem>>[vector<16xi32>], vector<16xf32>,
        %gather3A_1728 = tpu.vector_load_idx %arg9[%add3A_1553] : memref<24576xf32, #tpu.memory_space<vmem>>[vector<16xi32>], vector<16xf32>,
        %gather3A_1729 = tpu.vector_load_idx %arg9[%add3A_1565] : memref<24576xf32, #tpu.memory_space<vmem>>[vector<16xi32>], vector<16xf32>,
        %gather3A_1730 = tpu.vector_load_idx %arg9[%add3A_1577] : memref<24576xf32, #tpu.memory_space<vmem>>[vector<16xi32>], vector<16xf32>,
        %gather3A_1731 = tpu.vector_load_idx %arg9[%add3A_1589] : memref<24576xf32, #tpu.memory_space<vmem>>[vector<16xi32>], vector<16xf32>,
        %gather3A_1732 = tpu.vector_load_idx %arg9[%add3A_1601] : memref<24576xf32, #tpu.memory_space<vmem>>[vector<16xi32>], vector<16xf32>,
        %gather3A_1733 = tpu.vector_load_idx %arg9[%add3A_1613] : memref<24576xf32, #tpu.memory_space<vmem>>[vector<16xi32>], vector<16xf32>,
        %gather3A_1734 = tpu.vector_load_idx %arg9[%add3A_1625] : memref<24576xf32, #tpu.memory_space<vmem>>[vector<16xi32>], vector<16xf32>,
        %gather3A_1735 = tpu.vector_load_idx %arg9[%add3A_1637] : memref<24576xf32, #tpu.memory_space<vmem>>[vector<16xi32>], vector<16xf32>,
        %gather3A_1736 = tpu.vector_load_idx %arg9[%add3A_1649] : memref<24576xf32, #tpu.memory_space<vmem>>[vector<16xi32>], vector<16xf32>,
        %gather3A_1737 = tpu.vector_load_idx %arg9[%add3A_1661] : memref<24576xf32, #tpu.memory_space<vmem>>[vector<16xi32>], vector<16xf32>,
        %gather3A_1738 = tpu.vector_load_idx %arg9[%add3A_1673] : memref<24576xf32, #tpu.memory_space<vmem>>[vector<16xi32>], vector<16xf32>,
        %gather3A_1739 = tpu.vector_load_idx %arg9[%add3A_1685] : memref<24576xf32, #tpu.memory_space<vmem>>[vector<16xi32>], vector<16xf32>,
        %gather3A_1740 = tpu.vector_load_idx %arg9[%add3A_1697] : memref<24576xf32, #tpu.memory_space<vmem>>[vector<16xi32>], vector<16xf32>,
        %gather3A_1741 = tpu.vector_load_idx %arg9[%add3A_1709] : memref<24576xf32, #tpu.memory_space<vmem>>[vector<16xi32>], vector<16xf32>,
        %shift_right_arithmetic3A_1742 = arith.constant 20 : i32
        %shift_right_arithmetic3A_1743 = vector.broadcast %shift_right_arithmetic3A_1742 : i32 to vector<16xi32>
        %shift_right_arithmetic3A_1744 = arith.shrsi %gather3A_1710, %shift_right_arithmetic3A_1743 : vector<16xi32>
        %gather3A_1745 = tpu.vector_load_idx %arg7[%shift_right_arithmetic3A_1744, %add3A_160] : memref<256x128xf32, #tpu.memory_space<vmem>>[vector<16xi32>, vector<16xi32>], vector<16xf32>,
        %shift_right_arithmetic3A_1746 = arith.constant 20 : i32
        %shift_right_arithmetic3A_1747 = vector.broadcast %shift_right_arithmetic3A_1746 : i32 to vector<16xi32>
        %shift_right_arithmetic3A_1748 = arith.shrsi %gather3A_1711, %shift_right_arithmetic3A_1747 : vector<16xi32>
        %gather3A_1749 = tpu.vector_load_idx %arg7[%shift_right_arithmetic3A_1748, %add3A_163] : memref<256x128xf32, #tpu.memory_space<vmem>>[vector<16xi32>, vector<16xi32>], vector<16xf32>,
        %shift_right_arithmetic3A_1750 = arith.constant 20 : i32
        %shift_right_arithmetic3A_1751 = vector.broadcast %shift_right_arithmetic3A_1750 : i32 to vector<16xi32>
        %shift_right_arithmetic3A_1752 = arith.shrsi %gather3A_1712, %shift_right_arithmetic3A_1751 : vector<16xi32>
        %gather3A_1753 = tpu.vector_load_idx %arg7[%shift_right_arithmetic3A_1752, %add3A_166] : memref<256x128xf32, #tpu.memory_space<vmem>>[vector<16xi32>, vector<16xi32>], vector<16xf32>,
        %shift_right_arithmetic3A_1754 = arith.constant 20 : i32
        %shift_right_arithmetic3A_1755 = vector.broadcast %shift_right_arithmetic3A_1754 : i32 to vector<16xi32>
        %shift_right_arithmetic3A_1756 = arith.shrsi %gather3A_1713, %shift_right_arithmetic3A_1755 : vector<16xi32>
        %gather3A_1757 = tpu.vector_load_idx %arg7[%shift_right_arithmetic3A_1756, %add3A_169] : memref<256x128xf32, #tpu.memory_space<vmem>>[vector<16xi32>, vector<16xi32>], vector<16xf32>,
        %shift_right_arithmetic3A_1758 = arith.constant 20 : i32
        %shift_right_arithmetic3A_1759 = vector.broadcast %shift_right_arithmetic3A_1758 : i32 to vector<16xi32>
        %shift_right_arithmetic3A_1760 = arith.shrsi %gather3A_1714, %shift_right_arithmetic3A_1759 : vector<16xi32>
        %gather3A_1761 = tpu.vector_load_idx %arg7[%shift_right_arithmetic3A_1760, %add3A_172] : memref<256x128xf32, #tpu.memory_space<vmem>>[vector<16xi32>, vector<16xi32>], vector<16xf32>,
        %shift_right_arithmetic3A_1762 = arith.constant 20 : i32
        %shift_right_arithmetic3A_1763 = vector.broadcast %shift_right_arithmetic3A_1762 : i32 to vector<16xi32>
        %shift_right_arithmetic3A_1764 = arith.shrsi %gather3A_1715, %shift_right_arithmetic3A_1763 : vector<16xi32>
        %gather3A_1765 = tpu.vector_load_idx %arg7[%shift_right_arithmetic3A_1764, %add3A_175] : memref<256x128xf32, #tpu.memory_space<vmem>>[vector<16xi32>, vector<16xi32>], vector<16xf32>,
        %shift_right_arithmetic3A_1766 = arith.constant 20 : i32
        %shift_right_arithmetic3A_1767 = vector.broadcast %shift_right_arithmetic3A_1766 : i32 to vector<16xi32>
        %shift_right_arithmetic3A_1768 = arith.shrsi %gather3A_1716, %shift_right_arithmetic3A_1767 : vector<16xi32>
        %gather3A_1769 = tpu.vector_load_idx %arg7[%shift_right_arithmetic3A_1768, %add3A_178] : memref<256x128xf32, #tpu.memory_space<vmem>>[vector<16xi32>, vector<16xi32>], vector<16xf32>,
        %shift_right_arithmetic3A_1770 = arith.constant 20 : i32
        %shift_right_arithmetic3A_1771 = vector.broadcast %shift_right_arithmetic3A_1770 : i32 to vector<16xi32>
        %shift_right_arithmetic3A_1772 = arith.shrsi %gather3A_1717, %shift_right_arithmetic3A_1771 : vector<16xi32>
        %gather3A_1773 = tpu.vector_load_idx %arg7[%shift_right_arithmetic3A_1772, %add3A_181] : memref<256x128xf32, #tpu.memory_space<vmem>>[vector<16xi32>, vector<16xi32>], vector<16xf32>,
        %shift_right_arithmetic3A_1774 = arith.constant 20 : i32
        %shift_right_arithmetic3A_1775 = vector.broadcast %shift_right_arithmetic3A_1774 : i32 to vector<16xi32>
        %shift_right_arithmetic3A_1776 = arith.shrsi %gather3A_1718, %shift_right_arithmetic3A_1775 : vector<16xi32>
        %gather3A_1777 = tpu.vector_load_idx %arg7[%shift_right_arithmetic3A_1776, %add3A_160] : memref<256x128xf32, #tpu.memory_space<vmem>>[vector<16xi32>, vector<16xi32>], vector<16xf32>,
        %shift_right_arithmetic3A_1778 = arith.constant 20 : i32
        %shift_right_arithmetic3A_1779 = vector.broadcast %shift_right_arithmetic3A_1778 : i32 to vector<16xi32>
        %shift_right_arithmetic3A_1780 = arith.shrsi %gather3A_1719, %shift_right_arithmetic3A_1779 : vector<16xi32>
        %gather3A_1781 = tpu.vector_load_idx %arg7[%shift_right_arithmetic3A_1780, %add3A_163] : memref<256x128xf32, #tpu.memory_space<vmem>>[vector<16xi32>, vector<16xi32>], vector<16xf32>,
        %shift_right_arithmetic3A_1782 = arith.constant 20 : i32
        %shift_right_arithmetic3A_1783 = vector.broadcast %shift_right_arithmetic3A_1782 : i32 to vector<16xi32>
        %shift_right_arithmetic3A_1784 = arith.shrsi %gather3A_1720, %shift_right_arithmetic3A_1783 : vector<16xi32>
        %gather3A_1785 = tpu.vector_load_idx %arg7[%shift_right_arithmetic3A_1784, %add3A_166] : memref<256x128xf32, #tpu.memory_space<vmem>>[vector<16xi32>, vector<16xi32>], vector<16xf32>,
        %shift_right_arithmetic3A_1786 = arith.constant 20 : i32
        %shift_right_arithmetic3A_1787 = vector.broadcast %shift_right_arithmetic3A_1786 : i32 to vector<16xi32>
        %shift_right_arithmetic3A_1788 = arith.shrsi %gather3A_1721, %shift_right_arithmetic3A_1787 : vector<16xi32>
        %gather3A_1789 = tpu.vector_load_idx %arg7[%shift_right_arithmetic3A_1788, %add3A_169] : memref<256x128xf32, #tpu.memory_space<vmem>>[vector<16xi32>, vector<16xi32>], vector<16xf32>,
        %shift_right_arithmetic3A_1790 = arith.constant 20 : i32
        %shift_right_arithmetic3A_1791 = vector.broadcast %shift_right_arithmetic3A_1790 : i32 to vector<16xi32>
        %shift_right_arithmetic3A_1792 = arith.shrsi %gather3A_1722, %shift_right_arithmetic3A_1791 : vector<16xi32>
        %gather3A_1793 = tpu.vector_load_idx %arg7[%shift_right_arithmetic3A_1792, %add3A_172] : memref<256x128xf32, #tpu.memory_space<vmem>>[vector<16xi32>, vector<16xi32>], vector<16xf32>,
        %shift_right_arithmetic3A_1794 = arith.constant 20 : i32
        %shift_right_arithmetic3A_1795 = vector.broadcast %shift_right_arithmetic3A_1794 : i32 to vector<16xi32>
        %shift_right_arithmetic3A_1796 = arith.shrsi %gather3A_1723, %shift_right_arithmetic3A_1795 : vector<16xi32>
        %gather3A_1797 = tpu.vector_load_idx %arg7[%shift_right_arithmetic3A_1796, %add3A_175] : memref<256x128xf32, #tpu.memory_space<vmem>>[vector<16xi32>, vector<16xi32>], vector<16xf32>,
        %shift_right_arithmetic3A_1798 = arith.constant 20 : i32
        %shift_right_arithmetic3A_1799 = vector.broadcast %shift_right_arithmetic3A_1798 : i32 to vector<16xi32>
        %shift_right_arithmetic3A_1800 = arith.shrsi %gather3A_1724, %shift_right_arithmetic3A_1799 : vector<16xi32>
        %gather3A_1801 = tpu.vector_load_idx %arg7[%shift_right_arithmetic3A_1800, %add3A_178] : memref<256x128xf32, #tpu.memory_space<vmem>>[vector<16xi32>, vector<16xi32>], vector<16xf32>,
        %shift_right_arithmetic3A_1802 = arith.constant 20 : i32
        %shift_right_arithmetic3A_1803 = vector.broadcast %shift_right_arithmetic3A_1802 : i32 to vector<16xi32>
        %shift_right_arithmetic3A_1804 = arith.shrsi %gather3A_1725, %shift_right_arithmetic3A_1803 : vector<16xi32>
        %gather3A_1805 = tpu.vector_load_idx %arg7[%shift_right_arithmetic3A_1804, %add3A_181] : memref<256x128xf32, #tpu.memory_space<vmem>>[vector<16xi32>, vector<16xi32>], vector<16xf32>,
        %le3A_1806 = arith.cmpf ole, %gather3A_1745, %gather3A_1726 : vector<16xf32>
        %shift_right_arithmetic3A_1807 = arith.constant 10 : i32
        %shift_right_arithmetic3A_1808 = vector.broadcast %shift_right_arithmetic3A_1807 : i32 to vector<16xi32>
        %shift_right_arithmetic3A_1809 = arith.shrsi %gather3A_1710, %shift_right_arithmetic3A_1808 : vector<16xi32>
        %and3A_1810 = arith.constant 1023 : i32
        %and3A_1811 = vector.broadcast %and3A_1810 : i32 to vector<16xi32>
        %and3A_1812 = arith.andi %shift_right_arithmetic3A_1809, %and3A_1811 : vector<16xi32>
        %and3A_1813 = arith.constant 1023 : i32
        %and3A_1814 = vector.broadcast %and3A_1813 : i32 to vector<16xi32>
        %and3A_1815 = arith.andi %gather3A_1710, %and3A_1814 : vector<16xi32>
        %select_n3A_1816 = arith.select %le3A_1806, %and3A_1812, %and3A_1815 : vector<16xi1>, vector<16xi32>
        %add3A_1817 = arith.addi %select_n3A_1816, %broadcast_in_dim3A : vector<16xi32>
        %le3A_1818 = arith.cmpf ole, %gather3A_1749, %gather3A_1727 : vector<16xf32>
        %shift_right_arithmetic3A_1819 = arith.constant 10 : i32
        %shift_right_arithmetic3A_1820 = vector.broadcast %shift_right_arithmetic3A_1819 : i32 to vector<16xi32>
        %shift_right_arithmetic3A_1821 = arith.shrsi %gather3A_1711, %shift_right_arithmetic3A_1820 : vector<16xi32>
        %and3A_1822 = arith.constant 1023 : i32
        %and3A_1823 = vector.broadcast %and3A_1822 : i32 to vector<16xi32>
        %and3A_1824 = arith.andi %shift_right_arithmetic3A_1821, %and3A_1823 : vector<16xi32>
        %and3A_1825 = arith.constant 1023 : i32
        %and3A_1826 = vector.broadcast %and3A_1825 : i32 to vector<16xi32>
        %and3A_1827 = arith.andi %gather3A_1711, %and3A_1826 : vector<16xi32>
        %select_n3A_1828 = arith.select %le3A_1818, %and3A_1824, %and3A_1827 : vector<16xi1>, vector<16xi32>
        %add3A_1829 = arith.addi %select_n3A_1828, %broadcast_in_dim3A : vector<16xi32>
        %le3A_1830 = arith.cmpf ole, %gather3A_1753, %gather3A_1728 : vector<16xf32>
        %shift_right_arithmetic3A_1831 = arith.constant 10 : i32
        %shift_right_arithmetic3A_1832 = vector.broadcast %shift_right_arithmetic3A_1831 : i32 to vector<16xi32>
        %shift_right_arithmetic3A_1833 = arith.shrsi %gather3A_1712, %shift_right_arithmetic3A_1832 : vector<16xi32>
        %and3A_1834 = arith.constant 1023 : i32
        %and3A_1835 = vector.broadcast %and3A_1834 : i32 to vector<16xi32>
        %and3A_1836 = arith.andi %shift_right_arithmetic3A_1833, %and3A_1835 : vector<16xi32>
        %and3A_1837 = arith.constant 1023 : i32
        %and3A_1838 = vector.broadcast %and3A_1837 : i32 to vector<16xi32>
        %and3A_1839 = arith.andi %gather3A_1712, %and3A_1838 : vector<16xi32>
        %select_n3A_1840 = arith.select %le3A_1830, %and3A_1836, %and3A_1839 : vector<16xi1>, vector<16xi32>
        %add3A_1841 = arith.addi %select_n3A_1840, %broadcast_in_dim3A : vector<16xi32>
        %le3A_1842 = arith.cmpf ole, %gather3A_1757, %gather3A_1729 : vector<16xf32>
        %shift_right_arithmetic3A_1843 = arith.constant 10 : i32
        %shift_right_arithmetic3A_1844 = vector.broadcast %shift_right_arithmetic3A_1843 : i32 to vector<16xi32>
        %shift_right_arithmetic3A_1845 = arith.shrsi %gather3A_1713, %shift_right_arithmetic3A_1844 : vector<16xi32>
        %and3A_1846 = arith.constant 1023 : i32
        %and3A_1847 = vector.broadcast %and3A_1846 : i32 to vector<16xi32>
        %and3A_1848 = arith.andi %shift_right_arithmetic3A_1845, %and3A_1847 : vector<16xi32>
        %and3A_1849 = arith.constant 1023 : i32
        %and3A_1850 = vector.broadcast %and3A_1849 : i32 to vector<16xi32>
        %and3A_1851 = arith.andi %gather3A_1713, %and3A_1850 : vector<16xi32>
        %select_n3A_1852 = arith.select %le3A_1842, %and3A_1848, %and3A_1851 : vector<16xi1>, vector<16xi32>
        %add3A_1853 = arith.addi %select_n3A_1852, %broadcast_in_dim3A : vector<16xi32>
        %le3A_1854 = arith.cmpf ole, %gather3A_1761, %gather3A_1730 : vector<16xf32>
        %shift_right_arithmetic3A_1855 = arith.constant 10 : i32
        %shift_right_arithmetic3A_1856 = vector.broadcast %shift_right_arithmetic3A_1855 : i32 to vector<16xi32>
        %shift_right_arithmetic3A_1857 = arith.shrsi %gather3A_1714, %shift_right_arithmetic3A_1856 : vector<16xi32>
        %and3A_1858 = arith.constant 1023 : i32
        %and3A_1859 = vector.broadcast %and3A_1858 : i32 to vector<16xi32>
        %and3A_1860 = arith.andi %shift_right_arithmetic3A_1857, %and3A_1859 : vector<16xi32>
        %and3A_1861 = arith.constant 1023 : i32
        %and3A_1862 = vector.broadcast %and3A_1861 : i32 to vector<16xi32>
        %and3A_1863 = arith.andi %gather3A_1714, %and3A_1862 : vector<16xi32>
        %select_n3A_1864 = arith.select %le3A_1854, %and3A_1860, %and3A_1863 : vector<16xi1>, vector<16xi32>
        %add3A_1865 = arith.addi %select_n3A_1864, %broadcast_in_dim3A : vector<16xi32>
        %le3A_1866 = arith.cmpf ole, %gather3A_1765, %gather3A_1731 : vector<16xf32>
        %shift_right_arithmetic3A_1867 = arith.constant 10 : i32
        %shift_right_arithmetic3A_1868 = vector.broadcast %shift_right_arithmetic3A_1867 : i32 to vector<16xi32>
        %shift_right_arithmetic3A_1869 = arith.shrsi %gather3A_1715, %shift_right_arithmetic3A_1868 : vector<16xi32>
        %and3A_1870 = arith.constant 1023 : i32
        %and3A_1871 = vector.broadcast %and3A_1870 : i32 to vector<16xi32>
        %and3A_1872 = arith.andi %shift_right_arithmetic3A_1869, %and3A_1871 : vector<16xi32>
        %and3A_1873 = arith.constant 1023 : i32
        %and3A_1874 = vector.broadcast %and3A_1873 : i32 to vector<16xi32>
        %and3A_1875 = arith.andi %gather3A_1715, %and3A_1874 : vector<16xi32>
        %select_n3A_1876 = arith.select %le3A_1866, %and3A_1872, %and3A_1875 : vector<16xi1>, vector<16xi32>
        %add3A_1877 = arith.addi %select_n3A_1876, %broadcast_in_dim3A : vector<16xi32>
        %le3A_1878 = arith.cmpf ole, %gather3A_1769, %gather3A_1732 : vector<16xf32>
        %shift_right_arithmetic3A_1879 = arith.constant 10 : i32
        %shift_right_arithmetic3A_1880 = vector.broadcast %shift_right_arithmetic3A_1879 : i32 to vector<16xi32>
        %shift_right_arithmetic3A_1881 = arith.shrsi %gather3A_1716, %shift_right_arithmetic3A_1880 : vector<16xi32>
        %and3A_1882 = arith.constant 1023 : i32
        %and3A_1883 = vector.broadcast %and3A_1882 : i32 to vector<16xi32>
        %and3A_1884 = arith.andi %shift_right_arithmetic3A_1881, %and3A_1883 : vector<16xi32>
        %and3A_1885 = arith.constant 1023 : i32
        %and3A_1886 = vector.broadcast %and3A_1885 : i32 to vector<16xi32>
        %and3A_1887 = arith.andi %gather3A_1716, %and3A_1886 : vector<16xi32>
        %select_n3A_1888 = arith.select %le3A_1878, %and3A_1884, %and3A_1887 : vector<16xi1>, vector<16xi32>
        %add3A_1889 = arith.addi %select_n3A_1888, %broadcast_in_dim3A : vector<16xi32>
        %le3A_1890 = arith.cmpf ole, %gather3A_1773, %gather3A_1733 : vector<16xf32>
        %shift_right_arithmetic3A_1891 = arith.constant 10 : i32
        %shift_right_arithmetic3A_1892 = vector.broadcast %shift_right_arithmetic3A_1891 : i32 to vector<16xi32>
        %shift_right_arithmetic3A_1893 = arith.shrsi %gather3A_1717, %shift_right_arithmetic3A_1892 : vector<16xi32>
        %and3A_1894 = arith.constant 1023 : i32
        %and3A_1895 = vector.broadcast %and3A_1894 : i32 to vector<16xi32>
        %and3A_1896 = arith.andi %shift_right_arithmetic3A_1893, %and3A_1895 : vector<16xi32>
        %and3A_1897 = arith.constant 1023 : i32
        %and3A_1898 = vector.broadcast %and3A_1897 : i32 to vector<16xi32>
        %and3A_1899 = arith.andi %gather3A_1717, %and3A_1898 : vector<16xi32>
        %select_n3A_1900 = arith.select %le3A_1890, %and3A_1896, %and3A_1899 : vector<16xi1>, vector<16xi32>
        %add3A_1901 = arith.addi %select_n3A_1900, %broadcast_in_dim3A : vector<16xi32>
        %le3A_1902 = arith.cmpf ole, %gather3A_1777, %gather3A_1734 : vector<16xf32>
        %shift_right_arithmetic3A_1903 = arith.constant 10 : i32
        %shift_right_arithmetic3A_1904 = vector.broadcast %shift_right_arithmetic3A_1903 : i32 to vector<16xi32>
        %shift_right_arithmetic3A_1905 = arith.shrsi %gather3A_1718, %shift_right_arithmetic3A_1904 : vector<16xi32>
        %and3A_1906 = arith.constant 1023 : i32
        %and3A_1907 = vector.broadcast %and3A_1906 : i32 to vector<16xi32>
        %and3A_1908 = arith.andi %shift_right_arithmetic3A_1905, %and3A_1907 : vector<16xi32>
        %and3A_1909 = arith.constant 1023 : i32
        %and3A_1910 = vector.broadcast %and3A_1909 : i32 to vector<16xi32>
        %and3A_1911 = arith.andi %gather3A_1718, %and3A_1910 : vector<16xi32>
        %select_n3A_1912 = arith.select %le3A_1902, %and3A_1908, %and3A_1911 : vector<16xi1>, vector<16xi32>
        %add3A_1913 = arith.addi %select_n3A_1912, %broadcast_in_dim3A_375 : vector<16xi32>
        %le3A_1914 = arith.cmpf ole, %gather3A_1781, %gather3A_1735 : vector<16xf32>
        %shift_right_arithmetic3A_1915 = arith.constant 10 : i32
        %shift_right_arithmetic3A_1916 = vector.broadcast %shift_right_arithmetic3A_1915 : i32 to vector<16xi32>
        %shift_right_arithmetic3A_1917 = arith.shrsi %gather3A_1719, %shift_right_arithmetic3A_1916 : vector<16xi32>
        %and3A_1918 = arith.constant 1023 : i32
        %and3A_1919 = vector.broadcast %and3A_1918 : i32 to vector<16xi32>
        %and3A_1920 = arith.andi %shift_right_arithmetic3A_1917, %and3A_1919 : vector<16xi32>
        %and3A_1921 = arith.constant 1023 : i32
        %and3A_1922 = vector.broadcast %and3A_1921 : i32 to vector<16xi32>
        %and3A_1923 = arith.andi %gather3A_1719, %and3A_1922 : vector<16xi32>
        %select_n3A_1924 = arith.select %le3A_1914, %and3A_1920, %and3A_1923 : vector<16xi1>, vector<16xi32>
        %add3A_1925 = arith.addi %select_n3A_1924, %broadcast_in_dim3A_375 : vector<16xi32>
        %le3A_1926 = arith.cmpf ole, %gather3A_1785, %gather3A_1736 : vector<16xf32>
        %shift_right_arithmetic3A_1927 = arith.constant 10 : i32
        %shift_right_arithmetic3A_1928 = vector.broadcast %shift_right_arithmetic3A_1927 : i32 to vector<16xi32>
        %shift_right_arithmetic3A_1929 = arith.shrsi %gather3A_1720, %shift_right_arithmetic3A_1928 : vector<16xi32>
        %and3A_1930 = arith.constant 1023 : i32
        %and3A_1931 = vector.broadcast %and3A_1930 : i32 to vector<16xi32>
        %and3A_1932 = arith.andi %shift_right_arithmetic3A_1929, %and3A_1931 : vector<16xi32>
        %and3A_1933 = arith.constant 1023 : i32
        %and3A_1934 = vector.broadcast %and3A_1933 : i32 to vector<16xi32>
        %and3A_1935 = arith.andi %gather3A_1720, %and3A_1934 : vector<16xi32>
        %select_n3A_1936 = arith.select %le3A_1926, %and3A_1932, %and3A_1935 : vector<16xi1>, vector<16xi32>
        %add3A_1937 = arith.addi %select_n3A_1936, %broadcast_in_dim3A_375 : vector<16xi32>
        %le3A_1938 = arith.cmpf ole, %gather3A_1789, %gather3A_1737 : vector<16xf32>
        %shift_right_arithmetic3A_1939 = arith.constant 10 : i32
        %shift_right_arithmetic3A_1940 = vector.broadcast %shift_right_arithmetic3A_1939 : i32 to vector<16xi32>
        %shift_right_arithmetic3A_1941 = arith.shrsi %gather3A_1721, %shift_right_arithmetic3A_1940 : vector<16xi32>
        %and3A_1942 = arith.constant 1023 : i32
        %and3A_1943 = vector.broadcast %and3A_1942 : i32 to vector<16xi32>
        %and3A_1944 = arith.andi %shift_right_arithmetic3A_1941, %and3A_1943 : vector<16xi32>
        %and3A_1945 = arith.constant 1023 : i32
        %and3A_1946 = vector.broadcast %and3A_1945 : i32 to vector<16xi32>
        %and3A_1947 = arith.andi %gather3A_1721, %and3A_1946 : vector<16xi32>
        %select_n3A_1948 = arith.select %le3A_1938, %and3A_1944, %and3A_1947 : vector<16xi1>, vector<16xi32>
        %add3A_1949 = arith.addi %select_n3A_1948, %broadcast_in_dim3A_375 : vector<16xi32>
        %le3A_1950 = arith.cmpf ole, %gather3A_1793, %gather3A_1738 : vector<16xf32>
        %shift_right_arithmetic3A_1951 = arith.constant 10 : i32
        %shift_right_arithmetic3A_1952 = vector.broadcast %shift_right_arithmetic3A_1951 : i32 to vector<16xi32>
        %shift_right_arithmetic3A_1953 = arith.shrsi %gather3A_1722, %shift_right_arithmetic3A_1952 : vector<16xi32>
        %and3A_1954 = arith.constant 1023 : i32
        %and3A_1955 = vector.broadcast %and3A_1954 : i32 to vector<16xi32>
        %and3A_1956 = arith.andi %shift_right_arithmetic3A_1953, %and3A_1955 : vector<16xi32>
        %and3A_1957 = arith.constant 1023 : i32
        %and3A_1958 = vector.broadcast %and3A_1957 : i32 to vector<16xi32>
        %and3A_1959 = arith.andi %gather3A_1722, %and3A_1958 : vector<16xi32>
        %select_n3A_1960 = arith.select %le3A_1950, %and3A_1956, %and3A_1959 : vector<16xi1>, vector<16xi32>
        %add3A_1961 = arith.addi %select_n3A_1960, %broadcast_in_dim3A_375 : vector<16xi32>
        %le3A_1962 = arith.cmpf ole, %gather3A_1797, %gather3A_1739 : vector<16xf32>
        %shift_right_arithmetic3A_1963 = arith.constant 10 : i32
        %shift_right_arithmetic3A_1964 = vector.broadcast %shift_right_arithmetic3A_1963 : i32 to vector<16xi32>
        %shift_right_arithmetic3A_1965 = arith.shrsi %gather3A_1723, %shift_right_arithmetic3A_1964 : vector<16xi32>
        %and3A_1966 = arith.constant 1023 : i32
        %and3A_1967 = vector.broadcast %and3A_1966 : i32 to vector<16xi32>
        %and3A_1968 = arith.andi %shift_right_arithmetic3A_1965, %and3A_1967 : vector<16xi32>
        %and3A_1969 = arith.constant 1023 : i32
        %and3A_1970 = vector.broadcast %and3A_1969 : i32 to vector<16xi32>
        %and3A_1971 = arith.andi %gather3A_1723, %and3A_1970 : vector<16xi32>
        %select_n3A_1972 = arith.select %le3A_1962, %and3A_1968, %and3A_1971 : vector<16xi1>, vector<16xi32>
        %add3A_1973 = arith.addi %select_n3A_1972, %broadcast_in_dim3A_375 : vector<16xi32>
        %le3A_1974 = arith.cmpf ole, %gather3A_1801, %gather3A_1740 : vector<16xf32>
        %shift_right_arithmetic3A_1975 = arith.constant 10 : i32
        %shift_right_arithmetic3A_1976 = vector.broadcast %shift_right_arithmetic3A_1975 : i32 to vector<16xi32>
        %shift_right_arithmetic3A_1977 = arith.shrsi %gather3A_1724, %shift_right_arithmetic3A_1976 : vector<16xi32>
        %and3A_1978 = arith.constant 1023 : i32
        %and3A_1979 = vector.broadcast %and3A_1978 : i32 to vector<16xi32>
        %and3A_1980 = arith.andi %shift_right_arithmetic3A_1977, %and3A_1979 : vector<16xi32>
        %and3A_1981 = arith.constant 1023 : i32
        %and3A_1982 = vector.broadcast %and3A_1981 : i32 to vector<16xi32>
        %and3A_1983 = arith.andi %gather3A_1724, %and3A_1982 : vector<16xi32>
        %select_n3A_1984 = arith.select %le3A_1974, %and3A_1980, %and3A_1983 : vector<16xi1>, vector<16xi32>
        %add3A_1985 = arith.addi %select_n3A_1984, %broadcast_in_dim3A_375 : vector<16xi32>
        %le3A_1986 = arith.cmpf ole, %gather3A_1805, %gather3A_1741 : vector<16xf32>
        %shift_right_arithmetic3A_1987 = arith.constant 10 : i32
        %shift_right_arithmetic3A_1988 = vector.broadcast %shift_right_arithmetic3A_1987 : i32 to vector<16xi32>
        %shift_right_arithmetic3A_1989 = arith.shrsi %gather3A_1725, %shift_right_arithmetic3A_1988 : vector<16xi32>
        %and3A_1990 = arith.constant 1023 : i32
        %and3A_1991 = vector.broadcast %and3A_1990 : i32 to vector<16xi32>
        %and3A_1992 = arith.andi %shift_right_arithmetic3A_1989, %and3A_1991 : vector<16xi32>
        %and3A_1993 = arith.constant 1023 : i32
        %and3A_1994 = vector.broadcast %and3A_1993 : i32 to vector<16xi32>
        %and3A_1995 = arith.andi %gather3A_1725, %and3A_1994 : vector<16xi32>
        %select_n3A_1996 = arith.select %le3A_1986, %and3A_1992, %and3A_1995 : vector<16xi1>, vector<16xi32>
        %add3A_1997 = arith.addi %select_n3A_1996, %broadcast_in_dim3A_375 : vector<16xi32>
        %gather3A_1998 = tpu.vector_load_idx %arg8[%add3A_1817] : memref<24576xi32, #tpu.memory_space<vmem>>[vector<16xi32>], vector<16xi32>,
        %gather3A_1999 = tpu.vector_load_idx %arg8[%add3A_1829] : memref<24576xi32, #tpu.memory_space<vmem>>[vector<16xi32>], vector<16xi32>,
        %gather3A_2000 = tpu.vector_load_idx %arg8[%add3A_1841] : memref<24576xi32, #tpu.memory_space<vmem>>[vector<16xi32>], vector<16xi32>,
        %gather3A_2001 = tpu.vector_load_idx %arg8[%add3A_1853] : memref<24576xi32, #tpu.memory_space<vmem>>[vector<16xi32>], vector<16xi32>,
        %gather3A_2002 = tpu.vector_load_idx %arg8[%add3A_1865] : memref<24576xi32, #tpu.memory_space<vmem>>[vector<16xi32>], vector<16xi32>,
        %gather3A_2003 = tpu.vector_load_idx %arg8[%add3A_1877] : memref<24576xi32, #tpu.memory_space<vmem>>[vector<16xi32>], vector<16xi32>,
        %gather3A_2004 = tpu.vector_load_idx %arg8[%add3A_1889] : memref<24576xi32, #tpu.memory_space<vmem>>[vector<16xi32>], vector<16xi32>,
        %gather3A_2005 = tpu.vector_load_idx %arg8[%add3A_1901] : memref<24576xi32, #tpu.memory_space<vmem>>[vector<16xi32>], vector<16xi32>,
        %gather3A_2006 = tpu.vector_load_idx %arg8[%add3A_1913] : memref<24576xi32, #tpu.memory_space<vmem>>[vector<16xi32>], vector<16xi32>,
        %gather3A_2007 = tpu.vector_load_idx %arg8[%add3A_1925] : memref<24576xi32, #tpu.memory_space<vmem>>[vector<16xi32>], vector<16xi32>,
        %gather3A_2008 = tpu.vector_load_idx %arg8[%add3A_1937] : memref<24576xi32, #tpu.memory_space<vmem>>[vector<16xi32>], vector<16xi32>,
        %gather3A_2009 = tpu.vector_load_idx %arg8[%add3A_1949] : memref<24576xi32, #tpu.memory_space<vmem>>[vector<16xi32>], vector<16xi32>,
        %gather3A_2010 = tpu.vector_load_idx %arg8[%add3A_1961] : memref<24576xi32, #tpu.memory_space<vmem>>[vector<16xi32>], vector<16xi32>,
        %gather3A_2011 = tpu.vector_load_idx %arg8[%add3A_1973] : memref<24576xi32, #tpu.memory_space<vmem>>[vector<16xi32>], vector<16xi32>,
        %gather3A_2012 = tpu.vector_load_idx %arg8[%add3A_1985] : memref<24576xi32, #tpu.memory_space<vmem>>[vector<16xi32>], vector<16xi32>,
        %gather3A_2013 = tpu.vector_load_idx %arg8[%add3A_1997] : memref<24576xi32, #tpu.memory_space<vmem>>[vector<16xi32>], vector<16xi32>,
        %gather3A_2014 = tpu.vector_load_idx %arg9[%add3A_1817] : memref<24576xf32, #tpu.memory_space<vmem>>[vector<16xi32>], vector<16xf32>,
        %gather3A_2015 = tpu.vector_load_idx %arg9[%add3A_1829] : memref<24576xf32, #tpu.memory_space<vmem>>[vector<16xi32>], vector<16xf32>,
        %gather3A_2016 = tpu.vector_load_idx %arg9[%add3A_1841] : memref<24576xf32, #tpu.memory_space<vmem>>[vector<16xi32>], vector<16xf32>,
        %gather3A_2017 = tpu.vector_load_idx %arg9[%add3A_1853] : memref<24576xf32, #tpu.memory_space<vmem>>[vector<16xi32>], vector<16xf32>,
        %gather3A_2018 = tpu.vector_load_idx %arg9[%add3A_1865] : memref<24576xf32, #tpu.memory_space<vmem>>[vector<16xi32>], vector<16xf32>,
        %gather3A_2019 = tpu.vector_load_idx %arg9[%add3A_1877] : memref<24576xf32, #tpu.memory_space<vmem>>[vector<16xi32>], vector<16xf32>,
        %gather3A_2020 = tpu.vector_load_idx %arg9[%add3A_1889] : memref<24576xf32, #tpu.memory_space<vmem>>[vector<16xi32>], vector<16xf32>,
        %gather3A_2021 = tpu.vector_load_idx %arg9[%add3A_1901] : memref<24576xf32, #tpu.memory_space<vmem>>[vector<16xi32>], vector<16xf32>,
        %gather3A_2022 = tpu.vector_load_idx %arg9[%add3A_1913] : memref<24576xf32, #tpu.memory_space<vmem>>[vector<16xi32>], vector<16xf32>,
        %gather3A_2023 = tpu.vector_load_idx %arg9[%add3A_1925] : memref<24576xf32, #tpu.memory_space<vmem>>[vector<16xi32>], vector<16xf32>,
        %gather3A_2024 = tpu.vector_load_idx %arg9[%add3A_1937] : memref<24576xf32, #tpu.memory_space<vmem>>[vector<16xi32>], vector<16xf32>,
        %gather3A_2025 = tpu.vector_load_idx %arg9[%add3A_1949] : memref<24576xf32, #tpu.memory_space<vmem>>[vector<16xi32>], vector<16xf32>,
        %gather3A_2026 = tpu.vector_load_idx %arg9[%add3A_1961] : memref<24576xf32, #tpu.memory_space<vmem>>[vector<16xi32>], vector<16xf32>,
        %gather3A_2027 = tpu.vector_load_idx %arg9[%add3A_1973] : memref<24576xf32, #tpu.memory_space<vmem>>[vector<16xi32>], vector<16xf32>,
        %gather3A_2028 = tpu.vector_load_idx %arg9[%add3A_1985] : memref<24576xf32, #tpu.memory_space<vmem>>[vector<16xi32>], vector<16xf32>,
        %gather3A_2029 = tpu.vector_load_idx %arg9[%add3A_1997] : memref<24576xf32, #tpu.memory_space<vmem>>[vector<16xi32>], vector<16xf32>,
        %shift_right_arithmetic3A_2030 = arith.constant 20 : i32
        %shift_right_arithmetic3A_2031 = vector.broadcast %shift_right_arithmetic3A_2030 : i32 to vector<16xi32>
        %shift_right_arithmetic3A_2032 = arith.shrsi %gather3A_1998, %shift_right_arithmetic3A_2031 : vector<16xi32>
        %gather3A_2033 = tpu.vector_load_idx %arg7[%shift_right_arithmetic3A_2032, %add3A_160] : memref<256x128xf32, #tpu.memory_space<vmem>>[vector<16xi32>, vector<16xi32>], vector<16xf32>,
        %shift_right_arithmetic3A_2034 = arith.constant 20 : i32
        %shift_right_arithmetic3A_2035 = vector.broadcast %shift_right_arithmetic3A_2034 : i32 to vector<16xi32>
        %shift_right_arithmetic3A_2036 = arith.shrsi %gather3A_1999, %shift_right_arithmetic3A_2035 : vector<16xi32>
        %gather3A_2037 = tpu.vector_load_idx %arg7[%shift_right_arithmetic3A_2036, %add3A_163] : memref<256x128xf32, #tpu.memory_space<vmem>>[vector<16xi32>, vector<16xi32>], vector<16xf32>,
        %shift_right_arithmetic3A_2038 = arith.constant 20 : i32
        %shift_right_arithmetic3A_2039 = vector.broadcast %shift_right_arithmetic3A_2038 : i32 to vector<16xi32>
        %shift_right_arithmetic3A_2040 = arith.shrsi %gather3A_2000, %shift_right_arithmetic3A_2039 : vector<16xi32>
        %gather3A_2041 = tpu.vector_load_idx %arg7[%shift_right_arithmetic3A_2040, %add3A_166] : memref<256x128xf32, #tpu.memory_space<vmem>>[vector<16xi32>, vector<16xi32>], vector<16xf32>,
        %shift_right_arithmetic3A_2042 = arith.constant 20 : i32
        %shift_right_arithmetic3A_2043 = vector.broadcast %shift_right_arithmetic3A_2042 : i32 to vector<16xi32>
        %shift_right_arithmetic3A_2044 = arith.shrsi %gather3A_2001, %shift_right_arithmetic3A_2043 : vector<16xi32>
        %gather3A_2045 = tpu.vector_load_idx %arg7[%shift_right_arithmetic3A_2044, %add3A_169] : memref<256x128xf32, #tpu.memory_space<vmem>>[vector<16xi32>, vector<16xi32>], vector<16xf32>,
        %shift_right_arithmetic3A_2046 = arith.constant 20 : i32
        %shift_right_arithmetic3A_2047 = vector.broadcast %shift_right_arithmetic3A_2046 : i32 to vector<16xi32>
        %shift_right_arithmetic3A_2048 = arith.shrsi %gather3A_2002, %shift_right_arithmetic3A_2047 : vector<16xi32>
        %gather3A_2049 = tpu.vector_load_idx %arg7[%shift_right_arithmetic3A_2048, %add3A_172] : memref<256x128xf32, #tpu.memory_space<vmem>>[vector<16xi32>, vector<16xi32>], vector<16xf32>,
        %shift_right_arithmetic3A_2050 = arith.constant 20 : i32
        %shift_right_arithmetic3A_2051 = vector.broadcast %shift_right_arithmetic3A_2050 : i32 to vector<16xi32>
        %shift_right_arithmetic3A_2052 = arith.shrsi %gather3A_2003, %shift_right_arithmetic3A_2051 : vector<16xi32>
        %gather3A_2053 = tpu.vector_load_idx %arg7[%shift_right_arithmetic3A_2052, %add3A_175] : memref<256x128xf32, #tpu.memory_space<vmem>>[vector<16xi32>, vector<16xi32>], vector<16xf32>,
        %shift_right_arithmetic3A_2054 = arith.constant 20 : i32
        %shift_right_arithmetic3A_2055 = vector.broadcast %shift_right_arithmetic3A_2054 : i32 to vector<16xi32>
        %shift_right_arithmetic3A_2056 = arith.shrsi %gather3A_2004, %shift_right_arithmetic3A_2055 : vector<16xi32>
        %gather3A_2057 = tpu.vector_load_idx %arg7[%shift_right_arithmetic3A_2056, %add3A_178] : memref<256x128xf32, #tpu.memory_space<vmem>>[vector<16xi32>, vector<16xi32>], vector<16xf32>,
        %shift_right_arithmetic3A_2058 = arith.constant 20 : i32
        %shift_right_arithmetic3A_2059 = vector.broadcast %shift_right_arithmetic3A_2058 : i32 to vector<16xi32>
        %shift_right_arithmetic3A_2060 = arith.shrsi %gather3A_2005, %shift_right_arithmetic3A_2059 : vector<16xi32>
        %gather3A_2061 = tpu.vector_load_idx %arg7[%shift_right_arithmetic3A_2060, %add3A_181] : memref<256x128xf32, #tpu.memory_space<vmem>>[vector<16xi32>, vector<16xi32>], vector<16xf32>,
        %shift_right_arithmetic3A_2062 = arith.constant 20 : i32
        %shift_right_arithmetic3A_2063 = vector.broadcast %shift_right_arithmetic3A_2062 : i32 to vector<16xi32>
        %shift_right_arithmetic3A_2064 = arith.shrsi %gather3A_2006, %shift_right_arithmetic3A_2063 : vector<16xi32>
        %gather3A_2065 = tpu.vector_load_idx %arg7[%shift_right_arithmetic3A_2064, %add3A_160] : memref<256x128xf32, #tpu.memory_space<vmem>>[vector<16xi32>, vector<16xi32>], vector<16xf32>,
        %shift_right_arithmetic3A_2066 = arith.constant 20 : i32
        %shift_right_arithmetic3A_2067 = vector.broadcast %shift_right_arithmetic3A_2066 : i32 to vector<16xi32>
        %shift_right_arithmetic3A_2068 = arith.shrsi %gather3A_2007, %shift_right_arithmetic3A_2067 : vector<16xi32>
        %gather3A_2069 = tpu.vector_load_idx %arg7[%shift_right_arithmetic3A_2068, %add3A_163] : memref<256x128xf32, #tpu.memory_space<vmem>>[vector<16xi32>, vector<16xi32>], vector<16xf32>,
        %shift_right_arithmetic3A_2070 = arith.constant 20 : i32
        %shift_right_arithmetic3A_2071 = vector.broadcast %shift_right_arithmetic3A_2070 : i32 to vector<16xi32>
        %shift_right_arithmetic3A_2072 = arith.shrsi %gather3A_2008, %shift_right_arithmetic3A_2071 : vector<16xi32>
        %gather3A_2073 = tpu.vector_load_idx %arg7[%shift_right_arithmetic3A_2072, %add3A_166] : memref<256x128xf32, #tpu.memory_space<vmem>>[vector<16xi32>, vector<16xi32>], vector<16xf32>,
        %shift_right_arithmetic3A_2074 = arith.constant 20 : i32
        %shift_right_arithmetic3A_2075 = vector.broadcast %shift_right_arithmetic3A_2074 : i32 to vector<16xi32>
        %shift_right_arithmetic3A_2076 = arith.shrsi %gather3A_2009, %shift_right_arithmetic3A_2075 : vector<16xi32>
        %gather3A_2077 = tpu.vector_load_idx %arg7[%shift_right_arithmetic3A_2076, %add3A_169] : memref<256x128xf32, #tpu.memory_space<vmem>>[vector<16xi32>, vector<16xi32>], vector<16xf32>,
        %shift_right_arithmetic3A_2078 = arith.constant 20 : i32
        %shift_right_arithmetic3A_2079 = vector.broadcast %shift_right_arithmetic3A_2078 : i32 to vector<16xi32>
        %shift_right_arithmetic3A_2080 = arith.shrsi %gather3A_2010, %shift_right_arithmetic3A_2079 : vector<16xi32>
        %gather3A_2081 = tpu.vector_load_idx %arg7[%shift_right_arithmetic3A_2080, %add3A_172] : memref<256x128xf32, #tpu.memory_space<vmem>>[vector<16xi32>, vector<16xi32>], vector<16xf32>,
        %shift_right_arithmetic3A_2082 = arith.constant 20 : i32
        %shift_right_arithmetic3A_2083 = vector.broadcast %shift_right_arithmetic3A_2082 : i32 to vector<16xi32>
        %shift_right_arithmetic3A_2084 = arith.shrsi %gather3A_2011, %shift_right_arithmetic3A_2083 : vector<16xi32>
        %gather3A_2085 = tpu.vector_load_idx %arg7[%shift_right_arithmetic3A_2084, %add3A_175] : memref<256x128xf32, #tpu.memory_space<vmem>>[vector<16xi32>, vector<16xi32>], vector<16xf32>,
        %shift_right_arithmetic3A_2086 = arith.constant 20 : i32
        %shift_right_arithmetic3A_2087 = vector.broadcast %shift_right_arithmetic3A_2086 : i32 to vector<16xi32>
        %shift_right_arithmetic3A_2088 = arith.shrsi %gather3A_2012, %shift_right_arithmetic3A_2087 : vector<16xi32>
        %gather3A_2089 = tpu.vector_load_idx %arg7[%shift_right_arithmetic3A_2088, %add3A_178] : memref<256x128xf32, #tpu.memory_space<vmem>>[vector<16xi32>, vector<16xi32>], vector<16xf32>,
        %shift_right_arithmetic3A_2090 = arith.constant 20 : i32
        %shift_right_arithmetic3A_2091 = vector.broadcast %shift_right_arithmetic3A_2090 : i32 to vector<16xi32>
        %shift_right_arithmetic3A_2092 = arith.shrsi %gather3A_2013, %shift_right_arithmetic3A_2091 : vector<16xi32>
        %gather3A_2093 = tpu.vector_load_idx %arg7[%shift_right_arithmetic3A_2092, %add3A_181] : memref<256x128xf32, #tpu.memory_space<vmem>>[vector<16xi32>, vector<16xi32>], vector<16xf32>,
        %le3A_2094 = arith.cmpf ole, %gather3A_2033, %gather3A_2014 : vector<16xf32>
        %shift_right_arithmetic3A_2095 = arith.constant 10 : i32
        %shift_right_arithmetic3A_2096 = vector.broadcast %shift_right_arithmetic3A_2095 : i32 to vector<16xi32>
        %shift_right_arithmetic3A_2097 = arith.shrsi %gather3A_1998, %shift_right_arithmetic3A_2096 : vector<16xi32>
        %and3A_2098 = arith.constant 1023 : i32
        %and3A_2099 = vector.broadcast %and3A_2098 : i32 to vector<16xi32>
        %and3A_2100 = arith.andi %shift_right_arithmetic3A_2097, %and3A_2099 : vector<16xi32>
        %and3A_2101 = arith.constant 1023 : i32
        %and3A_2102 = vector.broadcast %and3A_2101 : i32 to vector<16xi32>
        %and3A_2103 = arith.andi %gather3A_1998, %and3A_2102 : vector<16xi32>
        %select_n3A_2104 = arith.select %le3A_2094, %and3A_2100, %and3A_2103 : vector<16xi1>, vector<16xi32>
        %add3A_2105 = arith.addi %select_n3A_2104, %broadcast_in_dim3A : vector<16xi32>
        %le3A_2106 = arith.cmpf ole, %gather3A_2037, %gather3A_2015 : vector<16xf32>
        %shift_right_arithmetic3A_2107 = arith.constant 10 : i32
        %shift_right_arithmetic3A_2108 = vector.broadcast %shift_right_arithmetic3A_2107 : i32 to vector<16xi32>
        %shift_right_arithmetic3A_2109 = arith.shrsi %gather3A_1999, %shift_right_arithmetic3A_2108 : vector<16xi32>
        %and3A_2110 = arith.constant 1023 : i32
        %and3A_2111 = vector.broadcast %and3A_2110 : i32 to vector<16xi32>
        %and3A_2112 = arith.andi %shift_right_arithmetic3A_2109, %and3A_2111 : vector<16xi32>
        %and3A_2113 = arith.constant 1023 : i32
        %and3A_2114 = vector.broadcast %and3A_2113 : i32 to vector<16xi32>
        %and3A_2115 = arith.andi %gather3A_1999, %and3A_2114 : vector<16xi32>
        %select_n3A_2116 = arith.select %le3A_2106, %and3A_2112, %and3A_2115 : vector<16xi1>, vector<16xi32>
        %add3A_2117 = arith.addi %select_n3A_2116, %broadcast_in_dim3A : vector<16xi32>
        %le3A_2118 = arith.cmpf ole, %gather3A_2041, %gather3A_2016 : vector<16xf32>
        %shift_right_arithmetic3A_2119 = arith.constant 10 : i32
        %shift_right_arithmetic3A_2120 = vector.broadcast %shift_right_arithmetic3A_2119 : i32 to vector<16xi32>
        %shift_right_arithmetic3A_2121 = arith.shrsi %gather3A_2000, %shift_right_arithmetic3A_2120 : vector<16xi32>
        %and3A_2122 = arith.constant 1023 : i32
        %and3A_2123 = vector.broadcast %and3A_2122 : i32 to vector<16xi32>
        %and3A_2124 = arith.andi %shift_right_arithmetic3A_2121, %and3A_2123 : vector<16xi32>
        %and3A_2125 = arith.constant 1023 : i32
        %and3A_2126 = vector.broadcast %and3A_2125 : i32 to vector<16xi32>
        %and3A_2127 = arith.andi %gather3A_2000, %and3A_2126 : vector<16xi32>
        %select_n3A_2128 = arith.select %le3A_2118, %and3A_2124, %and3A_2127 : vector<16xi1>, vector<16xi32>
        %add3A_2129 = arith.addi %select_n3A_2128, %broadcast_in_dim3A : vector<16xi32>
        %le3A_2130 = arith.cmpf ole, %gather3A_2045, %gather3A_2017 : vector<16xf32>
        %shift_right_arithmetic3A_2131 = arith.constant 10 : i32
        %shift_right_arithmetic3A_2132 = vector.broadcast %shift_right_arithmetic3A_2131 : i32 to vector<16xi32>
        %shift_right_arithmetic3A_2133 = arith.shrsi %gather3A_2001, %shift_right_arithmetic3A_2132 : vector<16xi32>
        %and3A_2134 = arith.constant 1023 : i32
        %and3A_2135 = vector.broadcast %and3A_2134 : i32 to vector<16xi32>
        %and3A_2136 = arith.andi %shift_right_arithmetic3A_2133, %and3A_2135 : vector<16xi32>
        %and3A_2137 = arith.constant 1023 : i32
        %and3A_2138 = vector.broadcast %and3A_2137 : i32 to vector<16xi32>
        %and3A_2139 = arith.andi %gather3A_2001, %and3A_2138 : vector<16xi32>
        %select_n3A_2140 = arith.select %le3A_2130, %and3A_2136, %and3A_2139 : vector<16xi1>, vector<16xi32>
        %add3A_2141 = arith.addi %select_n3A_2140, %broadcast_in_dim3A : vector<16xi32>
        %le3A_2142 = arith.cmpf ole, %gather3A_2049, %gather3A_2018 : vector<16xf32>
        %shift_right_arithmetic3A_2143 = arith.constant 10 : i32
        %shift_right_arithmetic3A_2144 = vector.broadcast %shift_right_arithmetic3A_2143 : i32 to vector<16xi32>
        %shift_right_arithmetic3A_2145 = arith.shrsi %gather3A_2002, %shift_right_arithmetic3A_2144 : vector<16xi32>
        %and3A_2146 = arith.constant 1023 : i32
        %and3A_2147 = vector.broadcast %and3A_2146 : i32 to vector<16xi32>
        %and3A_2148 = arith.andi %shift_right_arithmetic3A_2145, %and3A_2147 : vector<16xi32>
        %and3A_2149 = arith.constant 1023 : i32
        %and3A_2150 = vector.broadcast %and3A_2149 : i32 to vector<16xi32>
        %and3A_2151 = arith.andi %gather3A_2002, %and3A_2150 : vector<16xi32>
        %select_n3A_2152 = arith.select %le3A_2142, %and3A_2148, %and3A_2151 : vector<16xi1>, vector<16xi32>
        %add3A_2153 = arith.addi %select_n3A_2152, %broadcast_in_dim3A : vector<16xi32>
        %le3A_2154 = arith.cmpf ole, %gather3A_2053, %gather3A_2019 : vector<16xf32>
        %shift_right_arithmetic3A_2155 = arith.constant 10 : i32
        %shift_right_arithmetic3A_2156 = vector.broadcast %shift_right_arithmetic3A_2155 : i32 to vector<16xi32>
        %shift_right_arithmetic3A_2157 = arith.shrsi %gather3A_2003, %shift_right_arithmetic3A_2156 : vector<16xi32>
        %and3A_2158 = arith.constant 1023 : i32
        %and3A_2159 = vector.broadcast %and3A_2158 : i32 to vector<16xi32>
        %and3A_2160 = arith.andi %shift_right_arithmetic3A_2157, %and3A_2159 : vector<16xi32>
        %and3A_2161 = arith.constant 1023 : i32
        %and3A_2162 = vector.broadcast %and3A_2161 : i32 to vector<16xi32>
        %and3A_2163 = arith.andi %gather3A_2003, %and3A_2162 : vector<16xi32>
        %select_n3A_2164 = arith.select %le3A_2154, %and3A_2160, %and3A_2163 : vector<16xi1>, vector<16xi32>
        %add3A_2165 = arith.addi %select_n3A_2164, %broadcast_in_dim3A : vector<16xi32>
        %le3A_2166 = arith.cmpf ole, %gather3A_2057, %gather3A_2020 : vector<16xf32>
        %shift_right_arithmetic3A_2167 = arith.constant 10 : i32
        %shift_right_arithmetic3A_2168 = vector.broadcast %shift_right_arithmetic3A_2167 : i32 to vector<16xi32>
        %shift_right_arithmetic3A_2169 = arith.shrsi %gather3A_2004, %shift_right_arithmetic3A_2168 : vector<16xi32>
        %and3A_2170 = arith.constant 1023 : i32
        %and3A_2171 = vector.broadcast %and3A_2170 : i32 to vector<16xi32>
        %and3A_2172 = arith.andi %shift_right_arithmetic3A_2169, %and3A_2171 : vector<16xi32>
        %and3A_2173 = arith.constant 1023 : i32
        %and3A_2174 = vector.broadcast %and3A_2173 : i32 to vector<16xi32>
        %and3A_2175 = arith.andi %gather3A_2004, %and3A_2174 : vector<16xi32>
        %select_n3A_2176 = arith.select %le3A_2166, %and3A_2172, %and3A_2175 : vector<16xi1>, vector<16xi32>
        %add3A_2177 = arith.addi %select_n3A_2176, %broadcast_in_dim3A : vector<16xi32>
        %le3A_2178 = arith.cmpf ole, %gather3A_2061, %gather3A_2021 : vector<16xf32>
        %shift_right_arithmetic3A_2179 = arith.constant 10 : i32
        %shift_right_arithmetic3A_2180 = vector.broadcast %shift_right_arithmetic3A_2179 : i32 to vector<16xi32>
        %shift_right_arithmetic3A_2181 = arith.shrsi %gather3A_2005, %shift_right_arithmetic3A_2180 : vector<16xi32>
        %and3A_2182 = arith.constant 1023 : i32
        %and3A_2183 = vector.broadcast %and3A_2182 : i32 to vector<16xi32>
        %and3A_2184 = arith.andi %shift_right_arithmetic3A_2181, %and3A_2183 : vector<16xi32>
        %and3A_2185 = arith.constant 1023 : i32
        %and3A_2186 = vector.broadcast %and3A_2185 : i32 to vector<16xi32>
        %and3A_2187 = arith.andi %gather3A_2005, %and3A_2186 : vector<16xi32>
        %select_n3A_2188 = arith.select %le3A_2178, %and3A_2184, %and3A_2187 : vector<16xi1>, vector<16xi32>
        %add3A_2189 = arith.addi %select_n3A_2188, %broadcast_in_dim3A : vector<16xi32>
        %le3A_2190 = arith.cmpf ole, %gather3A_2065, %gather3A_2022 : vector<16xf32>
        %shift_right_arithmetic3A_2191 = arith.constant 10 : i32
        %shift_right_arithmetic3A_2192 = vector.broadcast %shift_right_arithmetic3A_2191 : i32 to vector<16xi32>
        %shift_right_arithmetic3A_2193 = arith.shrsi %gather3A_2006, %shift_right_arithmetic3A_2192 : vector<16xi32>
        %and3A_2194 = arith.constant 1023 : i32
        %and3A_2195 = vector.broadcast %and3A_2194 : i32 to vector<16xi32>
        %and3A_2196 = arith.andi %shift_right_arithmetic3A_2193, %and3A_2195 : vector<16xi32>
        %and3A_2197 = arith.constant 1023 : i32
        %and3A_2198 = vector.broadcast %and3A_2197 : i32 to vector<16xi32>
        %and3A_2199 = arith.andi %gather3A_2006, %and3A_2198 : vector<16xi32>
        %select_n3A_2200 = arith.select %le3A_2190, %and3A_2196, %and3A_2199 : vector<16xi1>, vector<16xi32>
        %add3A_2201 = arith.addi %select_n3A_2200, %broadcast_in_dim3A_375 : vector<16xi32>
        %le3A_2202 = arith.cmpf ole, %gather3A_2069, %gather3A_2023 : vector<16xf32>
        %shift_right_arithmetic3A_2203 = arith.constant 10 : i32
        %shift_right_arithmetic3A_2204 = vector.broadcast %shift_right_arithmetic3A_2203 : i32 to vector<16xi32>
        %shift_right_arithmetic3A_2205 = arith.shrsi %gather3A_2007, %shift_right_arithmetic3A_2204 : vector<16xi32>
        %and3A_2206 = arith.constant 1023 : i32
        %and3A_2207 = vector.broadcast %and3A_2206 : i32 to vector<16xi32>
        %and3A_2208 = arith.andi %shift_right_arithmetic3A_2205, %and3A_2207 : vector<16xi32>
        %and3A_2209 = arith.constant 1023 : i32
        %and3A_2210 = vector.broadcast %and3A_2209 : i32 to vector<16xi32>
        %and3A_2211 = arith.andi %gather3A_2007, %and3A_2210 : vector<16xi32>
        %select_n3A_2212 = arith.select %le3A_2202, %and3A_2208, %and3A_2211 : vector<16xi1>, vector<16xi32>
        %add3A_2213 = arith.addi %select_n3A_2212, %broadcast_in_dim3A_375 : vector<16xi32>
        %le3A_2214 = arith.cmpf ole, %gather3A_2073, %gather3A_2024 : vector<16xf32>
        %shift_right_arithmetic3A_2215 = arith.constant 10 : i32
        %shift_right_arithmetic3A_2216 = vector.broadcast %shift_right_arithmetic3A_2215 : i32 to vector<16xi32>
        %shift_right_arithmetic3A_2217 = arith.shrsi %gather3A_2008, %shift_right_arithmetic3A_2216 : vector<16xi32>
        %and3A_2218 = arith.constant 1023 : i32
        %and3A_2219 = vector.broadcast %and3A_2218 : i32 to vector<16xi32>
        %and3A_2220 = arith.andi %shift_right_arithmetic3A_2217, %and3A_2219 : vector<16xi32>
        %and3A_2221 = arith.constant 1023 : i32
        %and3A_2222 = vector.broadcast %and3A_2221 : i32 to vector<16xi32>
        %and3A_2223 = arith.andi %gather3A_2008, %and3A_2222 : vector<16xi32>
        %select_n3A_2224 = arith.select %le3A_2214, %and3A_2220, %and3A_2223 : vector<16xi1>, vector<16xi32>
        %add3A_2225 = arith.addi %select_n3A_2224, %broadcast_in_dim3A_375 : vector<16xi32>
        %le3A_2226 = arith.cmpf ole, %gather3A_2077, %gather3A_2025 : vector<16xf32>
        %shift_right_arithmetic3A_2227 = arith.constant 10 : i32
        %shift_right_arithmetic3A_2228 = vector.broadcast %shift_right_arithmetic3A_2227 : i32 to vector<16xi32>
        %shift_right_arithmetic3A_2229 = arith.shrsi %gather3A_2009, %shift_right_arithmetic3A_2228 : vector<16xi32>
        %and3A_2230 = arith.constant 1023 : i32
        %and3A_2231 = vector.broadcast %and3A_2230 : i32 to vector<16xi32>
        %and3A_2232 = arith.andi %shift_right_arithmetic3A_2229, %and3A_2231 : vector<16xi32>
        %and3A_2233 = arith.constant 1023 : i32
        %and3A_2234 = vector.broadcast %and3A_2233 : i32 to vector<16xi32>
        %and3A_2235 = arith.andi %gather3A_2009, %and3A_2234 : vector<16xi32>
        %select_n3A_2236 = arith.select %le3A_2226, %and3A_2232, %and3A_2235 : vector<16xi1>, vector<16xi32>
        %add3A_2237 = arith.addi %select_n3A_2236, %broadcast_in_dim3A_375 : vector<16xi32>
        %le3A_2238 = arith.cmpf ole, %gather3A_2081, %gather3A_2026 : vector<16xf32>
        %shift_right_arithmetic3A_2239 = arith.constant 10 : i32
        %shift_right_arithmetic3A_2240 = vector.broadcast %shift_right_arithmetic3A_2239 : i32 to vector<16xi32>
        %shift_right_arithmetic3A_2241 = arith.shrsi %gather3A_2010, %shift_right_arithmetic3A_2240 : vector<16xi32>
        %and3A_2242 = arith.constant 1023 : i32
        %and3A_2243 = vector.broadcast %and3A_2242 : i32 to vector<16xi32>
        %and3A_2244 = arith.andi %shift_right_arithmetic3A_2241, %and3A_2243 : vector<16xi32>
        %and3A_2245 = arith.constant 1023 : i32
        %and3A_2246 = vector.broadcast %and3A_2245 : i32 to vector<16xi32>
        %and3A_2247 = arith.andi %gather3A_2010, %and3A_2246 : vector<16xi32>
        %select_n3A_2248 = arith.select %le3A_2238, %and3A_2244, %and3A_2247 : vector<16xi1>, vector<16xi32>
        %add3A_2249 = arith.addi %select_n3A_2248, %broadcast_in_dim3A_375 : vector<16xi32>
        %le3A_2250 = arith.cmpf ole, %gather3A_2085, %gather3A_2027 : vector<16xf32>
        %shift_right_arithmetic3A_2251 = arith.constant 10 : i32
        %shift_right_arithmetic3A_2252 = vector.broadcast %shift_right_arithmetic3A_2251 : i32 to vector<16xi32>
        %shift_right_arithmetic3A_2253 = arith.shrsi %gather3A_2011, %shift_right_arithmetic3A_2252 : vector<16xi32>
        %and3A_2254 = arith.constant 1023 : i32
        %and3A_2255 = vector.broadcast %and3A_2254 : i32 to vector<16xi32>
        %and3A_2256 = arith.andi %shift_right_arithmetic3A_2253, %and3A_2255 : vector<16xi32>
        %and3A_2257 = arith.constant 1023 : i32
        %and3A_2258 = vector.broadcast %and3A_2257 : i32 to vector<16xi32>
        %and3A_2259 = arith.andi %gather3A_2011, %and3A_2258 : vector<16xi32>
        %select_n3A_2260 = arith.select %le3A_2250, %and3A_2256, %and3A_2259 : vector<16xi1>, vector<16xi32>
        %add3A_2261 = arith.addi %select_n3A_2260, %broadcast_in_dim3A_375 : vector<16xi32>
        %le3A_2262 = arith.cmpf ole, %gather3A_2089, %gather3A_2028 : vector<16xf32>
        %shift_right_arithmetic3A_2263 = arith.constant 10 : i32
        %shift_right_arithmetic3A_2264 = vector.broadcast %shift_right_arithmetic3A_2263 : i32 to vector<16xi32>
        %shift_right_arithmetic3A_2265 = arith.shrsi %gather3A_2012, %shift_right_arithmetic3A_2264 : vector<16xi32>
        %and3A_2266 = arith.constant 1023 : i32
        %and3A_2267 = vector.broadcast %and3A_2266 : i32 to vector<16xi32>
        %and3A_2268 = arith.andi %shift_right_arithmetic3A_2265, %and3A_2267 : vector<16xi32>
        %and3A_2269 = arith.constant 1023 : i32
        %and3A_2270 = vector.broadcast %and3A_2269 : i32 to vector<16xi32>
        %and3A_2271 = arith.andi %gather3A_2012, %and3A_2270 : vector<16xi32>
        %select_n3A_2272 = arith.select %le3A_2262, %and3A_2268, %and3A_2271 : vector<16xi1>, vector<16xi32>
        %add3A_2273 = arith.addi %select_n3A_2272, %broadcast_in_dim3A_375 : vector<16xi32>
        %le3A_2274 = arith.cmpf ole, %gather3A_2093, %gather3A_2029 : vector<16xf32>
        %shift_right_arithmetic3A_2275 = arith.constant 10 : i32
        %shift_right_arithmetic3A_2276 = vector.broadcast %shift_right_arithmetic3A_2275 : i32 to vector<16xi32>
        %shift_right_arithmetic3A_2277 = arith.shrsi %gather3A_2013, %shift_right_arithmetic3A_2276 : vector<16xi32>
        %and3A_2278 = arith.constant 1023 : i32
        %and3A_2279 = vector.broadcast %and3A_2278 : i32 to vector<16xi32>
        %and3A_2280 = arith.andi %shift_right_arithmetic3A_2277, %and3A_2279 : vector<16xi32>
        %and3A_2281 = arith.constant 1023 : i32
        %and3A_2282 = vector.broadcast %and3A_2281 : i32 to vector<16xi32>
        %and3A_2283 = arith.andi %gather3A_2013, %and3A_2282 : vector<16xi32>
        %select_n3A_2284 = arith.select %le3A_2274, %and3A_2280, %and3A_2283 : vector<16xi1>, vector<16xi32>
        %add3A_2285 = arith.addi %select_n3A_2284, %broadcast_in_dim3A_375 : vector<16xi32>
        %gather3A_2286 = tpu.vector_load_idx %arg8[%add3A_2105] : memref<24576xi32, #tpu.memory_space<vmem>>[vector<16xi32>], vector<16xi32>,
        %gather3A_2287 = tpu.vector_load_idx %arg8[%add3A_2117] : memref<24576xi32, #tpu.memory_space<vmem>>[vector<16xi32>], vector<16xi32>,
        %gather3A_2288 = tpu.vector_load_idx %arg8[%add3A_2129] : memref<24576xi32, #tpu.memory_space<vmem>>[vector<16xi32>], vector<16xi32>,
        %gather3A_2289 = tpu.vector_load_idx %arg8[%add3A_2141] : memref<24576xi32, #tpu.memory_space<vmem>>[vector<16xi32>], vector<16xi32>,
        %gather3A_2290 = tpu.vector_load_idx %arg8[%add3A_2153] : memref<24576xi32, #tpu.memory_space<vmem>>[vector<16xi32>], vector<16xi32>,
        %gather3A_2291 = tpu.vector_load_idx %arg8[%add3A_2165] : memref<24576xi32, #tpu.memory_space<vmem>>[vector<16xi32>], vector<16xi32>,
        %gather3A_2292 = tpu.vector_load_idx %arg8[%add3A_2177] : memref<24576xi32, #tpu.memory_space<vmem>>[vector<16xi32>], vector<16xi32>,
        %gather3A_2293 = tpu.vector_load_idx %arg8[%add3A_2189] : memref<24576xi32, #tpu.memory_space<vmem>>[vector<16xi32>], vector<16xi32>,
        %gather3A_2294 = tpu.vector_load_idx %arg8[%add3A_2201] : memref<24576xi32, #tpu.memory_space<vmem>>[vector<16xi32>], vector<16xi32>,
        %gather3A_2295 = tpu.vector_load_idx %arg8[%add3A_2213] : memref<24576xi32, #tpu.memory_space<vmem>>[vector<16xi32>], vector<16xi32>,
        %gather3A_2296 = tpu.vector_load_idx %arg8[%add3A_2225] : memref<24576xi32, #tpu.memory_space<vmem>>[vector<16xi32>], vector<16xi32>,
        %gather3A_2297 = tpu.vector_load_idx %arg8[%add3A_2237] : memref<24576xi32, #tpu.memory_space<vmem>>[vector<16xi32>], vector<16xi32>,
        %gather3A_2298 = tpu.vector_load_idx %arg8[%add3A_2249] : memref<24576xi32, #tpu.memory_space<vmem>>[vector<16xi32>], vector<16xi32>,
        %gather3A_2299 = tpu.vector_load_idx %arg8[%add3A_2261] : memref<24576xi32, #tpu.memory_space<vmem>>[vector<16xi32>], vector<16xi32>,
        %gather3A_2300 = tpu.vector_load_idx %arg8[%add3A_2273] : memref<24576xi32, #tpu.memory_space<vmem>>[vector<16xi32>], vector<16xi32>,
        %gather3A_2301 = tpu.vector_load_idx %arg8[%add3A_2285] : memref<24576xi32, #tpu.memory_space<vmem>>[vector<16xi32>], vector<16xi32>,
        %gather3A_2302 = tpu.vector_load_idx %arg9[%add3A_2105] : memref<24576xf32, #tpu.memory_space<vmem>>[vector<16xi32>], vector<16xf32>,
        %gather3A_2303 = tpu.vector_load_idx %arg9[%add3A_2117] : memref<24576xf32, #tpu.memory_space<vmem>>[vector<16xi32>], vector<16xf32>,
        %gather3A_2304 = tpu.vector_load_idx %arg9[%add3A_2129] : memref<24576xf32, #tpu.memory_space<vmem>>[vector<16xi32>], vector<16xf32>,
        %gather3A_2305 = tpu.vector_load_idx %arg9[%add3A_2141] : memref<24576xf32, #tpu.memory_space<vmem>>[vector<16xi32>], vector<16xf32>,
        %gather3A_2306 = tpu.vector_load_idx %arg9[%add3A_2153] : memref<24576xf32, #tpu.memory_space<vmem>>[vector<16xi32>], vector<16xf32>,
        %gather3A_2307 = tpu.vector_load_idx %arg9[%add3A_2165] : memref<24576xf32, #tpu.memory_space<vmem>>[vector<16xi32>], vector<16xf32>,
        %gather3A_2308 = tpu.vector_load_idx %arg9[%add3A_2177] : memref<24576xf32, #tpu.memory_space<vmem>>[vector<16xi32>], vector<16xf32>,
        %gather3A_2309 = tpu.vector_load_idx %arg9[%add3A_2189] : memref<24576xf32, #tpu.memory_space<vmem>>[vector<16xi32>], vector<16xf32>,
        %gather3A_2310 = tpu.vector_load_idx %arg9[%add3A_2201] : memref<24576xf32, #tpu.memory_space<vmem>>[vector<16xi32>], vector<16xf32>,
        %gather3A_2311 = tpu.vector_load_idx %arg9[%add3A_2213] : memref<24576xf32, #tpu.memory_space<vmem>>[vector<16xi32>], vector<16xf32>,
        %gather3A_2312 = tpu.vector_load_idx %arg9[%add3A_2225] : memref<24576xf32, #tpu.memory_space<vmem>>[vector<16xi32>], vector<16xf32>,
        %gather3A_2313 = tpu.vector_load_idx %arg9[%add3A_2237] : memref<24576xf32, #tpu.memory_space<vmem>>[vector<16xi32>], vector<16xf32>,
        %gather3A_2314 = tpu.vector_load_idx %arg9[%add3A_2249] : memref<24576xf32, #tpu.memory_space<vmem>>[vector<16xi32>], vector<16xf32>,
        %gather3A_2315 = tpu.vector_load_idx %arg9[%add3A_2261] : memref<24576xf32, #tpu.memory_space<vmem>>[vector<16xi32>], vector<16xf32>,
        %gather3A_2316 = tpu.vector_load_idx %arg9[%add3A_2273] : memref<24576xf32, #tpu.memory_space<vmem>>[vector<16xi32>], vector<16xf32>,
        %gather3A_2317 = tpu.vector_load_idx %arg9[%add3A_2285] : memref<24576xf32, #tpu.memory_space<vmem>>[vector<16xi32>], vector<16xf32>,
        %shift_right_arithmetic3A_2318 = arith.constant 20 : i32
        %shift_right_arithmetic3A_2319 = vector.broadcast %shift_right_arithmetic3A_2318 : i32 to vector<16xi32>
        %shift_right_arithmetic3A_2320 = arith.shrsi %gather3A_2286, %shift_right_arithmetic3A_2319 : vector<16xi32>
        %gather3A_2321 = tpu.vector_load_idx %arg7[%shift_right_arithmetic3A_2320, %add3A_160] : memref<256x128xf32, #tpu.memory_space<vmem>>[vector<16xi32>, vector<16xi32>], vector<16xf32>,
        %shift_right_arithmetic3A_2322 = arith.constant 20 : i32
        %shift_right_arithmetic3A_2323 = vector.broadcast %shift_right_arithmetic3A_2322 : i32 to vector<16xi32>
        %shift_right_arithmetic3A_2324 = arith.shrsi %gather3A_2287, %shift_right_arithmetic3A_2323 : vector<16xi32>
        %gather3A_2325 = tpu.vector_load_idx %arg7[%shift_right_arithmetic3A_2324, %add3A_163] : memref<256x128xf32, #tpu.memory_space<vmem>>[vector<16xi32>, vector<16xi32>], vector<16xf32>,
        %shift_right_arithmetic3A_2326 = arith.constant 20 : i32
        %shift_right_arithmetic3A_2327 = vector.broadcast %shift_right_arithmetic3A_2326 : i32 to vector<16xi32>
        %shift_right_arithmetic3A_2328 = arith.shrsi %gather3A_2288, %shift_right_arithmetic3A_2327 : vector<16xi32>
        %gather3A_2329 = tpu.vector_load_idx %arg7[%shift_right_arithmetic3A_2328, %add3A_166] : memref<256x128xf32, #tpu.memory_space<vmem>>[vector<16xi32>, vector<16xi32>], vector<16xf32>,
        %shift_right_arithmetic3A_2330 = arith.constant 20 : i32
        %shift_right_arithmetic3A_2331 = vector.broadcast %shift_right_arithmetic3A_2330 : i32 to vector<16xi32>
        %shift_right_arithmetic3A_2332 = arith.shrsi %gather3A_2289, %shift_right_arithmetic3A_2331 : vector<16xi32>
        %gather3A_2333 = tpu.vector_load_idx %arg7[%shift_right_arithmetic3A_2332, %add3A_169] : memref<256x128xf32, #tpu.memory_space<vmem>>[vector<16xi32>, vector<16xi32>], vector<16xf32>,
        %shift_right_arithmetic3A_2334 = arith.constant 20 : i32
        %shift_right_arithmetic3A_2335 = vector.broadcast %shift_right_arithmetic3A_2334 : i32 to vector<16xi32>
        %shift_right_arithmetic3A_2336 = arith.shrsi %gather3A_2290, %shift_right_arithmetic3A_2335 : vector<16xi32>
        %gather3A_2337 = tpu.vector_load_idx %arg7[%shift_right_arithmetic3A_2336, %add3A_172] : memref<256x128xf32, #tpu.memory_space<vmem>>[vector<16xi32>, vector<16xi32>], vector<16xf32>,
        %shift_right_arithmetic3A_2338 = arith.constant 20 : i32
        %shift_right_arithmetic3A_2339 = vector.broadcast %shift_right_arithmetic3A_2338 : i32 to vector<16xi32>
        %shift_right_arithmetic3A_2340 = arith.shrsi %gather3A_2291, %shift_right_arithmetic3A_2339 : vector<16xi32>
        %gather3A_2341 = tpu.vector_load_idx %arg7[%shift_right_arithmetic3A_2340, %add3A_175] : memref<256x128xf32, #tpu.memory_space<vmem>>[vector<16xi32>, vector<16xi32>], vector<16xf32>,
        %shift_right_arithmetic3A_2342 = arith.constant 20 : i32
        %shift_right_arithmetic3A_2343 = vector.broadcast %shift_right_arithmetic3A_2342 : i32 to vector<16xi32>
        %shift_right_arithmetic3A_2344 = arith.shrsi %gather3A_2292, %shift_right_arithmetic3A_2343 : vector<16xi32>
        %gather3A_2345 = tpu.vector_load_idx %arg7[%shift_right_arithmetic3A_2344, %add3A_178] : memref<256x128xf32, #tpu.memory_space<vmem>>[vector<16xi32>, vector<16xi32>], vector<16xf32>,
        %shift_right_arithmetic3A_2346 = arith.constant 20 : i32
        %shift_right_arithmetic3A_2347 = vector.broadcast %shift_right_arithmetic3A_2346 : i32 to vector<16xi32>
        %shift_right_arithmetic3A_2348 = arith.shrsi %gather3A_2293, %shift_right_arithmetic3A_2347 : vector<16xi32>
        %gather3A_2349 = tpu.vector_load_idx %arg7[%shift_right_arithmetic3A_2348, %add3A_181] : memref<256x128xf32, #tpu.memory_space<vmem>>[vector<16xi32>, vector<16xi32>], vector<16xf32>,
        %shift_right_arithmetic3A_2350 = arith.constant 20 : i32
        %shift_right_arithmetic3A_2351 = vector.broadcast %shift_right_arithmetic3A_2350 : i32 to vector<16xi32>
        %shift_right_arithmetic3A_2352 = arith.shrsi %gather3A_2294, %shift_right_arithmetic3A_2351 : vector<16xi32>
        %gather3A_2353 = tpu.vector_load_idx %arg7[%shift_right_arithmetic3A_2352, %add3A_160] : memref<256x128xf32, #tpu.memory_space<vmem>>[vector<16xi32>, vector<16xi32>], vector<16xf32>,
        %shift_right_arithmetic3A_2354 = arith.constant 20 : i32
        %shift_right_arithmetic3A_2355 = vector.broadcast %shift_right_arithmetic3A_2354 : i32 to vector<16xi32>
        %shift_right_arithmetic3A_2356 = arith.shrsi %gather3A_2295, %shift_right_arithmetic3A_2355 : vector<16xi32>
        %gather3A_2357 = tpu.vector_load_idx %arg7[%shift_right_arithmetic3A_2356, %add3A_163] : memref<256x128xf32, #tpu.memory_space<vmem>>[vector<16xi32>, vector<16xi32>], vector<16xf32>,
        %shift_right_arithmetic3A_2358 = arith.constant 20 : i32
        %shift_right_arithmetic3A_2359 = vector.broadcast %shift_right_arithmetic3A_2358 : i32 to vector<16xi32>
        %shift_right_arithmetic3A_2360 = arith.shrsi %gather3A_2296, %shift_right_arithmetic3A_2359 : vector<16xi32>
        %gather3A_2361 = tpu.vector_load_idx %arg7[%shift_right_arithmetic3A_2360, %add3A_166] : memref<256x128xf32, #tpu.memory_space<vmem>>[vector<16xi32>, vector<16xi32>], vector<16xf32>,
        %shift_right_arithmetic3A_2362 = arith.constant 20 : i32
        %shift_right_arithmetic3A_2363 = vector.broadcast %shift_right_arithmetic3A_2362 : i32 to vector<16xi32>
        %shift_right_arithmetic3A_2364 = arith.shrsi %gather3A_2297, %shift_right_arithmetic3A_2363 : vector<16xi32>
        %gather3A_2365 = tpu.vector_load_idx %arg7[%shift_right_arithmetic3A_2364, %add3A_169] : memref<256x128xf32, #tpu.memory_space<vmem>>[vector<16xi32>, vector<16xi32>], vector<16xf32>,
        %shift_right_arithmetic3A_2366 = arith.constant 20 : i32
        %shift_right_arithmetic3A_2367 = vector.broadcast %shift_right_arithmetic3A_2366 : i32 to vector<16xi32>
        %shift_right_arithmetic3A_2368 = arith.shrsi %gather3A_2298, %shift_right_arithmetic3A_2367 : vector<16xi32>
        %gather3A_2369 = tpu.vector_load_idx %arg7[%shift_right_arithmetic3A_2368, %add3A_172] : memref<256x128xf32, #tpu.memory_space<vmem>>[vector<16xi32>, vector<16xi32>], vector<16xf32>,
        %shift_right_arithmetic3A_2370 = arith.constant 20 : i32
        %shift_right_arithmetic3A_2371 = vector.broadcast %shift_right_arithmetic3A_2370 : i32 to vector<16xi32>
        %shift_right_arithmetic3A_2372 = arith.shrsi %gather3A_2299, %shift_right_arithmetic3A_2371 : vector<16xi32>
        %gather3A_2373 = tpu.vector_load_idx %arg7[%shift_right_arithmetic3A_2372, %add3A_175] : memref<256x128xf32, #tpu.memory_space<vmem>>[vector<16xi32>, vector<16xi32>], vector<16xf32>,
        %shift_right_arithmetic3A_2374 = arith.constant 20 : i32
        %shift_right_arithmetic3A_2375 = vector.broadcast %shift_right_arithmetic3A_2374 : i32 to vector<16xi32>
        %shift_right_arithmetic3A_2376 = arith.shrsi %gather3A_2300, %shift_right_arithmetic3A_2375 : vector<16xi32>
        %gather3A_2377 = tpu.vector_load_idx %arg7[%shift_right_arithmetic3A_2376, %add3A_178] : memref<256x128xf32, #tpu.memory_space<vmem>>[vector<16xi32>, vector<16xi32>], vector<16xf32>,
        %shift_right_arithmetic3A_2378 = arith.constant 20 : i32
        %shift_right_arithmetic3A_2379 = vector.broadcast %shift_right_arithmetic3A_2378 : i32 to vector<16xi32>
        %shift_right_arithmetic3A_2380 = arith.shrsi %gather3A_2301, %shift_right_arithmetic3A_2379 : vector<16xi32>
        %gather3A_2381 = tpu.vector_load_idx %arg7[%shift_right_arithmetic3A_2380, %add3A_181] : memref<256x128xf32, #tpu.memory_space<vmem>>[vector<16xi32>, vector<16xi32>], vector<16xf32>,
        %le3A_2382 = arith.cmpf ole, %gather3A_2321, %gather3A_2302 : vector<16xf32>
        %shift_right_arithmetic3A_2383 = arith.constant 10 : i32
        %shift_right_arithmetic3A_2384 = vector.broadcast %shift_right_arithmetic3A_2383 : i32 to vector<16xi32>
        %shift_right_arithmetic3A_2385 = arith.shrsi %gather3A_2286, %shift_right_arithmetic3A_2384 : vector<16xi32>
        %and3A_2386 = arith.constant 1023 : i32
        %and3A_2387 = vector.broadcast %and3A_2386 : i32 to vector<16xi32>
        %and3A_2388 = arith.andi %shift_right_arithmetic3A_2385, %and3A_2387 : vector<16xi32>
        %and3A_2389 = arith.constant 1023 : i32
        %and3A_2390 = vector.broadcast %and3A_2389 : i32 to vector<16xi32>
        %and3A_2391 = arith.andi %gather3A_2286, %and3A_2390 : vector<16xi32>
        %select_n3A_2392 = arith.select %le3A_2382, %and3A_2388, %and3A_2391 : vector<16xi1>, vector<16xi32>
        %add3A_2393 = arith.addi %select_n3A_2392, %broadcast_in_dim3A : vector<16xi32>
        %le3A_2394 = arith.cmpf ole, %gather3A_2325, %gather3A_2303 : vector<16xf32>
        %shift_right_arithmetic3A_2395 = arith.constant 10 : i32
        %shift_right_arithmetic3A_2396 = vector.broadcast %shift_right_arithmetic3A_2395 : i32 to vector<16xi32>
        %shift_right_arithmetic3A_2397 = arith.shrsi %gather3A_2287, %shift_right_arithmetic3A_2396 : vector<16xi32>
        %and3A_2398 = arith.constant 1023 : i32
        %and3A_2399 = vector.broadcast %and3A_2398 : i32 to vector<16xi32>
        %and3A_2400 = arith.andi %shift_right_arithmetic3A_2397, %and3A_2399 : vector<16xi32>
        %and3A_2401 = arith.constant 1023 : i32
        %and3A_2402 = vector.broadcast %and3A_2401 : i32 to vector<16xi32>
        %and3A_2403 = arith.andi %gather3A_2287, %and3A_2402 : vector<16xi32>
        %select_n3A_2404 = arith.select %le3A_2394, %and3A_2400, %and3A_2403 : vector<16xi1>, vector<16xi32>
        %add3A_2405 = arith.addi %select_n3A_2404, %broadcast_in_dim3A : vector<16xi32>
        %le3A_2406 = arith.cmpf ole, %gather3A_2329, %gather3A_2304 : vector<16xf32>
        %shift_right_arithmetic3A_2407 = arith.constant 10 : i32
        %shift_right_arithmetic3A_2408 = vector.broadcast %shift_right_arithmetic3A_2407 : i32 to vector<16xi32>
        %shift_right_arithmetic3A_2409 = arith.shrsi %gather3A_2288, %shift_right_arithmetic3A_2408 : vector<16xi32>
        %and3A_2410 = arith.constant 1023 : i32
        %and3A_2411 = vector.broadcast %and3A_2410 : i32 to vector<16xi32>
        %and3A_2412 = arith.andi %shift_right_arithmetic3A_2409, %and3A_2411 : vector<16xi32>
        %and3A_2413 = arith.constant 1023 : i32
        %and3A_2414 = vector.broadcast %and3A_2413 : i32 to vector<16xi32>
        %and3A_2415 = arith.andi %gather3A_2288, %and3A_2414 : vector<16xi32>
        %select_n3A_2416 = arith.select %le3A_2406, %and3A_2412, %and3A_2415 : vector<16xi1>, vector<16xi32>
        %add3A_2417 = arith.addi %select_n3A_2416, %broadcast_in_dim3A : vector<16xi32>
        %le3A_2418 = arith.cmpf ole, %gather3A_2333, %gather3A_2305 : vector<16xf32>
        %shift_right_arithmetic3A_2419 = arith.constant 10 : i32
        %shift_right_arithmetic3A_2420 = vector.broadcast %shift_right_arithmetic3A_2419 : i32 to vector<16xi32>
        %shift_right_arithmetic3A_2421 = arith.shrsi %gather3A_2289, %shift_right_arithmetic3A_2420 : vector<16xi32>
        %and3A_2422 = arith.constant 1023 : i32
        %and3A_2423 = vector.broadcast %and3A_2422 : i32 to vector<16xi32>
        %and3A_2424 = arith.andi %shift_right_arithmetic3A_2421, %and3A_2423 : vector<16xi32>
        %and3A_2425 = arith.constant 1023 : i32
        %and3A_2426 = vector.broadcast %and3A_2425 : i32 to vector<16xi32>
        %and3A_2427 = arith.andi %gather3A_2289, %and3A_2426 : vector<16xi32>
        %select_n3A_2428 = arith.select %le3A_2418, %and3A_2424, %and3A_2427 : vector<16xi1>, vector<16xi32>
        %add3A_2429 = arith.addi %select_n3A_2428, %broadcast_in_dim3A : vector<16xi32>
        %le3A_2430 = arith.cmpf ole, %gather3A_2337, %gather3A_2306 : vector<16xf32>
        %shift_right_arithmetic3A_2431 = arith.constant 10 : i32
        %shift_right_arithmetic3A_2432 = vector.broadcast %shift_right_arithmetic3A_2431 : i32 to vector<16xi32>
        %shift_right_arithmetic3A_2433 = arith.shrsi %gather3A_2290, %shift_right_arithmetic3A_2432 : vector<16xi32>
        %and3A_2434 = arith.constant 1023 : i32
        %and3A_2435 = vector.broadcast %and3A_2434 : i32 to vector<16xi32>
        %and3A_2436 = arith.andi %shift_right_arithmetic3A_2433, %and3A_2435 : vector<16xi32>
        %and3A_2437 = arith.constant 1023 : i32
        %and3A_2438 = vector.broadcast %and3A_2437 : i32 to vector<16xi32>
        %and3A_2439 = arith.andi %gather3A_2290, %and3A_2438 : vector<16xi32>
        %select_n3A_2440 = arith.select %le3A_2430, %and3A_2436, %and3A_2439 : vector<16xi1>, vector<16xi32>
        %add3A_2441 = arith.addi %select_n3A_2440, %broadcast_in_dim3A : vector<16xi32>
        %le3A_2442 = arith.cmpf ole, %gather3A_2341, %gather3A_2307 : vector<16xf32>
        %shift_right_arithmetic3A_2443 = arith.constant 10 : i32
        %shift_right_arithmetic3A_2444 = vector.broadcast %shift_right_arithmetic3A_2443 : i32 to vector<16xi32>
        %shift_right_arithmetic3A_2445 = arith.shrsi %gather3A_2291, %shift_right_arithmetic3A_2444 : vector<16xi32>
        %and3A_2446 = arith.constant 1023 : i32
        %and3A_2447 = vector.broadcast %and3A_2446 : i32 to vector<16xi32>
        %and3A_2448 = arith.andi %shift_right_arithmetic3A_2445, %and3A_2447 : vector<16xi32>
        %and3A_2449 = arith.constant 1023 : i32
        %and3A_2450 = vector.broadcast %and3A_2449 : i32 to vector<16xi32>
        %and3A_2451 = arith.andi %gather3A_2291, %and3A_2450 : vector<16xi32>
        %select_n3A_2452 = arith.select %le3A_2442, %and3A_2448, %and3A_2451 : vector<16xi1>, vector<16xi32>
        %add3A_2453 = arith.addi %select_n3A_2452, %broadcast_in_dim3A : vector<16xi32>
        %le3A_2454 = arith.cmpf ole, %gather3A_2345, %gather3A_2308 : vector<16xf32>
        %shift_right_arithmetic3A_2455 = arith.constant 10 : i32
        %shift_right_arithmetic3A_2456 = vector.broadcast %shift_right_arithmetic3A_2455 : i32 to vector<16xi32>
        %shift_right_arithmetic3A_2457 = arith.shrsi %gather3A_2292, %shift_right_arithmetic3A_2456 : vector<16xi32>
        %and3A_2458 = arith.constant 1023 : i32
        %and3A_2459 = vector.broadcast %and3A_2458 : i32 to vector<16xi32>
        %and3A_2460 = arith.andi %shift_right_arithmetic3A_2457, %and3A_2459 : vector<16xi32>
        %and3A_2461 = arith.constant 1023 : i32
        %and3A_2462 = vector.broadcast %and3A_2461 : i32 to vector<16xi32>
        %and3A_2463 = arith.andi %gather3A_2292, %and3A_2462 : vector<16xi32>
        %select_n3A_2464 = arith.select %le3A_2454, %and3A_2460, %and3A_2463 : vector<16xi1>, vector<16xi32>
        %add3A_2465 = arith.addi %select_n3A_2464, %broadcast_in_dim3A : vector<16xi32>
        %le3A_2466 = arith.cmpf ole, %gather3A_2349, %gather3A_2309 : vector<16xf32>
        %shift_right_arithmetic3A_2467 = arith.constant 10 : i32
        %shift_right_arithmetic3A_2468 = vector.broadcast %shift_right_arithmetic3A_2467 : i32 to vector<16xi32>
        %shift_right_arithmetic3A_2469 = arith.shrsi %gather3A_2293, %shift_right_arithmetic3A_2468 : vector<16xi32>
        %and3A_2470 = arith.constant 1023 : i32
        %and3A_2471 = vector.broadcast %and3A_2470 : i32 to vector<16xi32>
        %and3A_2472 = arith.andi %shift_right_arithmetic3A_2469, %and3A_2471 : vector<16xi32>
        %and3A_2473 = arith.constant 1023 : i32
        %and3A_2474 = vector.broadcast %and3A_2473 : i32 to vector<16xi32>
        %and3A_2475 = arith.andi %gather3A_2293, %and3A_2474 : vector<16xi32>
        %select_n3A_2476 = arith.select %le3A_2466, %and3A_2472, %and3A_2475 : vector<16xi1>, vector<16xi32>
        %add3A_2477 = arith.addi %select_n3A_2476, %broadcast_in_dim3A : vector<16xi32>
        %le3A_2478 = arith.cmpf ole, %gather3A_2353, %gather3A_2310 : vector<16xf32>
        %shift_right_arithmetic3A_2479 = arith.constant 10 : i32
        %shift_right_arithmetic3A_2480 = vector.broadcast %shift_right_arithmetic3A_2479 : i32 to vector<16xi32>
        %shift_right_arithmetic3A_2481 = arith.shrsi %gather3A_2294, %shift_right_arithmetic3A_2480 : vector<16xi32>
        %and3A_2482 = arith.constant 1023 : i32
        %and3A_2483 = vector.broadcast %and3A_2482 : i32 to vector<16xi32>
        %and3A_2484 = arith.andi %shift_right_arithmetic3A_2481, %and3A_2483 : vector<16xi32>
        %and3A_2485 = arith.constant 1023 : i32
        %and3A_2486 = vector.broadcast %and3A_2485 : i32 to vector<16xi32>
        %and3A_2487 = arith.andi %gather3A_2294, %and3A_2486 : vector<16xi32>
        %select_n3A_2488 = arith.select %le3A_2478, %and3A_2484, %and3A_2487 : vector<16xi1>, vector<16xi32>
        %add3A_2489 = arith.addi %select_n3A_2488, %broadcast_in_dim3A_375 : vector<16xi32>
        %le3A_2490 = arith.cmpf ole, %gather3A_2357, %gather3A_2311 : vector<16xf32>
        %shift_right_arithmetic3A_2491 = arith.constant 10 : i32
        %shift_right_arithmetic3A_2492 = vector.broadcast %shift_right_arithmetic3A_2491 : i32 to vector<16xi32>
        %shift_right_arithmetic3A_2493 = arith.shrsi %gather3A_2295, %shift_right_arithmetic3A_2492 : vector<16xi32>
        %and3A_2494 = arith.constant 1023 : i32
        %and3A_2495 = vector.broadcast %and3A_2494 : i32 to vector<16xi32>
        %and3A_2496 = arith.andi %shift_right_arithmetic3A_2493, %and3A_2495 : vector<16xi32>
        %and3A_2497 = arith.constant 1023 : i32
        %and3A_2498 = vector.broadcast %and3A_2497 : i32 to vector<16xi32>
        %and3A_2499 = arith.andi %gather3A_2295, %and3A_2498 : vector<16xi32>
        %select_n3A_2500 = arith.select %le3A_2490, %and3A_2496, %and3A_2499 : vector<16xi1>, vector<16xi32>
        %add3A_2501 = arith.addi %select_n3A_2500, %broadcast_in_dim3A_375 : vector<16xi32>
        %le3A_2502 = arith.cmpf ole, %gather3A_2361, %gather3A_2312 : vector<16xf32>
        %shift_right_arithmetic3A_2503 = arith.constant 10 : i32
        %shift_right_arithmetic3A_2504 = vector.broadcast %shift_right_arithmetic3A_2503 : i32 to vector<16xi32>
        %shift_right_arithmetic3A_2505 = arith.shrsi %gather3A_2296, %shift_right_arithmetic3A_2504 : vector<16xi32>
        %and3A_2506 = arith.constant 1023 : i32
        %and3A_2507 = vector.broadcast %and3A_2506 : i32 to vector<16xi32>
        %and3A_2508 = arith.andi %shift_right_arithmetic3A_2505, %and3A_2507 : vector<16xi32>
        %and3A_2509 = arith.constant 1023 : i32
        %and3A_2510 = vector.broadcast %and3A_2509 : i32 to vector<16xi32>
        %and3A_2511 = arith.andi %gather3A_2296, %and3A_2510 : vector<16xi32>
        %select_n3A_2512 = arith.select %le3A_2502, %and3A_2508, %and3A_2511 : vector<16xi1>, vector<16xi32>
        %add3A_2513 = arith.addi %select_n3A_2512, %broadcast_in_dim3A_375 : vector<16xi32>
        %le3A_2514 = arith.cmpf ole, %gather3A_2365, %gather3A_2313 : vector<16xf32>
        %shift_right_arithmetic3A_2515 = arith.constant 10 : i32
        %shift_right_arithmetic3A_2516 = vector.broadcast %shift_right_arithmetic3A_2515 : i32 to vector<16xi32>
        %shift_right_arithmetic3A_2517 = arith.shrsi %gather3A_2297, %shift_right_arithmetic3A_2516 : vector<16xi32>
        %and3A_2518 = arith.constant 1023 : i32
        %and3A_2519 = vector.broadcast %and3A_2518 : i32 to vector<16xi32>
        %and3A_2520 = arith.andi %shift_right_arithmetic3A_2517, %and3A_2519 : vector<16xi32>
        %and3A_2521 = arith.constant 1023 : i32
        %and3A_2522 = vector.broadcast %and3A_2521 : i32 to vector<16xi32>
        %and3A_2523 = arith.andi %gather3A_2297, %and3A_2522 : vector<16xi32>
        %select_n3A_2524 = arith.select %le3A_2514, %and3A_2520, %and3A_2523 : vector<16xi1>, vector<16xi32>
        %add3A_2525 = arith.addi %select_n3A_2524, %broadcast_in_dim3A_375 : vector<16xi32>
        %le3A_2526 = arith.cmpf ole, %gather3A_2369, %gather3A_2314 : vector<16xf32>
        %shift_right_arithmetic3A_2527 = arith.constant 10 : i32
        %shift_right_arithmetic3A_2528 = vector.broadcast %shift_right_arithmetic3A_2527 : i32 to vector<16xi32>
        %shift_right_arithmetic3A_2529 = arith.shrsi %gather3A_2298, %shift_right_arithmetic3A_2528 : vector<16xi32>
        %and3A_2530 = arith.constant 1023 : i32
        %and3A_2531 = vector.broadcast %and3A_2530 : i32 to vector<16xi32>
        %and3A_2532 = arith.andi %shift_right_arithmetic3A_2529, %and3A_2531 : vector<16xi32>
        %and3A_2533 = arith.constant 1023 : i32
        %and3A_2534 = vector.broadcast %and3A_2533 : i32 to vector<16xi32>
        %and3A_2535 = arith.andi %gather3A_2298, %and3A_2534 : vector<16xi32>
        %select_n3A_2536 = arith.select %le3A_2526, %and3A_2532, %and3A_2535 : vector<16xi1>, vector<16xi32>
        %add3A_2537 = arith.addi %select_n3A_2536, %broadcast_in_dim3A_375 : vector<16xi32>
        %le3A_2538 = arith.cmpf ole, %gather3A_2373, %gather3A_2315 : vector<16xf32>
        %shift_right_arithmetic3A_2539 = arith.constant 10 : i32
        %shift_right_arithmetic3A_2540 = vector.broadcast %shift_right_arithmetic3A_2539 : i32 to vector<16xi32>
        %shift_right_arithmetic3A_2541 = arith.shrsi %gather3A_2299, %shift_right_arithmetic3A_2540 : vector<16xi32>
        %and3A_2542 = arith.constant 1023 : i32
        %and3A_2543 = vector.broadcast %and3A_2542 : i32 to vector<16xi32>
        %and3A_2544 = arith.andi %shift_right_arithmetic3A_2541, %and3A_2543 : vector<16xi32>
        %and3A_2545 = arith.constant 1023 : i32
        %and3A_2546 = vector.broadcast %and3A_2545 : i32 to vector<16xi32>
        %and3A_2547 = arith.andi %gather3A_2299, %and3A_2546 : vector<16xi32>
        %select_n3A_2548 = arith.select %le3A_2538, %and3A_2544, %and3A_2547 : vector<16xi1>, vector<16xi32>
        %add3A_2549 = arith.addi %select_n3A_2548, %broadcast_in_dim3A_375 : vector<16xi32>
        %le3A_2550 = arith.cmpf ole, %gather3A_2377, %gather3A_2316 : vector<16xf32>
        %shift_right_arithmetic3A_2551 = arith.constant 10 : i32
        %shift_right_arithmetic3A_2552 = vector.broadcast %shift_right_arithmetic3A_2551 : i32 to vector<16xi32>
        %shift_right_arithmetic3A_2553 = arith.shrsi %gather3A_2300, %shift_right_arithmetic3A_2552 : vector<16xi32>
        %and3A_2554 = arith.constant 1023 : i32
        %and3A_2555 = vector.broadcast %and3A_2554 : i32 to vector<16xi32>
        %and3A_2556 = arith.andi %shift_right_arithmetic3A_2553, %and3A_2555 : vector<16xi32>
        %and3A_2557 = arith.constant 1023 : i32
        %and3A_2558 = vector.broadcast %and3A_2557 : i32 to vector<16xi32>
        %and3A_2559 = arith.andi %gather3A_2300, %and3A_2558 : vector<16xi32>
        %select_n3A_2560 = arith.select %le3A_2550, %and3A_2556, %and3A_2559 : vector<16xi1>, vector<16xi32>
        %add3A_2561 = arith.addi %select_n3A_2560, %broadcast_in_dim3A_375 : vector<16xi32>
        %le3A_2562 = arith.cmpf ole, %gather3A_2381, %gather3A_2317 : vector<16xf32>
        %shift_right_arithmetic3A_2563 = arith.constant 10 : i32
        %shift_right_arithmetic3A_2564 = vector.broadcast %shift_right_arithmetic3A_2563 : i32 to vector<16xi32>
        %shift_right_arithmetic3A_2565 = arith.shrsi %gather3A_2301, %shift_right_arithmetic3A_2564 : vector<16xi32>
        %and3A_2566 = arith.constant 1023 : i32
        %and3A_2567 = vector.broadcast %and3A_2566 : i32 to vector<16xi32>
        %and3A_2568 = arith.andi %shift_right_arithmetic3A_2565, %and3A_2567 : vector<16xi32>
        %and3A_2569 = arith.constant 1023 : i32
        %and3A_2570 = vector.broadcast %and3A_2569 : i32 to vector<16xi32>
        %and3A_2571 = arith.andi %gather3A_2301, %and3A_2570 : vector<16xi32>
        %select_n3A_2572 = arith.select %le3A_2562, %and3A_2568, %and3A_2571 : vector<16xi1>, vector<16xi32>
        %add3A_2573 = arith.addi %select_n3A_2572, %broadcast_in_dim3A_375 : vector<16xi32>
        %gather3A_2574 = tpu.vector_load_idx %arg8[%add3A_2393] : memref<24576xi32, #tpu.memory_space<vmem>>[vector<16xi32>], vector<16xi32>,
        %gather3A_2575 = tpu.vector_load_idx %arg8[%add3A_2405] : memref<24576xi32, #tpu.memory_space<vmem>>[vector<16xi32>], vector<16xi32>,
        %gather3A_2576 = tpu.vector_load_idx %arg8[%add3A_2417] : memref<24576xi32, #tpu.memory_space<vmem>>[vector<16xi32>], vector<16xi32>,
        %gather3A_2577 = tpu.vector_load_idx %arg8[%add3A_2429] : memref<24576xi32, #tpu.memory_space<vmem>>[vector<16xi32>], vector<16xi32>,
        %gather3A_2578 = tpu.vector_load_idx %arg8[%add3A_2441] : memref<24576xi32, #tpu.memory_space<vmem>>[vector<16xi32>], vector<16xi32>,
        %gather3A_2579 = tpu.vector_load_idx %arg8[%add3A_2453] : memref<24576xi32, #tpu.memory_space<vmem>>[vector<16xi32>], vector<16xi32>,
        %gather3A_2580 = tpu.vector_load_idx %arg8[%add3A_2465] : memref<24576xi32, #tpu.memory_space<vmem>>[vector<16xi32>], vector<16xi32>,
        %gather3A_2581 = tpu.vector_load_idx %arg8[%add3A_2477] : memref<24576xi32, #tpu.memory_space<vmem>>[vector<16xi32>], vector<16xi32>,
        %gather3A_2582 = tpu.vector_load_idx %arg8[%add3A_2489] : memref<24576xi32, #tpu.memory_space<vmem>>[vector<16xi32>], vector<16xi32>,
        %gather3A_2583 = tpu.vector_load_idx %arg8[%add3A_2501] : memref<24576xi32, #tpu.memory_space<vmem>>[vector<16xi32>], vector<16xi32>,
        %gather3A_2584 = tpu.vector_load_idx %arg8[%add3A_2513] : memref<24576xi32, #tpu.memory_space<vmem>>[vector<16xi32>], vector<16xi32>,
        %gather3A_2585 = tpu.vector_load_idx %arg8[%add3A_2525] : memref<24576xi32, #tpu.memory_space<vmem>>[vector<16xi32>], vector<16xi32>,
        %gather3A_2586 = tpu.vector_load_idx %arg8[%add3A_2537] : memref<24576xi32, #tpu.memory_space<vmem>>[vector<16xi32>], vector<16xi32>,
        %gather3A_2587 = tpu.vector_load_idx %arg8[%add3A_2549] : memref<24576xi32, #tpu.memory_space<vmem>>[vector<16xi32>], vector<16xi32>,
        %gather3A_2588 = tpu.vector_load_idx %arg8[%add3A_2561] : memref<24576xi32, #tpu.memory_space<vmem>>[vector<16xi32>], vector<16xi32>,
        %gather3A_2589 = tpu.vector_load_idx %arg8[%add3A_2573] : memref<24576xi32, #tpu.memory_space<vmem>>[vector<16xi32>], vector<16xi32>,
        %gather3A_2590 = tpu.vector_load_idx %arg9[%add3A_2393] : memref<24576xf32, #tpu.memory_space<vmem>>[vector<16xi32>], vector<16xf32>,
        %gather3A_2591 = tpu.vector_load_idx %arg9[%add3A_2405] : memref<24576xf32, #tpu.memory_space<vmem>>[vector<16xi32>], vector<16xf32>,
        %gather3A_2592 = tpu.vector_load_idx %arg9[%add3A_2417] : memref<24576xf32, #tpu.memory_space<vmem>>[vector<16xi32>], vector<16xf32>,
        %gather3A_2593 = tpu.vector_load_idx %arg9[%add3A_2429] : memref<24576xf32, #tpu.memory_space<vmem>>[vector<16xi32>], vector<16xf32>,
        %gather3A_2594 = tpu.vector_load_idx %arg9[%add3A_2441] : memref<24576xf32, #tpu.memory_space<vmem>>[vector<16xi32>], vector<16xf32>,
        %gather3A_2595 = tpu.vector_load_idx %arg9[%add3A_2453] : memref<24576xf32, #tpu.memory_space<vmem>>[vector<16xi32>], vector<16xf32>,
        %gather3A_2596 = tpu.vector_load_idx %arg9[%add3A_2465] : memref<24576xf32, #tpu.memory_space<vmem>>[vector<16xi32>], vector<16xf32>,
        %gather3A_2597 = tpu.vector_load_idx %arg9[%add3A_2477] : memref<24576xf32, #tpu.memory_space<vmem>>[vector<16xi32>], vector<16xf32>,
        %gather3A_2598 = tpu.vector_load_idx %arg9[%add3A_2489] : memref<24576xf32, #tpu.memory_space<vmem>>[vector<16xi32>], vector<16xf32>,
        %gather3A_2599 = tpu.vector_load_idx %arg9[%add3A_2501] : memref<24576xf32, #tpu.memory_space<vmem>>[vector<16xi32>], vector<16xf32>,
        %gather3A_2600 = tpu.vector_load_idx %arg9[%add3A_2513] : memref<24576xf32, #tpu.memory_space<vmem>>[vector<16xi32>], vector<16xf32>,
        %gather3A_2601 = tpu.vector_load_idx %arg9[%add3A_2525] : memref<24576xf32, #tpu.memory_space<vmem>>[vector<16xi32>], vector<16xf32>,
        %gather3A_2602 = tpu.vector_load_idx %arg9[%add3A_2537] : memref<24576xf32, #tpu.memory_space<vmem>>[vector<16xi32>], vector<16xf32>,
        %gather3A_2603 = tpu.vector_load_idx %arg9[%add3A_2549] : memref<24576xf32, #tpu.memory_space<vmem>>[vector<16xi32>], vector<16xf32>,
        %gather3A_2604 = tpu.vector_load_idx %arg9[%add3A_2561] : memref<24576xf32, #tpu.memory_space<vmem>>[vector<16xi32>], vector<16xf32>,
        %gather3A_2605 = tpu.vector_load_idx %arg9[%add3A_2573] : memref<24576xf32, #tpu.memory_space<vmem>>[vector<16xi32>], vector<16xf32>,
        %shift_right_arithmetic3A_2606 = arith.constant 20 : i32
        %shift_right_arithmetic3A_2607 = vector.broadcast %shift_right_arithmetic3A_2606 : i32 to vector<16xi32>
        %shift_right_arithmetic3A_2608 = arith.shrsi %gather3A_2574, %shift_right_arithmetic3A_2607 : vector<16xi32>
        %gather3A_2609 = tpu.vector_load_idx %arg7[%shift_right_arithmetic3A_2608, %add3A_160] : memref<256x128xf32, #tpu.memory_space<vmem>>[vector<16xi32>, vector<16xi32>], vector<16xf32>,
        %shift_right_arithmetic3A_2610 = arith.constant 20 : i32
        %shift_right_arithmetic3A_2611 = vector.broadcast %shift_right_arithmetic3A_2610 : i32 to vector<16xi32>
        %shift_right_arithmetic3A_2612 = arith.shrsi %gather3A_2575, %shift_right_arithmetic3A_2611 : vector<16xi32>
        %gather3A_2613 = tpu.vector_load_idx %arg7[%shift_right_arithmetic3A_2612, %add3A_163] : memref<256x128xf32, #tpu.memory_space<vmem>>[vector<16xi32>, vector<16xi32>], vector<16xf32>,
        %shift_right_arithmetic3A_2614 = arith.constant 20 : i32
        %shift_right_arithmetic3A_2615 = vector.broadcast %shift_right_arithmetic3A_2614 : i32 to vector<16xi32>
        %shift_right_arithmetic3A_2616 = arith.shrsi %gather3A_2576, %shift_right_arithmetic3A_2615 : vector<16xi32>
        %gather3A_2617 = tpu.vector_load_idx %arg7[%shift_right_arithmetic3A_2616, %add3A_166] : memref<256x128xf32, #tpu.memory_space<vmem>>[vector<16xi32>, vector<16xi32>], vector<16xf32>,
        %shift_right_arithmetic3A_2618 = arith.constant 20 : i32
        %shift_right_arithmetic3A_2619 = vector.broadcast %shift_right_arithmetic3A_2618 : i32 to vector<16xi32>
        %shift_right_arithmetic3A_2620 = arith.shrsi %gather3A_2577, %shift_right_arithmetic3A_2619 : vector<16xi32>
        %gather3A_2621 = tpu.vector_load_idx %arg7[%shift_right_arithmetic3A_2620, %add3A_169] : memref<256x128xf32, #tpu.memory_space<vmem>>[vector<16xi32>, vector<16xi32>], vector<16xf32>,
        %shift_right_arithmetic3A_2622 = arith.constant 20 : i32
        %shift_right_arithmetic3A_2623 = vector.broadcast %shift_right_arithmetic3A_2622 : i32 to vector<16xi32>
        %shift_right_arithmetic3A_2624 = arith.shrsi %gather3A_2578, %shift_right_arithmetic3A_2623 : vector<16xi32>
        %gather3A_2625 = tpu.vector_load_idx %arg7[%shift_right_arithmetic3A_2624, %add3A_172] : memref<256x128xf32, #tpu.memory_space<vmem>>[vector<16xi32>, vector<16xi32>], vector<16xf32>,
        %shift_right_arithmetic3A_2626 = arith.constant 20 : i32
        %shift_right_arithmetic3A_2627 = vector.broadcast %shift_right_arithmetic3A_2626 : i32 to vector<16xi32>
        %shift_right_arithmetic3A_2628 = arith.shrsi %gather3A_2579, %shift_right_arithmetic3A_2627 : vector<16xi32>
        %gather3A_2629 = tpu.vector_load_idx %arg7[%shift_right_arithmetic3A_2628, %add3A_175] : memref<256x128xf32, #tpu.memory_space<vmem>>[vector<16xi32>, vector<16xi32>], vector<16xf32>,
        %shift_right_arithmetic3A_2630 = arith.constant 20 : i32
        %shift_right_arithmetic3A_2631 = vector.broadcast %shift_right_arithmetic3A_2630 : i32 to vector<16xi32>
        %shift_right_arithmetic3A_2632 = arith.shrsi %gather3A_2580, %shift_right_arithmetic3A_2631 : vector<16xi32>
        %gather3A_2633 = tpu.vector_load_idx %arg7[%shift_right_arithmetic3A_2632, %add3A_178] : memref<256x128xf32, #tpu.memory_space<vmem>>[vector<16xi32>, vector<16xi32>], vector<16xf32>,
        %shift_right_arithmetic3A_2634 = arith.constant 20 : i32
        %shift_right_arithmetic3A_2635 = vector.broadcast %shift_right_arithmetic3A_2634 : i32 to vector<16xi32>
        %shift_right_arithmetic3A_2636 = arith.shrsi %gather3A_2581, %shift_right_arithmetic3A_2635 : vector<16xi32>
        %gather3A_2637 = tpu.vector_load_idx %arg7[%shift_right_arithmetic3A_2636, %add3A_181] : memref<256x128xf32, #tpu.memory_space<vmem>>[vector<16xi32>, vector<16xi32>], vector<16xf32>,
        %shift_right_arithmetic3A_2638 = arith.constant 20 : i32
        %shift_right_arithmetic3A_2639 = vector.broadcast %shift_right_arithmetic3A_2638 : i32 to vector<16xi32>
        %shift_right_arithmetic3A_2640 = arith.shrsi %gather3A_2582, %shift_right_arithmetic3A_2639 : vector<16xi32>
        %gather3A_2641 = tpu.vector_load_idx %arg7[%shift_right_arithmetic3A_2640, %add3A_160] : memref<256x128xf32, #tpu.memory_space<vmem>>[vector<16xi32>, vector<16xi32>], vector<16xf32>,
        %shift_right_arithmetic3A_2642 = arith.constant 20 : i32
        %shift_right_arithmetic3A_2643 = vector.broadcast %shift_right_arithmetic3A_2642 : i32 to vector<16xi32>
        %shift_right_arithmetic3A_2644 = arith.shrsi %gather3A_2583, %shift_right_arithmetic3A_2643 : vector<16xi32>
        %gather3A_2645 = tpu.vector_load_idx %arg7[%shift_right_arithmetic3A_2644, %add3A_163] : memref<256x128xf32, #tpu.memory_space<vmem>>[vector<16xi32>, vector<16xi32>], vector<16xf32>,
        %shift_right_arithmetic3A_2646 = arith.constant 20 : i32
        %shift_right_arithmetic3A_2647 = vector.broadcast %shift_right_arithmetic3A_2646 : i32 to vector<16xi32>
        %shift_right_arithmetic3A_2648 = arith.shrsi %gather3A_2584, %shift_right_arithmetic3A_2647 : vector<16xi32>
        %gather3A_2649 = tpu.vector_load_idx %arg7[%shift_right_arithmetic3A_2648, %add3A_166] : memref<256x128xf32, #tpu.memory_space<vmem>>[vector<16xi32>, vector<16xi32>], vector<16xf32>,
        %shift_right_arithmetic3A_2650 = arith.constant 20 : i32
        %shift_right_arithmetic3A_2651 = vector.broadcast %shift_right_arithmetic3A_2650 : i32 to vector<16xi32>
        %shift_right_arithmetic3A_2652 = arith.shrsi %gather3A_2585, %shift_right_arithmetic3A_2651 : vector<16xi32>
        %gather3A_2653 = tpu.vector_load_idx %arg7[%shift_right_arithmetic3A_2652, %add3A_169] : memref<256x128xf32, #tpu.memory_space<vmem>>[vector<16xi32>, vector<16xi32>], vector<16xf32>,
        %shift_right_arithmetic3A_2654 = arith.constant 20 : i32
        %shift_right_arithmetic3A_2655 = vector.broadcast %shift_right_arithmetic3A_2654 : i32 to vector<16xi32>
        %shift_right_arithmetic3A_2656 = arith.shrsi %gather3A_2586, %shift_right_arithmetic3A_2655 : vector<16xi32>
        %gather3A_2657 = tpu.vector_load_idx %arg7[%shift_right_arithmetic3A_2656, %add3A_172] : memref<256x128xf32, #tpu.memory_space<vmem>>[vector<16xi32>, vector<16xi32>], vector<16xf32>,
        %shift_right_arithmetic3A_2658 = arith.constant 20 : i32
        %shift_right_arithmetic3A_2659 = vector.broadcast %shift_right_arithmetic3A_2658 : i32 to vector<16xi32>
        %shift_right_arithmetic3A_2660 = arith.shrsi %gather3A_2587, %shift_right_arithmetic3A_2659 : vector<16xi32>
        %gather3A_2661 = tpu.vector_load_idx %arg7[%shift_right_arithmetic3A_2660, %add3A_175] : memref<256x128xf32, #tpu.memory_space<vmem>>[vector<16xi32>, vector<16xi32>], vector<16xf32>,
        %shift_right_arithmetic3A_2662 = arith.constant 20 : i32
        %shift_right_arithmetic3A_2663 = vector.broadcast %shift_right_arithmetic3A_2662 : i32 to vector<16xi32>
        %shift_right_arithmetic3A_2664 = arith.shrsi %gather3A_2588, %shift_right_arithmetic3A_2663 : vector<16xi32>
        %gather3A_2665 = tpu.vector_load_idx %arg7[%shift_right_arithmetic3A_2664, %add3A_178] : memref<256x128xf32, #tpu.memory_space<vmem>>[vector<16xi32>, vector<16xi32>], vector<16xf32>,
        %shift_right_arithmetic3A_2666 = arith.constant 20 : i32
        %shift_right_arithmetic3A_2667 = vector.broadcast %shift_right_arithmetic3A_2666 : i32 to vector<16xi32>
        %shift_right_arithmetic3A_2668 = arith.shrsi %gather3A_2589, %shift_right_arithmetic3A_2667 : vector<16xi32>
        %gather3A_2669 = tpu.vector_load_idx %arg7[%shift_right_arithmetic3A_2668, %add3A_181] : memref<256x128xf32, #tpu.memory_space<vmem>>[vector<16xi32>, vector<16xi32>], vector<16xf32>,
        %le3A_2670 = arith.cmpf ole, %gather3A_2609, %gather3A_2590 : vector<16xf32>
        %shift_right_arithmetic3A_2671 = arith.constant 10 : i32
        %shift_right_arithmetic3A_2672 = vector.broadcast %shift_right_arithmetic3A_2671 : i32 to vector<16xi32>
        %shift_right_arithmetic3A_2673 = arith.shrsi %gather3A_2574, %shift_right_arithmetic3A_2672 : vector<16xi32>
        %and3A_2674 = arith.constant 1023 : i32
        %and3A_2675 = vector.broadcast %and3A_2674 : i32 to vector<16xi32>
        %and3A_2676 = arith.andi %shift_right_arithmetic3A_2673, %and3A_2675 : vector<16xi32>
        %and3A_2677 = arith.constant 1023 : i32
        %and3A_2678 = vector.broadcast %and3A_2677 : i32 to vector<16xi32>
        %and3A_2679 = arith.andi %gather3A_2574, %and3A_2678 : vector<16xi32>
        %select_n3A_2680 = arith.select %le3A_2670, %and3A_2676, %and3A_2679 : vector<16xi1>, vector<16xi32>
        %add3A_2681 = arith.addi %select_n3A_2680, %broadcast_in_dim3A : vector<16xi32>
        %le3A_2682 = arith.cmpf ole, %gather3A_2613, %gather3A_2591 : vector<16xf32>
        %shift_right_arithmetic3A_2683 = arith.constant 10 : i32
        %shift_right_arithmetic3A_2684 = vector.broadcast %shift_right_arithmetic3A_2683 : i32 to vector<16xi32>
        %shift_right_arithmetic3A_2685 = arith.shrsi %gather3A_2575, %shift_right_arithmetic3A_2684 : vector<16xi32>
        %and3A_2686 = arith.constant 1023 : i32
        %and3A_2687 = vector.broadcast %and3A_2686 : i32 to vector<16xi32>
        %and3A_2688 = arith.andi %shift_right_arithmetic3A_2685, %and3A_2687 : vector<16xi32>
        %and3A_2689 = arith.constant 1023 : i32
        %and3A_2690 = vector.broadcast %and3A_2689 : i32 to vector<16xi32>
        %and3A_2691 = arith.andi %gather3A_2575, %and3A_2690 : vector<16xi32>
        %select_n3A_2692 = arith.select %le3A_2682, %and3A_2688, %and3A_2691 : vector<16xi1>, vector<16xi32>
        %add3A_2693 = arith.addi %select_n3A_2692, %broadcast_in_dim3A : vector<16xi32>
        %le3A_2694 = arith.cmpf ole, %gather3A_2617, %gather3A_2592 : vector<16xf32>
        %shift_right_arithmetic3A_2695 = arith.constant 10 : i32
        %shift_right_arithmetic3A_2696 = vector.broadcast %shift_right_arithmetic3A_2695 : i32 to vector<16xi32>
        %shift_right_arithmetic3A_2697 = arith.shrsi %gather3A_2576, %shift_right_arithmetic3A_2696 : vector<16xi32>
        %and3A_2698 = arith.constant 1023 : i32
        %and3A_2699 = vector.broadcast %and3A_2698 : i32 to vector<16xi32>
        %and3A_2700 = arith.andi %shift_right_arithmetic3A_2697, %and3A_2699 : vector<16xi32>
        %and3A_2701 = arith.constant 1023 : i32
        %and3A_2702 = vector.broadcast %and3A_2701 : i32 to vector<16xi32>
        %and3A_2703 = arith.andi %gather3A_2576, %and3A_2702 : vector<16xi32>
        %select_n3A_2704 = arith.select %le3A_2694, %and3A_2700, %and3A_2703 : vector<16xi1>, vector<16xi32>
        %add3A_2705 = arith.addi %select_n3A_2704, %broadcast_in_dim3A : vector<16xi32>
        %le3A_2706 = arith.cmpf ole, %gather3A_2621, %gather3A_2593 : vector<16xf32>
        %shift_right_arithmetic3A_2707 = arith.constant 10 : i32
        %shift_right_arithmetic3A_2708 = vector.broadcast %shift_right_arithmetic3A_2707 : i32 to vector<16xi32>
        %shift_right_arithmetic3A_2709 = arith.shrsi %gather3A_2577, %shift_right_arithmetic3A_2708 : vector<16xi32>
        %and3A_2710 = arith.constant 1023 : i32
        %and3A_2711 = vector.broadcast %and3A_2710 : i32 to vector<16xi32>
        %and3A_2712 = arith.andi %shift_right_arithmetic3A_2709, %and3A_2711 : vector<16xi32>
        %and3A_2713 = arith.constant 1023 : i32
        %and3A_2714 = vector.broadcast %and3A_2713 : i32 to vector<16xi32>
        %and3A_2715 = arith.andi %gather3A_2577, %and3A_2714 : vector<16xi32>
        %select_n3A_2716 = arith.select %le3A_2706, %and3A_2712, %and3A_2715 : vector<16xi1>, vector<16xi32>
        %add3A_2717 = arith.addi %select_n3A_2716, %broadcast_in_dim3A : vector<16xi32>
        %le3A_2718 = arith.cmpf ole, %gather3A_2625, %gather3A_2594 : vector<16xf32>
        %shift_right_arithmetic3A_2719 = arith.constant 10 : i32
        %shift_right_arithmetic3A_2720 = vector.broadcast %shift_right_arithmetic3A_2719 : i32 to vector<16xi32>
        %shift_right_arithmetic3A_2721 = arith.shrsi %gather3A_2578, %shift_right_arithmetic3A_2720 : vector<16xi32>
        %and3A_2722 = arith.constant 1023 : i32
        %and3A_2723 = vector.broadcast %and3A_2722 : i32 to vector<16xi32>
        %and3A_2724 = arith.andi %shift_right_arithmetic3A_2721, %and3A_2723 : vector<16xi32>
        %and3A_2725 = arith.constant 1023 : i32
        %and3A_2726 = vector.broadcast %and3A_2725 : i32 to vector<16xi32>
        %and3A_2727 = arith.andi %gather3A_2578, %and3A_2726 : vector<16xi32>
        %select_n3A_2728 = arith.select %le3A_2718, %and3A_2724, %and3A_2727 : vector<16xi1>, vector<16xi32>
        %add3A_2729 = arith.addi %select_n3A_2728, %broadcast_in_dim3A : vector<16xi32>
        %le3A_2730 = arith.cmpf ole, %gather3A_2629, %gather3A_2595 : vector<16xf32>
        %shift_right_arithmetic3A_2731 = arith.constant 10 : i32
        %shift_right_arithmetic3A_2732 = vector.broadcast %shift_right_arithmetic3A_2731 : i32 to vector<16xi32>
        %shift_right_arithmetic3A_2733 = arith.shrsi %gather3A_2579, %shift_right_arithmetic3A_2732 : vector<16xi32>
        %and3A_2734 = arith.constant 1023 : i32
        %and3A_2735 = vector.broadcast %and3A_2734 : i32 to vector<16xi32>
        %and3A_2736 = arith.andi %shift_right_arithmetic3A_2733, %and3A_2735 : vector<16xi32>
        %and3A_2737 = arith.constant 1023 : i32
        %and3A_2738 = vector.broadcast %and3A_2737 : i32 to vector<16xi32>
        %and3A_2739 = arith.andi %gather3A_2579, %and3A_2738 : vector<16xi32>
        %select_n3A_2740 = arith.select %le3A_2730, %and3A_2736, %and3A_2739 : vector<16xi1>, vector<16xi32>
        %add3A_2741 = arith.addi %select_n3A_2740, %broadcast_in_dim3A : vector<16xi32>
        %le3A_2742 = arith.cmpf ole, %gather3A_2633, %gather3A_2596 : vector<16xf32>
        %shift_right_arithmetic3A_2743 = arith.constant 10 : i32
        %shift_right_arithmetic3A_2744 = vector.broadcast %shift_right_arithmetic3A_2743 : i32 to vector<16xi32>
        %shift_right_arithmetic3A_2745 = arith.shrsi %gather3A_2580, %shift_right_arithmetic3A_2744 : vector<16xi32>
        %and3A_2746 = arith.constant 1023 : i32
        %and3A_2747 = vector.broadcast %and3A_2746 : i32 to vector<16xi32>
        %and3A_2748 = arith.andi %shift_right_arithmetic3A_2745, %and3A_2747 : vector<16xi32>
        %and3A_2749 = arith.constant 1023 : i32
        %and3A_2750 = vector.broadcast %and3A_2749 : i32 to vector<16xi32>
        %and3A_2751 = arith.andi %gather3A_2580, %and3A_2750 : vector<16xi32>
        %select_n3A_2752 = arith.select %le3A_2742, %and3A_2748, %and3A_2751 : vector<16xi1>, vector<16xi32>
        %add3A_2753 = arith.addi %select_n3A_2752, %broadcast_in_dim3A : vector<16xi32>
        %le3A_2754 = arith.cmpf ole, %gather3A_2637, %gather3A_2597 : vector<16xf32>
        %shift_right_arithmetic3A_2755 = arith.constant 10 : i32
        %shift_right_arithmetic3A_2756 = vector.broadcast %shift_right_arithmetic3A_2755 : i32 to vector<16xi32>
        %shift_right_arithmetic3A_2757 = arith.shrsi %gather3A_2581, %shift_right_arithmetic3A_2756 : vector<16xi32>
        %and3A_2758 = arith.constant 1023 : i32
        %and3A_2759 = vector.broadcast %and3A_2758 : i32 to vector<16xi32>
        %and3A_2760 = arith.andi %shift_right_arithmetic3A_2757, %and3A_2759 : vector<16xi32>
        %and3A_2761 = arith.constant 1023 : i32
        %and3A_2762 = vector.broadcast %and3A_2761 : i32 to vector<16xi32>
        %and3A_2763 = arith.andi %gather3A_2581, %and3A_2762 : vector<16xi32>
        %select_n3A_2764 = arith.select %le3A_2754, %and3A_2760, %and3A_2763 : vector<16xi1>, vector<16xi32>
        %add3A_2765 = arith.addi %select_n3A_2764, %broadcast_in_dim3A : vector<16xi32>
        %le3A_2766 = arith.cmpf ole, %gather3A_2641, %gather3A_2598 : vector<16xf32>
        %shift_right_arithmetic3A_2767 = arith.constant 10 : i32
        %shift_right_arithmetic3A_2768 = vector.broadcast %shift_right_arithmetic3A_2767 : i32 to vector<16xi32>
        %shift_right_arithmetic3A_2769 = arith.shrsi %gather3A_2582, %shift_right_arithmetic3A_2768 : vector<16xi32>
        %and3A_2770 = arith.constant 1023 : i32
        %and3A_2771 = vector.broadcast %and3A_2770 : i32 to vector<16xi32>
        %and3A_2772 = arith.andi %shift_right_arithmetic3A_2769, %and3A_2771 : vector<16xi32>
        %and3A_2773 = arith.constant 1023 : i32
        %and3A_2774 = vector.broadcast %and3A_2773 : i32 to vector<16xi32>
        %and3A_2775 = arith.andi %gather3A_2582, %and3A_2774 : vector<16xi32>
        %select_n3A_2776 = arith.select %le3A_2766, %and3A_2772, %and3A_2775 : vector<16xi1>, vector<16xi32>
        %add3A_2777 = arith.addi %select_n3A_2776, %broadcast_in_dim3A_375 : vector<16xi32>
        %le3A_2778 = arith.cmpf ole, %gather3A_2645, %gather3A_2599 : vector<16xf32>
        %shift_right_arithmetic3A_2779 = arith.constant 10 : i32
        %shift_right_arithmetic3A_2780 = vector.broadcast %shift_right_arithmetic3A_2779 : i32 to vector<16xi32>
        %shift_right_arithmetic3A_2781 = arith.shrsi %gather3A_2583, %shift_right_arithmetic3A_2780 : vector<16xi32>
        %and3A_2782 = arith.constant 1023 : i32
        %and3A_2783 = vector.broadcast %and3A_2782 : i32 to vector<16xi32>
        %and3A_2784 = arith.andi %shift_right_arithmetic3A_2781, %and3A_2783 : vector<16xi32>
        %and3A_2785 = arith.constant 1023 : i32
        %and3A_2786 = vector.broadcast %and3A_2785 : i32 to vector<16xi32>
        %and3A_2787 = arith.andi %gather3A_2583, %and3A_2786 : vector<16xi32>
        %select_n3A_2788 = arith.select %le3A_2778, %and3A_2784, %and3A_2787 : vector<16xi1>, vector<16xi32>
        %add3A_2789 = arith.addi %select_n3A_2788, %broadcast_in_dim3A_375 : vector<16xi32>
        %le3A_2790 = arith.cmpf ole, %gather3A_2649, %gather3A_2600 : vector<16xf32>
        %shift_right_arithmetic3A_2791 = arith.constant 10 : i32
        %shift_right_arithmetic3A_2792 = vector.broadcast %shift_right_arithmetic3A_2791 : i32 to vector<16xi32>
        %shift_right_arithmetic3A_2793 = arith.shrsi %gather3A_2584, %shift_right_arithmetic3A_2792 : vector<16xi32>
        %and3A_2794 = arith.constant 1023 : i32
        %and3A_2795 = vector.broadcast %and3A_2794 : i32 to vector<16xi32>
        %and3A_2796 = arith.andi %shift_right_arithmetic3A_2793, %and3A_2795 : vector<16xi32>
        %and3A_2797 = arith.constant 1023 : i32
        %and3A_2798 = vector.broadcast %and3A_2797 : i32 to vector<16xi32>
        %and3A_2799 = arith.andi %gather3A_2584, %and3A_2798 : vector<16xi32>
        %select_n3A_2800 = arith.select %le3A_2790, %and3A_2796, %and3A_2799 : vector<16xi1>, vector<16xi32>
        %add3A_2801 = arith.addi %select_n3A_2800, %broadcast_in_dim3A_375 : vector<16xi32>
        %le3A_2802 = arith.cmpf ole, %gather3A_2653, %gather3A_2601 : vector<16xf32>
        %shift_right_arithmetic3A_2803 = arith.constant 10 : i32
        %shift_right_arithmetic3A_2804 = vector.broadcast %shift_right_arithmetic3A_2803 : i32 to vector<16xi32>
        %shift_right_arithmetic3A_2805 = arith.shrsi %gather3A_2585, %shift_right_arithmetic3A_2804 : vector<16xi32>
        %and3A_2806 = arith.constant 1023 : i32
        %and3A_2807 = vector.broadcast %and3A_2806 : i32 to vector<16xi32>
        %and3A_2808 = arith.andi %shift_right_arithmetic3A_2805, %and3A_2807 : vector<16xi32>
        %and3A_2809 = arith.constant 1023 : i32
        %and3A_2810 = vector.broadcast %and3A_2809 : i32 to vector<16xi32>
        %and3A_2811 = arith.andi %gather3A_2585, %and3A_2810 : vector<16xi32>
        %select_n3A_2812 = arith.select %le3A_2802, %and3A_2808, %and3A_2811 : vector<16xi1>, vector<16xi32>
        %add3A_2813 = arith.addi %select_n3A_2812, %broadcast_in_dim3A_375 : vector<16xi32>
        %le3A_2814 = arith.cmpf ole, %gather3A_2657, %gather3A_2602 : vector<16xf32>
        %shift_right_arithmetic3A_2815 = arith.constant 10 : i32
        %shift_right_arithmetic3A_2816 = vector.broadcast %shift_right_arithmetic3A_2815 : i32 to vector<16xi32>
        %shift_right_arithmetic3A_2817 = arith.shrsi %gather3A_2586, %shift_right_arithmetic3A_2816 : vector<16xi32>
        %and3A_2818 = arith.constant 1023 : i32
        %and3A_2819 = vector.broadcast %and3A_2818 : i32 to vector<16xi32>
        %and3A_2820 = arith.andi %shift_right_arithmetic3A_2817, %and3A_2819 : vector<16xi32>
        %and3A_2821 = arith.constant 1023 : i32
        %and3A_2822 = vector.broadcast %and3A_2821 : i32 to vector<16xi32>
        %and3A_2823 = arith.andi %gather3A_2586, %and3A_2822 : vector<16xi32>
        %select_n3A_2824 = arith.select %le3A_2814, %and3A_2820, %and3A_2823 : vector<16xi1>, vector<16xi32>
        %add3A_2825 = arith.addi %select_n3A_2824, %broadcast_in_dim3A_375 : vector<16xi32>
        %le3A_2826 = arith.cmpf ole, %gather3A_2661, %gather3A_2603 : vector<16xf32>
        %shift_right_arithmetic3A_2827 = arith.constant 10 : i32
        %shift_right_arithmetic3A_2828 = vector.broadcast %shift_right_arithmetic3A_2827 : i32 to vector<16xi32>
        %shift_right_arithmetic3A_2829 = arith.shrsi %gather3A_2587, %shift_right_arithmetic3A_2828 : vector<16xi32>
        %and3A_2830 = arith.constant 1023 : i32
        %and3A_2831 = vector.broadcast %and3A_2830 : i32 to vector<16xi32>
        %and3A_2832 = arith.andi %shift_right_arithmetic3A_2829, %and3A_2831 : vector<16xi32>
        %and3A_2833 = arith.constant 1023 : i32
        %and3A_2834 = vector.broadcast %and3A_2833 : i32 to vector<16xi32>
        %and3A_2835 = arith.andi %gather3A_2587, %and3A_2834 : vector<16xi32>
        %select_n3A_2836 = arith.select %le3A_2826, %and3A_2832, %and3A_2835 : vector<16xi1>, vector<16xi32>
        %add3A_2837 = arith.addi %select_n3A_2836, %broadcast_in_dim3A_375 : vector<16xi32>
        %le3A_2838 = arith.cmpf ole, %gather3A_2665, %gather3A_2604 : vector<16xf32>
        %shift_right_arithmetic3A_2839 = arith.constant 10 : i32
        %shift_right_arithmetic3A_2840 = vector.broadcast %shift_right_arithmetic3A_2839 : i32 to vector<16xi32>
        %shift_right_arithmetic3A_2841 = arith.shrsi %gather3A_2588, %shift_right_arithmetic3A_2840 : vector<16xi32>
        %and3A_2842 = arith.constant 1023 : i32
        %and3A_2843 = vector.broadcast %and3A_2842 : i32 to vector<16xi32>
        %and3A_2844 = arith.andi %shift_right_arithmetic3A_2841, %and3A_2843 : vector<16xi32>
        %and3A_2845 = arith.constant 1023 : i32
        %and3A_2846 = vector.broadcast %and3A_2845 : i32 to vector<16xi32>
        %and3A_2847 = arith.andi %gather3A_2588, %and3A_2846 : vector<16xi32>
        %select_n3A_2848 = arith.select %le3A_2838, %and3A_2844, %and3A_2847 : vector<16xi1>, vector<16xi32>
        %add3A_2849 = arith.addi %select_n3A_2848, %broadcast_in_dim3A_375 : vector<16xi32>
        %le3A_2850 = arith.cmpf ole, %gather3A_2669, %gather3A_2605 : vector<16xf32>
        %shift_right_arithmetic3A_2851 = arith.constant 10 : i32
        %shift_right_arithmetic3A_2852 = vector.broadcast %shift_right_arithmetic3A_2851 : i32 to vector<16xi32>
        %shift_right_arithmetic3A_2853 = arith.shrsi %gather3A_2589, %shift_right_arithmetic3A_2852 : vector<16xi32>
        %and3A_2854 = arith.constant 1023 : i32
        %and3A_2855 = vector.broadcast %and3A_2854 : i32 to vector<16xi32>
        %and3A_2856 = arith.andi %shift_right_arithmetic3A_2853, %and3A_2855 : vector<16xi32>
        %and3A_2857 = arith.constant 1023 : i32
        %and3A_2858 = vector.broadcast %and3A_2857 : i32 to vector<16xi32>
        %and3A_2859 = arith.andi %gather3A_2589, %and3A_2858 : vector<16xi32>
        %select_n3A_2860 = arith.select %le3A_2850, %and3A_2856, %and3A_2859 : vector<16xi1>, vector<16xi32>
        %add3A_2861 = arith.addi %select_n3A_2860, %broadcast_in_dim3A_375 : vector<16xi32>
        %gather3A_2862 = tpu.vector_load_idx %arg10[%add3A_2681] : memref<24576xf32, #tpu.memory_space<vmem>>[vector<16xi32>], vector<16xf32>,
        %gather3A_2863 = tpu.vector_load_idx %arg10[%add3A_2693] : memref<24576xf32, #tpu.memory_space<vmem>>[vector<16xi32>], vector<16xf32>,
        %gather3A_2864 = tpu.vector_load_idx %arg10[%add3A_2705] : memref<24576xf32, #tpu.memory_space<vmem>>[vector<16xi32>], vector<16xf32>,
        %gather3A_2865 = tpu.vector_load_idx %arg10[%add3A_2717] : memref<24576xf32, #tpu.memory_space<vmem>>[vector<16xi32>], vector<16xf32>,
        %gather3A_2866 = tpu.vector_load_idx %arg10[%add3A_2729] : memref<24576xf32, #tpu.memory_space<vmem>>[vector<16xi32>], vector<16xf32>,
        %gather3A_2867 = tpu.vector_load_idx %arg10[%add3A_2741] : memref<24576xf32, #tpu.memory_space<vmem>>[vector<16xi32>], vector<16xf32>,
        %gather3A_2868 = tpu.vector_load_idx %arg10[%add3A_2753] : memref<24576xf32, #tpu.memory_space<vmem>>[vector<16xi32>], vector<16xf32>,
        %gather3A_2869 = tpu.vector_load_idx %arg10[%add3A_2765] : memref<24576xf32, #tpu.memory_space<vmem>>[vector<16xi32>], vector<16xf32>,
        tpu.vector_store_idx %arg11[%broadcast_in_dim3A_190, %add3A_160], %gather3A_2862 : memref<16x128xf32, #tpu.memory_space<vmem>>[vector<16xi32>, vector<16xi32>], vector<16xf32>,
        tpu.vector_store_idx %arg11[%broadcast_in_dim3A_190, %add3A_163], %gather3A_2863 : memref<16x128xf32, #tpu.memory_space<vmem>>[vector<16xi32>, vector<16xi32>], vector<16xf32>,
        tpu.vector_store_idx %arg11[%broadcast_in_dim3A_190, %add3A_166], %gather3A_2864 : memref<16x128xf32, #tpu.memory_space<vmem>>[vector<16xi32>, vector<16xi32>], vector<16xf32>,
        tpu.vector_store_idx %arg11[%broadcast_in_dim3A_190, %add3A_169], %gather3A_2865 : memref<16x128xf32, #tpu.memory_space<vmem>>[vector<16xi32>, vector<16xi32>], vector<16xf32>,
        tpu.vector_store_idx %arg11[%broadcast_in_dim3A_190, %add3A_172], %gather3A_2866 : memref<16x128xf32, #tpu.memory_space<vmem>>[vector<16xi32>, vector<16xi32>], vector<16xf32>,
        tpu.vector_store_idx %arg11[%broadcast_in_dim3A_190, %add3A_175], %gather3A_2867 : memref<16x128xf32, #tpu.memory_space<vmem>>[vector<16xi32>, vector<16xi32>], vector<16xf32>,
        tpu.vector_store_idx %arg11[%broadcast_in_dim3A_190, %add3A_178], %gather3A_2868 : memref<16x128xf32, #tpu.memory_space<vmem>>[vector<16xi32>, vector<16xi32>], vector<16xf32>,
        tpu.vector_store_idx %arg11[%broadcast_in_dim3A_190, %add3A_181], %gather3A_2869 : memref<16x128xf32, #tpu.memory_space<vmem>>[vector<16xi32>, vector<16xi32>], vector<16xf32>,
        %gather3A_2870 = tpu.vector_load_idx %arg10[%add3A_2777] : memref<24576xf32, #tpu.memory_space<vmem>>[vector<16xi32>], vector<16xf32>,
        %gather3A_2871 = tpu.vector_load_idx %arg10[%add3A_2789] : memref<24576xf32, #tpu.memory_space<vmem>>[vector<16xi32>], vector<16xf32>,
        %gather3A_2872 = tpu.vector_load_idx %arg10[%add3A_2801] : memref<24576xf32, #tpu.memory_space<vmem>>[vector<16xi32>], vector<16xf32>,
        %gather3A_2873 = tpu.vector_load_idx %arg10[%add3A_2813] : memref<24576xf32, #tpu.memory_space<vmem>>[vector<16xi32>], vector<16xf32>,
        %gather3A_2874 = tpu.vector_load_idx %arg10[%add3A_2825] : memref<24576xf32, #tpu.memory_space<vmem>>[vector<16xi32>], vector<16xf32>,
        %gather3A_2875 = tpu.vector_load_idx %arg10[%add3A_2837] : memref<24576xf32, #tpu.memory_space<vmem>>[vector<16xi32>], vector<16xf32>,
        %gather3A_2876 = tpu.vector_load_idx %arg10[%add3A_2849] : memref<24576xf32, #tpu.memory_space<vmem>>[vector<16xi32>], vector<16xf32>,
        %gather3A_2877 = tpu.vector_load_idx %arg10[%add3A_2861] : memref<24576xf32, #tpu.memory_space<vmem>>[vector<16xi32>], vector<16xf32>,
        tpu.vector_store_idx %arg11[%broadcast_in_dim3A_377, %add3A_160], %gather3A_2870 : memref<16x128xf32, #tpu.memory_space<vmem>>[vector<16xi32>, vector<16xi32>], vector<16xf32>,
        tpu.vector_store_idx %arg11[%broadcast_in_dim3A_377, %add3A_163], %gather3A_2871 : memref<16x128xf32, #tpu.memory_space<vmem>>[vector<16xi32>, vector<16xi32>], vector<16xf32>,
        tpu.vector_store_idx %arg11[%broadcast_in_dim3A_377, %add3A_166], %gather3A_2872 : memref<16x128xf32, #tpu.memory_space<vmem>>[vector<16xi32>, vector<16xi32>], vector<16xf32>,
        tpu.vector_store_idx %arg11[%broadcast_in_dim3A_377, %add3A_169], %gather3A_2873 : memref<16x128xf32, #tpu.memory_space<vmem>>[vector<16xi32>, vector<16xi32>], vector<16xf32>,
        tpu.vector_store_idx %arg11[%broadcast_in_dim3A_377, %add3A_172], %gather3A_2874 : memref<16x128xf32, #tpu.memory_space<vmem>>[vector<16xi32>, vector<16xi32>], vector<16xf32>,
        tpu.vector_store_idx %arg11[%broadcast_in_dim3A_377, %add3A_175], %gather3A_2875 : memref<16x128xf32, #tpu.memory_space<vmem>>[vector<16xi32>, vector<16xi32>], vector<16xf32>,
        tpu.vector_store_idx %arg11[%broadcast_in_dim3A_377, %add3A_178], %gather3A_2876 : memref<16x128xf32, #tpu.memory_space<vmem>>[vector<16xi32>, vector<16xi32>], vector<16xf32>,
        tpu.vector_store_idx %arg11[%broadcast_in_dim3A_377, %add3A_181], %gather3A_2877 : memref<16x128xf32, #tpu.memory_space<vmem>>[vector<16xi32>, vector<16xi32>], vector<16xf32>,
      }
      %scan3A_146 = arith.constant 4 : i32
      %mul3A_147 = arith.constant 8 : i32
      %mul3A_148 = arith.muli %scan3A_78, %mul3A_147 : i32
      %mul3A_149 = arith.constant 128 : i32
      %mul3A_150 = arith.muli %add3A, %mul3A_149 : i32
      %dma_start3A_151 = arith.constant 0 : i32
      %dma_start3A_152 = tpu.memref_slice %arg11[%mul3A_136, %dma_start3A_151] : memref<16x128xf32, #tpu.memory_space<vmem>> -> memref<8x128xf32, #tpu.memory_space<vmem>>
      %dma_start3A_153 = tpu.memref_slice %arg6[%mul3A_148, %mul3A_150] : memref<1000x4096xf32, #tpu.memory_space<hbm>> -> memref<8x128xf32, #tpu.memory_space<hbm>>
      %dma_start3A_154 = tpu.memref_slice %arg6[%mul3A_148, %mul3A_150] : memref<1000x4096xf32, #tpu.memory_space<hbm>> -> memref<8x128xf32, #tpu.memory_space<hbm>>
      %dma_start3A_155 = arith.constant 0 : i32
      %dma_start3A_156 = tpu.memref_slice %arg11[%mul3A_136, %dma_start3A_155] : memref<16x128xf32, #tpu.memory_space<vmem>> -> memref<8x128xf32, #tpu.memory_space<vmem>>
      tpu.enqueue_dma source(%dma_start3A_156 : memref<8x128xf32, #tpu.memory_space<vmem>>) target(%dma_start3A_154 : memref<8x128xf32, #tpu.memory_space<hbm>>) target_semaphore(%arg13 : memref<!tpu.dma_semaphore, #tpu.memory_space<semaphore_mem>>)
    }
    %scan3A_54 = arith.constant 125 : i32
    %dma_wait3A = arith.constant 0 : i32
    %dma_wait3A_55 = arith.constant 0 : i32
    %dma_wait3A_56 = tpu.memref_slice %arg11[%dma_wait3A, %dma_wait3A_55] : memref<16x128xf32, #tpu.memory_space<vmem>> -> memref<8x128xf32, #tpu.memory_space<vmem>>
    %dma_wait3A_57 = arith.constant 0 : i32
    %dma_wait3A_58 = arith.constant 0 : i32
    %dma_wait3A_59 = tpu.memref_slice %arg6[%dma_wait3A_57, %dma_wait3A_58] : memref<1000x4096xf32, #tpu.memory_space<hbm>> -> memref<8x128xf32, #tpu.memory_space<hbm>>
    %dma_wait3A_60 = arith.constant 0 : i32
    %dma_wait3A_61 = arith.constant 0 : i32
    %dma_wait3A_62 = tpu.memref_slice %arg6[%dma_wait3A_60, %dma_wait3A_61] : memref<1000x4096xf32, #tpu.memory_space<hbm>> -> memref<8x128xf32, #tpu.memory_space<hbm>>
    %dma_wait3A_63 = arith.constant 0 : i32
    %dma_wait3A_64 = arith.constant 0 : i32
    %dma_wait3A_65 = tpu.memref_slice %arg11[%dma_wait3A_63, %dma_wait3A_64] : memref<16x128xf32, #tpu.memory_space<vmem>> -> memref<8x128xf32, #tpu.memory_space<vmem>>
    tpu.wait_dma2 semaphore(%arg13 : memref<!tpu.dma_semaphore, #tpu.memory_space<semaphore_mem>>) src(%dma_wait3A_65 : memref<8x128xf32, #tpu.memory_space<vmem>>) dst(%dma_wait3A_62 : memref<8x128xf32, #tpu.memory_space<hbm>>)
    %dma_wait3A_66 = arith.constant 0 : i32
    %dma_wait3A_67 = arith.constant 0 : i32
    %dma_wait3A_68 = tpu.memref_slice %arg11[%dma_wait3A_66, %dma_wait3A_67] : memref<16x128xf32, #tpu.memory_space<vmem>> -> memref<8x128xf32, #tpu.memory_space<vmem>>
    %dma_wait3A_69 = arith.constant 0 : i32
    %dma_wait3A_70 = arith.constant 0 : i32
    %dma_wait3A_71 = tpu.memref_slice %arg6[%dma_wait3A_69, %dma_wait3A_70] : memref<1000x4096xf32, #tpu.memory_space<hbm>> -> memref<8x128xf32, #tpu.memory_space<hbm>>
    %dma_wait3A_72 = arith.constant 0 : i32
    %dma_wait3A_73 = arith.constant 0 : i32
    %dma_wait3A_74 = tpu.memref_slice %arg6[%dma_wait3A_72, %dma_wait3A_73] : memref<1000x4096xf32, #tpu.memory_space<hbm>> -> memref<8x128xf32, #tpu.memory_space<hbm>>
    %dma_wait3A_75 = arith.constant 0 : i32
    %dma_wait3A_76 = arith.constant 0 : i32
    %dma_wait3A_77 = tpu.memref_slice %arg11[%dma_wait3A_75, %dma_wait3A_76] : memref<16x128xf32, #tpu.memory_space<vmem>> -> memref<8x128xf32, #tpu.memory_space<vmem>>
    tpu.wait_dma2 semaphore(%arg13 : memref<!tpu.dma_semaphore, #tpu.memory_space<semaphore_mem>>) src(%dma_wait3A_77 : memref<8x128xf32, #tpu.memory_space<vmem>>) dst(%dma_wait3A_74 : memref<8x128xf32, #tpu.memory_space<hbm>>)
    return
  }
}

</mosaic_0001>

<sc_bundles>
// kernel: kernel.3.cloned.1.call-start
scs
__scs_entry_jumppad:
0x0: {  	(pc) =	sbr.rel $0x88, $3  }
0x1: {  	(tag) =	ssettag $0x0;
	lr =	simm.s32 $0x1  }
0x2: {  	[smem:$0x3F9B] =	sst lr;
	_ =	strace $0xD0000000  }
0x3: {  	_ = 	snop  }
0x4: {  	_ = 	snop  }
0x5: {  	_ = 	snop  }
0x6: {  	_ = 	snop  }
0x7: {  	_ = 	snop  }
__scs_overlays_trampoline_lowered:
0x8: {  	[smem:$0x3FAA] =	sst s0  }
0x9: {  	[smem:$0x3FAB] =	sst s1  }
0xa: {  	[smem:$0x3FAC] =	sst s2  }
0xb: {  	[smem:$0x3FAD] =	sst s3  }
0xc: {  	[smem:$0x3FAE] =	sst s4  }
0xd: {  	[smem:$0x3FAF] =	sst s5  }
0xe: {  	[smem:$0x3FB0] =	sst s6  }
0xf: {  	[smem:$0x3FB1] =	sst s7  }
0x10: {  	[smem:$0x3FB2] =	sst s8  }
0x11: {  	[smem:$0x3FB3] =	sst s9;
	s0 =	simm.s32 @!p0 $0x0  }
0x12: {  	s1 =	sld [smem:$0x3F99];
	s0 =	simm.s32 @p0 $0x1  }
0x13: {  	[smem:$0x3FB4] =	sst s0;
	s0 =	simm.s32 @!p1 $0x0  }
0x14: {  	s2 =	sld [smem:$0x3F98];
	s0 =	simm.s32 @p1 $0x1  }
0x15: {  	[smem:$0x3FB5] =	sst s0;
	s0 =	simm.s32 @!p2 $0x0  }
0x16: {  	s3 =	sld [smem:$0x3FDB];
	s0 =	simm.s32 @p2 $0x1  }
0x17: {  	s4 =	simm.s32 $0x1BF5;
	[smem:$0x3FB7] =	sst s0  }
0x18: {  	s0 =	sld [smem:$0x3F9A];
	_ =	swait.ge [sflag:s4], $0x0  }
0x19: {  	s7 =	sld [smem:$0x3F9B]  }
0x1a: {  	s8 =	sadd.s32 $0xFFFFE003, lr  }
0x1b: {  	s9 =	sadd.s32 $0xFFFFFEF7, lr;
	s5 =	simm.s32 $0xFFFFFFFF;
	p2 =	slt.u32 s8, $0xFFFFF086  }
0x1c: {  	p1 =	slt.u32 s9, $0xF7A;
	s5 =	simm.s32 @!p2 $0x0  }
0x1d: {  	s5 =	simm.s32 @p1 $0x1;
	p0 =	seq.s32 s7, s2  }
0x1e: {  	s7 =	smul.u32 @!p0 $0xF7A, s2;
	p2 =	seq.s32 @!p0 s5, $0x0  }
0x1f: {  	s9 =	smul.u32 $0xF7A, s1;
	s8 =	simm.s32 @!p0 $0x1BF5;
	p2 =	por !p2, p0  }
0x20: {  	[sflag:s8] =	ssyncset.s32 @!p0 $0xFFFFF086;
	s6 =	sadd.s32 @!p0 s3, s7;
	s7 =	simm.s32 @!p0 $0x108  }
0x21: {  	s3 =	sadd.s32 s3, s9;
	s6 =	sadd.s32 @!p0 $0x88, s6;
	s7 =	simm.s32 @p2 $0x1082  }
0x22: {  	[simem:s7], [sflag:s8] =	dma.local @!p0 [hbm:s6], $0xF7A  }
0x23: {  	s9 =	sor.u32 $0xD0000000, s2;
	s6 =	simm.s32 $0x108;
	_ =	swait.ge @!p0 [sflag:s8], $0x0  }
0x24: {  	s3 =	sadd.s32 $0x88, s3;
	s6 =	simm.s32 @!p1 $0x1082;
	[sflag:s4] =	ssyncset.s32 $0xFFFFF086  }
0x25: {  	[simem:s6], [sflag:s4] =	dma.local [hbm:s3], $0xF7A  }
0x26: {  	[smem:$0x3F9B] =	sst s1;
	(tag) =	ssettag s2;
	_ =	strace s9  }
0x27: {  	s1 =	sld [smem:$0x3FAB]  }
0x28: {  	s2 =	sld [smem:$0x3FAC]  }
0x29: {  	s4 =	sld [smem:$0x3FAE]  }
0x2a: {  	p0 =	seq.s32 s5, $0x0;
	s5 =	sld [smem:$0x3FAF]  }
0x2b: {  	s6 =	sld [smem:$0x3FB0]  }
0x2c: {  	s7 =	sld [smem:$0x3FB1]  }
0x2d: {  	s3 =	simm.s32 $0x108;
	s8 =	sld [smem:$0x3FB2]  }
0x2e: {  	s3 =	simm.s32 @!p0 $0x1082;
	s9 =	sld [smem:$0x3FB3]  }
0x2f: {  	lr =	sadd.s32 s0, s3;
	s0 =	sld [smem:$0x3FAA]  }
0x30: {  	s3 =	sld [smem:$0x3FAD]  }
0x31: {  	[smem:$0x3FB6] =	sst s10  }
0x32: {  	s10 =	sld [smem:$0x3FB4];
	_ =	sdelay $0x3  }
0x33: {  	p0 =	seq.s32 s10, $0x1;
	s10 =	sld [smem:$0x3FB6];
	_ =	sdelay $0x3  }
0x34: {  	[smem:$0x3FB6] =	sst s10  }
0x35: {  	s10 =	sld [smem:$0x3FB5];
	_ =	sdelay $0x3  }
0x36: {  	p1 =	seq.s32 s10, $0x1;
	s10 =	sld [smem:$0x3FB6];
	_ =	sdelay $0x3  }
0x37: {  	[smem:$0x3FB6] =	sst s10  }
0x38: {  	s10 =	sld [smem:$0x3FB7]  }
0x39: {  	_ = 	snop;
	(pc) =	sbr.ind lr, $3  }
0x3a: {  	_ = 	snop  }
0x3b: {  	_ = 	snop  }
0x3c: {  	p2 =	seq.s32 s10, $0x1;
	s10 =	sld [smem:$0x3FB6]  }
0x3d: {  	_ =	shalt  }
0x3e: {  	_ =	shalt  }
0x3f: {  	_ =	shalt  }
0x40: {  	_ =	shalt  }
0x41: {  	_ =	shalt  }
0x42: {  	_ =	shalt  }
0x43: {  	_ =	shalt  }
0x44: {  	_ =	shalt  }
0x45: {  	_ =	shalt  }
0x46: {  	_ =	shalt  }
0x47: {  	_ =	shalt  }
0x48: {  	_ =	shalt  }
0x49: {  	_ =	shalt  }
0x4a: {  	_ =	shalt  }
0x4b: {  	_ =	shalt  }
0x4c: {  	_ =	shalt  }
0x4d: {  	_ =	shalt  }
0x4e: {  	_ =	shalt  }
0x4f: {  	_ =	shalt  }
0x50: {  	_ =	shalt  }
0x51: {  	_ =	shalt  }
0x52: {  	_ =	shalt  }
0x53: {  	_ =	shalt  }
0x54: {  	_ =	shalt  }
0x55: {  	_ =	shalt  }
0x56: {  	_ =	shalt  }
0x57: {  	_ =	shalt  }
0x58: {  	_ =	shalt  }
0x59: {  	_ =	shalt  }
0x5a: {  	_ =	shalt  }
0x5b: {  	_ =	shalt  }
0x5c: {  	_ =	shalt  }
0x5d: {  	_ =	shalt  }
0x5e: {  	_ =	shalt  }
0x5f: {  	_ =	shalt  }
0x60: {  	_ =	shalt  }
0x61: {  	_ =	shalt  }
0x62: {  	_ =	shalt  }
0x63: {  	_ =	shalt  }
0x64: {  	_ =	shalt  }
0x65: {  	_ =	shalt  }
0x66: {  	_ =	shalt  }
0x67: {  	_ =	shalt  }
0x68: {  	_ =	shalt  }
0x69: {  	_ =	shalt  }
0x6a: {  	_ =	shalt  }
0x6b: {  	_ =	shalt  }
0x6c: {  	_ =	shalt  }
0x6d: {  	_ =	shalt  }
0x6e: {  	_ =	shalt  }
0x6f: {  	_ =	shalt  }
0x70: {  	_ =	shalt  }
0x71: {  	_ =	shalt  }
0x72: {  	_ =	shalt  }
0x73: {  	_ =	shalt  }
0x74: {  	_ =	shalt  }
0x75: {  	_ =	shalt  }
0x76: {  	_ =	shalt  }
0x77: {  	_ =	shalt  }
0x78: {  	_ =	shalt  }
0x79: {  	_ =	shalt  }
0x7a: {  	_ =	shalt  }
0x7b: {  	_ =	shalt  }
0x7c: {  	_ =	shalt  }
0x7d: {  	_ =	shalt  }
0x7e: {  	_ =	shalt  }
0x7f: {  	_ =	shalt  }
0x80: {  	_ =	shalt  }
0x81: {  	_ =	shalt  }
0x82: {  	_ =	shalt  }
0x83: {  	_ =	shalt  }
0x84: {  	_ =	shalt  }
0x85: {  	_ =	shalt  }
0x86: {  	_ =	shalt  }
0x87: {  	_ =	shalt  }
.Lfunc_end0:
.L_simem_size_0:
called_computation_lowered:
.L_overlay_start_0:
0x88: {  	s2 =	sld [smem:$0x3FD9]  }
0x89: {  	s3 =	sld [smem:$0x3FFE];
	_ =	sdelay $0x1  }
0x8a: {  	s1 =	srdreg.scid  }
0x8b: {  	s0 =	sand.u32 $0x1, s1  }
0x8c: {  	s17 =	sshll.u32 s0, $0xA;
	s2 =	sadd.s32 s3, s2  }
0x8d: {  	s2 =	sadd.s32 s2, s17  }
0x8e: {  	[smem:$0x3FC2] =	sst s2  }
0x8f: {  	_ = 	snop  }
0x90: {  	s2 =	sld [smem:$0x3FC5]  }
0x91: {  	s18 =	sld [smem:$0x3FC4]  }
0x92: {  	s4 =	sld [smem:$0x3FD0];
	(tm) =	ssettm $0x1  }
0x93: {  	s5 =	sld [smem:$0x3FFB];
	_ =	sdelay $0x3  }
0x94: {  	_ =	strace s5  }
0x95: {  	s5 =	sld [smem:$0x3FFC];
	_ =	sdelay $0x3  }
0x96: {  	_ =	strace s5  }
0x97: {  	s5 =	sld [smem:$0x3FFD];
	_ =	sdelay $0x3  }
0x98: {  	_ =	strace s5  }
0x99: {  	_ =	strace $0x8FFFFFFF  }
0x9a: {  	s19 =	sld [smem:$0x3FDB];
	_ =	sdelay $0x1  }
0x9b: {  	s6 =	simm.s32 $_scs_section_size  }
0x9c: {  	s7 =	simm.s32 $_size__tile_overlayer_lowered;
	s8 =	simm.s32 $_tile_overlayer_lowered  }
0x9d: {  	s22 =	simm.s32 $0x1BFF;
	s21 =	sshll.u32 s8, $0x1;
	s5 =	sadd.s32 s6, s19  }
0x9e: {  	s9 =	simm.s32 $0x0;
	s20 =	sshll.u32 s7, $0x1;
	s7 =	sadd.s32 s21, s5  }
0x9f: {  	[timem:s9], [sflag:s22] =	dma.local [hbm:s7], s20  }
0xa0: {  	_ =	swait.ge [sflag:s22], s20  }
0xa1: {  	s6 =	ssub.s32 $0x0, s20;
	[sflag:s22] =	ssyncset.done $0x0  }
0xa2: {  	[sflag:s22] =	ssyncadd.s32 s6;
	_ =	sdelay $0x1  }
0xa3: {  	s23 =	simm.s32 $0x1B8B  }
0xa4: {  	_ =	swait.ge [sflag:s23], $0x1  }
0xa5: {  	[sflag:s23] =	ssyncset.done $0x0  }
0xa6: {  	s25 =	simm.s32 $0x1B8E;
	s24 =	sld [smem:$0x3FFE];
	[sflag:s23] =	ssyncadd.s32 $0xFFFFFFFF  }
0xa7: {  	s26 =	simm.s32 $execute0_lowered;
	[smem:$0x3FD2] =	sst s25  }
0xa8: {  	s7 =	sshll.u32 s26, $0x1;
	_ =	strace $0x80000046;
	[dreg:$0x1] =	wrdreg $0xFFFFFFFF  }
0xa9: {  	s28 =	simm.s32 $_size_execute0_lowered;
	s5 =	sadd.s32 s5, s7;
	[dreg:$0x0] =	wrdreg $0x0  }
0xaa: {  	s7 =	sshll.u32 s28, $0x1;
	[dreg:$0x2] =	wrdreg s5  }
0xab: {  	[dreg:$0x3] =	wrdreg s7  }
0xac: {  	[dreg:$0x4] =	wrdreg $0xC0  }
0xad: {  	_ =	task [dreg:s9], $0x5FFFF  }
0xae: {  	[dreg:$0x1] =	wrdreg $0xFFFFFFFF  }
0xaf: {  	[dreg:$0x0] =	wrdreg $0x60  }
0xb0: {  	[dreg:$0x2] =	wrdreg s4  }
0xb1: {  	[dreg:$0x3] =	wrdreg s24  }
0xb2: {  	[dreg:$0x4] =	wrdreg s2  }
0xb3: {  	[dreg:$0x5] =	wrdreg s18  }
0xb4: {  	[dreg:$0x6] =	wrdreg $0x9  }
0xb5: {  	_ =	task.clear_ibuf [dreg:s9], $0x7FFFF;
	_ =	strace $0x90000046  }
0xb6: {  	s29 =	simm.s32 $0x9;
	_ =	strace $0x80000048  }
0xb7: {  	_ =	swait.ge [sflag:s29], $0x1  }
0xb8: {  	[sflag:s29] =	ssyncadd.s32 $0xFFFFFFFF  }
0xb9: {  	_ =	strace $0x90000048  }
0xba: {  	_ =	sfence  }
0xbb: {  	s30 =	sld [smem:$0x0];
	_ =	sdelay $0x2  }
0xbc: {  	s31 =	sshll.u32 s1, $0xD;
	s1 =	sshrl.u32 s1, $0x2  }
0xbd: {  	s3 =	sand.u32 $0x4000, s31;
	s1 =	sadd.s32 s1, s30  }
0xbe: {  	s0 =	sor.u32 s3, s0;
	s1 =	sshll.u32 s1, $0x11  }
0xbf: {  	s0 =	sor.u32 s1, s0  }
0xc0: {  	s0 =	sadd.s32 $0x8F2B, s0  }
0xc1: {  	[sflag:s0] =	ssyncadd.remote.s32 $0x1  }
0xc2: {  	_ =	sfence.sel $0xFFFF  }
0xc3: {  	[dreg:$0x0] =	wrdreg $0xFFFFFFFF;
	(pc) =	sbr.abs _section_cstart, $3  }
0xc4: {  	[dreg:$0x1] =	wrdreg $0xFFFFFFFF  }
0xc5: {  	_ =	task.clear_ibuf [dreg:s9], $0x2FFFF;
	_ =	strace $0x9FFFFFFF  }
0xc6: {  	(tm) =	ssettm $0x7FFFFFFF  }
0xc7: {  	_ =	shalt  }
tec
execute0_lowered:
.L_overlay_start_1:
0x0: {  	(tag) =	ssettag $0x1  }
0x1: {  	s0 =	rddreg [dreg:$0x0]  }
0x2: {  	s9 =	rddreg [dreg:$0x1]  }
0x3: {  	s1 =	rddreg [dreg:$0x2]  }
0x4: {  	s2 =	rddreg [dreg:$0x3];
	s4 =	simm.s32 $0x0;
	s5 =	srdreg.scid  }
0x5: {  	s3 =	stileid.u32;
	s13 =	simm.s32 $0x400;
	s14 =	simm.s32 $0x8000  }
0x6: {  	s15 =	simm.s32 $0x3;
	s16 =	simm.s32 $0xE000;
	s17 =	simm.s32 $0x14000  }
0x7: {  	s18 =	simm.s32 $0xA000;
	s19 =	simm.s32 $0x10000;
	s20 =	simm.s32 $0x16000  }
0x8: {  	s21 =	simm.s32 $0x1;
	s22 =	simm.s32 $0x1A000;
	s23 =	simm.s32 $0x2  }
0x9: {  	s24 =	simm.s32 $0x0;
	[smem:$0x7FF] =	sst s4;
	s6 =	sand.u32 $0x1, s5  }
0xa: {  	s7 =	sshll.u32 s3, $0xB;
	s5 =	sadd.s32 $0x800, s9;
	s8 =	sshll.u32 s6, $0xA  }
0xb: {  	v0 =	vlaneseq.u32;
	_ =	strace $0x80000047;
	s10 =	ssub.s32 $0x2, s6;
	s6 =	sor.u32 s8, s7  }
0xc: {  	v1 =	vor.u32 $0x10, v0;
	s7 =	sadd.s32 $0x1FC00, s9;
	s31 =	sshrl.u32 s10, $0x1;
	s9 =	sadd.s32 $0xC00, s9  }
0xd: {  	v2 =	vor.u32 $0x20, v0;
	v3 =	vor.u32 $0x30, v0;
	v4 =	vor.u32 $0x40, v0;
	s11 =	sshrl.u32 s6, $0x3;
	s12 =	ssub.s32 s10, s31;
	s10 =	sadd.s32 $0x400, s1  }
0xe: {  	v5 =	vor.u32 $0x50, v0;
	v6 =	vor.u32 $0x60, v0;
	v7 =	vor.u32 $0x70, v0;
	s8 =	sadd.s32 s0, s11;
	s11 =	sadd.s32 $0x400, s2;
	s12 =	smax.u32 s12, $0x1  }
.LBB2_1:
0xf: {  	[tilespmem:s4], [sflag:$0x3] =	stream.strided.gather [hbm4b:s8+s13], $0x8000, s14, s13, $0x38;
	[tilespmem:$0x1A800] =	vst v63  }
0x10: {  	_ =	swait.ge [sflag:s15], $0x8000  }
0x11: {  	[sflag:s15] =	ssyncset.done $0x0  }
0x12: {  	[sflag:s15] =	ssyncadd.s32 $0xFFFF8000  }
0x13: {  	[tilespmem:s14], [sflag:$0x1] =	stream.linear.gather [hbm4b:s5+s4], $0x2000, $0x38;
	[tilespmem:$0x1A800] =	vst v63  }
0x14: {  	_ = 	snop  }
0x15: {  	[tilespmem:s16], [sflag:$0x1] =	stream.linear.gather [hbm4b:s1+s4], $0x2000, $0x38;
	[tilespmem:$0x1A800] =	vst v63  }
0x16: {  	_ = 	snop  }
0x17: {  	[tilespmem:s17], [sflag:$0x1] =	stream.linear.gather [hbm4b:s2+s4], $0x2000, $0x38;
	[tilespmem:$0x1A800] =	vst v63  }
0x18: {  	_ = 	snop  }
0x19: {  	[tilespmem:s18], [sflag:$0x1] =	stream.linear.gather [hbm4b:s9+s4], $0x2000, $0x38;
	[tilespmem:$0x1A800] =	vst v63  }
0x1a: {  	_ = 	snop  }
0x1b: {  	[tilespmem:s19], [sflag:$0x1] =	stream.linear.gather [hbm4b:s10+s4], $0x2000, $0x38;
	[tilespmem:$0x1A800] =	vst v63  }
0x1c: {  	p0 =	por $0x0, $0x0;
	s25 =	simm.s32 $0x0;
	s26 =	simm.s32 $0x0  }
0x1d: {  	[tilespmem:s20], [sflag:$0x1] =	stream.linear.gather [hbm4b:s11+s4], $0x2000, $0x38;
	[tilespmem:$0x1A800] =	vst v63  }
.LBB2_2:
0x1e: {  	p1 =	sgt.u32 s26, $0x7A  }
0x1f: {  	s0 =	sadd.s32 @!p1 $0x2, s26  }
0x20: {  	s28 =	smul.u32 @!p1 $0xAB, s0;
	_ =	sdelay $0x1  }
0x21: {  	s28 =	sshrl.u32 @!p1 s28, $0x9  }
0x22: {  	s28 =	sand.u32 @!p1 $0x7F, s28  }
0x23: {  	s28 =	smul.u32 @!p1 $0x3, s28;
	_ =	sdelay $0x1  }
0x24: {  	s28 =	ssub.s32 @!p1 s0, s28  }
0x25: {  	s28 =	sand.u32 @!p1 $0xFF, s28  }
0x26: {  	s0 =	sshll.u32 @!p1 s0, $0xA;
	s28 =	sshll.u32 @!p1 s28, $0xD  }
0x27: {  	s31 =	simm.s32 @!p1 $0x0;
	s30 =	sadd.s32 @!p1 s5, s0;
	s29 =	sor.u32 @!p1 $0x8000, s28  }
0x28: {  	[tilespmem:s29], [sflag:$0x1] =	stream.linear.gather @!p1 [hbm4b:s30+s31], $0x2000, $0x38;
	[tilespmem:$0x1A800] =	vst v63  }
0x29: {  	s29 =	sadd.s32 @!p1 $0xE000, s28;
	s30 =	sadd.s32 @!p1 s1, s0  }
0x2a: {  	[tilespmem:s29], [sflag:$0x1] =	stream.linear.gather @!p1 [hbm4b:s30+s31], $0x2000, $0x38;
	[tilespmem:$0x1A800] =	vst v63  }
0x2b: {  	s28 =	sadd.s32 @!p1 $0x14000, s28;
	s0 =	sadd.s32 @!p1 s2, s0  }
0x2c: {  	[tilespmem:s28], [sflag:$0x1] =	stream.linear.gather @!p1 [hbm4b:s0+s31], $0x2000, $0x38;
	[tilespmem:$0x1A800] =	vst v63  }
0x2d: {  	_ =	swait.ge [sflag:s21], $0x2000  }
0x2e: {  	[sflag:s21] =	ssyncset.done $0x0  }
0x2f: {  	[sflag:s21] =	ssyncadd.s32 $0xFFFFE000  }
0x30: {  	_ =	swait.ge [sflag:s21], $0x2000  }
0x31: {  	[sflag:s21] =	ssyncset.done $0x0  }
0x32: {  	[sflag:s21] =	ssyncadd.s32 $0xFFFFE000  }
0x33: {  	s3 =	smulhi.u32 $0xAAAAAAAB, s26;
	s29 =	simm.s32 $0x1;
	_ =	swait.ge [sflag:s21], $0x2000  }
0x34: {  	s29 =	simm.s32 @!p0 $0x0;
	p1 =	slt.u32 s26, $0x2;
	[sflag:s21] =	ssyncset.done $0x0  }
0x35: {  	s0 =	sshrl.u32 s3, $0x1;
	s31 =	simm.s32 @!p1 $0x2;
	[sflag:s21] =	ssyncadd.s32 $0xFFFFE000  }
0x36: {  	s3 =	sshll.u32 s26, $0x3;
	s0 =	smul.u32 $0x6000, s0;
	_ =	swait.ge @!p1 [sflag:s31], $0x400  }
0x37: {  	s30 =	sshll.u32 s29, $0x3;
	s29 =	sand.u32 $0x8, s3;
	[sflag:s31] =	ssyncset.done @!p1 $0x0  }
0x38: {  	s28 =	ssub.s32 s25, s0;
	[sflag:s31] =	ssyncadd.s32 @!p1 $0xFFFFFC00;
	s31 =	simm.s32 $0x0  }
.LBB2_3:
0x39: {  	v8 =	vmov s28;
	_ =	sdelay $0x4  }
0x3a: {  	v9 =	vld.idx.msk [tilespmem:v8+s14+$0x0], $0xffff;
	_ =	sdelay $0x2  }
0x3b: {  	s0 =	sadd.s32 $0x400, s28  }
0x3c: {  	v40 =	vmov s0  }
0x3d: {  	v10 =	vshra.s32 v9, $0xD;
	v18 =	vshrl.u32 v9, $0xA;
	v9 =	vand.u32 $0x3FF, v9  }
0x3e: {  	v10 =	vand.u32 $0xFFFFFF80, v10;
	v9 =	vor.u32 s28, v9  }
0x3f: {  	v11 =	vor.u32 v0, v10  }
0x40: {  	v12 =	vor.u32 v1, v10  }
0x41: {  	v8 =	vld.idx.msk [tilespmem:v8+s16+$0x0], $0xffff;
	v13 =	vor.u32 v2, v10  }
0x42: {  	v30 =	vld.idx.msk [tilespmem:v40+s14+$0x0], $0xffff;
	v14 =	vor.u32 v3, v10  }
0x43: {  	v15 =	vor.u32 v4, v10;
	v20 =	vld.idx.msk [tilespmem:v9+s14+$0x0], $0xffff  }
0x44: {  	v16 =	vor.u32 v5, v10;
	v11 =	vld.idx.msk [tilespmem:v11+s4+$0x0], $0xffff  }
0x45: {  	v17 =	vor.u32 v6, v10;
	v12 =	vld.idx.msk [tilespmem:v12+s4+$0x0], $0xffff  }
0x46: {  	v18 =	vand.u32 $0x3FF, v18;
	v10 =	vor.u32 v7, v10;
	v13 =	vld.idx.msk [tilespmem:v13+s4+$0x0], $0xffff  }
0x47: {  	v18 =	vor.u32 s28, v18;
	v14 =	vld.idx.msk [tilespmem:v14+s4+$0x0], $0xffff  }
0x48: {  	v15 =	vld.idx.msk [tilespmem:v15+s4+$0x0], $0xffff  }
0x49: {  	v16 =	vld.idx.msk [tilespmem:v16+s4+$0x0], $0xffff  }
0x4a: {  	v17 =	vld.idx.msk [tilespmem:v17+s4+$0x0], $0xffff  }
0x4b: {  	v42 =	vshra.s32 v30, $0xD;
	v35 =	vshrl.u32 v30, $0xA;
	v10 =	vld.idx.msk [tilespmem:v10+s4+$0x0], $0xffff  }
0x4c: {  	v43 =	vand.u32 $0xFFFFFF80, v42;
	v62 =	vand.u32 $0x3FF, v35;
	v19 =	vld.idx.msk [tilespmem:v18+s14+$0x0], $0xffff  }
0x4d: {  	v46 =	vor.u32 v0, v43;
	v48 =	vor.u32 v1, v43;
	v50 =	vor.u32 v2, v43  }
0x4e: {  	v53 =	vor.u32 v3, v43;
	v55 =	vor.u32 v4, v43;
	vm2 =	vle.f32 v11, v8  }
0x4f: {  	vm3 =	vle.f32 v12, v8;
	vm4 =	vle.f32 v13, v8;
	vm5 =	vle.f32 v14, v8  }
0x50: {  	vm6 =	vle.f32 v15, v8;
	vm7 =	vle.f32 v16, v8;
	vm1 =	vle.f32 v17, v8  }
0x51: {  	vm0 =	vle.f32 v10, v8;
	v8 =	vsel vm2, v19, v20;
	v36 =	vsel vm3, v19, v20  }
0x52: {  	v37 =	vsel vm4, v19, v20;
	v14 =	vsel vm5, v19, v20;
	v15 =	vsel vm6, v19, v20  }
0x53: {  	v16 =	vsel vm7, v19, v20;
	v17 =	vsel vm1, v19, v20;
	v38 =	vshra.s32 v8, $0xD  }
0x54: {  	v63 =	vld.idx.msk [tilespmem:v18+s16+$0x0], $0xffff;
	v18 =	vsel vm0, v19, v20;
	v39 =	vshra.s32 v36, $0xD;
	v13 =	vand.u32 $0xFFFFFF80, v38  }
0x55: {  	v54 =	vld.idx.msk [tilespmem:v40+s16+$0x0], $0xffff;
	v27 =	vshra.s32 v37, $0xD;
	v19 =	vand.u32 $0xFFFFFF80, v39;
	v13 =	vor.u32 v0, v13  }
0x56: {  	v9 =	vld.idx.msk [tilespmem:v9+s16+$0x0], $0xffff;
	v28 =	vshra.s32 v14, $0xD;
	v27 =	vand.u32 $0xFFFFFF80, v27;
	v19 =	vor.u32 v1, v19  }
0x57: {  	v56 =	vld.idx.msk [tilespmem:v46+s4+$0x0], $0xffff;
	v29 =	vshra.s32 v15, $0xD;
	v28 =	vand.u32 $0xFFFFFF80, v28;
	v27 =	vor.u32 v2, v27  }
0x58: {  	v60 =	vld.idx.msk [tilespmem:v50+s4+$0x0], $0xffff;
	v31 =	vshra.s32 v16, $0xD;
	v29 =	vand.u32 $0xFFFFFF80, v29;
	v28 =	vor.u32 v3, v28  }
0x59: {  	v10 =	vld.idx.msk [tilespmem:v48+s4+$0x0], $0xffff;
	v32 =	vshra.s32 v17, $0xD;
	v31 =	vand.u32 $0xFFFFFF80, v31;
	v29 =	vor.u32 v4, v29  }
0x5a: {  	v33 =	vshra.s32 v18, $0xD;
	v32 =	vand.u32 $0xFFFFFF80, v32;
	v31 =	vor.u32 v5, v31;
	v13 =	vld.idx.msk [tilespmem:v13+s4+$0x0], $0xffff  }
0x5b: {  	v57 =	vor.u32 v5, v43;
	v33 =	vand.u32 $0xFFFFFF80, v33;
	v32 =	vor.u32 v6, v32;
	v19 =	vld.idx.msk [tilespmem:v19+s4+$0x0], $0xffff  }
0x5c: {  	v59 =	vor.u32 v6, v43;
	v61 =	vor.u32 v7, v43;
	v33 =	vor.u32 v7, v33;
	v27 =	vld.idx.msk [tilespmem:v27+s4+$0x0], $0xffff  }
0x5d: {  	v21 =	vsel vm2, v63, v9;
	v22 =	vsel vm3, v63, v9;
	v23 =	vsel vm4, v63, v9;
	v28 =	vld.idx.msk [tilespmem:v28+s4+$0x0], $0xffff  }
0x5e: {  	v24 =	vsel vm5, v63, v9;
	v25 =	vsel vm6, v63, v9;
	v26 =	vsel vm7, v63, v9;
	v44 =	vld.idx.msk [tilespmem:v29+s4+$0x0], $0xffff  }
0x5f: {  	v34 =	vsel vm1, v63, v9;
	v11 =	vsel vm0, v63, v9;
	vm12 =	vle.f32 v56, v54;
	v47 =	vld.idx.msk [tilespmem:v31+s4+$0x0], $0xffff  }
0x60: {  	vm14 =	vle.f32 v60, v54;
	v41 =	vshrl.u32 v8, $0xA;
	v45 =	vshrl.u32 v36, $0xA;
	v49 =	vld.idx.msk [tilespmem:v32+s4+$0x0], $0xffff  }
0x61: {  	v52 =	vshrl.u32 v37, $0xA;
	v58 =	vshrl.u32 v14, $0xA;
	v39 =	vand.u32 $0x3FF, v30;
	v51 =	vld.idx.msk [tilespmem:v33+s4+$0x0], $0xffff  }
0x62: {  	v40 =	vshrl.u32 v15, $0xA;
	v48 =	vshrl.u32 v17, $0xA;
	v30 =	vor.u32 s0, v39  }
0x63: {  	vm13 =	vle.f32 v10, v54;
	vm4 =	vle.f32 v13, v21;
	vm5 =	vle.f32 v19, v22  }
0x64: {  	v43 =	vld.idx.msk [tilespmem:v57+s4+$0x0], $0xffff;
	vm6 =	vle.f32 v27, v23;
	vm7 =	vle.f32 v28, v24;
	vm8 =	vle.f32 v44, v25  }
0x65: {  	v27 =	vld.idx.msk [tilespmem:v53+s4+$0x0], $0xffff;
	vm9 =	vle.f32 v47, v26;
	v9 =	vsel vm5, v45, v36;
	v36 =	vor.u32 s0, v62  }
0x66: {  	v44 =	vshrl.u32 v16, $0xA;
	vm10 =	vle.f32 v49, v34;
	v47 =	vld.idx.msk [tilespmem:v61+s4+$0x0], $0xffff;
	vm11 =	vle.f32 v51, v11  }
0x67: {  	v49 =	vshrl.u32 v18, $0xA;
	v51 =	vld.idx.msk [tilespmem:v30+s14+$0x0], $0xffff;
	v8 =	vsel vm4, v41, v8;
	v12 =	vsel vm6, v52, v37  }
0x68: {  	v14 =	vsel vm7, v58, v14;
	v41 =	vld.idx.msk [tilespmem:v55+s4+$0x0], $0xffff;
	v42 =	vsel vm8, v40, v15;
	v46 =	vsel vm9, v44, v16  }
0x69: {  	v45 =	vld.idx.msk [tilespmem:v59+s4+$0x0], $0xffff;
	v17 =	vsel vm10, v48, v17;
	v11 =	vsel vm11, v49, v18;
	vm9 =	vle.f32 v43, v54  }
0x6a: {  	v12 =	vand.u32 $0x3FF, v12;
	v63 =	vand.u32 $0x3FF, v14;
	v55 =	vand.u32 $0x3FF, v17;
	v50 =	vld.idx.msk [tilespmem:v36+s14+$0x0], $0xffff  }
0x6b: {  	v11 =	vand.u32 $0x3FF, v11;
	v14 =	vor.u32 s28, v12;
	v12 =	vand.u32 $0x3FF, v42  }
0x6c: {  	v13 =	vor.u32 s28, v63;
	v15 =	vor.u32 s28, v12;
	v12 =	vand.u32 $0x3FF, v46  }
0x6d: {  	v19 =	vor.u32 s28, v55;
	v17 =	vor.u32 s28, v11;
	v20 =	vor.u32 s28, v12  }
0x6e: {  	vm15 =	vle.f32 v27, v54;
	vm11 =	vle.f32 v47, v54;
	vm8 =	vle.f32 v41, v54  }
0x6f: {  	v63 =	vld.idx.msk [tilespmem:v30+s16+$0x0], $0xffff;
	vm10 =	vle.f32 v45, v54;
	v56 =	vsel vm12, v50, v51;
	v57 =	vsel vm13, v50, v51  }
0x70: {  	v54 =	vld.idx.msk [tilespmem:v36+s16+$0x0], $0xffff;
	v58 =	vsel vm14, v50, v51;
	v59 =	vsel vm15, v50, v51;
	v61 =	vsel vm8, v50, v51  }
0x71: {  	v34 =	vld.idx.msk [tilespmem:v13+s14+$0x0], $0xffff;
	v53 =	vsel vm9, v50, v51;
	v55 =	vsel vm10, v50, v51;
	v60 =	vshra.s32 v56, $0xD  }
0x72: {  	v25 =	vld.idx.msk [tilespmem:v19+s14+$0x0], $0xffff;
	v18 =	vsel vm11, v50, v51;
	v52 =	vshra.s32 v57, $0xD;
	v21 =	vand.u32 $0xFFFFFF80, v60  }
0x73: {  	v27 =	vld.idx.msk [tilespmem:v17+s14+$0x0], $0xffff;
	v62 =	vshra.s32 v58, $0xD;
	v23 =	vand.u32 $0xFFFFFF80, v52;
	v21 =	vor.u32 v0, v21  }
0x74: {  	v13 =	vld.idx.msk [tilespmem:v13+s16+$0x0], $0xffff;
	v39 =	vshra.s32 v59, $0xD;
	v38 =	vand.u32 $0xFFFFFF80, v62;
	v23 =	vor.u32 v1, v23  }
0x75: {  	v19 =	vld.idx.msk [tilespmem:v19+s16+$0x0], $0xffff;
	v40 =	vshra.s32 v61, $0xD;
	v28 =	vand.u32 $0xFFFFFF80, v39;
	v26 =	vor.u32 v2, v38  }
0x76: {  	v17 =	vld.idx.msk [tilespmem:v17+s16+$0x0], $0xffff;
	v41 =	vshra.s32 v53, $0xD;
	v30 =	vand.u32 $0xFFFFFF80, v40;
	v28 =	vor.u32 v3, v28  }
0x77: {  	v24 =	vld.idx.msk [tilespmem:v20+s14+$0x0], $0xffff;
	v42 =	vshra.s32 v55, $0xD;
	v31 =	vand.u32 $0xFFFFFF80, v41;
	v30 =	vor.u32 v4, v30  }
0x78: {  	v43 =	vshra.s32 v18, $0xD;
	v32 =	vand.u32 $0xFFFFFF80, v42;
	v31 =	vor.u32 v5, v31;
	v21 =	vld.idx.msk [tilespmem:v21+s4+$0x0], $0xffff  }
0x79: {  	v33 =	vand.u32 $0xFFFFFF80, v43;
	v32 =	vor.u32 v6, v32;
	v23 =	vld.idx.msk [tilespmem:v23+s4+$0x0], $0xffff  }
0x7a: {  	v43 =	vshra.s32 v34, $0xD;
	v33 =	vor.u32 v7, v33;
	v26 =	vld.idx.msk [tilespmem:v26+s4+$0x0], $0xffff  }
0x7b: {  	v8 =	vand.u32 $0x3FF, v8;
	v43 =	vand.u32 $0xFFFFFF80, v43;
	v28 =	vld.idx.msk [tilespmem:v28+s4+$0x0], $0xffff  }
0x7c: {  	v9 =	vand.u32 $0x3FF, v9;
	v8 =	vor.u32 s28, v8;
	v43 =	vor.u32 v3, v43;
	v30 =	vld.idx.msk [tilespmem:v30+s4+$0x0], $0xffff  }
0x7d: {  	v9 =	vor.u32 s28, v9;
	v44 =	vsel vm12, v54, v63;
	v45 =	vsel vm13, v54, v63;
	v31 =	vld.idx.msk [tilespmem:v31+s4+$0x0], $0xffff  }
0x7e: {  	v36 =	vsel vm14, v54, v63;
	v37 =	vsel vm15, v54, v63;
	v48 =	vsel vm11, v54, v63;
	v49 =	vld.idx.msk [tilespmem:v32+s4+$0x0], $0xffff  }
0x7f: {  	v46 =	vshrl.u32 v56, $0xA;
	v47 =	vshrl.u32 v57, $0xA;
	v51 =	vshrl.u32 v58, $0xA;
	v50 =	vld.idx.msk [tilespmem:v33+s4+$0x0], $0xffff  }
0x80: {  	v20 =	vld.idx.msk [tilespmem:v20+s16+$0x0], $0xffff;
	v39 =	vsel vm9, v54, v63;
	v40 =	vsel vm10, v54, v63;
	v38 =	vsel vm8, v54, v63  }
0x81: {  	v54 =	vshrl.u32 v55, $0xA;
	v43 =	vld.idx.msk [tilespmem:v43+s4+$0x0], $0xffff;
	vm12 =	vle.f32 v21, v44;
	vm13 =	vle.f32 v23, v45  }
0x82: {  	vm14 =	vle.f32 v26, v36;
	v26 =	vld.idx.msk [tilespmem:v8+s14+$0x0], $0xffff;
	vm15 =	vle.f32 v28, v37;
	vm4 =	vle.f32 v30, v38  }
0x83: {  	v28 =	vld.idx.msk [tilespmem:v9+s14+$0x0], $0xffff;
	vm5 =	vle.f32 v31, v39;
	vm6 =	vle.f32 v49, v40;
	v10 =	vsel vm12, v46, v56  }
0x84: {  	v30 =	vld.idx.msk [tilespmem:v14+s14+$0x0], $0xffff;
	vm7 =	vle.f32 v50, v48;
	v11 =	vsel vm13, v47, v57;
	v10 =	vand.u32 $0x3FF, v10  }
0x85: {  	v31 =	vld.idx.msk [tilespmem:v15+s14+$0x0], $0xffff;
	v45 =	vshra.s32 v24, $0xD;
	v11 =	vand.u32 $0x3FF, v11;
	v52 =	vor.u32 s0, v10  }
0x86: {  	v8 =	vld.idx.msk [tilespmem:v8+s16+$0x0], $0xffff;
	v56 =	vsel vm14, v51, v58;
	v57 =	vshrl.u32 v59, $0xA;
	v32 =	vor.u32 s0, v11  }
0x87: {  	v9 =	vld.idx.msk [tilespmem:v9+s16+$0x0], $0xffff;
	v58 =	vshrl.u32 v61, $0xA;
	v45 =	vand.u32 $0xFFFFFF80, v45;
	v47 =	vshra.s32 v27, $0xD  }
0x88: {  	v14 =	vld.idx.msk [tilespmem:v14+s16+$0x0], $0xffff;
	v46 =	vshra.s32 v25, $0xD;
	v60 =	vsel vm4, v58, v61;
	v47 =	vand.u32 $0xFFFFFF80, v47  }
0x89: {  	v15 =	vld.idx.msk [tilespmem:v15+s16+$0x0], $0xffff;
	v10 =	vand.u32 $0x3FF, v56;
	v11 =	vsel vm15, v57, v59;
	v47 =	vor.u32 v7, v47  }
0x8a: {  	v61 =	vshrl.u32 v53, $0xA;
	v33 =	vor.u32 s0, v10;
	v59 =	vand.u32 $0x3FF, v11;
	v23 =	vld.idx.msk [tilespmem:v52+s14+$0x0], $0xffff  }
0x8b: {  	v53 =	vsel vm5, v61, v53;
	v11 =	vand.u32 $0x3FF, v60;
	v62 =	vor.u32 s0, v59;
	v22 =	vld.idx.msk [tilespmem:v32+s14+$0x0], $0xffff  }
0x8c: {  	v10 =	vand.u32 $0x3FF, v53;
	v63 =	vor.u32 s0, v11;
	v11 =	vsel vm6, v54, v55;
	v29 =	vld.idx.msk [tilespmem:v52+s16+$0x0], $0xffff  }
0x8d: {  	vm11 =	vle.f32 v43, v13;
	v37 =	vor.u32 s0, v10;
	v56 =	vand.u32 $0x3FF, v11;
	v32 =	vld.idx.msk [tilespmem:v32+s16+$0x0], $0xffff  }
0x8e: {  	v43 =	vshrl.u32 v27, $0xA;
	v46 =	vand.u32 $0xFFFFFF80, v46;
	v38 =	vor.u32 s0, v56;
	v56 =	vld.idx.msk [tilespmem:v47+s4+$0x0], $0xffff  }
0x8f: {  	v45 =	vor.u32 v5, v45;
	v46 =	vor.u32 v6, v46;
	v55 =	vshrl.u32 v18, $0xA;
	v21 =	vld.idx.msk [tilespmem:v33+s14+$0x0], $0xffff  }
0x90: {  	v59 =	vshra.s32 v26, $0xD;
	v41 =	vshra.s32 v28, $0xD;
	v57 =	vsel vm7, v55, v18;
	v18 =	vld.idx.msk [tilespmem:v62+s14+$0x0], $0xffff  }
0x91: {  	v42 =	vshra.s32 v30, $0xD;
	v44 =	vshra.s32 v31, $0xD;
	v40 =	vand.u32 $0xFFFFFF80, v59;
	v16 =	vld.idx.msk [tilespmem:v63+s14+$0x0], $0xffff  }
0x92: {  	v41 =	vand.u32 $0xFFFFFF80, v41;
	v42 =	vand.u32 $0xFFFFFF80, v42;
	v40 =	vor.u32 v0, v40;
	v12 =	vld.idx.msk [tilespmem:v37+s14+$0x0], $0xffff  }
0x93: {  	v44 =	vand.u32 $0xFFFFFF80, v44;
	v58 =	vand.u32 $0x3FF, v57;
	v41 =	vor.u32 v1, v41;
	v35 =	vld.idx.msk [tilespmem:v62+s16+$0x0], $0xffff  }
0x94: {  	v42 =	vor.u32 v2, v42;
	v44 =	vor.u32 v4, v44;
	v57 =	vshrl.u32 v31, $0xA;
	v36 =	vld.idx.msk [tilespmem:v63+s16+$0x0], $0xffff  }
0x95: {  	v39 =	vor.u32 s0, v58;
	v62 =	vshrl.u32 v28, $0xA;
	v63 =	vld.idx.msk [tilespmem:v45+s4+$0x0], $0xffff;
	v45 =	vshrl.u32 v30, $0xA  }
0x96: {  	v11 =	vld.idx.msk [tilespmem:v38+s14+$0x0], $0xffff;
	v48 =	vshra.s32 v23, $0xD;
	v49 =	vshra.s32 v22, $0xD;
	vm15 =	vle.f32 v56, v17  }
0x97: {  	v40 =	vld.idx.msk [tilespmem:v40+s4+$0x0], $0xffff;
	v47 =	vshrl.u32 v23, $0xA;
	v48 =	vand.u32 $0xFFFFFF80, v48;
	v50 =	vshra.s32 v21, $0xD  }
0x98: {  	v41 =	vld.idx.msk [tilespmem:v41+s4+$0x0], $0xffff;
	v49 =	vand.u32 $0xFFFFFF80, v49;
	v48 =	vor.u32 v0, v48;
	v50 =	vand.u32 $0xFFFFFF80, v50  }
0x99: {  	v42 =	vld.idx.msk [tilespmem:v42+s4+$0x0], $0xffff;
	v51 =	vshra.s32 v18, $0xD;
	v49 =	vor.u32 v1, v49;
	v52 =	vshra.s32 v16, $0xD  }
0x9a: {  	v61 =	vld.idx.msk [tilespmem:v44+s4+$0x0], $0xffff;
	v53 =	vshra.s32 v12, $0xD;
	vm13 =	vle.f32 v63, v20;
	v56 =	vshrl.u32 v16, $0xA  }
0x9b: {  	v10 =	vld.idx.msk [tilespmem:v39+s14+$0x0], $0xffff;
	v50 =	vor.u32 v2, v50;
	v51 =	vand.u32 $0xFFFFFF80, v51;
	v52 =	vand.u32 $0xFFFFFF80, v52  }
0x9c: {  	v33 =	vld.idx.msk [tilespmem:v33+s16+$0x0], $0xffff;
	v53 =	vand.u32 $0xFFFFFF80, v53;
	v51 =	vor.u32 v3, v51;
	v54 =	vshra.s32 v11, $0xD  }
0x9d: {  	v58 =	vld.idx.msk [tilespmem:v38+s16+$0x0], $0xffff;
	v52 =	vor.u32 v4, v52;
	v53 =	vor.u32 v5, v53;
	vm8 =	vle.f32 v40, v8  }
0x9e: {  	v63 =	vld.idx.msk [tilespmem:v39+s16+$0x0], $0xffff;
	v8 =	vshrl.u32 v26, $0xA;
	vm9 =	vle.f32 v41, v9;
	vm10 =	vle.f32 v42, v14  }
0x9f: {  	vm12 =	vle.f32 v61, v15;
	v54 =	vand.u32 $0xFFFFFF80, v54;
	v14 =	vsel vm10, v45, v30;
	v30 =	vld.idx.msk [tilespmem:v37+s16+$0x0], $0xffff  }
0xa0: {  	v55 =	vshra.s32 v10, $0xD;
	v8 =	vsel vm8, v8, v26;
	v40 =	vor.u32 v6, v54;
	v54 =	vld.idx.msk [tilespmem:v46+s4+$0x0], $0xffff  }
0xa1: {  	v60 =	vand.u32 $0xFFFFFF80, v55;
	v8 =	vand.u32 $0x3FF, v8;
	v55 =	vshrl.u32 v34, $0xA;
	v59 =	vld.idx.msk [tilespmem:v48+s4+$0x0], $0xffff  }
0xa2: {  	v41 =	vor.u32 v7, v60;
	v44 =	vor.u32 s28, v8;
	v8 =	vsel vm9, v62, v28;
	v61 =	vld.idx.msk [tilespmem:v49+s4+$0x0], $0xffff  }
0xa3: {  	v13 =	vsel vm11, v55, v34;
	v60 =	vshrl.u32 v24, $0xA;
	v62 =	vshrl.u32 v25, $0xA;
	v42 =	vld.idx.msk [tilespmem:v50+s4+$0x0], $0xffff  }
0xa4: {  	v49 =	vshrl.u32 v22, $0xA;
	v55 =	vshrl.u32 v18, $0xA;
	v8 =	vand.u32 $0x3FF, v8;
	v45 =	vld.idx.msk [tilespmem:v51+s4+$0x0], $0xffff  }
0xa5: {  	v13 =	vand.u32 $0x3FF, v13;
	v37 =	vor.u32 s28, v8;
	v8 =	vand.u32 $0x3FF, v14;
	v46 =	vld.idx.msk [tilespmem:v52+s4+$0x0], $0xffff  }
0xa6: {  	v9 =	vsel vm13, v60, v24;
	v48 =	vld.idx.msk [tilespmem:v53+s4+$0x0], $0xffff;
	v34 =	vor.u32 s28, v8;
	v8 =	vsel vm12, v57, v31  }
0xa7: {  	v38 =	vor.u32 s28, v13;
	v8 =	vand.u32 $0x3FF, v8;
	vm14 =	vle.f32 v54, v19;
	v50 =	vld.idx.msk [tilespmem:v40+s4+$0x0], $0xffff  }
0xa8: {  	v24 =	vor.u32 s28, v8;
	v8 =	vand.u32 $0x3FF, v9;
	v39 =	vsel vm14, v62, v25;
	v52 =	vld.idx.msk [tilespmem:v41+s4+$0x0], $0xffff  }
0xa9: {  	vm4 =	vle.f32 v59, v29;
	vm5 =	vle.f32 v61, v32;
	v19 =	vld.idx.msk [tilespmem:v44+s14+$0x0], $0xffff;
	v9 =	vand.u32 $0x3FF, v39  }
0xaa: {  	v25 =	vor.u32 s28, v8;
	v8 =	vsel vm15, v43, v27;
	v13 =	vsel vm4, v47, v23;
	v17 =	vld.idx.msk [tilespmem:v37+s14+$0x0], $0xffff  }
0xab: {  	v51 =	vsel vm5, v49, v22;
	v28 =	vor.u32 s28, v9;
	vm8 =	vle.f32 v46, v36;
	v37 =	vld.idx.msk [tilespmem:v37+s16+$0x0], $0xffff  }
0xac: {  	v8 =	vand.u32 $0x3FF, v8;
	vm7 =	vle.f32 v45, v35;
	v9 =	vsel vm8, v56, v16;
	v16 =	vld.idx.msk [tilespmem:v38+s14+$0x0], $0xffff  }
0xad: {  	v27 =	vor.u32 s28, v8;
	v8 =	vand.u32 $0x3FF, v13;
	v13 =	vand.u32 $0x3FF, v51;
	v38 =	vld.idx.msk [tilespmem:v38+s16+$0x0], $0xffff  }
0xae: {  	v29 =	vor.u32 s0, v13;
	v13 =	vsel vm7, v55, v18;
	v18 =	vld.idx.msk [tilespmem:v34+s14+$0x0], $0xffff  }
0xaf: {  	v34 =	vld.idx.msk [tilespmem:v34+s16+$0x0], $0xffff  }
0xb0: {  	vm9 =	vle.f32 v48, v30;
	v30 =	vld.idx.msk [tilespmem:v24+s14+$0x0], $0xffff  }
0xb1: {  	vm11 =	vle.f32 v52, v63;
	v63 =	vld.idx.msk [tilespmem:v44+s16+$0x0], $0xffff  }
0xb2: {  	v24 =	vld.idx.msk [tilespmem:v24+s16+$0x0], $0xffff  }
0xb3: {  	vm6 =	vle.f32 v42, v33;
	v33 =	vld.idx.msk [tilespmem:v25+s14+$0x0], $0xffff  }
0xb4: {  	v54 =	vor.u32 s0, v8;
	v25 =	vld.idx.msk [tilespmem:v25+s16+$0x0], $0xffff  }
0xb5: {  	v23 =	vld.idx.msk [tilespmem:v28+s14+$0x0], $0xffff  }
0xb6: {  	v28 =	vld.idx.msk [tilespmem:v28+s16+$0x0], $0xffff  }
0xb7: {  	v53 =	vshrl.u32 v21, $0xA;
	v9 =	vand.u32 $0x3FF, v9;
	v20 =	vld.idx.msk [tilespmem:v27+s14+$0x0], $0xffff  }
0xb8: {  	v8 =	vsel vm6, v53, v21;
	v32 =	vor.u32 s0, v9;
	v27 =	vld.idx.msk [tilespmem:v27+s16+$0x0], $0xffff  }
0xb9: {  	v8 =	vand.u32 $0x3FF, v8;
	v15 =	vld.idx.msk [tilespmem:v54+s14+$0x0], $0xffff  }
0xba: {  	v57 =	vshrl.u32 v12, $0xA;
	v21 =	vor.u32 s0, v8;
	v14 =	vld.idx.msk [tilespmem:v29+s14+$0x0], $0xffff  }
0xbb: {  	vm10 =	vle.f32 v50, v58;
	v61 =	vshra.s32 v19, $0xD;
	v8 =	vand.u32 $0x3FF, v13;
	v22 =	vld.idx.msk [tilespmem:v54+s16+$0x0], $0xffff  }
0xbc: {  	v58 =	vshrl.u32 v11, $0xA;
	v39 =	vand.u32 $0xFFFFFF80, v61;
	v31 =	vor.u32 s0, v8;
	v29 =	vld.idx.msk [tilespmem:v29+s16+$0x0], $0xffff  }
0xbd: {  	v9 =	vsel vm10, v58, v11;
	v8 =	vsel vm9, v57, v12;
	v39 =	vor.u32 v0, v39;
	v11 =	vld.idx.msk [tilespmem:v32+s14+$0x0], $0xffff  }
0xbe: {  	v62 =	vshra.s32 v17, $0xD;
	v8 =	vand.u32 $0x3FF, v8;
	v32 =	vld.idx.msk [tilespmem:v32+s16+$0x0], $0xffff  }
0xbf: {  	v40 =	vand.u32 $0xFFFFFF80, v62;
	v26 =	vor.u32 s0, v8;
	v13 =	vld.idx.msk [tilespmem:v21+s14+$0x0], $0xffff  }
0xc0: {  	v40 =	vor.u32 v1, v40;
	v21 =	vld.idx.msk [tilespmem:v21+s16+$0x0], $0xffff  }
0xc1: {  	v48 =	vshra.s32 v16, $0xD;
	v8 =	vand.u32 $0x3FF, v9;
	v12 =	vld.idx.msk [tilespmem:v31+s14+$0x0], $0xffff  }
0xc2: {  	v59 =	vshrl.u32 v10, $0xA;
	v43 =	vand.u32 $0xFFFFFF80, v48;
	v35 =	vor.u32 s0, v8;
	v39 =	vld.idx.msk [tilespmem:v39+s4+$0x0], $0xffff  }
0xc3: {  	v60 =	vsel vm11, v59, v10;
	v61 =	vshrl.u32 v19, $0xA;
	v43 =	vor.u32 v3, v43;
	v31 =	vld.idx.msk [tilespmem:v31+s16+$0x0], $0xffff  }
0xc4: {  	v47 =	vshra.s32 v18, $0xD;
	v8 =	vand.u32 $0x3FF, v60;
	v49 =	vshra.s32 v30, $0xD;
	v10 =	vld.idx.msk [tilespmem:v26+s14+$0x0], $0xffff  }
0xc5: {  	v42 =	vand.u32 $0xFFFFFF80, v47;
	v36 =	vor.u32 s0, v8;
	v44 =	vand.u32 $0xFFFFFF80, v49;
	v40 =	vld.idx.msk [tilespmem:v40+s4+$0x0], $0xffff  }
0xc6: {  	v42 =	vor.u32 v2, v42;
	v50 =	vshra.s32 v33, $0xD;
	v44 =	vor.u32 v4, v44;
	v26 =	vld.idx.msk [tilespmem:v26+s16+$0x0], $0xffff  }
0xc7: {  	v45 =	vand.u32 $0xFFFFFF80, v50;
	v51 =	vshra.s32 v23, $0xD;
	v52 =	vshra.s32 v20, $0xD;
	v9 =	vld.idx.msk [tilespmem:v35+s14+$0x0], $0xffff  }
0xc8: {  	v45 =	vor.u32 v5, v45;
	v46 =	vand.u32 $0xFFFFFF80, v51;
	v47 =	vand.u32 $0xFFFFFF80, v52;
	v43 =	vld.idx.msk [tilespmem:v43+s4+$0x0], $0xffff  }
0xc9: {  	v53 =	vshra.s32 v15, $0xD;
	v54 =	vshra.s32 v14, $0xD;
	v47 =	vor.u32 v7, v47;
	v35 =	vld.idx.msk [tilespmem:v35+s16+$0x0], $0xffff  }
0xca: {  	v46 =	vor.u32 v6, v46;
	v48 =	vand.u32 $0xFFFFFF80, v53;
	v49 =	vand.u32 $0xFFFFFF80, v54;
	v8 =	vld.idx.msk [tilespmem:v36+s14+$0x0], $0xffff  }
0xcb: {  	v57 =	vshra.s32 v11, $0xD;
	v48 =	vor.u32 v0, v48;
	v49 =	vor.u32 v1, v49;
	v42 =	vld.idx.msk [tilespmem:v42+s4+$0x0], $0xffff  }
0xcc: {  	v55 =	vshra.s32 v13, $0xD;
	v52 =	vand.u32 $0xFFFFFF80, v57;
	vm12 =	vle.f32 v39, v63;
	v63 =	vld.idx.msk [tilespmem:v44+s4+$0x0], $0xffff  }
0xcd: {  	v50 =	vand.u32 $0xFFFFFF80, v55;
	v56 =	vshra.s32 v12, $0xD;
	v52 =	vor.u32 v4, v52;
	v57 =	vld.idx.msk [tilespmem:v45+s4+$0x0], $0xffff  }
0xce: {  	v50 =	vor.u32 v2, v50;
	v19 =	vsel vm12, v61, v19;
	v59 =	vshra.s32 v9, $0xD;
	v61 =	vld.idx.msk [tilespmem:v47+s4+$0x0], $0xffff  }
0xcf: {  	v51 =	vand.u32 $0xFFFFFF80, v56;
	v58 =	vshra.s32 v10, $0xD;
	v54 =	vand.u32 $0xFFFFFF80, v59;
	v59 =	vld.idx.msk [tilespmem:v46+s4+$0x0], $0xffff  }
0xd0: {  	v55 =	vshrl.u32 v17, $0xA;
	v51 =	vor.u32 v3, v51;
	v53 =	vand.u32 $0xFFFFFF80, v58;
	v44 =	vld.idx.msk [tilespmem:v49+s4+$0x0], $0xffff  }
0xd1: {  	v19 =	vand.u32 $0x3FF, v19;
	v53 =	vor.u32 v5, v53;
	v60 =	vshra.s32 v8, $0xD;
	v46 =	vld.idx.msk [tilespmem:v36+s16+$0x0], $0xffff  }
0xd2: {  	v41 =	vor.u32 v6, v54;
	v62 =	vand.u32 $0xFFFFFF80, v60;
	vm4 =	vle.f32 v63, v24;
	v63 =	vld.idx.msk [tilespmem:v48+s4+$0x0], $0xffff  }
0xd3: {  	vm13 =	vle.f32 v40, v37;
	v19 =	vor.u32 s28, v19;
	v56 =	vor.u32 v7, v62;
	v47 =	vld.idx.msk [tilespmem:v50+s4+$0x0], $0xffff  }
0xd4: {  	v17 =	vsel vm13, v55, v17;
	v58 =	vshrl.u32 v18, $0xA;
	vm14 =	vle.f32 v42, v34;
	v50 =	vld.idx.msk [tilespmem:v52+s4+$0x0], $0xffff  }
0xd5: {  	v17 =	vand.u32 $0x3FF, v17;
	v18 =	vsel vm14, v58, v18;
	v49 =	vld.idx.msk [tilespmem:v51+s4+$0x0], $0xffff  }
0xd6: {  	v17 =	vor.u32 s28, v17;
	v18 =	vand.u32 $0x3FF, v18;
	v52 =	vld.idx.msk [tilespmem:v53+s4+$0x0], $0xffff  }
0xd7: {  	vm15 =	vle.f32 v43, v38;
	v60 =	vshrl.u32 v16, $0xA;
	v18 =	vor.u32 s28, v18;
	v54 =	vld.idx.msk [tilespmem:v41+s4+$0x0], $0xffff  }
0xd8: {  	v43 =	vshrl.u32 v33, $0xA;
	v16 =	vsel vm15, v60, v16;
	v55 =	vld.idx.msk [tilespmem:v56+s4+$0x0], $0xffff  }
0xd9: {  	v62 =	vshrl.u32 v30, $0xA;
	v16 =	vand.u32 $0x3FF, v16;
	vm10 =	vle.f32 v47, v21;
	v21 =	vld.idx.msk [tilespmem:v19+s14+$0x0], $0xffff  }
0xda: {  	vm5 =	vle.f32 v57, v25;
	v24 =	vsel vm4, v62, v30;
	v16 =	vor.u32 s28, v16;
	v19 =	vld.idx.msk [tilespmem:v19+s16+$0x0], $0xffff  }
0xdb: {  	v25 =	vsel vm5, v43, v33;
	v24 =	vand.u32 $0x3FF, v24;
	vm11 =	vle.f32 v49, v31;
	v31 =	vld.idx.msk [tilespmem:v17+s14+$0x0], $0xffff  }
0xdc: {  	v25 =	vand.u32 $0x3FF, v25;
	vm7 =	vle.f32 v61, v27;
	v24 =	vor.u32 s28, v24;
	v27 =	vld.idx.msk [tilespmem:v18+s14+$0x0], $0xffff  }
0xdd: {  	v48 =	vshrl.u32 v20, $0xA;
	v25 =	vor.u32 s28, v25;
	v17 =	vld.idx.msk [tilespmem:v17+s16+$0x0], $0xffff  }
0xde: {  	v45 =	vshrl.u32 v23, $0xA;
	v20 =	vsel vm7, v48, v20;
	v18 =	vld.idx.msk [tilespmem:v18+s16+$0x0], $0xffff  }
0xdf: {  	vm6 =	vle.f32 v59, v28;
	vm9 =	vle.f32 v44, v29;
	v20 =	vand.u32 $0x3FF, v20;
	v34 =	vld.idx.msk [tilespmem:v16+s14+$0x0], $0xffff  }
0xe0: {  	v53 =	vshrl.u32 v14, $0xA;
	v23 =	vsel vm6, v45, v23;
	v20 =	vor.u32 s28, v20;
	v16 =	vld.idx.msk [tilespmem:v16+s16+$0x0], $0xffff  }
0xe1: {  	v14 =	vsel vm9, v53, v14;
	v23 =	vand.u32 $0x3FF, v23;
	vm13 =	vle.f32 v52, v26;
	v26 =	vld.idx.msk [tilespmem:v24+s14+$0x0], $0xffff  }
0xe2: {  	v14 =	vand.u32 $0x3FF, v14;
	v23 =	vor.u32 s28, v23;
	v38 =	vld.idx.msk [tilespmem:v25+s14+$0x0], $0xffff  }
0xe3: {  	v51 =	vshrl.u32 v15, $0xA;
	vm8 =	vle.f32 v63, v22;
	v58 =	vor.u32 s0, v14;
	v24 =	vld.idx.msk [tilespmem:v24+s16+$0x0], $0xffff  }
0xe4: {  	v15 =	vsel vm8, v51, v15;
	v25 =	vld.idx.msk [tilespmem:v25+s16+$0x0], $0xffff  }
0xe5: {  	v60 =	vshrl.u32 v11, $0xA;
	v56 =	vshrl.u32 v13, $0xA;
	v15 =	vand.u32 $0x3FF, v15;
	v22 =	vld.idx.msk [tilespmem:v20+s14+$0x0], $0xffff  }
0xe6: {  	vm12 =	vle.f32 v50, v32;
	v13 =	vsel vm10, v56, v13;
	v57 =	vor.u32 s0, v15;
	v20 =	vld.idx.msk [tilespmem:v20+s16+$0x0], $0xffff  }
0xe7: {  	v11 =	vsel vm12, v60, v11;
	v13 =	vand.u32 $0x3FF, v13;
	v29 =	vld.idx.msk [tilespmem:v23+s14+$0x0], $0xffff  }
0xe8: {  	v11 =	vand.u32 $0x3FF, v11;
	v61 =	vor.u32 s0, v13;
	v14 =	vld.idx.msk [tilespmem:v58+s14+$0x0], $0xffff  }
0xe9: {  	v59 =	vshrl.u32 v12, $0xA;
	v37 =	vor.u32 s0, v11;
	v23 =	vld.idx.msk [tilespmem:v23+s16+$0x0], $0xffff  }
0xea: {  	v62 =	vshrl.u32 v10, $0xA;
	v12 =	vsel vm11, v59, v12;
	v36 =	vld.idx.msk [tilespmem:v58+s16+$0x0], $0xffff  }
0xeb: {  	v43 =	vshrl.u32 v9, $0xA;
	v44 =	vshrl.u32 v8, $0xA;
	v12 =	vand.u32 $0x3FF, v12;
	v15 =	vld.idx.msk [tilespmem:v57+s14+$0x0], $0xffff  }
0xec: {  	v63 =	vor.u32 s0, v12;
	v10 =	vsel vm13, v62, v10;
	vm14 =	vle.f32 v54, v35;
	v28 =	vld.idx.msk [tilespmem:v57+s16+$0x0], $0xffff  }
0xed: {  	v10 =	vand.u32 $0x3FF, v10;
	v9 =	vsel vm14, v43, v9;
	vm15 =	vle.f32 v55, v46;
	v13 =	vld.idx.msk [tilespmem:v61+s14+$0x0], $0xffff  }
0xee: {  	v45 =	vshra.s32 v21, $0xD;
	v33 =	vor.u32 s0, v10;
	v9 =	vand.u32 $0x3FF, v9;
	v11 =	vld.idx.msk [tilespmem:v37+s14+$0x0], $0xffff  }
0xef: {  	v8 =	vsel vm15, v44, v8;
	v40 =	vand.u32 $0xFFFFFF80, v45;
	v35 =	vor.u32 s0, v9;
	v32 =	vld.idx.msk [tilespmem:v61+s16+$0x0], $0xffff  }
0xf0: {  	v46 =	vshra.s32 v31, $0xD;
	v8 =	vand.u32 $0x3FF, v8;
	v40 =	vor.u32 v0, v40;
	v37 =	vld.idx.msk [tilespmem:v37+s16+$0x0], $0xffff  }
0xf1: {  	v47 =	vshra.s32 v27, $0xD;
	v41 =	vand.u32 $0xFFFFFF80, v46;
	v39 =	vor.u32 s0, v8;
	v12 =	vld.idx.msk [tilespmem:v63+s14+$0x0], $0xffff  }
0xf2: {  	v42 =	vand.u32 $0xFFFFFF80, v47;
	v48 =	vshra.s32 v34, $0xD;
	v41 =	vor.u32 v1, v41;
	v30 =	vld.idx.msk [tilespmem:v63+s16+$0x0], $0xffff  }
0xf3: {  	v42 =	vor.u32 v2, v42;
	v49 =	vshra.s32 v26, $0xD;
	v43 =	vand.u32 $0xFFFFFF80, v48;
	v10 =	vld.idx.msk [tilespmem:v33+s14+$0x0], $0xffff  }
0xf4: {  	v50 =	vshra.s32 v38, $0xD;
	v44 =	vand.u32 $0xFFFFFF80, v49;
	v43 =	vor.u32 v3, v43;
	v9 =	vld.idx.msk [tilespmem:v35+s14+$0x0], $0xffff  }
0xf5: {  	v45 =	vand.u32 $0xFFFFFF80, v50;
	v44 =	vor.u32 v4, v44;
	v51 =	vshra.s32 v29, $0xD;
	v40 =	vld.idx.msk [tilespmem:v40+s4+$0x0], $0xffff  }
0xf6: {  	v45 =	vor.u32 v5, v45;
	v52 =	vshra.s32 v22, $0xD;
	v46 =	vand.u32 $0xFFFFFF80, v51;
	v8 =	vld.idx.msk [tilespmem:v39+s14+$0x0], $0xffff  }
0xf7: {  	v47 =	vand.u32 $0xFFFFFF80, v52;
	v54 =	vshra.s32 v14, $0xD;
	v46 =	vor.u32 v6, v46;
	v41 =	vld.idx.msk [tilespmem:v41+s4+$0x0], $0xffff  }
0xf8: {  	v47 =	vor.u32 v7, v47;
	v49 =	vand.u32 $0xFFFFFF80, v54;
	v42 =	vld.idx.msk [tilespmem:v42+s4+$0x0], $0xffff  }
0xf9: {  	v61 =	vshrl.u32 v21, $0xA;
	v53 =	vshra.s32 v15, $0xD;
	v49 =	vor.u32 v1, v49;
	v43 =	vld.idx.msk [tilespmem:v43+s4+$0x0], $0xffff  }
0xfa: {  	v48 =	vand.u32 $0xFFFFFF80, v53;
	v55 =	vshra.s32 v13, $0xD;
	v57 =	vshra.s32 v11, $0xD;
	v63 =	vld.idx.msk [tilespmem:v44+s4+$0x0], $0xffff  }
0xfb: {  	v48 =	vor.u32 v0, v48;
	v52 =	vand.u32 $0xFFFFFF80, v57;
	v57 =	vld.idx.msk [tilespmem:v45+s4+$0x0], $0xffff;
	v59 =	vshra.s32 v9, $0xD  }
0xfc: {  	v50 =	vand.u32 $0xFFFFFF80, v55;
	vm4 =	vle.f32 v40, v19;
	v54 =	vand.u32 $0xFFFFFF80, v59;
	v59 =	vld.idx.msk [tilespmem:v46+s4+$0x0], $0xffff  }
0xfd: {  	v56 =	vshra.s32 v12, $0xD;
	v50 =	vor.u32 v2, v50;
	v19 =	vsel vm4, v61, v21;
	v61 =	vld.idx.msk [tilespmem:v47+s4+$0x0], $0xffff  }
0xfe: {  	v51 =	vand.u32 $0xFFFFFF80, v56;
	v52 =	vor.u32 v4, v52;
	v58 =	vshra.s32 v10, $0xD;
	v44 =	vld.idx.msk [tilespmem:v49+s4+$0x0], $0xffff  }
0xff: {  	v53 =	vand.u32 $0xFFFFFF80, v58;
	v58 =	vshrl.u32 v27, $0xA;
	vm6 =	vle.f32 v42, v18;
	v46 =	vld.idx.msk [tilespmem:v39+s16+$0x0], $0xffff  }
0x100: {  	v51 =	vor.u32 v3, v51;
	v18 =	vsel vm6, v58, v27;
	v27 =	vld.idx.msk [tilespmem:v33+s16+$0x0], $0xffff  }
0x101: {  	v53 =	vor.u32 v5, v53;
	v60 =	vshra.s32 v8, $0xD;
	vm8 =	vle.f32 v63, v24;
	v24 =	vld.idx.msk [tilespmem:v35+s16+$0x0], $0xffff  }
0x102: {  	v55 =	vshrl.u32 v31, $0xA;
	v40 =	vor.u32 v6, v54;
	v62 =	vand.u32 $0xFFFFFF80, v60;
	v63 =	vld.idx.msk [tilespmem:v48+s4+$0x0], $0xffff  }
0x103: {  	vm5 =	vle.f32 v41, v17;
	v19 =	vand.u32 $0x3FF, v19;
	v56 =	vor.u32 v7, v62;
	v47 =	vld.idx.msk [tilespmem:v50+s4+$0x0], $0xffff  }
0x104: {  	v17 =	vsel vm5, v55, v31;
	v19 =	vor.u32 s28, v19;
	v50 =	vld.idx.msk [tilespmem:v52+s4+$0x0], $0xffff  }
0x105: {  	v45 =	vshrl.u32 v29, $0xA;
	vm7 =	vle.f32 v43, v16;
	v17 =	vand.u32 $0x3FF, v17;
	v49 =	vld.idx.msk [tilespmem:v51+s4+$0x0], $0xffff  }
0x106: {  	v60 =	vshrl.u32 v34, $0xA;
	v18 =	vand.u32 $0x3FF, v18;
	v17 =	vor.u32 s28, v17;
	v52 =	vld.idx.msk [tilespmem:v53+s4+$0x0], $0xffff  }
0x107: {  	v43 =	vshrl.u32 v38, $0xA;
	v16 =	vsel vm7, v60, v34;
	v18 =	vor.u32 s28, v18;
	v54 =	vld.idx.msk [tilespmem:v40+s4+$0x0], $0xffff  }
0x108: {  	v62 =	vshrl.u32 v26, $0xA;
	vm9 =	vle.f32 v57, v25;
	vm10 =	vle.f32 v59, v23;
	v55 =	vld.idx.msk [tilespmem:v56+s4+$0x0], $0xffff  }
0x109: {  	v48 =	vshrl.u32 v22, $0xA;
	v16 =	vand.u32 $0x3FF, v16;
	v23 =	vsel vm10, v45, v29;
	v29 =	vld.idx.msk [tilespmem:v19+s14+$0x0], $0xffff  }
0x10a: {  	v21 =	vsel vm8, v62, v26;
	v25 =	vsel vm9, v43, v38;
	v16 =	vor.u32 s28, v16;
	v19 =	vld.idx.msk [tilespmem:v19+s16+$0x0], $0xffff  }
0x10b: {  	v21 =	vand.u32 $0x3FF, v21;
	vm11 =	vle.f32 v61, v20;
	vm15 =	vle.f32 v49, v30;
	v30 =	vld.idx.msk [tilespmem:v17+s14+$0x0], $0xffff  }
0x10c: {  	v25 =	vand.u32 $0x3FF, v25;
	v21 =	vor.u32 s28, v21;
	v20 =	vsel vm11, v48, v22;
	v22 =	vld.idx.msk [tilespmem:v18+s14+$0x0], $0xffff  }
0x10d: {  	v25 =	vor.u32 s28, v25;
	v17 =	vld.idx.msk [tilespmem:v17+s16+$0x0], $0xffff  }
0x10e: {  	v18 =	vld.idx.msk [tilespmem:v18+s16+$0x0], $0xffff  }
0x10f: {  	vm13 =	vle.f32 v44, v36;
	v53 =	vshrl.u32 v14, $0xA;
	v23 =	vand.u32 $0x3FF, v23;
	v36 =	vld.idx.msk [tilespmem:v16+s14+$0x0], $0xffff  }
0x110: {  	v14 =	vsel vm13, v53, v14;
	v20 =	vand.u32 $0x3FF, v20;
	v23 =	vor.u32 s28, v23;
	v16 =	vld.idx.msk [tilespmem:v16+s16+$0x0], $0xffff  }
0x111: {  	v14 =	vand.u32 $0x3FF, v14;
	v20 =	vor.u32 s28, v20;
	vm5 =	vle.f32 v52, v27;
	v27 =	vld.idx.msk [tilespmem:v21+s14+$0x0], $0xffff  }
0x112: {  	v60 =	vshrl.u32 v11, $0xA;
	v58 =	vor.u32 s0, v14;
	v38 =	vld.idx.msk [tilespmem:v25+s14+$0x0], $0xffff  }
0x113: {  	v51 =	vshrl.u32 v15, $0xA;
	vm12 =	vle.f32 v63, v28;
	vm14 =	vle.f32 v47, v32;
	v21 =	vld.idx.msk [tilespmem:v21+s16+$0x0], $0xffff  }
0x114: {  	v56 =	vshrl.u32 v13, $0xA;
	vm4 =	vle.f32 v50, v37;
	v15 =	vsel vm12, v51, v15;
	v25 =	vld.idx.msk [tilespmem:v25+s16+$0x0], $0xffff  }
0x115: {  	v13 =	vsel vm14, v56, v13;
	v15 =	vand.u32 $0x3FF, v15;
	vm6 =	vle.f32 v54, v24;
	v24 =	vld.idx.msk [tilespmem:v23+s14+$0x0], $0xffff  }
0x116: {  	v11 =	vsel vm4, v60, v11;
	v13 =	vand.u32 $0x3FF, v13;
	v57 =	vor.u32 s0, v15;
	v26 =	vld.idx.msk [tilespmem:v20+s14+$0x0], $0xffff  }
0x117: {  	v11 =	vand.u32 $0x3FF, v11;
	v61 =	vor.u32 s0, v13;
	v14 =	vld.idx.msk [tilespmem:v58+s14+$0x0], $0xffff  }
0x118: {  	v37 =	vor.u32 s0, v11;
	v23 =	vld.idx.msk [tilespmem:v23+s16+$0x0], $0xffff  }
0x119: {  	v59 =	vshrl.u32 v12, $0xA;
	v20 =	vld.idx.msk [tilespmem:v20+s16+$0x0], $0xffff  }
0x11a: {  	v12 =	vsel vm15, v59, v12;
	v35 =	vld.idx.msk [tilespmem:v58+s16+$0x0], $0xffff  }
0x11b: {  	v62 =	vshrl.u32 v10, $0xA;
	v44 =	vshrl.u32 v9, $0xA;
	v12 =	vand.u32 $0x3FF, v12;
	v15 =	vld.idx.msk [tilespmem:v57+s14+$0x0], $0xffff  }
0x11c: {  	v45 =	vshrl.u32 v8, $0xA;
	v63 =	vor.u32 s0, v12;
	v10 =	vsel vm5, v62, v10;
	v13 =	vld.idx.msk [tilespmem:v61+s14+$0x0], $0xffff  }
0x11d: {  	v10 =	vand.u32 $0x3FF, v10;
	v9 =	vsel vm6, v44, v9;
	vm7 =	vle.f32 v55, v46;
	v11 =	vld.idx.msk [tilespmem:v37+s14+$0x0], $0xffff  }
0x11e: {  	v46 =	vshra.s32 v29, $0xD;
	v31 =	vor.u32 s0, v10;
	v9 =	vand.u32 $0x3FF, v9;
	v32 =	vld.idx.msk [tilespmem:v57+s16+$0x0], $0xffff  }
0x11f: {  	v8 =	vsel vm7, v45, v8;
	v40 =	vand.u32 $0xFFFFFF80, v46;
	v34 =	vor.u32 s0, v9;
	v33 =	vld.idx.msk [tilespmem:v61+s16+$0x0], $0xffff  }
0x120: {  	v47 =	vshra.s32 v30, $0xD;
	v8 =	vand.u32 $0x3FF, v8;
	v40 =	vor.u32 v0, v40;
	v37 =	vld.idx.msk [tilespmem:v37+s16+$0x0], $0xffff  }
0x121: {  	v48 =	vshra.s32 v22, $0xD;
	v41 =	vand.u32 $0xFFFFFF80, v47;
	v39 =	vor.u32 s0, v8;
	v12 =	vld.idx.msk [tilespmem:v63+s14+$0x0], $0xffff  }
0x122: {  	v42 =	vand.u32 $0xFFFFFF80, v48;
	v49 =	vshra.s32 v36, $0xD;
	v41 =	vor.u32 v1, v41;
	v28 =	vld.idx.msk [tilespmem:v63+s16+$0x0], $0xffff  }
0x123: {  	v42 =	vor.u32 v2, v42;
	v50 =	vshra.s32 v27, $0xD;
	v43 =	vand.u32 $0xFFFFFF80, v49;
	v10 =	vld.idx.msk [tilespmem:v31+s14+$0x0], $0xffff  }
0x124: {  	v51 =	vshra.s32 v38, $0xD;
	v44 =	vand.u32 $0xFFFFFF80, v50;
	v43 =	vor.u32 v3, v43;
	v9 =	vld.idx.msk [tilespmem:v34+s14+$0x0], $0xffff  }
0x125: {  	v45 =	vand.u32 $0xFFFFFF80, v51;
	v44 =	vor.u32 v4, v44;
	v52 =	vshra.s32 v24, $0xD;
	v40 =	vld.idx.msk [tilespmem:v40+s4+$0x0], $0xffff  }
0x126: {  	v45 =	vor.u32 v5, v45;
	v53 =	vshra.s32 v26, $0xD;
	v46 =	vand.u32 $0xFFFFFF80, v52;
	v8 =	vld.idx.msk [tilespmem:v39+s14+$0x0], $0xffff  }
0x127: {  	v55 =	vshra.s32 v14, $0xD;
	v47 =	vand.u32 $0xFFFFFF80, v53;
	v46 =	vor.u32 v6, v46;
	v41 =	vld.idx.msk [tilespmem:v41+s4+$0x0], $0xffff  }
0x128: {  	v62 =	vshrl.u32 v29, $0xA;
	v49 =	vand.u32 $0xFFFFFF80, v55;
	v47 =	vor.u32 v7, v47;
	v42 =	vld.idx.msk [tilespmem:v42+s4+$0x0], $0xffff  }
0x129: {  	v54 =	vshra.s32 v15, $0xD;
	v56 =	vshra.s32 v13, $0xD;
	v49 =	vor.u32 v1, v49;
	v43 =	vld.idx.msk [tilespmem:v43+s4+$0x0], $0xffff  }
0x12a: {  	v58 =	vshra.s32 v11, $0xD;
	v48 =	vand.u32 $0xFFFFFF80, v54;
	v50 =	vand.u32 $0xFFFFFF80, v56;
	v55 =	vld.idx.msk [tilespmem:v44+s4+$0x0], $0xffff  }
0x12b: {  	v57 =	vshra.s32 v12, $0xD;
	v52 =	vand.u32 $0xFFFFFF80, v58;
	v58 =	vld.idx.msk [tilespmem:v45+s4+$0x0], $0xffff;
	v60 =	vshra.s32 v9, $0xD  }
0x12c: {  	v48 =	vor.u32 v0, v48;
	vm8 =	vle.f32 v40, v19;
	v54 =	vand.u32 $0xFFFFFF80, v60;
	v60 =	vld.idx.msk [tilespmem:v46+s4+$0x0], $0xffff  }
0x12d: {  	v50 =	vor.u32 v2, v50;
	v51 =	vand.u32 $0xFFFFFF80, v57;
	v19 =	vsel vm8, v62, v29;
	v62 =	vld.idx.msk [tilespmem:v47+s4+$0x0], $0xffff  }
0x12e: {  	v52 =	vor.u32 v4, v52;
	v51 =	vor.u32 v3, v51;
	v59 =	vshra.s32 v10, $0xD;
	v29 =	vld.idx.msk [tilespmem:v34+s16+$0x0], $0xffff  }
0x12f: {  	v53 =	vand.u32 $0xFFFFFF80, v59;
	v59 =	vshrl.u32 v22, $0xA;
	v61 =	vshra.s32 v8, $0xD;
	v44 =	vld.idx.msk [tilespmem:v49+s4+$0x0], $0xffff  }
0x130: {  	v53 =	vor.u32 v5, v53;
	vm10 =	vle.f32 v42, v18;
	v46 =	vld.idx.msk [tilespmem:v39+s16+$0x0], $0xffff;
	v63 =	vand.u32 $0xFFFFFF80, v61  }
0x131: {  	v18 =	vsel vm10, v59, v22;
	vm11 =	vle.f32 v43, v16;
	v61 =	vshrl.u32 v36, $0xA;
	v22 =	vld.idx.msk [tilespmem:v31+s16+$0x0], $0xffff  }
0x132: {  	v56 =	vshrl.u32 v30, $0xA;
	v40 =	vor.u32 v6, v54;
	v16 =	vsel vm11, v61, v36;
	v36 =	vld.idx.msk [tilespmem:v48+s4+$0x0], $0xffff  }
0x133: {  	vm9 =	vle.f32 v41, v17;
	v19 =	vand.u32 $0x3FF, v19;
	v57 =	vor.u32 v7, v63;
	v47 =	vld.idx.msk [tilespmem:v50+s4+$0x0], $0xffff  }
0x134: {  	v17 =	vsel vm9, v56, v30;
	v19 =	vor.u32 s28, v19;
	v50 =	vld.idx.msk [tilespmem:v52+s4+$0x0], $0xffff  }
0x135: {  	v17 =	vand.u32 $0x3FF, v17;
	v49 =	vld.idx.msk [tilespmem:v51+s4+$0x0], $0xffff  }
0x136: {  	v45 =	vshrl.u32 v24, $0xA;
	v18 =	vand.u32 $0x3FF, v18;
	v17 =	vor.u32 s28, v17;
	v52 =	vld.idx.msk [tilespmem:v53+s4+$0x0], $0xffff  }
0x137: {  	v43 =	vshrl.u32 v38, $0xA;
	vm12 =	vle.f32 v55, v21;
	v18 =	vor.u32 s28, v18;
	v54 =	vld.idx.msk [tilespmem:v40+s4+$0x0], $0xffff  }
0x138: {  	v63 =	vshrl.u32 v27, $0xA;
	vm13 =	vle.f32 v58, v25;
	vm14 =	vle.f32 v60, v23;
	v55 =	vld.idx.msk [tilespmem:v57+s4+$0x0], $0xffff  }
0x139: {  	v48 =	vshrl.u32 v26, $0xA;
	v16 =	vand.u32 $0x3FF, v16;
	v23 =	vsel vm14, v45, v24;
	v24 =	vld.idx.msk [tilespmem:v19+s14+$0x0], $0xffff  }
0x13a: {  	v21 =	vsel vm12, v63, v27;
	v25 =	vsel vm13, v43, v38;
	v16 =	vor.u32 s28, v16;
	v19 =	vld.idx.msk [tilespmem:v19+s16+$0x0], $0xffff  }
0x13b: {  	v21 =	vand.u32 $0x3FF, v21;
	vm15 =	vle.f32 v62, v20;
	vm7 =	vle.f32 v49, v28;
	v28 =	vld.idx.msk [tilespmem:v17+s14+$0x0], $0xffff  }
0x13c: {  	v25 =	vand.u32 $0x3FF, v25;
	v21 =	vor.u32 s28, v21;
	v20 =	vsel vm15, v48, v26;
	v26 =	vld.idx.msk [tilespmem:v18+s14+$0x0], $0xffff  }
0x13d: {  	v25 =	vor.u32 s28, v25;
	v17 =	vld.idx.msk [tilespmem:v17+s16+$0x0], $0xffff  }
0x13e: {  	vm5 =	vle.f32 v44, v35;
	v18 =	vld.idx.msk [tilespmem:v18+s16+$0x0], $0xffff  }
0x13f: {  	v53 =	vshrl.u32 v14, $0xA;
	v23 =	vand.u32 $0x3FF, v23;
	vm4 =	vle.f32 v36, v32;
	v36 =	vld.idx.msk [tilespmem:v16+s14+$0x0], $0xffff  }
0x140: {  	v14 =	vsel vm5, v53, v14;
	v20 =	vand.u32 $0x3FF, v20;
	v23 =	vor.u32 s28, v23;
	v16 =	vld.idx.msk [tilespmem:v16+s16+$0x0], $0xffff  }
0x141: {  	v14 =	vand.u32 $0x3FF, v14;
	v20 =	vor.u32 s28, v20;
	vm9 =	vle.f32 v52, v22;
	v22 =	vld.idx.msk [tilespmem:v21+s14+$0x0], $0xffff  }
0x142: {  	v58 =	vor.u32 s0, v14;
	v38 =	vld.idx.msk [tilespmem:v25+s14+$0x0], $0xffff  }
0x143: {  	v56 =	vshrl.u32 v13, $0xA;
	v51 =	vshrl.u32 v15, $0xA;
	v60 =	vshrl.u32 v11, $0xA;
	v21 =	vld.idx.msk [tilespmem:v21+s16+$0x0], $0xffff  }
0x144: {  	vm6 =	vle.f32 v47, v33;
	vm8 =	vle.f32 v50, v37;
	v15 =	vsel vm4, v51, v15;
	v25 =	vld.idx.msk [tilespmem:v25+s16+$0x0], $0xffff  }
0x145: {  	v13 =	vsel vm6, v56, v13;
	v15 =	vand.u32 $0x3FF, v15;
	vm10 =	vle.f32 v54, v29;
	v29 =	vld.idx.msk [tilespmem:v23+s14+$0x0], $0xffff  }
0x146: {  	v11 =	vsel vm8, v60, v11;
	v13 =	vand.u32 $0x3FF, v13;
	v57 =	vor.u32 s0, v15;
	v27 =	vld.idx.msk [tilespmem:v20+s14+$0x0], $0xffff  }
0x147: {  	v11 =	vand.u32 $0x3FF, v11;
	v61 =	vor.u32 s0, v13;
	v14 =	vld.idx.msk [tilespmem:v58+s14+$0x0], $0xffff  }
0x148: {  	v37 =	vor.u32 s0, v11;
	v23 =	vld.idx.msk [tilespmem:v23+s16+$0x0], $0xffff  }
0x149: {  	v59 =	vshrl.u32 v12, $0xA;
	v20 =	vld.idx.msk [tilespmem:v20+s16+$0x0], $0xffff  }
0x14a: {  	v12 =	vsel vm7, v59, v12;
	v35 =	vld.idx.msk [tilespmem:v58+s16+$0x0], $0xffff  }
0x14b: {  	v62 =	vshrl.u32 v10, $0xA;
	v44 =	vshrl.u32 v9, $0xA;
	v12 =	vand.u32 $0x3FF, v12;
	v15 =	vld.idx.msk [tilespmem:v57+s14+$0x0], $0xffff  }
0x14c: {  	v45 =	vshrl.u32 v8, $0xA;
	v63 =	vor.u32 s0, v12;
	v10 =	vsel vm9, v62, v10;
	v13 =	vld.idx.msk [tilespmem:v61+s14+$0x0], $0xffff  }
0x14d: {  	v10 =	vand.u32 $0x3FF, v10;
	v9 =	vsel vm10, v44, v9;
	vm11 =	vle.f32 v55, v46;
	v11 =	vld.idx.msk [tilespmem:v37+s14+$0x0], $0xffff  }
0x14e: {  	v46 =	vshra.s32 v24, $0xD;
	v30 =	vor.u32 s0, v10;
	v9 =	vand.u32 $0x3FF, v9;
	v33 =	vld.idx.msk [tilespmem:v57+s16+$0x0], $0xffff  }
0x14f: {  	v8 =	vsel vm11, v45, v8;
	v40 =	vand.u32 $0xFFFFFF80, v46;
	v34 =	vor.u32 s0, v9;
	v31 =	vld.idx.msk [tilespmem:v61+s16+$0x0], $0xffff  }
0x150: {  	v47 =	vshra.s32 v28, $0xD;
	v8 =	vand.u32 $0x3FF, v8;
	v40 =	vor.u32 v0, v40;
	v37 =	vld.idx.msk [tilespmem:v37+s16+$0x0], $0xffff  }
0x151: {  	v48 =	vshra.s32 v26, $0xD;
	v41 =	vand.u32 $0xFFFFFF80, v47;
	v39 =	vor.u32 s0, v8;
	v12 =	vld.idx.msk [tilespmem:v63+s14+$0x0], $0xffff  }
0x152: {  	v42 =	vand.u32 $0xFFFFFF80, v48;
	v49 =	vshra.s32 v36, $0xD;
	v41 =	vor.u32 v1, v41;
	v32 =	vld.idx.msk [tilespmem:v63+s16+$0x0], $0xffff  }
0x153: {  	v42 =	vor.u32 v2, v42;
	v50 =	vshra.s32 v22, $0xD;
	v43 =	vand.u32 $0xFFFFFF80, v49;
	v10 =	vld.idx.msk [tilespmem:v30+s14+$0x0], $0xffff  }
0x154: {  	v51 =	vshra.s32 v38, $0xD;
	v44 =	vand.u32 $0xFFFFFF80, v50;
	v43 =	vor.u32 v3, v43;
	v9 =	vld.idx.msk [tilespmem:v34+s14+$0x0], $0xffff  }
0x155: {  	v45 =	vand.u32 $0xFFFFFF80, v51;
	v44 =	vor.u32 v4, v44;
	v52 =	vshra.s32 v29, $0xD;
	v40 =	vld.idx.msk [tilespmem:v40+s4+$0x0], $0xffff  }
0x156: {  	v45 =	vor.u32 v5, v45;
	v53 =	vshra.s32 v27, $0xD;
	v46 =	vand.u32 $0xFFFFFF80, v52;
	v8 =	vld.idx.msk [tilespmem:v39+s14+$0x0], $0xffff  }
0x157: {  	v55 =	vshra.s32 v14, $0xD;
	v47 =	vand.u32 $0xFFFFFF80, v53;
	v46 =	vor.u32 v6, v46;
	v41 =	vld.idx.msk [tilespmem:v41+s4+$0x0], $0xffff  }
0x158: {  	v62 =	vshrl.u32 v24, $0xA;
	v49 =	vand.u32 $0xFFFFFF80, v55;
	v47 =	vor.u32 v7, v47;
	v42 =	vld.idx.msk [tilespmem:v42+s4+$0x0], $0xffff  }
0x159: {  	v54 =	vshra.s32 v15, $0xD;
	v56 =	vshra.s32 v13, $0xD;
	v49 =	vor.u32 v1, v49;
	v43 =	vld.idx.msk [tilespmem:v43+s4+$0x0], $0xffff  }
0x15a: {  	v58 =	vshra.s32 v11, $0xD;
	v48 =	vand.u32 $0xFFFFFF80, v54;
	v50 =	vand.u32 $0xFFFFFF80, v56;
	v55 =	vld.idx.msk [tilespmem:v44+s4+$0x0], $0xffff  }
0x15b: {  	v57 =	vshra.s32 v12, $0xD;
	v52 =	vand.u32 $0xFFFFFF80, v58;
	v58 =	vld.idx.msk [tilespmem:v45+s4+$0x0], $0xffff;
	v60 =	vshra.s32 v9, $0xD  }
0x15c: {  	v48 =	vor.u32 v0, v48;
	vm12 =	vle.f32 v40, v19;
	v54 =	vand.u32 $0xFFFFFF80, v60;
	v60 =	vld.idx.msk [tilespmem:v46+s4+$0x0], $0xffff  }
0x15d: {  	v50 =	vor.u32 v2, v50;
	v51 =	vand.u32 $0xFFFFFF80, v57;
	v19 =	vsel vm12, v62, v24;
	v62 =	vld.idx.msk [tilespmem:v47+s4+$0x0], $0xffff  }
0x15e: {  	v52 =	vor.u32 v4, v52;
	v51 =	vor.u32 v3, v51;
	v59 =	vshra.s32 v10, $0xD;
	v24 =	vld.idx.msk [tilespmem:v34+s16+$0x0], $0xffff  }
0x15f: {  	v53 =	vand.u32 $0xFFFFFF80, v59;
	v59 =	vshrl.u32 v26, $0xA;
	v61 =	vshra.s32 v8, $0xD;
	v44 =	vld.idx.msk [tilespmem:v49+s4+$0x0], $0xffff  }
0x160: {  	v53 =	vor.u32 v5, v53;
	vm14 =	vle.f32 v42, v18;
	v46 =	vld.idx.msk [tilespmem:v39+s16+$0x0], $0xffff;
	v63 =	vand.u32 $0xFFFFFF80, v61  }
0x161: {  	v18 =	vsel vm14, v59, v26;
	vm15 =	vle.f32 v43, v16;
	v61 =	vshrl.u32 v36, $0xA;
	v26 =	vld.idx.msk [tilespmem:v30+s16+$0x0], $0xffff  }
0x162: {  	v56 =	vshrl.u32 v28, $0xA;
	v40 =	vor.u32 v6, v54;
	v16 =	vsel vm15, v61, v36;
	v36 =	vld.idx.msk [tilespmem:v48+s4+$0x0], $0xffff  }
0x163: {  	vm13 =	vle.f32 v41, v17;
	v19 =	vand.u32 $0x3FF, v19;
	v57 =	vor.u32 v7, v63;
	v47 =	vld.idx.msk [tilespmem:v50+s4+$0x0], $0xffff  }
0x164: {  	v17 =	vsel vm13, v56, v28;
	v19 =	vor.u32 s28, v19;
	v50 =	vld.idx.msk [tilespmem:v52+s4+$0x0], $0xffff  }
0x165: {  	v17 =	vand.u32 $0x3FF, v17;
	v49 =	vld.idx.msk [tilespmem:v51+s4+$0x0], $0xffff  }
0x166: {  	v18 =	vand.u32 $0x3FF, v18;
	v17 =	vor.u32 s28, v17;
	v52 =	vld.idx.msk [tilespmem:v53+s4+$0x0], $0xffff  }
0x167: {  	v45 =	vshrl.u32 v29, $0xA;
	v43 =	vshrl.u32 v38, $0xA;
	v18 =	vor.u32 s28, v18;
	v54 =	vld.idx.msk [tilespmem:v40+s4+$0x0], $0xffff  }
0x168: {  	vm4 =	vle.f32 v55, v21;
	v63 =	vshrl.u32 v22, $0xA;
	vm6 =	vle.f32 v60, v23;
	v55 =	vld.idx.msk [tilespmem:v57+s4+$0x0], $0xffff  }
0x169: {  	vm5 =	vle.f32 v58, v25;
	v16 =	vand.u32 $0x3FF, v16;
	v23 =	vsel vm6, v45, v29;
	v29 =	vld.idx.msk [tilespmem:v19+s14+$0x0], $0xffff  }
0x16a: {  	v48 =	vshrl.u32 v27, $0xA;
	v21 =	vsel vm4, v63, v22;
	v16 =	vor.u32 s28, v16;
	v19 =	vld.idx.msk [tilespmem:v19+s16+$0x0], $0xffff  }
0x16b: {  	v25 =	vsel vm5, v43, v38;
	v21 =	vand.u32 $0x3FF, v21;
	vm7 =	vle.f32 v62, v20;
	v30 =	vld.idx.msk [tilespmem:v17+s14+$0x0], $0xffff  }
0x16c: {  	v25 =	vand.u32 $0x3FF, v25;
	v21 =	vor.u32 s28, v21;
	v20 =	vsel vm7, v48, v27;
	v27 =	vld.idx.msk [tilespmem:v18+s14+$0x0], $0xffff  }
0x16d: {  	v25 =	vor.u32 s28, v25;
	v17 =	vld.idx.msk [tilespmem:v17+s16+$0x0], $0xffff  }
0x16e: {  	vm9 =	vle.f32 v44, v35;
	v18 =	vld.idx.msk [tilespmem:v18+s16+$0x0], $0xffff  }
0x16f: {  	v53 =	vshrl.u32 v14, $0xA;
	v23 =	vand.u32 $0x3FF, v23;
	vm8 =	vle.f32 v36, v33;
	v36 =	vld.idx.msk [tilespmem:v16+s14+$0x0], $0xffff  }
0x170: {  	v14 =	vsel vm9, v53, v14;
	v20 =	vand.u32 $0x3FF, v20;
	v23 =	vor.u32 s28, v23;
	v16 =	vld.idx.msk [tilespmem:v16+s16+$0x0], $0xffff  }
0x171: {  	v14 =	vand.u32 $0x3FF, v14;
	v20 =	vor.u32 s28, v20;
	vm13 =	vle.f32 v52, v26;
	v26 =	vld.idx.msk [tilespmem:v21+s14+$0x0], $0xffff  }
0x172: {  	v58 =	vor.u32 s0, v14;
	v38 =	vld.idx.msk [tilespmem:v25+s14+$0x0], $0xffff  }
0x173: {  	v56 =	vshrl.u32 v13, $0xA;
	v51 =	vshrl.u32 v15, $0xA;
	v60 =	vshrl.u32 v11, $0xA;
	v21 =	vld.idx.msk [tilespmem:v21+s16+$0x0], $0xffff  }
0x174: {  	vm10 =	vle.f32 v47, v31;
	vm12 =	vle.f32 v50, v37;
	v15 =	vsel vm8, v51, v15;
	v25 =	vld.idx.msk [tilespmem:v25+s16+$0x0], $0xffff  }
0x175: {  	v13 =	vsel vm10, v56, v13;
	v15 =	vand.u32 $0x3FF, v15;
	vm14 =	vle.f32 v54, v24;
	v24 =	vld.idx.msk [tilespmem:v23+s14+$0x0], $0xffff  }
0x176: {  	v11 =	vsel vm12, v60, v11;
	v13 =	vand.u32 $0x3FF, v13;
	v57 =	vor.u32 s0, v15;
	v22 =	vld.idx.msk [tilespmem:v20+s14+$0x0], $0xffff  }
0x177: {  	v11 =	vand.u32 $0x3FF, v11;
	v61 =	vor.u32 s0, v13;
	v14 =	vld.idx.msk [tilespmem:v58+s14+$0x0], $0xffff  }
0x178: {  	v37 =	vor.u32 s0, v11;
	v23 =	vld.idx.msk [tilespmem:v23+s16+$0x0], $0xffff  }
0x179: {  	v59 =	vshrl.u32 v12, $0xA;
	vm11 =	vle.f32 v49, v32;
	v20 =	vld.idx.msk [tilespmem:v20+s16+$0x0], $0xffff  }
0x17a: {  	v62 =	vshrl.u32 v10, $0xA;
	v44 =	vshrl.u32 v9, $0xA;
	v12 =	vsel vm11, v59, v12;
	v35 =	vld.idx.msk [tilespmem:v58+s16+$0x0], $0xffff  }
0x17b: {  	v45 =	vshrl.u32 v8, $0xA;
	v12 =	vand.u32 $0x3FF, v12;
	v10 =	vsel vm13, v62, v10;
	v15 =	vld.idx.msk [tilespmem:v57+s14+$0x0], $0xffff  }
0x17c: {  	v63 =	vor.u32 s0, v12;
	v10 =	vand.u32 $0x3FF, v10;
	v9 =	vsel vm14, v44, v9;
	v13 =	vld.idx.msk [tilespmem:v61+s14+$0x0], $0xffff  }
0x17d: {  	vm15 =	vle.f32 v55, v46;
	v46 =	vshra.s32 v29, $0xD;
	v62 =	vshrl.u32 v29, $0xA;
	v11 =	vld.idx.msk [tilespmem:v37+s14+$0x0], $0xffff  }
0x17e: {  	v28 =	vor.u32 s0, v10;
	v9 =	vand.u32 $0x3FF, v9;
	v8 =	vsel vm15, v45, v8;
	v31 =	vld.idx.msk [tilespmem:v57+s16+$0x0], $0xffff  }
0x17f: {  	v47 =	vshra.s32 v30, $0xD;
	v40 =	vand.u32 $0xFFFFFF80, v46;
	v34 =	vor.u32 s0, v9;
	v32 =	vld.idx.msk [tilespmem:v61+s16+$0x0], $0xffff  }
0x180: {  	v48 =	vshra.s32 v27, $0xD;
	v8 =	vand.u32 $0x3FF, v8;
	v40 =	vor.u32 v0, v40;
	v37 =	vld.idx.msk [tilespmem:v37+s16+$0x0], $0xffff  }
0x181: {  	v41 =	vand.u32 $0xFFFFFF80, v47;
	v42 =	vand.u32 $0xFFFFFF80, v48;
	v39 =	vor.u32 s0, v8;
	v12 =	vld.idx.msk [tilespmem:v63+s14+$0x0], $0xffff  }
0x182: {  	v49 =	vshra.s32 v36, $0xD;
	v41 =	vor.u32 v1, v41;
	v42 =	vor.u32 v2, v42;
	v33 =	vld.idx.msk [tilespmem:v63+s16+$0x0], $0xffff  }
0x183: {  	v50 =	vshra.s32 v26, $0xD;
	v43 =	vand.u32 $0xFFFFFF80, v49;
	v51 =	vshra.s32 v38, $0xD;
	v10 =	vld.idx.msk [tilespmem:v28+s14+$0x0], $0xffff  }
0x184: {  	v44 =	vand.u32 $0xFFFFFF80, v50;
	v43 =	vor.u32 v3, v43;
	v45 =	vand.u32 $0xFFFFFF80, v51;
	v9 =	vld.idx.msk [tilespmem:v34+s14+$0x0], $0xffff  }
0x185: {  	v44 =	vor.u32 v4, v44;
	v45 =	vor.u32 v5, v45;
	v52 =	vshra.s32 v24, $0xD;
	v40 =	vld.idx.msk [tilespmem:v40+s4+$0x0], $0xffff  }
0x186: {  	v53 =	vshra.s32 v22, $0xD;
	v55 =	vshra.s32 v14, $0xD;
	v46 =	vand.u32 $0xFFFFFF80, v52;
	v8 =	vld.idx.msk [tilespmem:v39+s14+$0x0], $0xffff  }
0x187: {  	v47 =	vand.u32 $0xFFFFFF80, v53;
	v49 =	vand.u32 $0xFFFFFF80, v55;
	v54 =	vshra.s32 v15, $0xD;
	v41 =	vld.idx.msk [tilespmem:v41+s4+$0x0], $0xffff  }
0x188: {  	v46 =	vor.u32 v6, v46;
	v47 =	vor.u32 v7, v47;
	v49 =	vor.u32 v1, v49;
	v42 =	vld.idx.msk [tilespmem:v42+s4+$0x0], $0xffff  }
0x189: {  	v56 =	vshra.s32 v13, $0xD;
	v58 =	vshra.s32 v11, $0xD;
	v48 =	vand.u32 $0xFFFFFF80, v54;
	v43 =	vld.idx.msk [tilespmem:v43+s4+$0x0], $0xffff  }
0x18a: {  	v50 =	vand.u32 $0xFFFFFF80, v56;
	v57 =	vshra.s32 v12, $0xD;
	v56 =	vld.idx.msk [tilespmem:v44+s4+$0x0], $0xffff;
	v59 =	vshra.s32 v10, $0xD  }
0x18b: {  	v48 =	vor.u32 v0, v48;
	v53 =	vand.u32 $0xFFFFFF80, v59;
	vm4 =	vle.f32 v40, v19;
	v59 =	vld.idx.msk [tilespmem:v45+s4+$0x0], $0xffff  }
0x18c: {  	v50 =	vor.u32 v2, v50;
	v60 =	vshra.s32 v9, $0xD;
	v19 =	vsel vm4, v62, v29;
	v29 =	vld.idx.msk [tilespmem:v34+s16+$0x0], $0xffff  }
0x18d: {  	v51 =	vand.u32 $0xFFFFFF80, v57;
	v54 =	vand.u32 $0xFFFFFF80, v60;
	v61 =	vshra.s32 v8, $0xD;
	v45 =	vld.idx.msk [tilespmem:v49+s4+$0x0], $0xffff  }
0x18e: {  	vm6 =	vle.f32 v42, v18;
	v60 =	vshrl.u32 v27, $0xA;
	v63 =	vand.u32 $0xFFFFFF80, v61;
	v61 =	vld.idx.msk [tilespmem:v46+s4+$0x0], $0xffff  }
0x18f: {  	v52 =	vand.u32 $0xFFFFFF80, v58;
	v51 =	vor.u32 v3, v51;
	v18 =	vsel vm6, v60, v27;
	v27 =	vld.idx.msk [tilespmem:v28+s16+$0x0], $0xffff  }
0x190: {  	v52 =	vor.u32 v4, v52;
	v58 =	vor.u32 v7, v63;
	v63 =	vld.idx.msk [tilespmem:v47+s4+$0x0], $0xffff  }
0x191: {  	v53 =	vor.u32 v5, v53;
	vm7 =	vle.f32 v43, v16;
	v43 =	vld.idx.msk [tilespmem:v48+s4+$0x0], $0xffff  }
0x192: {  	v40 =	vor.u32 v6, v54;
	v47 =	vld.idx.msk [tilespmem:v39+s16+$0x0], $0xffff  }
0x193: {  	v57 =	vshrl.u32 v30, $0xA;
	vm5 =	vle.f32 v41, v17;
	v19 =	vand.u32 $0x3FF, v19;
	v48 =	vld.idx.msk [tilespmem:v50+s4+$0x0], $0xffff  }
0x194: {  	v17 =	vsel vm5, v57, v30;
	v19 =	vor.u32 s28, v19;
	v50 =	vld.idx.msk [tilespmem:v51+s4+$0x0], $0xffff  }
0x195: {  	v17 =	vand.u32 $0x3FF, v17;
	v51 =	vld.idx.msk [tilespmem:v52+s4+$0x0], $0xffff  }
0x196: {  	v44 =	vshrl.u32 v38, $0xA;
	v18 =	vand.u32 $0x3FF, v18;
	v17 =	vor.u32 s28, v17;
	v54 =	vld.idx.msk [tilespmem:v53+s4+$0x0], $0xffff  }
0x197: {  	v62 =	vshrl.u32 v36, $0xA;
	vm8 =	vle.f32 v56, v21;
	v18 =	vor.u32 s28, v18;
	v56 =	vld.idx.msk [tilespmem:v40+s4+$0x0], $0xffff  }
0x198: {  	v46 =	vshrl.u32 v24, $0xA;
	v16 =	vsel vm7, v62, v36;
	vm10 =	vle.f32 v61, v23;
	v57 =	vld.idx.msk [tilespmem:v58+s4+$0x0], $0xffff  }
0x199: {  	v36 =	vshrl.u32 v26, $0xA;
	v16 =	vand.u32 $0x3FF, v16;
	v23 =	vsel vm10, v46, v24;
	v24 =	vld.idx.msk [tilespmem:v19+s14+$0x0], $0xffff  }
0x19a: {  	v49 =	vshrl.u32 v22, $0xA;
	v21 =	vsel vm8, v36, v26;
	v16 =	vor.u32 s28, v16;
	v19 =	vld.idx.msk [tilespmem:v19+s16+$0x0], $0xffff  }
0x19b: {  	v21 =	vand.u32 $0x3FF, v21;
	vm9 =	vle.f32 v59, v25;
	vm11 =	vle.f32 v63, v20;
	v28 =	vld.idx.msk [tilespmem:v17+s14+$0x0], $0xffff  }
0x19c: {  	v25 =	vsel vm9, v44, v38;
	v21 =	vor.u32 s28, v21;
	v20 =	vsel vm11, v49, v22;
	v22 =	vld.idx.msk [tilespmem:v18+s14+$0x0], $0xffff  }
0x19d: {  	v55 =	vshrl.u32 v14, $0xA;
	vm13 =	vle.f32 v45, v35;
	v25 =	vand.u32 $0x3FF, v25;
	v17 =	vld.idx.msk [tilespmem:v17+s16+$0x0], $0xffff  }
0x19e: {  	v14 =	vsel vm13, v55, v14;
	v25 =	vor.u32 s28, v25;
	v18 =	vld.idx.msk [tilespmem:v18+s16+$0x0], $0xffff  }
0x19f: {  	v14 =	vand.u32 $0x3FF, v14;
	v36 =	vld.idx.msk [tilespmem:v16+s14+$0x0], $0xffff  }
0x1a0: {  	v60 =	vor.u32 s0, v14;
	v16 =	vld.idx.msk [tilespmem:v16+s16+$0x0], $0xffff  }
0x1a1: {  	v52 =	vshrl.u32 v15, $0xA;
	v23 =	vand.u32 $0x3FF, v23;
	vm5 =	vle.f32 v54, v27;
	v27 =	vld.idx.msk [tilespmem:v21+s14+$0x0], $0xffff  }
0x1a2: {  	vm12 =	vle.f32 v43, v31;
	vm14 =	vle.f32 v48, v32;
	v23 =	vor.u32 s28, v23;
	v21 =	vld.idx.msk [tilespmem:v21+s16+$0x0], $0xffff  }
0x1a3: {  	v58 =	vshrl.u32 v13, $0xA;
	v15 =	vsel vm12, v52, v15;
	v20 =	vand.u32 $0x3FF, v20;
	v38 =	vld.idx.msk [tilespmem:v25+s14+$0x0], $0xffff  }
0x1a4: {  	v13 =	vsel vm14, v58, v13;
	v15 =	vand.u32 $0x3FF, v15;
	v20 =	vor.u32 s28, v20;
	v25 =	vld.idx.msk [tilespmem:v25+s16+$0x0], $0xffff  }
0x1a5: {  	v62 =	vshrl.u32 v11, $0xA;
	v13 =	vand.u32 $0x3FF, v13;
	v59 =	vor.u32 s0, v15;
	v14 =	vld.idx.msk [tilespmem:v60+s14+$0x0], $0xffff  }
0x1a6: {  	v45 =	vshrl.u32 v10, $0xA;
	v61 =	vshrl.u32 v12, $0xA;
	v63 =	vor.u32 s0, v13;
	v35 =	vld.idx.msk [tilespmem:v60+s16+$0x0], $0xffff  }
0x1a7: {  	vm15 =	vle.f32 v50, v33;
	vm4 =	vle.f32 v51, v37;
	vm6 =	vle.f32 v56, v29;
	v29 =	vld.idx.msk [tilespmem:v23+s14+$0x0], $0xffff  }
0x1a8: {  	v46 =	vshrl.u32 v9, $0xA;
	v12 =	vsel vm15, v61, v12;
	v11 =	vsel vm4, v62, v11;
	v23 =	vld.idx.msk [tilespmem:v23+s16+$0x0], $0xffff  }
0x1a9: {  	v12 =	vand.u32 $0x3FF, v12;
	v11 =	vand.u32 $0x3FF, v11;
	v10 =	vsel vm5, v45, v10;
	v26 =	vld.idx.msk [tilespmem:v20+s14+$0x0], $0xffff  }
0x1aa: {  	v31 =	vor.u32 s0, v12;
	v37 =	vor.u32 s0, v11;
	v10 =	vand.u32 $0x3FF, v10;
	v15 =	vld.idx.msk [tilespmem:v59+s14+$0x0], $0xffff  }
0x1ab: {  	v9 =	vsel vm6, v46, v9;
	vm7 =	vle.f32 v57, v47;
	v47 =	vshrl.u32 v8, $0xA;
	v13 =	vld.idx.msk [tilespmem:v63+s14+$0x0], $0xffff  }
0x1ac: {  	v48 =	vshra.s32 v24, $0xD;
	v30 =	vor.u32 s0, v10;
	v9 =	vand.u32 $0x3FF, v9;
	v20 =	vld.idx.msk [tilespmem:v20+s16+$0x0], $0xffff  }
0x1ad: {  	v8 =	vsel vm7, v47, v8;
	v49 =	vshra.s32 v28, $0xD;
	v40 =	vand.u32 $0xFFFFFF80, v48;
	v32 =	vld.idx.msk [tilespmem:v59+s16+$0x0], $0xffff  }
0x1ae: {  	v50 =	vshra.s32 v22, $0xD;
	v34 =	vor.u32 s0, v9;
	v8 =	vand.u32 $0x3FF, v8;
	v33 =	vld.idx.msk [tilespmem:v63+s16+$0x0], $0xffff  }
0x1af: {  	v41 =	vand.u32 $0xFFFFFF80, v49;
	v40 =	vor.u32 v0, v40;
	v42 =	vand.u32 $0xFFFFFF80, v50;
	v12 =	vld.idx.msk [tilespmem:v31+s14+$0x0], $0xffff  }
0x1b0: {  	v51 =	vshra.s32 v36, $0xD;
	v39 =	vor.u32 s0, v8;
	v41 =	vor.u32 v1, v41;
	v11 =	vld.idx.msk [tilespmem:v37+s14+$0x0], $0xffff  }
0x1b1: {  	v42 =	vor.u32 v2, v42;
	v52 =	vshra.s32 v27, $0xD;
	v43 =	vand.u32 $0xFFFFFF80, v51;
	v31 =	vld.idx.msk [tilespmem:v31+s16+$0x0], $0xffff  }
0x1b2: {  	v44 =	vand.u32 $0xFFFFFF80, v52;
	v43 =	vor.u32 v3, v43;
	v37 =	vld.idx.msk [tilespmem:v37+s16+$0x0], $0xffff;
	v53 =	vshra.s32 v38, $0xD  }
0x1b3: {  	v44 =	vor.u32 v4, v44;
	v10 =	vld.idx.msk [tilespmem:v30+s14+$0x0], $0xffff;
	v45 =	vand.u32 $0xFFFFFF80, v53;
	v57 =	vshra.s32 v14, $0xD  }
0x1b4: {  	v9 =	vld.idx.msk [tilespmem:v34+s14+$0x0], $0xffff;
	v45 =	vor.u32 v5, v45;
	v54 =	vshra.s32 v29, $0xD;
	v49 =	vand.u32 $0xFFFFFF80, v57  }
0x1b5: {  	v40 =	vld.idx.msk [tilespmem:v40+s4+$0x0], $0xffff;
	v57 =	vshrl.u32 v24, $0xA;
	v55 =	vshra.s32 v26, $0xD;
	v46 =	vand.u32 $0xFFFFFF80, v54  }
0x1b6: {  	v8 =	vld.idx.msk [tilespmem:v39+s14+$0x0], $0xffff;
	v56 =	vshra.s32 v15, $0xD;
	v58 =	vshra.s32 v13, $0xD;
	v49 =	vor.u32 v1, v49  }
0x1b7: {  	v41 =	vld.idx.msk [tilespmem:v41+s4+$0x0], $0xffff;
	v47 =	vand.u32 $0xFFFFFF80, v55;
	v46 =	vor.u32 v6, v46;
	v48 =	vand.u32 $0xFFFFFF80, v56  }
0x1b8: {  	v42 =	vld.idx.msk [tilespmem:v42+s4+$0x0], $0xffff;
	v50 =	vand.u32 $0xFFFFFF80, v58;
	v59 =	vshra.s32 v12, $0xD;
	v60 =	vshra.s32 v11, $0xD  }
0x1b9: {  	v43 =	vld.idx.msk [tilespmem:v43+s4+$0x0], $0xffff;
	v47 =	vor.u32 v7, v47;
	v48 =	vor.u32 v0, v48;
	v51 =	vand.u32 $0xFFFFFF80, v59  }
0x1ba: {  	v52 =	vand.u32 $0xFFFFFF80, v60;
	v59 =	vld.idx.msk [tilespmem:v44+s4+$0x0], $0xffff;
	v60 =	vshrl.u32 v28, $0xA;
	v61 =	vshra.s32 v10, $0xD  }
0x1bb: {  	v53 =	vand.u32 $0xFFFFFF80, v61;
	v62 =	vshra.s32 v9, $0xD;
	vm8 =	vle.f32 v40, v19;
	v61 =	vld.idx.msk [tilespmem:v45+s4+$0x0], $0xffff  }
0x1bc: {  	v54 =	vand.u32 $0xFFFFFF80, v62;
	v63 =	vshra.s32 v8, $0xD;
	v19 =	vsel vm8, v57, v24;
	v24 =	vld.idx.msk [tilespmem:v34+s16+$0x0], $0xffff  }
0x1bd: {  	vm10 =	vle.f32 v42, v18;
	v62 =	vshrl.u32 v22, $0xA;
	v58 =	vand.u32 $0xFFFFFF80, v63;
	v63 =	vld.idx.msk [tilespmem:v46+s4+$0x0], $0xffff  }
0x1be: {  	v51 =	vor.u32 v3, v51;
	vm9 =	vle.f32 v41, v17;
	v18 =	vsel vm10, v62, v22;
	v22 =	vld.idx.msk [tilespmem:v30+s16+$0x0], $0xffff  }
0x1bf: {  	v52 =	vor.u32 v4, v52;
	v17 =	vsel vm9, v60, v28;
	v60 =	vld.idx.msk [tilespmem:v39+s16+$0x0], $0xffff  }
0x1c0: {  	v53 =	vor.u32 v5, v53;
	v47 =	vld.idx.msk [tilespmem:v47+s4+$0x0], $0xffff  }
0x1c1: {  	v50 =	vor.u32 v2, v50;
	v56 =	vld.idx.msk [tilespmem:v48+s4+$0x0], $0xffff  }
0x1c2: {  	v40 =	vor.u32 v6, v54;
	v41 =	vor.u32 v7, v58;
	v58 =	vld.idx.msk [tilespmem:v49+s4+$0x0], $0xffff  }
0x1c3: {  	v19 =	vand.u32 $0x3FF, v19;
	v48 =	vld.idx.msk [tilespmem:v51+s4+$0x0], $0xffff  }
0x1c4: {  	v19 =	vor.u32 s28, v19;
	v39 =	vld.idx.msk [tilespmem:v52+s4+$0x0], $0xffff  }
0x1c5: {  	v45 =	vshrl.u32 v36, $0xA;
	vm11 =	vle.f32 v43, v16;
	v17 =	vand.u32 $0x3FF, v17;
	v43 =	vld.idx.msk [tilespmem:v53+s4+$0x0], $0xffff  }
0x1c6: {  	v46 =	vand.u32 $0x3FF, v18;
	v30 =	vor.u32 s28, v17;
	vm14 =	vle.f32 v63, v23;
	v63 =	vld.idx.msk [tilespmem:v50+s4+$0x0], $0xffff  }
0x1c7: {  	v16 =	vsel vm11, v45, v36;
	v34 =	vor.u32 s28, v46;
	v45 =	vld.idx.msk [tilespmem:v40+s4+$0x0], $0xffff  }
0x1c8: {  	v44 =	vshrl.u32 v14, $0xA;
	v54 =	vshrl.u32 v27, $0xA;
	v50 =	vld.idx.msk [tilespmem:v41+s4+$0x0], $0xffff  }
0x1c9: {  	vm12 =	vle.f32 v59, v21;
	v16 =	vand.u32 $0x3FF, v16;
	vm5 =	vle.f32 v58, v35;
	v35 =	vld.idx.msk [tilespmem:v19+s14+$0x0], $0xffff  }
0x1ca: {  	v57 =	vshrl.u32 v38, $0xA;
	v55 =	vsel vm12, v54, v27;
	v36 =	vor.u32 s28, v16;
	v19 =	vld.idx.msk [tilespmem:v19+s16+$0x0], $0xffff  }
0x1cb: {  	v16 =	vand.u32 $0x3FF, v55;
	vm13 =	vle.f32 v61, v25;
	vm15 =	vle.f32 v47, v20;
	v20 =	vld.idx.msk [tilespmem:v30+s14+$0x0], $0xffff  }
0x1cc: {  	v42 =	vshrl.u32 v15, $0xA;
	v21 =	vsel vm13, v57, v38;
	v28 =	vor.u32 s28, v16;
	v18 =	vld.idx.msk [tilespmem:v34+s14+$0x0], $0xffff  }
0x1cd: {  	v59 =	vshrl.u32 v29, $0xA;
	v51 =	vshrl.u32 v13, $0xA;
	v61 =	vand.u32 $0x3FF, v21;
	v30 =	vld.idx.msk [tilespmem:v30+s16+$0x0], $0xffff  }
0x1ce: {  	v54 =	vshrl.u32 v11, $0xA;
	v62 =	vsel vm14, v59, v29;
	v49 =	vor.u32 s28, v61;
	v34 =	vld.idx.msk [tilespmem:v34+s16+$0x0], $0xffff  }
0x1cf: {  	v47 =	vshrl.u32 v26, $0xA;
	v21 =	vand.u32 $0x3FF, v62;
	vm8 =	vle.f32 v39, v37;
	v37 =	vld.idx.msk [tilespmem:v36+s14+$0x0], $0xffff  }
0x1d0: {  	vm4 =	vle.f32 v56, v32;
	v38 =	vsel vm15, v47, v26;
	v21 =	vor.u32 s28, v21;
	v36 =	vld.idx.msk [tilespmem:v36+s16+$0x0], $0xffff  }
0x1d1: {  	v15 =	vsel vm4, v42, v15;
	v16 =	vand.u32 $0x3FF, v38;
	vm9 =	vle.f32 v43, v22;
	v22 =	vld.idx.msk [tilespmem:v28+s14+$0x0], $0xffff  }
0x1d2: {  	v53 =	vshrl.u32 v12, $0xA;
	v15 =	vand.u32 $0x3FF, v15;
	v46 =	vor.u32 s28, v16;
	v28 =	vld.idx.msk [tilespmem:v28+s16+$0x0], $0xffff  }
0x1d3: {  	v56 =	vshrl.u32 v10, $0xA;
	vm7 =	vle.f32 v48, v31;
	v52 =	vor.u32 s0, v15;
	v39 =	vld.idx.msk [tilespmem:v49+s14+$0x0], $0xffff  }
0x1d4: {  	v59 =	vshrl.u32 v9, $0xA;
	v14 =	vsel vm5, v44, v14;
	v12 =	vsel vm7, v53, v12;
	v29 =	vld.idx.msk [tilespmem:v49+s16+$0x0], $0xffff  }
0x1d5: {  	v14 =	vand.u32 $0x3FF, v14;
	v11 =	vsel vm8, v54, v11;
	v12 =	vand.u32 $0x3FF, v12;
	v17 =	vld.idx.msk [tilespmem:v21+s14+$0x0], $0xffff  }
0x1d6: {  	v11 =	vand.u32 $0x3FF, v11;
	vm6 =	vle.f32 v63, v33;
	v33 =	vor.u32 s0, v14;
	v21 =	vld.idx.msk [tilespmem:v21+s16+$0x0], $0xffff  }
0x1d7: {  	v57 =	vor.u32 s0, v12;
	v58 =	vor.u32 s0, v11;
	v10 =	vsel vm9, v56, v10;
	v16 =	vld.idx.msk [tilespmem:v46+s14+$0x0], $0xffff  }
0x1d8: {  	vm10 =	vle.f32 v45, v24;
	v13 =	vsel vm6, v51, v13;
	v10 =	vand.u32 $0x3FF, v10;
	v15 =	vld.idx.msk [tilespmem:v52+s14+$0x0], $0xffff  }
0x1d9: {  	v9 =	vsel vm10, v59, v9;
	vm11 =	vle.f32 v50, v60;
	v60 =	vshrl.u32 v8, $0xA;
	v32 =	vld.idx.msk [tilespmem:v46+s16+$0x0], $0xffff  }
0x1da: {  	v47 =	vshra.s32 v35, $0xD;
	v13 =	vand.u32 $0x3FF, v13;
	v61 =	vor.u32 s0, v10;
	v23 =	vld.idx.msk [tilespmem:v52+s16+$0x0], $0xffff  }
0x1db: {  	v9 =	vand.u32 $0x3FF, v9;
	v8 =	vsel vm11, v60, v8;
	v55 =	vor.u32 s0, v13;
	v14 =	vld.idx.msk [tilespmem:v33+s14+$0x0], $0xffff  }
0x1dc: {  	v48 =	vshra.s32 v20, $0xD;
	v40 =	vand.u32 $0xFFFFFF80, v47;
	v62 =	vor.u32 s0, v9;
	v12 =	vld.idx.msk [tilespmem:v57+s14+$0x0], $0xffff  }
0x1dd: {  	v49 =	vshra.s32 v18, $0xD;
	v8 =	vand.u32 $0x3FF, v8;
	v41 =	vand.u32 $0xFFFFFF80, v48;
	v11 =	vld.idx.msk [tilespmem:v58+s14+$0x0], $0xffff  }
0x1de: {  	v40 =	vor.u32 v0, v40;
	v42 =	vand.u32 $0xFFFFFF80, v49;
	v63 =	vor.u32 s0, v8;
	v38 =	vld.idx.msk [tilespmem:v58+s16+$0x0], $0xffff  }
0x1df: {  	v50 =	vshra.s32 v37, $0xD;
	v41 =	vor.u32 v1, v41;
	v42 =	vor.u32 v2, v42;
	v10 =	vld.idx.msk [tilespmem:v61+s14+$0x0], $0xffff  }
0x1e0: {  	v51 =	vshra.s32 v22, $0xD;
	v43 =	vand.u32 $0xFFFFFF80, v50;
	v52 =	vshra.s32 v39, $0xD;
	v13 =	vld.idx.msk [tilespmem:v55+s14+$0x0], $0xffff  }
0x1e1: {  	v44 =	vand.u32 $0xFFFFFF80, v51;
	v43 =	vor.u32 v3, v43;
	v45 =	vand.u32 $0xFFFFFF80, v52;
	v9 =	vld.idx.msk [tilespmem:v62+s14+$0x0], $0xffff  }
0x1e2: {  	v44 =	vor.u32 v4, v44;
	v31 =	vld.idx.msk [tilespmem:v55+s16+$0x0], $0xffff;
	v45 =	vor.u32 v5, v45;
	v53 =	vshra.s32 v17, $0xD  }
0x1e3: {  	v8 =	vld.idx.msk [tilespmem:v63+s14+$0x0], $0xffff;
	v54 =	vshra.s32 v16, $0xD;
	v46 =	vand.u32 $0xFFFFFF80, v53;
	v55 =	vshra.s32 v15, $0xD  }
0x1e4: {  	v27 =	vld.idx.msk [tilespmem:v63+s16+$0x0], $0xffff;
	v63 =	vshrl.u32 v35, $0xA;
	v47 =	vand.u32 $0xFFFFFF80, v54;
	v46 =	vor.u32 v6, v46  }
0x1e5: {  	v40 =	vld.idx.msk [tilespmem:v40+s4+$0x0], $0xffff;
	v48 =	vand.u32 $0xFFFFFF80, v55;
	v56 =	vshra.s32 v14, $0xD;
	v58 =	vshra.s32 v12, $0xD  }
0x1e6: {  	v26 =	vld.idx.msk [tilespmem:v57+s16+$0x0], $0xffff;
	v59 =	vshra.s32 v11, $0xD;
	v55 =	vshrl.u32 v22, $0xA;
	v47 =	vor.u32 v7, v47  }
0x1e7: {  	v41 =	vld.idx.msk [tilespmem:v41+s4+$0x0], $0xffff;
	v48 =	vor.u32 v0, v48;
	v49 =	vand.u32 $0xFFFFFF80, v56;
	v51 =	vand.u32 $0xFFFFFF80, v58  }
0x1e8: {  	v42 =	vld.idx.msk [tilespmem:v42+s4+$0x0], $0xffff;
	v52 =	vand.u32 $0xFFFFFF80, v59;
	v49 =	vor.u32 v1, v49;
	v51 =	vor.u32 v3, v51  }
0x1e9: {  	v24 =	vld.idx.msk [tilespmem:v61+s16+$0x0], $0xffff;
	v60 =	vshra.s32 v10, $0xD;
	v52 =	vor.u32 v4, v52;
	v57 =	vshra.s32 v13, $0xD  }
0x1ea: {  	v43 =	vld.idx.msk [tilespmem:v43+s4+$0x0], $0xffff;
	v53 =	vand.u32 $0xFFFFFF80, v60;
	v61 =	vshra.s32 v9, $0xD;
	vm12 =	vle.f32 v40, v19  }
0x1eb: {  	v59 =	vld.idx.msk [tilespmem:v45+s4+$0x0], $0xffff;
	v60 =	vshrl.u32 v20, $0xA;
	v45 =	vshrl.u32 v13, $0xA;
	v50 =	vand.u32 $0xFFFFFF80, v57  }
0x1ec: {  	s3 =	sadd.s32 s31, s30;
	v25 =	vld.idx.msk [tilespmem:v62+s16+$0x0], $0xffff;
	v53 =	vor.u32 v5, v53;
	v54 =	vand.u32 $0xFFFFFF80, v61;
	v62 =	vshra.s32 v8, $0xD  }
0x1ed: {  	s3 =	sshll.u32 s3, $0x7;
	v33 =	vld.idx.msk [tilespmem:v33+s16+$0x0], $0xffff;
	v19 =	vsel vm12, v63, v35;
	vm13 =	vle.f32 v41, v30;
	vm14 =	vle.f32 v42, v34  }
0x1ee: {  	v57 =	vld.idx.msk [tilespmem:v44+s4+$0x0], $0xffff;
	v42 =	vor.u32 s3, v0;
	v50 =	vor.u32 v2, v50;
	v44 =	vor.u32 v6, v54  }
0x1ef: {  	v58 =	vand.u32 $0xFFFFFF80, v62;
	v19 =	vand.u32 $0x3FF, v19;
	v61 =	vld.idx.msk [tilespmem:v46+s4+$0x0], $0xffff;
	v20 =	vsel vm13, v60, v20  }
0x1f0: {  	v46 =	vshrl.u32 v18, $0xA;
	vm15 =	vle.f32 v43, v36;
	v60 =	vshrl.u32 v17, $0xA;
	v63 =	vld.idx.msk [tilespmem:v47+s4+$0x0], $0xffff  }
0x1f1: {  	v36 =	vshrl.u32 v14, $0xA;
	v62 =	vor.u32 v7, v58;
	v19 =	vor.u32 s28, v19;
	v47 =	vld.idx.msk [tilespmem:v48+s4+$0x0], $0xffff  }
0x1f2: {  	v20 =	vand.u32 $0x3FF, v20;
	v18 =	vsel vm14, v46, v18;
	v48 =	vshrl.u32 v37, $0xA;
	v49 =	vld.idx.msk [tilespmem:v49+s4+$0x0], $0xffff  }
0x1f3: {  	v58 =	vshrl.u32 v39, $0xA;
	v20 =	vor.u32 s28, v20;
	v34 =	vsel vm15, v48, v37;
	v56 =	vld.idx.msk [tilespmem:v51+s4+$0x0], $0xffff  }
0x1f4: {  	v18 =	vand.u32 $0x3FF, v18;
	v34 =	vand.u32 $0x3FF, v34;
	vm4 =	vle.f32 v57, v28;
	v57 =	vld.idx.msk [tilespmem:v52+s4+$0x0], $0xffff  }
0x1f5: {  	v18 =	vor.u32 s28, v18;
	vm5 =	vle.f32 v59, v29;
	v34 =	vor.u32 s28, v34;
	v59 =	vld.idx.msk [tilespmem:v53+s4+$0x0], $0xffff  }
0x1f6: {  	v29 =	vsel vm5, v58, v39;
	v54 =	vld.idx.msk [tilespmem:v50+s4+$0x0], $0xffff;
	v22 =	vsel vm4, v55, v22;
	vm6 =	vle.f32 v61, v21  }
0x1f7: {  	v61 =	vld.idx.msk [tilespmem:v44+s4+$0x0], $0xffff;
	v29 =	vand.u32 $0x3FF, v29;
	v22 =	vand.u32 $0x3FF, v22;
	v17 =	vsel vm6, v60, v17  }
0x1f8: {  	v62 =	vld.idx.msk [tilespmem:v62+s4+$0x0], $0xffff;
	vm7 =	vle.f32 v63, v32;
	v63 =	vshrl.u32 v16, $0xA;
	v29 =	vor.u32 s28, v29  }
0x1f9: {  	v19 =	vld.idx.msk [tilespmem:v19+s17+$0x0], $0xffff;
	v22 =	vor.u32 s28, v22;
	v17 =	vand.u32 $0x3FF, v17;
	v16 =	vsel vm7, v63, v16  }
0x1fa: {  	v43 =	vor.u32 s3, v1;
	v20 =	vld.idx.msk [tilespmem:v20+s17+$0x0], $0xffff;
	v17 =	vor.u32 s28, v17;
	v16 =	vand.u32 $0x3FF, v16  }
0x1fb: {  	v46 =	vor.u32 s3, v3;
	v48 =	vshrl.u32 v12, $0xA;
	v18 =	vld.idx.msk [tilespmem:v18+s17+$0x0], $0xffff;
	v16 =	vor.u32 s28, v16  }
0x1fc: {  	v51 =	vshrl.u32 v11, $0xA;
	v52 =	vor.u32 s3, v7;
	v53 =	vshrl.u32 v10, $0xA;
	v41 =	vld.idx.msk [tilespmem:v34+s17+$0x0], $0xffff  }
0x1fd: {  	v44 =	vor.u32 s3, v2;
	v50 =	vor.u32 s3, v6;
	v55 =	vshrl.u32 v8, $0xA;
	v29 =	vld.idx.msk [tilespmem:v29+s17+$0x0], $0xffff  }
0x1fe: {  	vm8 =	vle.f32 v47, v23;
	v32 =	vshrl.u32 v15, $0xA;
	v47 =	vor.u32 s3, v4;
	v22 =	vld.idx.msk [tilespmem:v22+s17+$0x0], $0xffff  }
0x1ff: {  	v15 =	vsel vm8, v32, v15;
	vm9 =	vle.f32 v49, v33;
	vm11 =	vle.f32 v56, v26;
	v17 =	vld.idx.msk [tilespmem:v17+s17+$0x0], $0xffff  }
0x200: {  	v49 =	vor.u32 s3, v5;
	v15 =	vand.u32 $0x3FF, v15;
	v14 =	vsel vm9, v36, v14;
	v16 =	vld.idx.msk [tilespmem:v16+s17+$0x0], $0xffff;
	[tilespmem:v42+s22+$0x0] =	vst.idx.msk $0xffff, v19  }
0x201: {  	v12 =	vsel vm11, v48, v12;
	v15 =	vor.u32 s0, v15;
	v14 =	vand.u32 $0x3FF, v14;
	[tilespmem:v43+s22+$0x0] =	vst.idx.msk $0xffff, v20  }
0x202: {  	vm12 =	vle.f32 v57, v38;
	v12 =	vand.u32 $0x3FF, v12;
	vm10 =	vle.f32 v54, v31;
	[tilespmem:v44+s22+$0x0] =	vst.idx.msk $0xffff, v18  }
0x203: {  	vm13 =	vle.f32 v59, v24;
	v14 =	vor.u32 s0, v14;
	v13 =	vsel vm10, v45, v13;
	[tilespmem:v46+s22+$0x0] =	vst.idx.msk $0xffff, v41  }
0x204: {  	v11 =	vsel vm12, v51, v11;
	v12 =	vor.u32 s0, v12;
	v13 =	vand.u32 $0x3FF, v13;
	[tilespmem:v47+s22+$0x0] =	vst.idx.msk $0xffff, v22  }
0x205: {  	v10 =	vsel vm13, v53, v10;
	vm14 =	vle.f32 v61, v25;
	v13 =	vor.u32 s0, v13;
	[tilespmem:v49+s22+$0x0] =	vst.idx.msk $0xffff, v29  }
0x206: {  	v54 =	vshrl.u32 v9, $0xA;
	v11 =	vand.u32 $0x3FF, v11;
	v10 =	vand.u32 $0x3FF, v10;
	[tilespmem:v50+s22+$0x0] =	vst.idx.msk $0xffff, v17  }
0x207: {  	v9 =	vsel vm14, v54, v9;
	vm15 =	vle.f32 v62, v27;
	v11 =	vor.u32 s0, v11;
	[tilespmem:v52+s22+$0x0] =	vst.idx.msk $0xffff, v16  }
0x208: {  	v10 =	vor.u32 s0, v10;
	v9 =	vand.u32 $0x3FF, v9;
	v8 =	vsel vm15, v55, v8;
	v15 =	vld.idx.msk [tilespmem:v15+s17+$0x0], $0xffff  }
0x209: {  	s3 =	sadd.s32 $0x80, s3;
	v9 =	vor.u32 s0, v9;
	v8 =	vand.u32 $0x3FF, v8;
	v14 =	vld.idx.msk [tilespmem:v14+s17+$0x0], $0xffff  }
0x20a: {  	v56 =	vor.u32 s3, v0;
	v8 =	vor.u32 s0, v8;
	v13 =	vld.idx.msk [tilespmem:v13+s17+$0x0], $0xffff  }
0x20b: {  	v57 =	vor.u32 s3, v1;
	v12 =	vld.idx.msk [tilespmem:v12+s17+$0x0], $0xffff  }
0x20c: {  	v58 =	vor.u32 s3, v2;
	v11 =	vld.idx.msk [tilespmem:v11+s17+$0x0], $0xffff  }
0x20d: {  	v59 =	vor.u32 s3, v3;
	v10 =	vld.idx.msk [tilespmem:v10+s17+$0x0], $0xffff  }
0x20e: {  	v60 =	vor.u32 s3, v4;
	v9 =	vld.idx.msk [tilespmem:v9+s17+$0x0], $0xffff  }
0x20f: {  	v61 =	vor.u32 s3, v5;
	v8 =	vld.idx.msk [tilespmem:v8+s17+$0x0], $0xffff;
	[tilespmem:v56+s22+$0x0] =	vst.idx.msk $0xffff, v15  }
0x210: {  	v62 =	vor.u32 s3, v6;
	[tilespmem:v57+s22+$0x0] =	vst.idx.msk $0xffff, v14  }
0x211: {  	p1 =	sne.s32 s31, $0x6;
	v63 =	vor.u32 s3, v7;
	[tilespmem:v58+s22+$0x0] =	vst.idx.msk $0xffff, v13  }
.Ltmp0:
0x212: {  	[tilespmem:v59+s22+$0x0] =	vst.idx.msk $0xffff, v12;
	(pc) =	sbr.rel @p1 .LBB2_3-.Ltmp0, $4  }
0x213: {  	[tilespmem:v60+s22+$0x0] =	vst.idx.msk $0xffff, v11  }
0x214: {  	[tilespmem:v61+s22+$0x0] =	vst.idx.msk $0xffff, v10  }
0x215: {  	[tilespmem:v62+s22+$0x0] =	vst.idx.msk $0xffff, v9  }
0x216: {  	s31 =	sadd.s32 $0x2, s31;
	s28 =	sadd.s32 $0x800, s28;
	[tilespmem:v63+s22+$0x0] =	vst.idx.msk $0xffff, v8  }
0x217: {  	s0 =	sshll.u32 s26, $0xF;
	s26 =	sadd.s32 $0x1, s26  }
0x218: {  	p1 =	sne.s32 s26, $0x7D  }
.Ltmp1:
0x219: {  	_ = 	snop;
	(pc) =	sbr.rel @p1 .LBB2_2-.Ltmp1, $4  }
0x21a: {  	s0 =	sor.u32 s6, s0  }
0x21b: {  	s3 =	sshll.u32 s29, $0x7;
	s25 =	sadd.s32 $0x2000, s25;
	s0 =	sshrl.u32 s0, $0x3  }
0x21c: {  	p0 =	por !p0, !p0;
	s3 =	sor.u32 $0x1A000, s3;
	s0 =	sadd.s32 s7, s0  }
0x21d: {  	[hbm4b:s0+s4] =	stream.linear.scatter [tilespmem:s3], [sflag:$0x2], $0x400, $0x38;
	[tilespmem:$0x1A800] =	vst v63  }
0x21e: {  	s24 =	sadd.s32 $0x1, s24  }
0x21f: {  	_ =	swait.ge [sflag:s23], $0x400;
	p0 =	sne.s32 s24, s12  }
.Ltmp2:
0x220: {  	[sflag:s23] =	ssyncset.done $0x0;
	(pc) =	sbr.rel @p0 .LBB2_1-.Ltmp2, $4  }
0x221: {  	[sflag:s23] =	ssyncadd.s32 $0xFFFFFC00  }
0x222: {  	_ =	swait.ge [sflag:s23], $0x400  }
0x223: {  	[sflag:s23] =	ssyncset.done $0x0  }
0x224: {  	[sflag:s23] =	ssyncadd.s32 $0xFFFFFC00  }
0x225: {  	_ =	sfence.sel $0x180000  }
0x226: {  	[bflag:$0x0] =	sbarrier.arrive $0xFFFF  }
0x227: {  	_ =	strace $0x90000047  }
0x228: {  	s0 =	stileid.u32;
	[bflag:$0x2] =	sbarrier.arrive $0xFFFF  }
0x229: {  	p0 =	sne.s32 s0, $0x0;
	s0 =	rddreg [dreg:$0x4]  }
0x22a: {  	s0 =	sadd.s32 @!p0 $0x100000, s0  }
0x22b: {  	[sflag:s0] =	ssyncadd.tile.s32 @!p0 $0x1;
	_ =	shalt  }
.Lfunc_end2:
_tile_overlayer_lowered:
.L_overlay_start_2:
0x22c: {  	(tag) =	ssettag $0x2  }
0x22d: {  	s0 =	rddreg [dreg:$0x0];
	s2 =	stileid.u32  }
0x22e: {  	s1 =	rddreg [dreg:$0x1];
	p0 =	sne.s32 s2, $0x0  }
0x22f: {  	s3 =	rddreg [dreg:$0x2];
	[bflag:$0x3] =	sbarrier.arrive $0xFFFF;
	s2 =	simm.s32 @!p0 $0x1C03  }
0x230: {  	[timem:s3], [sflag:s2] =	dma.local @!p0 [hbm:s0], s1  }
0x231: {  	s0 =	simm.s32 @!p0 $0x3  }
0x232: {  	_ =	swait.ge @!p0 [sflag:s0], s1  }
0x233: {  	s1 =	ssub.s32 @!p0 $0x0, s1;
	[sflag:s0] =	ssyncset.done @!p0 $0x0  }
0x234: {  	[sflag:s0] =	ssyncadd.s32 @!p0 s1  }
0x235: {  	[bflag:$0x3] =	sbarrier.arrive $0xFFFF  }
0x236: {  	_ =	shalt  }

</sc_bundles>
